<compile_context>
chip_gen: v7x
topology: tpu7x:2x2x1
jax: 0.10.2.dev20260603
libtpu: 0.0.44.dev20260713+nightly
codegen_flags: <defaults>
</compile_context>

<pallas_src>
import functools

import jax
import jax.numpy as jnp
from jax import lax
from jax.experimental import pallas as pl
from jax.experimental.pallas import tpu as pltpu
from jax.experimental.pallas import tpu_sc as plsc

N = 10000
E = 320000
NC = 2
NS = 16
NW = NC * NS
CH = 128
EW = E // NW
NCB = EW // CH
TAIL = EW - NCB * CH
RING = {64: (6, 3), 16: (8, 4)}
NP = 10240
ROWS_PER_SUB = NP // NS
ZCOPIES = ROWS_PER_SUB // CH


def _sc_segment_sum(y, edge):
    D = y.shape[1]
    NBUF, AHEAD = RING[D]
    mesh = plsc.VectorSubcoreMesh(core_axis_name="c", subcore_axis_name="s")

    @functools.partial(
        pl.kernel,
        out_type=jax.ShapeDtypeStruct((NC, NP, 128), jnp.float32),
        mesh=mesh,
        scratch_types=[
            pltpu.VMEM((NCB, CH), jnp.int32),
            pltpu.VMEM((NCB, CH), jnp.int32),
            pltpu.VMEM((1, TAIL), jnp.int32),
            pltpu.VMEM((1, TAIL), jnp.int32),
        ] + [pltpu.VMEM((CH, D), jnp.float32) for _ in range(NBUF)] + [
            pltpu.VMEM((TAIL, D), jnp.float32),
            pltpu.VMEM((CH, 128), jnp.float32),
            pltpu.VMEM_SHARED((NP, D), jnp.float32),
            pltpu.SemaphoreType.DMA((NBUF,)),
            pltpu.SemaphoreType.DMA((NBUF,)),
            pltpu.SemaphoreType.DMA,
        ],
        compiler_params=pltpu.CompilerParams(use_tc_tiling_on_sc=False),
    )
    def seg_kernel(y_hbm, edge_hbm, out_hbm, src2_v, dst2_v, srct_v, dstt_v,
                   *rest):
        bufs = rest[:NBUF]
        bt, stag_v, acc_sh, gsem, ssem, isem = rest[NBUF:]
        c = lax.axis_index("c")
        s = lax.axis_index("s")
        w = c * NS + s

        @pl.loop(0, NCB)
        def _(i):
            off = w * EW + i * CH
            pltpu.async_copy(edge_hbm.at[0, pl.ds(off, CH)], src2_v.at[i],
                             isem)
            pltpu.async_copy(edge_hbm.at[1, pl.ds(off, CH)], dst2_v.at[i],
                             isem)

        toff = w * EW + NCB * CH
        pltpu.async_copy(edge_hbm.at[0, pl.ds(toff, TAIL)],
                         srct_v.at[0], isem)
        pltpu.async_copy(edge_hbm.at[1, pl.ds(toff, TAIL)],
                         dstt_v.at[0], isem)

        @pl.loop(0, CH)
        def _(i):
            for col in range(D // 16):
                bufs[0][i, pl.ds(col * 16, 16)] = jnp.zeros((16,),
                                                            jnp.float32)

        for r in range(ZCOPIES):
            pltpu.sync_copy(
                bufs[0], acc_sh.at[pl.ds(s * ROWS_PER_SUB + r * CH, CH)])

        @pl.loop(0, NCB)
        def _(i):
            pltpu.make_async_copy(edge_hbm.at[0, pl.ds(w * EW, CH)],
                                  src2_v.at[0], isem).wait()
            pltpu.make_async_copy(edge_hbm.at[1, pl.ds(w * EW, CH)],
                                  dst2_v.at[0], isem).wait()

        pltpu.make_async_copy(edge_hbm.at[0, pl.ds(toff, TAIL)],
                              srct_v.at[0], isem).wait()
        pltpu.make_async_copy(edge_hbm.at[1, pl.ds(toff, TAIL)],
                              dstt_v.at[0], isem).wait()
        plsc.subcore_barrier()

        def g_start(ci, k):
            pltpu.async_copy(y_hbm.at[src2_v.at[ci]], bufs[k], gsem.at[k])

        def g_wait(ci, k):
            pltpu.make_async_copy(y_hbm.at[src2_v.at[ci]], bufs[k],
                                  gsem.at[k]).wait()

        def s_start(ci, k):
            pltpu.async_copy(bufs[k], acc_sh.at[dst2_v.at[ci]], ssem.at[k],
                             add=True)

        def s_wait(ci, k):
            pltpu.make_async_copy(bufs[k], acc_sh.at[dst2_v.at[ci]],
                                  ssem.at[k]).wait()

        for k in range(AHEAD):
            g_start(k, k)
        for k in range(NBUF):
            g_wait(k, k)
            s_start(k, k)
            if k >= AHEAD:
                s_wait(k - AHEAD, (k + AHEAD) % NBUF)
            g_start(k + AHEAD, (k + AHEAD) % NBUF)

        EP = NCB % NBUF if NCB % NBUF >= AHEAD else NCB % NBUF + NBUF

        @pl.loop(NBUF, NCB - EP, step=NBUF)
        def _(j):
            for k in range(NBUF):
                ci = j + k
                g_wait(ci, k)
                s_start(ci, k)
                s_wait(ci - AHEAD, (k + AHEAD) % NBUF)
                g_start(ci + AHEAD, (k + AHEAD) % NBUF)

        for k in range(EP):
            ci = NCB - EP + k
            g_wait(ci, k)
            s_start(ci, k)
            s_wait(ci - AHEAD, (k + AHEAD) % NBUF)
            if ci + AHEAD < NCB:
                g_start(ci + AHEAD, (k + AHEAD) % NBUF)
        for k in range(EP - AHEAD, EP):
            s_wait(NCB - EP + k, k)

        pltpu.async_copy(y_hbm.at[srct_v.at[0]], bt, gsem.at[0]).wait()
        pltpu.sync_copy(bt, acc_sh.at[dstt_v.at[0]], add=True)

        plsc.subcore_barrier()
        @pl.loop(0, ZCOPIES)
        def _(r):
            off = s * ROWS_PER_SUB + r * CH
            pltpu.sync_copy(acc_sh.at[pl.ds(off, CH)],
                            stag_v.at[pl.ds(0, CH), pl.ds(0, D)])
            pltpu.sync_copy(stag_v, out_hbm.at[c, pl.ds(off, CH)])

    return seg_kernel(y, edge)


def _dot_t(a, w):
    return lax.dot_general(a, w, (((1,), (1,)), ((), ())),
                           preferred_element_type=jnp.float32)


def _tc_pre(x, W_rel1, W_root1):
    def body(x_ref, wr_ref, wo_ref, y_ref, xr_ref):
        xv = x_ref[...]
        y_ref[...] = _dot_t(xv, wr_ref[...])
        xr_ref[...] = _dot_t(xv, wo_ref[...])

    return pl.pallas_call(
        body,
        out_shape=[jax.ShapeDtypeStruct((N, W_rel1.shape[0]), jnp.float32),
                   jax.ShapeDtypeStruct((N, W_root1.shape[0]), jnp.float32)],
    )(x, W_rel1, W_root1)


def _tc_mid(part1, xr1, b_rel1, W_l1, b_l1, W_rel2, W_root2, b_rel2):
    H1 = W_l1.shape[1]

    def body(p_ref, xr_ref, br1_ref, wl1_ref, bl1_ref, wr2_ref, wo2_ref,
             br2_ref, y2_ref, hr2_ref):
        h1 = (p_ref[0, :N, :H1] + p_ref[1, :N, :H1] + xr_ref[...]
              + br1_ref[...])
        h2 = jnp.maximum(_dot_t(h1, wl1_ref[...]) + bl1_ref[...], 0.0)
        y2_ref[...] = _dot_t(h2, wr2_ref[...])
        hr2_ref[...] = _dot_t(h2, wo2_ref[...]) + br2_ref[...]

    return pl.pallas_call(
        body,
        out_shape=[jax.ShapeDtypeStruct((N, W_rel2.shape[0]), jnp.float32),
                   jax.ShapeDtypeStruct((N, W_root2.shape[0]), jnp.float32)],
    )(part1, xr1, b_rel1.reshape(1, -1), W_l1, b_l1.reshape(1, -1),
      W_rel2, W_root2, b_rel2.reshape(1, -1))


def _tc_post(part2, hr2, W_l2, b_l2):
    H3 = W_l2.shape[1]

    def body(p_ref, hr_ref, wl2_ref, bl2_ref, o_ref):
        h3 = p_ref[0, :N, :H3] + p_ref[1, :N, :H3] + hr_ref[...]
        logits = _dot_t(h3, wl2_ref[...]) + bl2_ref[...]
        m = jnp.max(logits, axis=1, keepdims=True)
        shifted = logits - m
        lse = jnp.log(jnp.sum(jnp.exp(shifted), axis=1, keepdims=True))
        o_ref[...] = shifted - lse

    return pl.pallas_call(
        body,
        out_shape=jax.ShapeDtypeStruct((N, W_l2.shape[0]), jnp.float32),
    )(part2, hr2, W_l2, b_l2.reshape(1, -1))


def kernel(x, edge_index, W_rel1, b_rel1, W_root1, W_l1, b_l1,
           W_rel2, b_rel2, W_root2, W_l2, b_l2):
    y1, xr1 = _tc_pre(x, W_rel1, W_root1)
    part1 = _sc_segment_sum(y1, edge_index)
    y2, hr2 = _tc_mid(part1, xr1, b_rel1, W_l1, b_l1, W_rel2, W_root2, b_rel2)
    part2 = _sc_segment_sum(y2, edge_index)
    return _tc_post(part2, hr2, W_l2, b_l2)

# --- scband reference (transcript-rebuilt; emitter-appended) ---
"""Pipeline reference for scband-gcn-46986942218648 (READ-ONLY COPY).

The authoritative reference and input builder live on the scoring server;
editing this copy changes nothing except your own understanding.
"""

import jax, jax.numpy as jnp
import numpy as np

N = 10000
E = 320000
D = 128
H1 = 64
H2 = 32
H3 = 16
C = 10


def setup_inputs(seed: int = 0) -> dict:
    key = jax.random.key(seed)
    ks = jax.random.split(key, 16)
    x = jax.random.normal(ks[0], (N, D), dtype=jnp.float32)
    edge_index = jax.random.randint(ks[1], (2, E), 0, N, dtype=jnp.int32)
    # GraphConv conv1: 128 -> 64 (lin_rel has bias, lin_root has no bias)
    W_rel1 = jax.random.normal(ks[2], (H1, D), dtype=jnp.float32) / np.sqrt(D)
    b_rel1 = jnp.zeros((H1,), dtype=jnp.float32)
    W_root1 = jax.random.normal(ks[3], (H1, D), dtype=jnp.float32) / np.sqrt(D)
    # Linear l1: 64 -> 32
    W_l1 = jax.random.normal(ks[4], (H2, H1), dtype=jnp.float32) / np.sqrt(H1)
    b_l1 = jnp.zeros((H2,), dtype=jnp.float32)
    # GraphConv conv2: 32 -> 16
    W_rel2 = jax.random.normal(ks[5], (H3, H2), dtype=jnp.float32) / np.sqrt(H2)
    b_rel2 = jnp.zeros((H3,), dtype=jnp.float32)
    W_root2 = jax.random.normal(ks[6], (H3, H2), dtype=jnp.float32) / np.sqrt(H2)
    # Linear l2: 16 -> 10
    W_l2 = jax.random.normal(ks[7], (C, H3), dtype=jnp.float32) / np.sqrt(H3)
    b_l2 = jnp.zeros((C,), dtype=jnp.float32)
    return {
        'x': x, 'edge_index': edge_index,
        'W_rel1': W_rel1, 'b_rel1': b_rel1, 'W_root1': W_root1,
        'W_l1': W_l1, 'b_l1': b_l1,
        'W_rel2': W_rel2, 'b_rel2': b_rel2, 'W_root2': W_root2,
        'W_l2': W_l2, 'b_l2': b_l2,
    }


def graph_conv(x, edge_index, W_rel, b_rel, W_root):
    # PyG GraphConv with aggr='add':
    #   out_i = lin_rel( sum_{j in N(i)} x_j ) + lin_root(x_i)
    src = edge_index[0]
    dst = edge_index[1]
    msgs = jnp.take(x, src, axis=0)          # gather x_j
    agg = jax.ops.segment_sum(msgs, dst, num_segments=x.shape[0])  # scatter-add
    return agg @ W_rel.T + b_rel + x @ W_root.T


def reference(x, edge_index, W_rel1, b_rel1, W_root1, W_l1, b_l1,
              W_rel2, b_rel2, W_root2, W_l2, b_l2):
    h = graph_conv(x, edge_index, W_rel1, b_rel1, W_root1)
    h = jax.nn.relu(h @ W_l1.T + b_l1)
    h = graph_conv(h, edge_index, W_rel2, b_rel2, W_root2)
    h = h @ W_l2.T + b_l2
    return jax.nn.log_softmax(h, axis=1)

if __name__ == "__main__":
    import jax
    _d = setup_inputs()
    print(jax.jit(kernel)(*tuple(_d.values())))

</pallas_src>

<mosaic_0001>
#map = affine_map<(d0, d1) -> (0, 0)>
#map1 = affine_map<(d0, d1) -> (0, 0, 0)>
module attributes {stable_mosaic.version = 14 : i64} {
  func.func @seg_kernel(%arg0: i32, %arg1: i32, %arg2: memref<10000x16xf32, #tpu.memory_space<hbm>>, %arg3: memref<2x320000xi32, #tpu.memory_space<hbm>>, %arg4: memref<2x10240x128xf32, #tpu.memory_space<hbm>>, %arg5: memref<78x128xi32, #tpu.memory_space<vmem>>, %arg6: memref<78x128xi32, #tpu.memory_space<vmem>>, %arg7: memref<1x16xi32, #tpu.memory_space<vmem>>, %arg8: memref<1x16xi32, #tpu.memory_space<vmem>>, %arg9: memref<128x16xf32, #tpu.memory_space<vmem>>, %arg10: memref<128x16xf32, #tpu.memory_space<vmem>>, %arg11: memref<128x16xf32, #tpu.memory_space<vmem>>, %arg12: memref<128x16xf32, #tpu.memory_space<vmem>>, %arg13: memref<128x16xf32, #tpu.memory_space<vmem>>, %arg14: memref<128x16xf32, #tpu.memory_space<vmem>>, %arg15: memref<128x16xf32, #tpu.memory_space<vmem>>, %arg16: memref<128x16xf32, #tpu.memory_space<vmem>>, %arg17: memref<16x16xf32, #tpu.memory_space<vmem>>, %arg18: memref<128x128xf32, #tpu.memory_space<vmem>>, %arg19: memref<10240x16xf32, #tpu.memory_space<vmem_shared>>, %arg20: memref<8x!tpu.dma_semaphore, #tpu.memory_space<semaphore_mem>>, %arg21: memref<8x!tpu.dma_semaphore, #tpu.memory_space<semaphore_mem>>, %arg22: memref<!tpu.dma_semaphore, #tpu.memory_space<semaphore_mem>>) attributes {dimension_semantics = [#tpu.dimension_semantics<core_parallel>, #tpu.dimension_semantics<subcore_parallel>], iteration_bounds = array<i64: 2, 16>, scalar_prefetch = 0 : i64, scratch_operands = 18 : i64, tpu.core_type = #tpu.core_type<sc_vector_subcore>, window_params = [{transform_indices = #map}, {transform_indices = #map}, {transform_indices = #map1}]} {
    %mul3A = arith.constant 16 : i32
    %mul3A_0 = arith.muli %arg0, %mul3A : i32
    %add3A = arith.addi %mul3A_0, %arg1 : i32
    %scan3A = arith.constant 0 : i32
    %scan3A_1 = arith.constant 78 : i32
    %scan3A_2 = arith.addi %scan3A, %scan3A_1 : i32
    %scan3A_3 = arith.constant 1 : i32
    scf.for %scan3A_676 = %scan3A to %scan3A_2 step %scan3A_3  : i32 {
      %mul3A_677 = arith.constant 1 : i32
      %mul3A_678 = arith.muli %scan3A_676, %mul3A_677 : i32
      %add3A_679 = arith.constant 0 : i32
      %add3A_680 = arith.addi %add3A_679, %mul3A_678 : i32
      %mul3A_681 = arith.constant 10000 : i32
      %mul3A_682 = arith.muli %add3A, %mul3A_681 : i32
      %mul3A_683 = arith.constant 128 : i32
      %mul3A_684 = arith.muli %add3A_680, %mul3A_683 : i32
      %add3A_685 = arith.addi %mul3A_682, %mul3A_684 : i32
      %dma_start3A_686 = arith.constant 0 : i32
      %dma_start3A_687 = arith.constant 0 : i32
      %dma_start3A_688 = tpu.memref_slice %arg5[%add3A_680, %dma_start3A_687] : memref<78x128xi32, #tpu.memory_space<vmem>> -> memref<1x128xi32, #tpu.memory_space<vmem>>
      %dma_start3A_689 = tpu.memref_squeeze %dma_start3A_688 : memref<1x128xi32, #tpu.memory_space<vmem>> -> memref<128xi32, #tpu.memory_space<vmem>>
      %dma_start3A_690 = tpu.memref_slice %arg3[%dma_start3A_686, %add3A_685] : memref<2x320000xi32, #tpu.memory_space<hbm>> -> memref<1x128xi32, #tpu.memory_space<hbm>>
      %dma_start3A_691 = tpu.memref_squeeze %dma_start3A_690 : memref<1x128xi32, #tpu.memory_space<hbm>> -> memref<128xi32, #tpu.memory_space<hbm>>
      %dma_start3A_692 = arith.constant 0 : i32
      %dma_start3A_693 = tpu.memref_slice %arg5[%add3A_680, %dma_start3A_692] : memref<78x128xi32, #tpu.memory_space<vmem>> -> memref<1x128xi32, #tpu.memory_space<vmem>>
      %dma_start3A_694 = tpu.memref_squeeze %dma_start3A_693 : memref<1x128xi32, #tpu.memory_space<vmem>> -> memref<128xi32, #tpu.memory_space<vmem>>
      %dma_start3A_695 = tpu.memref_slice %arg3[%dma_start3A_686, %add3A_685] : memref<2x320000xi32, #tpu.memory_space<hbm>> -> memref<1x128xi32, #tpu.memory_space<hbm>>
      %dma_start3A_696 = tpu.memref_squeeze %dma_start3A_695 : memref<1x128xi32, #tpu.memory_space<hbm>> -> memref<128xi32, #tpu.memory_space<hbm>>
      tpu.enqueue_dma source(%dma_start3A_696 : memref<128xi32, #tpu.memory_space<hbm>>) target(%dma_start3A_694 : memref<128xi32, #tpu.memory_space<vmem>>) target_semaphore(%arg22 : memref<!tpu.dma_semaphore, #tpu.memory_space<semaphore_mem>>)
      %dma_start3A_697 = arith.constant 1 : i32
      %dma_start3A_698 = arith.constant 0 : i32
      %dma_start3A_699 = tpu.memref_slice %arg6[%add3A_680, %dma_start3A_698] : memref<78x128xi32, #tpu.memory_space<vmem>> -> memref<1x128xi32, #tpu.memory_space<vmem>>
      %dma_start3A_700 = tpu.memref_squeeze %dma_start3A_699 : memref<1x128xi32, #tpu.memory_space<vmem>> -> memref<128xi32, #tpu.memory_space<vmem>>
      %dma_start3A_701 = tpu.memref_slice %arg3[%dma_start3A_697, %add3A_685] : memref<2x320000xi32, #tpu.memory_space<hbm>> -> memref<1x128xi32, #tpu.memory_space<hbm>>
      %dma_start3A_702 = tpu.memref_squeeze %dma_start3A_701 : memref<1x128xi32, #tpu.memory_space<hbm>> -> memref<128xi32, #tpu.memory_space<hbm>>
      %dma_start3A_703 = arith.constant 0 : i32
      %dma_start3A_704 = tpu.memref_slice %arg6[%add3A_680, %dma_start3A_703] : memref<78x128xi32, #tpu.memory_space<vmem>> -> memref<1x128xi32, #tpu.memory_space<vmem>>
      %dma_start3A_705 = tpu.memref_squeeze %dma_start3A_704 : memref<1x128xi32, #tpu.memory_space<vmem>> -> memref<128xi32, #tpu.memory_space<vmem>>
      %dma_start3A_706 = tpu.memref_slice %arg3[%dma_start3A_697, %add3A_685] : memref<2x320000xi32, #tpu.memory_space<hbm>> -> memref<1x128xi32, #tpu.memory_space<hbm>>
      %dma_start3A_707 = tpu.memref_squeeze %dma_start3A_706 : memref<1x128xi32, #tpu.memory_space<hbm>> -> memref<128xi32, #tpu.memory_space<hbm>>
      tpu.enqueue_dma source(%dma_start3A_707 : memref<128xi32, #tpu.memory_space<hbm>>) target(%dma_start3A_705 : memref<128xi32, #tpu.memory_space<vmem>>) target_semaphore(%arg22 : memref<!tpu.dma_semaphore, #tpu.memory_space<semaphore_mem>>)
    }
    %scan3A_4 = arith.constant 78 : i32
    %mul3A_5 = arith.constant 10000 : i32
    %mul3A_6 = arith.muli %add3A, %mul3A_5 : i32
    %add3A_7 = arith.constant 9984 : i32
    %add3A_8 = arith.addi %mul3A_6, %add3A_7 : i32
    %dma_start3A = arith.constant 0 : i32
    %dma_start3A_9 = arith.constant 0 : i32
    %dma_start3A_10 = arith.constant 0 : i32
    %dma_start3A_11 = tpu.memref_slice %arg7[%dma_start3A_9, %dma_start3A_10] : memref<1x16xi32, #tpu.memory_space<vmem>> -> memref<1x16xi32, #tpu.memory_space<vmem>>
    %dma_start3A_12 = tpu.memref_squeeze %dma_start3A_11 : memref<1x16xi32, #tpu.memory_space<vmem>> -> memref<16xi32, #tpu.memory_space<vmem>>
    %dma_start3A_13 = tpu.memref_slice %arg3[%dma_start3A, %add3A_8] : memref<2x320000xi32, #tpu.memory_space<hbm>> -> memref<1x16xi32, #tpu.memory_space<hbm>>
    %dma_start3A_14 = tpu.memref_squeeze %dma_start3A_13 : memref<1x16xi32, #tpu.memory_space<hbm>> -> memref<16xi32, #tpu.memory_space<hbm>>
    %dma_start3A_15 = arith.constant 0 : i32
    %dma_start3A_16 = tpu.memref_slice %arg7[%dma_start3A_9, %dma_start3A_15] : memref<1x16xi32, #tpu.memory_space<vmem>> -> memref<1x16xi32, #tpu.memory_space<vmem>>
    %dma_start3A_17 = tpu.memref_squeeze %dma_start3A_16 : memref<1x16xi32, #tpu.memory_space<vmem>> -> memref<16xi32, #tpu.memory_space<vmem>>
    %dma_start3A_18 = tpu.memref_slice %arg3[%dma_start3A, %add3A_8] : memref<2x320000xi32, #tpu.memory_space<hbm>> -> memref<1x16xi32, #tpu.memory_space<hbm>>
    %dma_start3A_19 = tpu.memref_squeeze %dma_start3A_18 : memref<1x16xi32, #tpu.memory_space<hbm>> -> memref<16xi32, #tpu.memory_space<hbm>>
    tpu.enqueue_dma source(%dma_start3A_19 : memref<16xi32, #tpu.memory_space<hbm>>) target(%dma_start3A_17 : memref<16xi32, #tpu.memory_space<vmem>>) target_semaphore(%arg22 : memref<!tpu.dma_semaphore, #tpu.memory_space<semaphore_mem>>)
    %dma_start3A_20 = arith.constant 1 : i32
    %dma_start3A_21 = arith.constant 0 : i32
    %dma_start3A_22 = arith.constant 0 : i32
    %dma_start3A_23 = tpu.memref_slice %arg8[%dma_start3A_21, %dma_start3A_22] : memref<1x16xi32, #tpu.memory_space<vmem>> -> memref<1x16xi32, #tpu.memory_space<vmem>>
    %dma_start3A_24 = tpu.memref_squeeze %dma_start3A_23 : memref<1x16xi32, #tpu.memory_space<vmem>> -> memref<16xi32, #tpu.memory_space<vmem>>
    %dma_start3A_25 = tpu.memref_slice %arg3[%dma_start3A_20, %add3A_8] : memref<2x320000xi32, #tpu.memory_space<hbm>> -> memref<1x16xi32, #tpu.memory_space<hbm>>
    %dma_start3A_26 = tpu.memref_squeeze %dma_start3A_25 : memref<1x16xi32, #tpu.memory_space<hbm>> -> memref<16xi32, #tpu.memory_space<hbm>>
    %dma_start3A_27 = arith.constant 0 : i32
    %dma_start3A_28 = tpu.memref_slice %arg8[%dma_start3A_21, %dma_start3A_27] : memref<1x16xi32, #tpu.memory_space<vmem>> -> memref<1x16xi32, #tpu.memory_space<vmem>>
    %dma_start3A_29 = tpu.memref_squeeze %dma_start3A_28 : memref<1x16xi32, #tpu.memory_space<vmem>> -> memref<16xi32, #tpu.memory_space<vmem>>
    %dma_start3A_30 = tpu.memref_slice %arg3[%dma_start3A_20, %add3A_8] : memref<2x320000xi32, #tpu.memory_space<hbm>> -> memref<1x16xi32, #tpu.memory_space<hbm>>
    %dma_start3A_31 = tpu.memref_squeeze %dma_start3A_30 : memref<1x16xi32, #tpu.memory_space<hbm>> -> memref<16xi32, #tpu.memory_space<hbm>>
    tpu.enqueue_dma source(%dma_start3A_31 : memref<16xi32, #tpu.memory_space<hbm>>) target(%dma_start3A_29 : memref<16xi32, #tpu.memory_space<vmem>>) target_semaphore(%arg22 : memref<!tpu.dma_semaphore, #tpu.memory_space<semaphore_mem>>)
    %scan3A_32 = arith.constant 0 : i32
    %scan3A_33 = arith.constant 128 : i32
    %scan3A_34 = arith.addi %scan3A_32, %scan3A_33 : i32
    %scan3A_35 = arith.constant 1 : i32
    scf.for %scan3A_676 = %scan3A_32 to %scan3A_34 step %scan3A_35  : i32 {
      %mul3A_677 = arith.constant 1 : i32
      %mul3A_678 = arith.muli %scan3A_676, %mul3A_677 : i32
      %add3A_679 = arith.constant 0 : i32
      %add3A_680 = arith.addi %add3A_679, %mul3A_678 : i32
      %broadcast_in_dim3A = arith.constant 0.000000e+00 : f32
      %broadcast_in_dim3A_681 = vector.broadcast %broadcast_in_dim3A : f32 to vector<16xf32>
      %swap3A = arith.index_cast %add3A_680 : i32 to index
      %swap3A_682 = arith.constant 0 : index
      %swap3A_683 = tpu.vector_load %arg9[%swap3A, %swap3A_682] {strides = array<i32>} : memref<128x16xf32, #tpu.memory_space<vmem>>, vector<1x16xf32>,
      %swap3A_684 = vector.shape_cast %swap3A_683 : vector<1x16xf32> to vector<16xf32>
      %swap3A_685 = vector.shape_cast %broadcast_in_dim3A_681 : vector<16xf32> to vector<1x16xf32>
      tpu.vector_store %arg9[%swap3A, %swap3A_682], %swap3A_685 {strides = array<i32>} : memref<128x16xf32, #tpu.memory_space<vmem>>, vector<1x16xf32>,
    }
    %scan3A_36 = arith.constant 128 : i32
    %mul3A_37 = arith.constant 640 : i32
    %mul3A_38 = arith.muli %arg1, %mul3A_37 : i32
    %add3A_39 = arith.constant 0 : i32
    %add3A_40 = arith.addi %mul3A_38, %add3A_39 : i32
    "tpu.region"() ({
      %run_scoped3A_676 = tpu.sem_alloc : memref<!tpu.dma_semaphore, #tpu.memory_space<semaphore_mem>>
      %dma_start3A_677 = arith.constant 0 : i32
      %dma_start3A_678 = tpu.memref_slice %arg19[%add3A_40, %dma_start3A_677] : memref<10240x16xf32, #tpu.memory_space<vmem_shared>> -> memref<128x16xf32, #tpu.memory_space<vmem_shared>>
      %dma_start3A_679 = arith.constant 0 : i32
      %dma_start3A_680 = tpu.memref_slice %arg19[%add3A_40, %dma_start3A_679] : memref<10240x16xf32, #tpu.memory_space<vmem_shared>> -> memref<128x16xf32, #tpu.memory_space<vmem_shared>>
      tpu.enqueue_dma source(%arg9 : memref<128x16xf32, #tpu.memory_space<vmem>>) target(%dma_start3A_680 : memref<128x16xf32, #tpu.memory_space<vmem_shared>>) target_semaphore(%run_scoped3A_676 : memref<!tpu.dma_semaphore, #tpu.memory_space<semaphore_mem>>)
      %dma_wait3A_681 = arith.constant 0 : i32
      %dma_wait3A_682 = tpu.memref_slice %arg19[%add3A_40, %dma_wait3A_681] : memref<10240x16xf32, #tpu.memory_space<vmem_shared>> -> memref<128x16xf32, #tpu.memory_space<vmem_shared>>
      %dma_wait3A_683 = arith.constant 0 : i32
      %dma_wait3A_684 = tpu.memref_slice %arg19[%add3A_40, %dma_wait3A_683] : memref<10240x16xf32, #tpu.memory_space<vmem_shared>> -> memref<128x16xf32, #tpu.memory_space<vmem_shared>>
      tpu.wait_dma2 semaphore(%run_scoped3A_676 : memref<!tpu.dma_semaphore, #tpu.memory_space<semaphore_mem>>) src(%arg9 : memref<128x16xf32, #tpu.memory_space<vmem>>) dst(%dma_wait3A_684 : memref<128x16xf32, #tpu.memory_space<vmem_shared>>)
      tpu.yield
    }) : () -> ()
    %mul3A_41 = arith.constant 640 : i32
    %mul3A_42 = arith.muli %arg1, %mul3A_41 : i32
    %add3A_43 = arith.constant 128 : i32
    %add3A_44 = arith.addi %mul3A_42, %add3A_43 : i32
    "tpu.region"() ({
      %run_scoped3A_676 = tpu.sem_alloc : memref<!tpu.dma_semaphore, #tpu.memory_space<semaphore_mem>>
      %dma_start3A_677 = arith.constant 0 : i32
      %dma_start3A_678 = tpu.memref_slice %arg19[%add3A_44, %dma_start3A_677] : memref<10240x16xf32, #tpu.memory_space<vmem_shared>> -> memref<128x16xf32, #tpu.memory_space<vmem_shared>>
      %dma_start3A_679 = arith.constant 0 : i32
      %dma_start3A_680 = tpu.memref_slice %arg19[%add3A_44, %dma_start3A_679] : memref<10240x16xf32, #tpu.memory_space<vmem_shared>> -> memref<128x16xf32, #tpu.memory_space<vmem_shared>>
      tpu.enqueue_dma source(%arg9 : memref<128x16xf32, #tpu.memory_space<vmem>>) target(%dma_start3A_680 : memref<128x16xf32, #tpu.memory_space<vmem_shared>>) target_semaphore(%run_scoped3A_676 : memref<!tpu.dma_semaphore, #tpu.memory_space<semaphore_mem>>)
      %dma_wait3A_681 = arith.constant 0 : i32
      %dma_wait3A_682 = tpu.memref_slice %arg19[%add3A_44, %dma_wait3A_681] : memref<10240x16xf32, #tpu.memory_space<vmem_shared>> -> memref<128x16xf32, #tpu.memory_space<vmem_shared>>
      %dma_wait3A_683 = arith.constant 0 : i32
      %dma_wait3A_684 = tpu.memref_slice %arg19[%add3A_44, %dma_wait3A_683] : memref<10240x16xf32, #tpu.memory_space<vmem_shared>> -> memref<128x16xf32, #tpu.memory_space<vmem_shared>>
      tpu.wait_dma2 semaphore(%run_scoped3A_676 : memref<!tpu.dma_semaphore, #tpu.memory_space<semaphore_mem>>) src(%arg9 : memref<128x16xf32, #tpu.memory_space<vmem>>) dst(%dma_wait3A_684 : memref<128x16xf32, #tpu.memory_space<vmem_shared>>)
      tpu.yield
    }) : () -> ()
    %mul3A_45 = arith.constant 640 : i32
    %mul3A_46 = arith.muli %arg1, %mul3A_45 : i32
    %add3A_47 = arith.constant 256 : i32
    %add3A_48 = arith.addi %mul3A_46, %add3A_47 : i32
    "tpu.region"() ({
      %run_scoped3A_676 = tpu.sem_alloc : memref<!tpu.dma_semaphore, #tpu.memory_space<semaphore_mem>>
      %dma_start3A_677 = arith.constant 0 : i32
      %dma_start3A_678 = tpu.memref_slice %arg19[%add3A_48, %dma_start3A_677] : memref<10240x16xf32, #tpu.memory_space<vmem_shared>> -> memref<128x16xf32, #tpu.memory_space<vmem_shared>>
      %dma_start3A_679 = arith.constant 0 : i32
      %dma_start3A_680 = tpu.memref_slice %arg19[%add3A_48, %dma_start3A_679] : memref<10240x16xf32, #tpu.memory_space<vmem_shared>> -> memref<128x16xf32, #tpu.memory_space<vmem_shared>>
      tpu.enqueue_dma source(%arg9 : memref<128x16xf32, #tpu.memory_space<vmem>>) target(%dma_start3A_680 : memref<128x16xf32, #tpu.memory_space<vmem_shared>>) target_semaphore(%run_scoped3A_676 : memref<!tpu.dma_semaphore, #tpu.memory_space<semaphore_mem>>)
      %dma_wait3A_681 = arith.constant 0 : i32
      %dma_wait3A_682 = tpu.memref_slice %arg19[%add3A_48, %dma_wait3A_681] : memref<10240x16xf32, #tpu.memory_space<vmem_shared>> -> memref<128x16xf32, #tpu.memory_space<vmem_shared>>
      %dma_wait3A_683 = arith.constant 0 : i32
      %dma_wait3A_684 = tpu.memref_slice %arg19[%add3A_48, %dma_wait3A_683] : memref<10240x16xf32, #tpu.memory_space<vmem_shared>> -> memref<128x16xf32, #tpu.memory_space<vmem_shared>>
      tpu.wait_dma2 semaphore(%run_scoped3A_676 : memref<!tpu.dma_semaphore, #tpu.memory_space<semaphore_mem>>) src(%arg9 : memref<128x16xf32, #tpu.memory_space<vmem>>) dst(%dma_wait3A_684 : memref<128x16xf32, #tpu.memory_space<vmem_shared>>)
      tpu.yield
    }) : () -> ()
    %mul3A_49 = arith.constant 640 : i32
    %mul3A_50 = arith.muli %arg1, %mul3A_49 : i32
    %add3A_51 = arith.constant 384 : i32
    %add3A_52 = arith.addi %mul3A_50, %add3A_51 : i32
    "tpu.region"() ({
      %run_scoped3A_676 = tpu.sem_alloc : memref<!tpu.dma_semaphore, #tpu.memory_space<semaphore_mem>>
      %dma_start3A_677 = arith.constant 0 : i32
      %dma_start3A_678 = tpu.memref_slice %arg19[%add3A_52, %dma_start3A_677] : memref<10240x16xf32, #tpu.memory_space<vmem_shared>> -> memref<128x16xf32, #tpu.memory_space<vmem_shared>>
      %dma_start3A_679 = arith.constant 0 : i32
      %dma_start3A_680 = tpu.memref_slice %arg19[%add3A_52, %dma_start3A_679] : memref<10240x16xf32, #tpu.memory_space<vmem_shared>> -> memref<128x16xf32, #tpu.memory_space<vmem_shared>>
      tpu.enqueue_dma source(%arg9 : memref<128x16xf32, #tpu.memory_space<vmem>>) target(%dma_start3A_680 : memref<128x16xf32, #tpu.memory_space<vmem_shared>>) target_semaphore(%run_scoped3A_676 : memref<!tpu.dma_semaphore, #tpu.memory_space<semaphore_mem>>)
      %dma_wait3A_681 = arith.constant 0 : i32
      %dma_wait3A_682 = tpu.memref_slice %arg19[%add3A_52, %dma_wait3A_681] : memref<10240x16xf32, #tpu.memory_space<vmem_shared>> -> memref<128x16xf32, #tpu.memory_space<vmem_shared>>
      %dma_wait3A_683 = arith.constant 0 : i32
      %dma_wait3A_684 = tpu.memref_slice %arg19[%add3A_52, %dma_wait3A_683] : memref<10240x16xf32, #tpu.memory_space<vmem_shared>> -> memref<128x16xf32, #tpu.memory_space<vmem_shared>>
      tpu.wait_dma2 semaphore(%run_scoped3A_676 : memref<!tpu.dma_semaphore, #tpu.memory_space<semaphore_mem>>) src(%arg9 : memref<128x16xf32, #tpu.memory_space<vmem>>) dst(%dma_wait3A_684 : memref<128x16xf32, #tpu.memory_space<vmem_shared>>)
      tpu.yield
    }) : () -> ()
    %mul3A_53 = arith.constant 640 : i32
    %mul3A_54 = arith.muli %arg1, %mul3A_53 : i32
    %add3A_55 = arith.constant 512 : i32
    %add3A_56 = arith.addi %mul3A_54, %add3A_55 : i32
    "tpu.region"() ({
      %run_scoped3A_676 = tpu.sem_alloc : memref<!tpu.dma_semaphore, #tpu.memory_space<semaphore_mem>>
      %dma_start3A_677 = arith.constant 0 : i32
      %dma_start3A_678 = tpu.memref_slice %arg19[%add3A_56, %dma_start3A_677] : memref<10240x16xf32, #tpu.memory_space<vmem_shared>> -> memref<128x16xf32, #tpu.memory_space<vmem_shared>>
      %dma_start3A_679 = arith.constant 0 : i32
      %dma_start3A_680 = tpu.memref_slice %arg19[%add3A_56, %dma_start3A_679] : memref<10240x16xf32, #tpu.memory_space<vmem_shared>> -> memref<128x16xf32, #tpu.memory_space<vmem_shared>>
      tpu.enqueue_dma source(%arg9 : memref<128x16xf32, #tpu.memory_space<vmem>>) target(%dma_start3A_680 : memref<128x16xf32, #tpu.memory_space<vmem_shared>>) target_semaphore(%run_scoped3A_676 : memref<!tpu.dma_semaphore, #tpu.memory_space<semaphore_mem>>)
      %dma_wait3A_681 = arith.constant 0 : i32
      %dma_wait3A_682 = tpu.memref_slice %arg19[%add3A_56, %dma_wait3A_681] : memref<10240x16xf32, #tpu.memory_space<vmem_shared>> -> memref<128x16xf32, #tpu.memory_space<vmem_shared>>
      %dma_wait3A_683 = arith.constant 0 : i32
      %dma_wait3A_684 = tpu.memref_slice %arg19[%add3A_56, %dma_wait3A_683] : memref<10240x16xf32, #tpu.memory_space<vmem_shared>> -> memref<128x16xf32, #tpu.memory_space<vmem_shared>>
      tpu.wait_dma2 semaphore(%run_scoped3A_676 : memref<!tpu.dma_semaphore, #tpu.memory_space<semaphore_mem>>) src(%arg9 : memref<128x16xf32, #tpu.memory_space<vmem>>) dst(%dma_wait3A_684 : memref<128x16xf32, #tpu.memory_space<vmem_shared>>)
      tpu.yield
    }) : () -> ()
    %scan3A_57 = arith.constant 0 : i32
    %scan3A_58 = arith.constant 78 : i32
    %scan3A_59 = arith.addi %scan3A_57, %scan3A_58 : i32
    %scan3A_60 = arith.constant 1 : i32
    scf.for %scan3A_676 = %scan3A_57 to %scan3A_59 step %scan3A_60  : i32 {
      %mul3A_677 = arith.constant 1 : i32
      %mul3A_678 = arith.muli %scan3A_676, %mul3A_677 : i32
      %add3A_679 = arith.constant 0 : i32
      %add3A_680 = arith.addi %add3A_679, %mul3A_678 : i32
      %mul3A_681 = arith.constant 10000 : i32
      %mul3A_682 = arith.muli %add3A, %mul3A_681 : i32
      %dma_wait3A_683 = arith.constant 0 : i32
      %dma_wait3A_684 = arith.constant 0 : i32
      %dma_wait3A_685 = arith.constant 0 : i32
      %dma_wait3A_686 = tpu.memref_slice %arg5[%dma_wait3A_684, %dma_wait3A_685] : memref<78x128xi32, #tpu.memory_space<vmem>> -> memref<1x128xi32, #tpu.memory_space<vmem>>
      %dma_wait3A_687 = tpu.memref_squeeze %dma_wait3A_686 : memref<1x128xi32, #tpu.memory_space<vmem>> -> memref<128xi32, #tpu.memory_space<vmem>>
      %dma_wait3A_688 = tpu.memref_slice %arg3[%dma_wait3A_683, %mul3A_682] : memref<2x320000xi32, #tpu.memory_space<hbm>> -> memref<1x128xi32, #tpu.memory_space<hbm>>
      %dma_wait3A_689 = tpu.memref_squeeze %dma_wait3A_688 : memref<1x128xi32, #tpu.memory_space<hbm>> -> memref<128xi32, #tpu.memory_space<hbm>>
      %dma_wait3A_690 = arith.constant 0 : i32
      %dma_wait3A_691 = tpu.memref_slice %arg5[%dma_wait3A_684, %dma_wait3A_690] : memref<78x128xi32, #tpu.memory_space<vmem>> -> memref<1x128xi32, #tpu.memory_space<vmem>>
      %dma_wait3A_692 = tpu.memref_squeeze %dma_wait3A_691 : memref<1x128xi32, #tpu.memory_space<vmem>> -> memref<128xi32, #tpu.memory_space<vmem>>
      %dma_wait3A_693 = tpu.memref_slice %arg3[%dma_wait3A_683, %mul3A_682] : memref<2x320000xi32, #tpu.memory_space<hbm>> -> memref<1x128xi32, #tpu.memory_space<hbm>>
      %dma_wait3A_694 = tpu.memref_squeeze %dma_wait3A_693 : memref<1x128xi32, #tpu.memory_space<hbm>> -> memref<128xi32, #tpu.memory_space<hbm>>
      tpu.wait_dma2 semaphore(%arg22 : memref<!tpu.dma_semaphore, #tpu.memory_space<semaphore_mem>>) src(%dma_wait3A_694 : memref<128xi32, #tpu.memory_space<hbm>>) dst(%dma_wait3A_692 : memref<128xi32, #tpu.memory_space<vmem>>)
      %mul3A_695 = arith.constant 10000 : i32
      %mul3A_696 = arith.muli %add3A, %mul3A_695 : i32
      %dma_wait3A_697 = arith.constant 1 : i32
      %dma_wait3A_698 = arith.constant 0 : i32
      %dma_wait3A_699 = arith.constant 0 : i32
      %dma_wait3A_700 = tpu.memref_slice %arg6[%dma_wait3A_698, %dma_wait3A_699] : memref<78x128xi32, #tpu.memory_space<vmem>> -> memref<1x128xi32, #tpu.memory_space<vmem>>
      %dma_wait3A_701 = tpu.memref_squeeze %dma_wait3A_700 : memref<1x128xi32, #tpu.memory_space<vmem>> -> memref<128xi32, #tpu.memory_space<vmem>>
      %dma_wait3A_702 = tpu.memref_slice %arg3[%dma_wait3A_697, %mul3A_696] : memref<2x320000xi32, #tpu.memory_space<hbm>> -> memref<1x128xi32, #tpu.memory_space<hbm>>
      %dma_wait3A_703 = tpu.memref_squeeze %dma_wait3A_702 : memref<1x128xi32, #tpu.memory_space<hbm>> -> memref<128xi32, #tpu.memory_space<hbm>>
      %dma_wait3A_704 = arith.constant 0 : i32
      %dma_wait3A_705 = tpu.memref_slice %arg6[%dma_wait3A_698, %dma_wait3A_704] : memref<78x128xi32, #tpu.memory_space<vmem>> -> memref<1x128xi32, #tpu.memory_space<vmem>>
      %dma_wait3A_706 = tpu.memref_squeeze %dma_wait3A_705 : memref<1x128xi32, #tpu.memory_space<vmem>> -> memref<128xi32, #tpu.memory_space<vmem>>
      %dma_wait3A_707 = tpu.memref_slice %arg3[%dma_wait3A_697, %mul3A_696] : memref<2x320000xi32, #tpu.memory_space<hbm>> -> memref<1x128xi32, #tpu.memory_space<hbm>>
      %dma_wait3A_708 = tpu.memref_squeeze %dma_wait3A_707 : memref<1x128xi32, #tpu.memory_space<hbm>> -> memref<128xi32, #tpu.memory_space<hbm>>
      tpu.wait_dma2 semaphore(%arg22 : memref<!tpu.dma_semaphore, #tpu.memory_space<semaphore_mem>>) src(%dma_wait3A_708 : memref<128xi32, #tpu.memory_space<hbm>>) dst(%dma_wait3A_706 : memref<128xi32, #tpu.memory_space<vmem>>)
    }
    %scan3A_61 = arith.constant 78 : i32
    %dma_wait3A = arith.constant 0 : i32
    %dma_wait3A_62 = arith.constant 0 : i32
    %dma_wait3A_63 = arith.constant 0 : i32
    %dma_wait3A_64 = tpu.memref_slice %arg7[%dma_wait3A_62, %dma_wait3A_63] : memref<1x16xi32, #tpu.memory_space<vmem>> -> memref<1x16xi32, #tpu.memory_space<vmem>>
    %dma_wait3A_65 = tpu.memref_squeeze %dma_wait3A_64 : memref<1x16xi32, #tpu.memory_space<vmem>> -> memref<16xi32, #tpu.memory_space<vmem>>
    %dma_wait3A_66 = tpu.memref_slice %arg3[%dma_wait3A, %add3A_8] : memref<2x320000xi32, #tpu.memory_space<hbm>> -> memref<1x16xi32, #tpu.memory_space<hbm>>
    %dma_wait3A_67 = tpu.memref_squeeze %dma_wait3A_66 : memref<1x16xi32, #tpu.memory_space<hbm>> -> memref<16xi32, #tpu.memory_space<hbm>>
    %dma_wait3A_68 = arith.constant 0 : i32
    %dma_wait3A_69 = tpu.memref_slice %arg7[%dma_wait3A_62, %dma_wait3A_68] : memref<1x16xi32, #tpu.memory_space<vmem>> -> memref<1x16xi32, #tpu.memory_space<vmem>>
    %dma_wait3A_70 = tpu.memref_squeeze %dma_wait3A_69 : memref<1x16xi32, #tpu.memory_space<vmem>> -> memref<16xi32, #tpu.memory_space<vmem>>
    %dma_wait3A_71 = tpu.memref_slice %arg3[%dma_wait3A, %add3A_8] : memref<2x320000xi32, #tpu.memory_space<hbm>> -> memref<1x16xi32, #tpu.memory_space<hbm>>
    %dma_wait3A_72 = tpu.memref_squeeze %dma_wait3A_71 : memref<1x16xi32, #tpu.memory_space<hbm>> -> memref<16xi32, #tpu.memory_space<hbm>>
    tpu.wait_dma2 semaphore(%arg22 : memref<!tpu.dma_semaphore, #tpu.memory_space<semaphore_mem>>) src(%dma_wait3A_72 : memref<16xi32, #tpu.memory_space<hbm>>) dst(%dma_wait3A_70 : memref<16xi32, #tpu.memory_space<vmem>>)
    %dma_wait3A_73 = arith.constant 1 : i32
    %dma_wait3A_74 = arith.constant 0 : i32
    %dma_wait3A_75 = arith.constant 0 : i32
    %dma_wait3A_76 = tpu.memref_slice %arg8[%dma_wait3A_74, %dma_wait3A_75] : memref<1x16xi32, #tpu.memory_space<vmem>> -> memref<1x16xi32, #tpu.memory_space<vmem>>
    %dma_wait3A_77 = tpu.memref_squeeze %dma_wait3A_76 : memref<1x16xi32, #tpu.memory_space<vmem>> -> memref<16xi32, #tpu.memory_space<vmem>>
    %dma_wait3A_78 = tpu.memref_slice %arg3[%dma_wait3A_73, %add3A_8] : memref<2x320000xi32, #tpu.memory_space<hbm>> -> memref<1x16xi32, #tpu.memory_space<hbm>>
    %dma_wait3A_79 = tpu.memref_squeeze %dma_wait3A_78 : memref<1x16xi32, #tpu.memory_space<hbm>> -> memref<16xi32, #tpu.memory_space<hbm>>
    %dma_wait3A_80 = arith.constant 0 : i32
    %dma_wait3A_81 = tpu.memref_slice %arg8[%dma_wait3A_74, %dma_wait3A_80] : memref<1x16xi32, #tpu.memory_space<vmem>> -> memref<1x16xi32, #tpu.memory_space<vmem>>
    %dma_wait3A_82 = tpu.memref_squeeze %dma_wait3A_81 : memref<1x16xi32, #tpu.memory_space<vmem>> -> memref<16xi32, #tpu.memory_space<vmem>>
    %dma_wait3A_83 = tpu.memref_slice %arg3[%dma_wait3A_73, %add3A_8] : memref<2x320000xi32, #tpu.memory_space<hbm>> -> memref<1x16xi32, #tpu.memory_space<hbm>>
    %dma_wait3A_84 = tpu.memref_squeeze %dma_wait3A_83 : memref<1x16xi32, #tpu.memory_space<hbm>> -> memref<16xi32, #tpu.memory_space<hbm>>
    tpu.wait_dma2 semaphore(%arg22 : memref<!tpu.dma_semaphore, #tpu.memory_space<semaphore_mem>>) src(%dma_wait3A_84 : memref<16xi32, #tpu.memory_space<hbm>>) dst(%dma_wait3A_82 : memref<16xi32, #tpu.memory_space<vmem>>)
    %barrier3A = arith.constant 0 : index
    tpu.barrier barrier_id(%barrier3A)
    %dma_start3A_85 = arith.constant 0 : i32
    %dma_start3A_86 = arith.constant 0 : i32
    %dma_start3A_87 = arith.constant 0 : i32
    %dma_start3A_88 = tpu.memref_slice %arg5[%dma_start3A_85, %dma_start3A_87] : memref<78x128xi32, #tpu.memory_space<vmem>> -> memref<1x128xi32, #tpu.memory_space<vmem>>
    %dma_start3A_89 = tpu.memref_squeeze %dma_start3A_88 : memref<1x128xi32, #tpu.memory_space<vmem>> -> memref<128xi32, #tpu.memory_space<vmem>>
    %dma_start3A_90 = arith.constant 0 : i32
    %dma_start3A_91 = arith.constant 0 : i32
    %dma_start3A_92 = tpu.memref_slice %arg2[%dma_start3A_90, %dma_start3A_91] : memref<10000x16xf32, #tpu.memory_space<hbm>> -> memref<10000x16xf32, #tpu.memory_space<hbm>>
    %dma_start3A_93 = tpu.memref_slice %arg20[%dma_start3A_86] : memref<8x!tpu.dma_semaphore, #tpu.memory_space<semaphore_mem>> -> memref<1x!tpu.dma_semaphore, #tpu.memory_space<semaphore_mem>>
    %dma_start3A_94 = tpu.memref_squeeze %dma_start3A_93 : memref<1x!tpu.dma_semaphore, #tpu.memory_space<semaphore_mem>> -> memref<!tpu.dma_semaphore, #tpu.memory_space<semaphore_mem>>
    tpu.enqueue_indirect_dma source(%dma_start3A_92 : memref<10000x16xf32, #tpu.memory_space<hbm>>) target(%arg9 : memref<128x16xf32, #tpu.memory_space<vmem>>) offsets(%dma_start3A_89 : memref<128xi32, #tpu.memory_space<vmem>>) semaphore(%dma_start3A_94 : memref<!tpu.dma_semaphore, #tpu.memory_space<semaphore_mem>>)
    %dma_start3A_95 = arith.constant 1 : i32
    %dma_start3A_96 = arith.constant 1 : i32
    %dma_start3A_97 = arith.constant 0 : i32
    %dma_start3A_98 = tpu.memref_slice %arg5[%dma_start3A_95, %dma_start3A_97] : memref<78x128xi32, #tpu.memory_space<vmem>> -> memref<1x128xi32, #tpu.memory_space<vmem>>
    %dma_start3A_99 = tpu.memref_squeeze %dma_start3A_98 : memref<1x128xi32, #tpu.memory_space<vmem>> -> memref<128xi32, #tpu.memory_space<vmem>>
    %dma_start3A_100 = arith.constant 0 : i32
    %dma_start3A_101 = arith.constant 0 : i32
    %dma_start3A_102 = tpu.memref_slice %arg2[%dma_start3A_100, %dma_start3A_101] : memref<10000x16xf32, #tpu.memory_space<hbm>> -> memref<10000x16xf32, #tpu.memory_space<hbm>>
    %dma_start3A_103 = tpu.memref_slice %arg20[%dma_start3A_96] : memref<8x!tpu.dma_semaphore, #tpu.memory_space<semaphore_mem>> -> memref<1x!tpu.dma_semaphore, #tpu.memory_space<semaphore_mem>>
    %dma_start3A_104 = tpu.memref_squeeze %dma_start3A_103 : memref<1x!tpu.dma_semaphore, #tpu.memory_space<semaphore_mem>> -> memref<!tpu.dma_semaphore, #tpu.memory_space<semaphore_mem>>
    tpu.enqueue_indirect_dma source(%dma_start3A_102 : memref<10000x16xf32, #tpu.memory_space<hbm>>) target(%arg10 : memref<128x16xf32, #tpu.memory_space<vmem>>) offsets(%dma_start3A_99 : memref<128xi32, #tpu.memory_space<vmem>>) semaphore(%dma_start3A_104 : memref<!tpu.dma_semaphore, #tpu.memory_space<semaphore_mem>>)
    %dma_start3A_105 = arith.constant 2 : i32
    %dma_start3A_106 = arith.constant 2 : i32
    %dma_start3A_107 = arith.constant 0 : i32
    %dma_start3A_108 = tpu.memref_slice %arg5[%dma_start3A_105, %dma_start3A_107] : memref<78x128xi32, #tpu.memory_space<vmem>> -> memref<1x128xi32, #tpu.memory_space<vmem>>
    %dma_start3A_109 = tpu.memref_squeeze %dma_start3A_108 : memref<1x128xi32, #tpu.memory_space<vmem>> -> memref<128xi32, #tpu.memory_space<vmem>>
    %dma_start3A_110 = arith.constant 0 : i32
    %dma_start3A_111 = arith.constant 0 : i32
    %dma_start3A_112 = tpu.memref_slice %arg2[%dma_start3A_110, %dma_start3A_111] : memref<10000x16xf32, #tpu.memory_space<hbm>> -> memref<10000x16xf32, #tpu.memory_space<hbm>>
    %dma_start3A_113 = tpu.memref_slice %arg20[%dma_start3A_106] : memref<8x!tpu.dma_semaphore, #tpu.memory_space<semaphore_mem>> -> memref<1x!tpu.dma_semaphore, #tpu.memory_space<semaphore_mem>>
    %dma_start3A_114 = tpu.memref_squeeze %dma_start3A_113 : memref<1x!tpu.dma_semaphore, #tpu.memory_space<semaphore_mem>> -> memref<!tpu.dma_semaphore, #tpu.memory_space<semaphore_mem>>
    tpu.enqueue_indirect_dma source(%dma_start3A_112 : memref<10000x16xf32, #tpu.memory_space<hbm>>) target(%arg11 : memref<128x16xf32, #tpu.memory_space<vmem>>) offsets(%dma_start3A_109 : memref<128xi32, #tpu.memory_space<vmem>>) semaphore(%dma_start3A_114 : memref<!tpu.dma_semaphore, #tpu.memory_space<semaphore_mem>>)
    %dma_start3A_115 = arith.constant 3 : i32
    %dma_start3A_116 = arith.constant 3 : i32
    %dma_start3A_117 = arith.constant 0 : i32
    %dma_start3A_118 = tpu.memref_slice %arg5[%dma_start3A_115, %dma_start3A_117] : memref<78x128xi32, #tpu.memory_space<vmem>> -> memref<1x128xi32, #tpu.memory_space<vmem>>
    %dma_start3A_119 = tpu.memref_squeeze %dma_start3A_118 : memref<1x128xi32, #tpu.memory_space<vmem>> -> memref<128xi32, #tpu.memory_space<vmem>>
    %dma_start3A_120 = arith.constant 0 : i32
    %dma_start3A_121 = arith.constant 0 : i32
    %dma_start3A_122 = tpu.memref_slice %arg2[%dma_start3A_120, %dma_start3A_121] : memref<10000x16xf32, #tpu.memory_space<hbm>> -> memref<10000x16xf32, #tpu.memory_space<hbm>>
    %dma_start3A_123 = tpu.memref_slice %arg20[%dma_start3A_116] : memref<8x!tpu.dma_semaphore, #tpu.memory_space<semaphore_mem>> -> memref<1x!tpu.dma_semaphore, #tpu.memory_space<semaphore_mem>>
    %dma_start3A_124 = tpu.memref_squeeze %dma_start3A_123 : memref<1x!tpu.dma_semaphore, #tpu.memory_space<semaphore_mem>> -> memref<!tpu.dma_semaphore, #tpu.memory_space<semaphore_mem>>
    tpu.enqueue_indirect_dma source(%dma_start3A_122 : memref<10000x16xf32, #tpu.memory_space<hbm>>) target(%arg12 : memref<128x16xf32, #tpu.memory_space<vmem>>) offsets(%dma_start3A_119 : memref<128xi32, #tpu.memory_space<vmem>>) semaphore(%dma_start3A_124 : memref<!tpu.dma_semaphore, #tpu.memory_space<semaphore_mem>>)
    %dma_wait3A_125 = arith.constant 0 : i32
    %dma_wait3A_126 = arith.constant 0 : i32
    %dma_wait3A_127 = arith.constant 0 : i32
    %dma_wait3A_128 = tpu.memref_slice %arg5[%dma_wait3A_125, %dma_wait3A_127] : memref<78x128xi32, #tpu.memory_space<vmem>> -> memref<1x128xi32, #tpu.memory_space<vmem>>
    %dma_wait3A_129 = tpu.memref_squeeze %dma_wait3A_128 : memref<1x128xi32, #tpu.memory_space<vmem>> -> memref<128xi32, #tpu.memory_space<vmem>>
    %dma_wait3A_130 = arith.constant 0 : i32
    %dma_wait3A_131 = arith.constant 0 : i32
    %dma_wait3A_132 = tpu.memref_slice %arg2[%dma_wait3A_130, %dma_wait3A_131] : memref<10000x16xf32, #tpu.memory_space<hbm>> -> memref<10000x16xf32, #tpu.memory_space<hbm>>
    %dma_wait3A_133 = tpu.memref_slice %arg20[%dma_wait3A_126] : memref<8x!tpu.dma_semaphore, #tpu.memory_space<semaphore_mem>> -> memref<1x!tpu.dma_semaphore, #tpu.memory_space<semaphore_mem>>
    %dma_wait3A_134 = tpu.memref_squeeze %dma_wait3A_133 : memref<1x!tpu.dma_semaphore, #tpu.memory_space<semaphore_mem>> -> memref<!tpu.dma_semaphore, #tpu.memory_space<semaphore_mem>>
    tpu.wait_indirect_dma semaphore(%dma_wait3A_134 : memref<!tpu.dma_semaphore, #tpu.memory_space<semaphore_mem>>) src(%dma_wait3A_132 : memref<10000x16xf32, #tpu.memory_space<hbm>>) dst(%arg9 : memref<128x16xf32, #tpu.memory_space<vmem>>)
    %dma_start3A_135 = arith.constant 0 : i32
    %dma_start3A_136 = arith.constant 0 : i32
    %dma_start3A_137 = arith.constant 0 : i32
    %dma_start3A_138 = tpu.memref_slice %arg6[%dma_start3A_135, %dma_start3A_137] : memref<78x128xi32, #tpu.memory_space<vmem>> -> memref<1x128xi32, #tpu.memory_space<vmem>>
    %dma_start3A_139 = tpu.memref_squeeze %dma_start3A_138 : memref<1x128xi32, #tpu.memory_space<vmem>> -> memref<128xi32, #tpu.memory_space<vmem>>
    %dma_start3A_140 = arith.constant 0 : i32
    %dma_start3A_141 = arith.constant 0 : i32
    %dma_start3A_142 = tpu.memref_slice %arg19[%dma_start3A_140, %dma_start3A_141] : memref<10240x16xf32, #tpu.memory_space<vmem_shared>> -> memref<10240x16xf32, #tpu.memory_space<vmem_shared>>
    %dma_start3A_143 = tpu.memref_slice %arg21[%dma_start3A_136] : memref<8x!tpu.dma_semaphore, #tpu.memory_space<semaphore_mem>> -> memref<1x!tpu.dma_semaphore, #tpu.memory_space<semaphore_mem>>
    %dma_start3A_144 = tpu.memref_squeeze %dma_start3A_143 : memref<1x!tpu.dma_semaphore, #tpu.memory_space<semaphore_mem>> -> memref<!tpu.dma_semaphore, #tpu.memory_space<semaphore_mem>>
    tpu.enqueue_indirect_dma source(%arg9 : memref<128x16xf32, #tpu.memory_space<vmem>>) target(%dma_start3A_142 : memref<10240x16xf32, #tpu.memory_space<vmem_shared>>) offsets(%dma_start3A_139 : memref<128xi32, #tpu.memory_space<vmem>>) semaphore(%dma_start3A_144 : memref<!tpu.dma_semaphore, #tpu.memory_space<semaphore_mem>>) {add = true}
    %dma_start3A_145 = arith.constant 4 : i32
    %dma_start3A_146 = arith.constant 4 : i32
    %dma_start3A_147 = arith.constant 0 : i32
    %dma_start3A_148 = tpu.memref_slice %arg5[%dma_start3A_145, %dma_start3A_147] : memref<78x128xi32, #tpu.memory_space<vmem>> -> memref<1x128xi32, #tpu.memory_space<vmem>>
    %dma_start3A_149 = tpu.memref_squeeze %dma_start3A_148 : memref<1x128xi32, #tpu.memory_space<vmem>> -> memref<128xi32, #tpu.memory_space<vmem>>
    %dma_start3A_150 = arith.constant 0 : i32
    %dma_start3A_151 = arith.constant 0 : i32
    %dma_start3A_152 = tpu.memref_slice %arg2[%dma_start3A_150, %dma_start3A_151] : memref<10000x16xf32, #tpu.memory_space<hbm>> -> memref<10000x16xf32, #tpu.memory_space<hbm>>
    %dma_start3A_153 = tpu.memref_slice %arg20[%dma_start3A_146] : memref<8x!tpu.dma_semaphore, #tpu.memory_space<semaphore_mem>> -> memref<1x!tpu.dma_semaphore, #tpu.memory_space<semaphore_mem>>
    %dma_start3A_154 = tpu.memref_squeeze %dma_start3A_153 : memref<1x!tpu.dma_semaphore, #tpu.memory_space<semaphore_mem>> -> memref<!tpu.dma_semaphore, #tpu.memory_space<semaphore_mem>>
    tpu.enqueue_indirect_dma source(%dma_start3A_152 : memref<10000x16xf32, #tpu.memory_space<hbm>>) target(%arg13 : memref<128x16xf32, #tpu.memory_space<vmem>>) offsets(%dma_start3A_149 : memref<128xi32, #tpu.memory_space<vmem>>) semaphore(%dma_start3A_154 : memref<!tpu.dma_semaphore, #tpu.memory_space<semaphore_mem>>)
    %dma_wait3A_155 = arith.constant 1 : i32
    %dma_wait3A_156 = arith.constant 1 : i32
    %dma_wait3A_157 = arith.constant 0 : i32
    %dma_wait3A_158 = tpu.memref_slice %arg5[%dma_wait3A_155, %dma_wait3A_157] : memref<78x128xi32, #tpu.memory_space<vmem>> -> memref<1x128xi32, #tpu.memory_space<vmem>>
    %dma_wait3A_159 = tpu.memref_squeeze %dma_wait3A_158 : memref<1x128xi32, #tpu.memory_space<vmem>> -> memref<128xi32, #tpu.memory_space<vmem>>
    %dma_wait3A_160 = arith.constant 0 : i32
    %dma_wait3A_161 = arith.constant 0 : i32
    %dma_wait3A_162 = tpu.memref_slice %arg2[%dma_wait3A_160, %dma_wait3A_161] : memref<10000x16xf32, #tpu.memory_space<hbm>> -> memref<10000x16xf32, #tpu.memory_space<hbm>>
    %dma_wait3A_163 = tpu.memref_slice %arg20[%dma_wait3A_156] : memref<8x!tpu.dma_semaphore, #tpu.memory_space<semaphore_mem>> -> memref<1x!tpu.dma_semaphore, #tpu.memory_space<semaphore_mem>>
    %dma_wait3A_164 = tpu.memref_squeeze %dma_wait3A_163 : memref<1x!tpu.dma_semaphore, #tpu.memory_space<semaphore_mem>> -> memref<!tpu.dma_semaphore, #tpu.memory_space<semaphore_mem>>
    tpu.wait_indirect_dma semaphore(%dma_wait3A_164 : memref<!tpu.dma_semaphore, #tpu.memory_space<semaphore_mem>>) src(%dma_wait3A_162 : memref<10000x16xf32, #tpu.memory_space<hbm>>) dst(%arg10 : memref<128x16xf32, #tpu.memory_space<vmem>>)
    %dma_start3A_165 = arith.constant 1 : i32
    %dma_start3A_166 = arith.constant 1 : i32
    %dma_start3A_167 = arith.constant 0 : i32
    %dma_start3A_168 = tpu.memref_slice %arg6[%dma_start3A_165, %dma_start3A_167] : memref<78x128xi32, #tpu.memory_space<vmem>> -> memref<1x128xi32, #tpu.memory_space<vmem>>
    %dma_start3A_169 = tpu.memref_squeeze %dma_start3A_168 : memref<1x128xi32, #tpu.memory_space<vmem>> -> memref<128xi32, #tpu.memory_space<vmem>>
    %dma_start3A_170 = arith.constant 0 : i32
    %dma_start3A_171 = arith.constant 0 : i32
    %dma_start3A_172 = tpu.memref_slice %arg19[%dma_start3A_170, %dma_start3A_171] : memref<10240x16xf32, #tpu.memory_space<vmem_shared>> -> memref<10240x16xf32, #tpu.memory_space<vmem_shared>>
    %dma_start3A_173 = tpu.memref_slice %arg21[%dma_start3A_166] : memref<8x!tpu.dma_semaphore, #tpu.memory_space<semaphore_mem>> -> memref<1x!tpu.dma_semaphore, #tpu.memory_space<semaphore_mem>>
    %dma_start3A_174 = tpu.memref_squeeze %dma_start3A_173 : memref<1x!tpu.dma_semaphore, #tpu.memory_space<semaphore_mem>> -> memref<!tpu.dma_semaphore, #tpu.memory_space<semaphore_mem>>
    tpu.enqueue_indirect_dma source(%arg10 : memref<128x16xf32, #tpu.memory_space<vmem>>) target(%dma_start3A_172 : memref<10240x16xf32, #tpu.memory_space<vmem_shared>>) offsets(%dma_start3A_169 : memref<128xi32, #tpu.memory_space<vmem>>) semaphore(%dma_start3A_174 : memref<!tpu.dma_semaphore, #tpu.memory_space<semaphore_mem>>) {add = true}
    %dma_start3A_175 = arith.constant 5 : i32
    %dma_start3A_176 = arith.constant 5 : i32
    %dma_start3A_177 = arith.constant 0 : i32
    %dma_start3A_178 = tpu.memref_slice %arg5[%dma_start3A_175, %dma_start3A_177] : memref<78x128xi32, #tpu.memory_space<vmem>> -> memref<1x128xi32, #tpu.memory_space<vmem>>
    %dma_start3A_179 = tpu.memref_squeeze %dma_start3A_178 : memref<1x128xi32, #tpu.memory_space<vmem>> -> memref<128xi32, #tpu.memory_space<vmem>>
    %dma_start3A_180 = arith.constant 0 : i32
    %dma_start3A_181 = arith.constant 0 : i32
    %dma_start3A_182 = tpu.memref_slice %arg2[%dma_start3A_180, %dma_start3A_181] : memref<10000x16xf32, #tpu.memory_space<hbm>> -> memref<10000x16xf32, #tpu.memory_space<hbm>>
    %dma_start3A_183 = tpu.memref_slice %arg20[%dma_start3A_176] : memref<8x!tpu.dma_semaphore, #tpu.memory_space<semaphore_mem>> -> memref<1x!tpu.dma_semaphore, #tpu.memory_space<semaphore_mem>>
    %dma_start3A_184 = tpu.memref_squeeze %dma_start3A_183 : memref<1x!tpu.dma_semaphore, #tpu.memory_space<semaphore_mem>> -> memref<!tpu.dma_semaphore, #tpu.memory_space<semaphore_mem>>
    tpu.enqueue_indirect_dma source(%dma_start3A_182 : memref<10000x16xf32, #tpu.memory_space<hbm>>) target(%arg14 : memref<128x16xf32, #tpu.memory_space<vmem>>) offsets(%dma_start3A_179 : memref<128xi32, #tpu.memory_space<vmem>>) semaphore(%dma_start3A_184 : memref<!tpu.dma_semaphore, #tpu.memory_space<semaphore_mem>>)
    %dma_wait3A_185 = arith.constant 2 : i32
    %dma_wait3A_186 = arith.constant 2 : i32
    %dma_wait3A_187 = arith.constant 0 : i32
    %dma_wait3A_188 = tpu.memref_slice %arg5[%dma_wait3A_185, %dma_wait3A_187] : memref<78x128xi32, #tpu.memory_space<vmem>> -> memref<1x128xi32, #tpu.memory_space<vmem>>
    %dma_wait3A_189 = tpu.memref_squeeze %dma_wait3A_188 : memref<1x128xi32, #tpu.memory_space<vmem>> -> memref<128xi32, #tpu.memory_space<vmem>>
    %dma_wait3A_190 = arith.constant 0 : i32
    %dma_wait3A_191 = arith.constant 0 : i32
    %dma_wait3A_192 = tpu.memref_slice %arg2[%dma_wait3A_190, %dma_wait3A_191] : memref<10000x16xf32, #tpu.memory_space<hbm>> -> memref<10000x16xf32, #tpu.memory_space<hbm>>
    %dma_wait3A_193 = tpu.memref_slice %arg20[%dma_wait3A_186] : memref<8x!tpu.dma_semaphore, #tpu.memory_space<semaphore_mem>> -> memref<1x!tpu.dma_semaphore, #tpu.memory_space<semaphore_mem>>
    %dma_wait3A_194 = tpu.memref_squeeze %dma_wait3A_193 : memref<1x!tpu.dma_semaphore, #tpu.memory_space<semaphore_mem>> -> memref<!tpu.dma_semaphore, #tpu.memory_space<semaphore_mem>>
    tpu.wait_indirect_dma semaphore(%dma_wait3A_194 : memref<!tpu.dma_semaphore, #tpu.memory_space<semaphore_mem>>) src(%dma_wait3A_192 : memref<10000x16xf32, #tpu.memory_space<hbm>>) dst(%arg11 : memref<128x16xf32, #tpu.memory_space<vmem>>)
    %dma_start3A_195 = arith.constant 2 : i32
    %dma_start3A_196 = arith.constant 2 : i32
    %dma_start3A_197 = arith.constant 0 : i32
    %dma_start3A_198 = tpu.memref_slice %arg6[%dma_start3A_195, %dma_start3A_197] : memref<78x128xi32, #tpu.memory_space<vmem>> -> memref<1x128xi32, #tpu.memory_space<vmem>>
    %dma_start3A_199 = tpu.memref_squeeze %dma_start3A_198 : memref<1x128xi32, #tpu.memory_space<vmem>> -> memref<128xi32, #tpu.memory_space<vmem>>
    %dma_start3A_200 = arith.constant 0 : i32
    %dma_start3A_201 = arith.constant 0 : i32
    %dma_start3A_202 = tpu.memref_slice %arg19[%dma_start3A_200, %dma_start3A_201] : memref<10240x16xf32, #tpu.memory_space<vmem_shared>> -> memref<10240x16xf32, #tpu.memory_space<vmem_shared>>
    %dma_start3A_203 = tpu.memref_slice %arg21[%dma_start3A_196] : memref<8x!tpu.dma_semaphore, #tpu.memory_space<semaphore_mem>> -> memref<1x!tpu.dma_semaphore, #tpu.memory_space<semaphore_mem>>
    %dma_start3A_204 = tpu.memref_squeeze %dma_start3A_203 : memref<1x!tpu.dma_semaphore, #tpu.memory_space<semaphore_mem>> -> memref<!tpu.dma_semaphore, #tpu.memory_space<semaphore_mem>>
    tpu.enqueue_indirect_dma source(%arg11 : memref<128x16xf32, #tpu.memory_space<vmem>>) target(%dma_start3A_202 : memref<10240x16xf32, #tpu.memory_space<vmem_shared>>) offsets(%dma_start3A_199 : memref<128xi32, #tpu.memory_space<vmem>>) semaphore(%dma_start3A_204 : memref<!tpu.dma_semaphore, #tpu.memory_space<semaphore_mem>>) {add = true}
    %dma_start3A_205 = arith.constant 6 : i32
    %dma_start3A_206 = arith.constant 6 : i32
    %dma_start3A_207 = arith.constant 0 : i32
    %dma_start3A_208 = tpu.memref_slice %arg5[%dma_start3A_205, %dma_start3A_207] : memref<78x128xi32, #tpu.memory_space<vmem>> -> memref<1x128xi32, #tpu.memory_space<vmem>>
    %dma_start3A_209 = tpu.memref_squeeze %dma_start3A_208 : memref<1x128xi32, #tpu.memory_space<vmem>> -> memref<128xi32, #tpu.memory_space<vmem>>
    %dma_start3A_210 = arith.constant 0 : i32
    %dma_start3A_211 = arith.constant 0 : i32
    %dma_start3A_212 = tpu.memref_slice %arg2[%dma_start3A_210, %dma_start3A_211] : memref<10000x16xf32, #tpu.memory_space<hbm>> -> memref<10000x16xf32, #tpu.memory_space<hbm>>
    %dma_start3A_213 = tpu.memref_slice %arg20[%dma_start3A_206] : memref<8x!tpu.dma_semaphore, #tpu.memory_space<semaphore_mem>> -> memref<1x!tpu.dma_semaphore, #tpu.memory_space<semaphore_mem>>
    %dma_start3A_214 = tpu.memref_squeeze %dma_start3A_213 : memref<1x!tpu.dma_semaphore, #tpu.memory_space<semaphore_mem>> -> memref<!tpu.dma_semaphore, #tpu.memory_space<semaphore_mem>>
    tpu.enqueue_indirect_dma source(%dma_start3A_212 : memref<10000x16xf32, #tpu.memory_space<hbm>>) target(%arg15 : memref<128x16xf32, #tpu.memory_space<vmem>>) offsets(%dma_start3A_209 : memref<128xi32, #tpu.memory_space<vmem>>) semaphore(%dma_start3A_214 : memref<!tpu.dma_semaphore, #tpu.memory_space<semaphore_mem>>)
    %dma_wait3A_215 = arith.constant 3 : i32
    %dma_wait3A_216 = arith.constant 3 : i32
    %dma_wait3A_217 = arith.constant 0 : i32
    %dma_wait3A_218 = tpu.memref_slice %arg5[%dma_wait3A_215, %dma_wait3A_217] : memref<78x128xi32, #tpu.memory_space<vmem>> -> memref<1x128xi32, #tpu.memory_space<vmem>>
    %dma_wait3A_219 = tpu.memref_squeeze %dma_wait3A_218 : memref<1x128xi32, #tpu.memory_space<vmem>> -> memref<128xi32, #tpu.memory_space<vmem>>
    %dma_wait3A_220 = arith.constant 0 : i32
    %dma_wait3A_221 = arith.constant 0 : i32
    %dma_wait3A_222 = tpu.memref_slice %arg2[%dma_wait3A_220, %dma_wait3A_221] : memref<10000x16xf32, #tpu.memory_space<hbm>> -> memref<10000x16xf32, #tpu.memory_space<hbm>>
    %dma_wait3A_223 = tpu.memref_slice %arg20[%dma_wait3A_216] : memref<8x!tpu.dma_semaphore, #tpu.memory_space<semaphore_mem>> -> memref<1x!tpu.dma_semaphore, #tpu.memory_space<semaphore_mem>>
    %dma_wait3A_224 = tpu.memref_squeeze %dma_wait3A_223 : memref<1x!tpu.dma_semaphore, #tpu.memory_space<semaphore_mem>> -> memref<!tpu.dma_semaphore, #tpu.memory_space<semaphore_mem>>
    tpu.wait_indirect_dma semaphore(%dma_wait3A_224 : memref<!tpu.dma_semaphore, #tpu.memory_space<semaphore_mem>>) src(%dma_wait3A_222 : memref<10000x16xf32, #tpu.memory_space<hbm>>) dst(%arg12 : memref<128x16xf32, #tpu.memory_space<vmem>>)
    %dma_start3A_225 = arith.constant 3 : i32
    %dma_start3A_226 = arith.constant 3 : i32
    %dma_start3A_227 = arith.constant 0 : i32
    %dma_start3A_228 = tpu.memref_slice %arg6[%dma_start3A_225, %dma_start3A_227] : memref<78x128xi32, #tpu.memory_space<vmem>> -> memref<1x128xi32, #tpu.memory_space<vmem>>
    %dma_start3A_229 = tpu.memref_squeeze %dma_start3A_228 : memref<1x128xi32, #tpu.memory_space<vmem>> -> memref<128xi32, #tpu.memory_space<vmem>>
    %dma_start3A_230 = arith.constant 0 : i32
    %dma_start3A_231 = arith.constant 0 : i32
    %dma_start3A_232 = tpu.memref_slice %arg19[%dma_start3A_230, %dma_start3A_231] : memref<10240x16xf32, #tpu.memory_space<vmem_shared>> -> memref<10240x16xf32, #tpu.memory_space<vmem_shared>>
    %dma_start3A_233 = tpu.memref_slice %arg21[%dma_start3A_226] : memref<8x!tpu.dma_semaphore, #tpu.memory_space<semaphore_mem>> -> memref<1x!tpu.dma_semaphore, #tpu.memory_space<semaphore_mem>>
    %dma_start3A_234 = tpu.memref_squeeze %dma_start3A_233 : memref<1x!tpu.dma_semaphore, #tpu.memory_space<semaphore_mem>> -> memref<!tpu.dma_semaphore, #tpu.memory_space<semaphore_mem>>
    tpu.enqueue_indirect_dma source(%arg12 : memref<128x16xf32, #tpu.memory_space<vmem>>) target(%dma_start3A_232 : memref<10240x16xf32, #tpu.memory_space<vmem_shared>>) offsets(%dma_start3A_229 : memref<128xi32, #tpu.memory_space<vmem>>) semaphore(%dma_start3A_234 : memref<!tpu.dma_semaphore, #tpu.memory_space<semaphore_mem>>) {add = true}
    %dma_start3A_235 = arith.constant 7 : i32
    %dma_start3A_236 = arith.constant 7 : i32
    %dma_start3A_237 = arith.constant 0 : i32
    %dma_start3A_238 = tpu.memref_slice %arg5[%dma_start3A_235, %dma_start3A_237] : memref<78x128xi32, #tpu.memory_space<vmem>> -> memref<1x128xi32, #tpu.memory_space<vmem>>
    %dma_start3A_239 = tpu.memref_squeeze %dma_start3A_238 : memref<1x128xi32, #tpu.memory_space<vmem>> -> memref<128xi32, #tpu.memory_space<vmem>>
    %dma_start3A_240 = arith.constant 0 : i32
    %dma_start3A_241 = arith.constant 0 : i32
    %dma_start3A_242 = tpu.memref_slice %arg2[%dma_start3A_240, %dma_start3A_241] : memref<10000x16xf32, #tpu.memory_space<hbm>> -> memref<10000x16xf32, #tpu.memory_space<hbm>>
    %dma_start3A_243 = tpu.memref_slice %arg20[%dma_start3A_236] : memref<8x!tpu.dma_semaphore, #tpu.memory_space<semaphore_mem>> -> memref<1x!tpu.dma_semaphore, #tpu.memory_space<semaphore_mem>>
    %dma_start3A_244 = tpu.memref_squeeze %dma_start3A_243 : memref<1x!tpu.dma_semaphore, #tpu.memory_space<semaphore_mem>> -> memref<!tpu.dma_semaphore, #tpu.memory_space<semaphore_mem>>
    tpu.enqueue_indirect_dma source(%dma_start3A_242 : memref<10000x16xf32, #tpu.memory_space<hbm>>) target(%arg16 : memref<128x16xf32, #tpu.memory_space<vmem>>) offsets(%dma_start3A_239 : memref<128xi32, #tpu.memory_space<vmem>>) semaphore(%dma_start3A_244 : memref<!tpu.dma_semaphore, #tpu.memory_space<semaphore_mem>>)
    %dma_wait3A_245 = arith.constant 4 : i32
    %dma_wait3A_246 = arith.constant 4 : i32
    %dma_wait3A_247 = arith.constant 0 : i32
    %dma_wait3A_248 = tpu.memref_slice %arg5[%dma_wait3A_245, %dma_wait3A_247] : memref<78x128xi32, #tpu.memory_space<vmem>> -> memref<1x128xi32, #tpu.memory_space<vmem>>
    %dma_wait3A_249 = tpu.memref_squeeze %dma_wait3A_248 : memref<1x128xi32, #tpu.memory_space<vmem>> -> memref<128xi32, #tpu.memory_space<vmem>>
    %dma_wait3A_250 = arith.constant 0 : i32
    %dma_wait3A_251 = arith.constant 0 : i32
    %dma_wait3A_252 = tpu.memref_slice %arg2[%dma_wait3A_250, %dma_wait3A_251] : memref<10000x16xf32, #tpu.memory_space<hbm>> -> memref<10000x16xf32, #tpu.memory_space<hbm>>
    %dma_wait3A_253 = tpu.memref_slice %arg20[%dma_wait3A_246] : memref<8x!tpu.dma_semaphore, #tpu.memory_space<semaphore_mem>> -> memref<1x!tpu.dma_semaphore, #tpu.memory_space<semaphore_mem>>
    %dma_wait3A_254 = tpu.memref_squeeze %dma_wait3A_253 : memref<1x!tpu.dma_semaphore, #tpu.memory_space<semaphore_mem>> -> memref<!tpu.dma_semaphore, #tpu.memory_space<semaphore_mem>>
    tpu.wait_indirect_dma semaphore(%dma_wait3A_254 : memref<!tpu.dma_semaphore, #tpu.memory_space<semaphore_mem>>) src(%dma_wait3A_252 : memref<10000x16xf32, #tpu.memory_space<hbm>>) dst(%arg13 : memref<128x16xf32, #tpu.memory_space<vmem>>)
    %dma_start3A_255 = arith.constant 4 : i32
    %dma_start3A_256 = arith.constant 4 : i32
    %dma_start3A_257 = arith.constant 0 : i32
    %dma_start3A_258 = tpu.memref_slice %arg6[%dma_start3A_255, %dma_start3A_257] : memref<78x128xi32, #tpu.memory_space<vmem>> -> memref<1x128xi32, #tpu.memory_space<vmem>>
    %dma_start3A_259 = tpu.memref_squeeze %dma_start3A_258 : memref<1x128xi32, #tpu.memory_space<vmem>> -> memref<128xi32, #tpu.memory_space<vmem>>
    %dma_start3A_260 = arith.constant 0 : i32
    %dma_start3A_261 = arith.constant 0 : i32
    %dma_start3A_262 = tpu.memref_slice %arg19[%dma_start3A_260, %dma_start3A_261] : memref<10240x16xf32, #tpu.memory_space<vmem_shared>> -> memref<10240x16xf32, #tpu.memory_space<vmem_shared>>
    %dma_start3A_263 = tpu.memref_slice %arg21[%dma_start3A_256] : memref<8x!tpu.dma_semaphore, #tpu.memory_space<semaphore_mem>> -> memref<1x!tpu.dma_semaphore, #tpu.memory_space<semaphore_mem>>
    %dma_start3A_264 = tpu.memref_squeeze %dma_start3A_263 : memref<1x!tpu.dma_semaphore, #tpu.memory_space<semaphore_mem>> -> memref<!tpu.dma_semaphore, #tpu.memory_space<semaphore_mem>>
    tpu.enqueue_indirect_dma source(%arg13 : memref<128x16xf32, #tpu.memory_space<vmem>>) target(%dma_start3A_262 : memref<10240x16xf32, #tpu.memory_space<vmem_shared>>) offsets(%dma_start3A_259 : memref<128xi32, #tpu.memory_space<vmem>>) semaphore(%dma_start3A_264 : memref<!tpu.dma_semaphore, #tpu.memory_space<semaphore_mem>>) {add = true}
    %dma_wait3A_265 = arith.constant 0 : i32
    %dma_wait3A_266 = arith.constant 0 : i32
    %dma_wait3A_267 = arith.constant 0 : i32
    %dma_wait3A_268 = tpu.memref_slice %arg6[%dma_wait3A_265, %dma_wait3A_267] : memref<78x128xi32, #tpu.memory_space<vmem>> -> memref<1x128xi32, #tpu.memory_space<vmem>>
    %dma_wait3A_269 = tpu.memref_squeeze %dma_wait3A_268 : memref<1x128xi32, #tpu.memory_space<vmem>> -> memref<128xi32, #tpu.memory_space<vmem>>
    %dma_wait3A_270 = arith.constant 0 : i32
    %dma_wait3A_271 = arith.constant 0 : i32
    %dma_wait3A_272 = tpu.memref_slice %arg19[%dma_wait3A_270, %dma_wait3A_271] : memref<10240x16xf32, #tpu.memory_space<vmem_shared>> -> memref<10240x16xf32, #tpu.memory_space<vmem_shared>>
    %dma_wait3A_273 = tpu.memref_slice %arg21[%dma_wait3A_266] : memref<8x!tpu.dma_semaphore, #tpu.memory_space<semaphore_mem>> -> memref<1x!tpu.dma_semaphore, #tpu.memory_space<semaphore_mem>>
    %dma_wait3A_274 = tpu.memref_squeeze %dma_wait3A_273 : memref<1x!tpu.dma_semaphore, #tpu.memory_space<semaphore_mem>> -> memref<!tpu.dma_semaphore, #tpu.memory_space<semaphore_mem>>
    tpu.wait_indirect_dma semaphore(%dma_wait3A_274 : memref<!tpu.dma_semaphore, #tpu.memory_space<semaphore_mem>>) src(%arg9 : memref<128x16xf32, #tpu.memory_space<vmem>>) dst(%dma_wait3A_272 : memref<10240x16xf32, #tpu.memory_space<vmem_shared>>)
    %dma_start3A_275 = arith.constant 8 : i32
    %dma_start3A_276 = arith.constant 0 : i32
    %dma_start3A_277 = arith.constant 0 : i32
    %dma_start3A_278 = tpu.memref_slice %arg5[%dma_start3A_275, %dma_start3A_277] : memref<78x128xi32, #tpu.memory_space<vmem>> -> memref<1x128xi32, #tpu.memory_space<vmem>>
    %dma_start3A_279 = tpu.memref_squeeze %dma_start3A_278 : memref<1x128xi32, #tpu.memory_space<vmem>> -> memref<128xi32, #tpu.memory_space<vmem>>
    %dma_start3A_280 = arith.constant 0 : i32
    %dma_start3A_281 = arith.constant 0 : i32
    %dma_start3A_282 = tpu.memref_slice %arg2[%dma_start3A_280, %dma_start3A_281] : memref<10000x16xf32, #tpu.memory_space<hbm>> -> memref<10000x16xf32, #tpu.memory_space<hbm>>
    %dma_start3A_283 = tpu.memref_slice %arg20[%dma_start3A_276] : memref<8x!tpu.dma_semaphore, #tpu.memory_space<semaphore_mem>> -> memref<1x!tpu.dma_semaphore, #tpu.memory_space<semaphore_mem>>
    %dma_start3A_284 = tpu.memref_squeeze %dma_start3A_283 : memref<1x!tpu.dma_semaphore, #tpu.memory_space<semaphore_mem>> -> memref<!tpu.dma_semaphore, #tpu.memory_space<semaphore_mem>>
    tpu.enqueue_indirect_dma source(%dma_start3A_282 : memref<10000x16xf32, #tpu.memory_space<hbm>>) target(%arg9 : memref<128x16xf32, #tpu.memory_space<vmem>>) offsets(%dma_start3A_279 : memref<128xi32, #tpu.memory_space<vmem>>) semaphore(%dma_start3A_284 : memref<!tpu.dma_semaphore, #tpu.memory_space<semaphore_mem>>)
    %dma_wait3A_285 = arith.constant 5 : i32
    %dma_wait3A_286 = arith.constant 5 : i32
    %dma_wait3A_287 = arith.constant 0 : i32
    %dma_wait3A_288 = tpu.memref_slice %arg5[%dma_wait3A_285, %dma_wait3A_287] : memref<78x128xi32, #tpu.memory_space<vmem>> -> memref<1x128xi32, #tpu.memory_space<vmem>>
    %dma_wait3A_289 = tpu.memref_squeeze %dma_wait3A_288 : memref<1x128xi32, #tpu.memory_space<vmem>> -> memref<128xi32, #tpu.memory_space<vmem>>
    %dma_wait3A_290 = arith.constant 0 : i32
    %dma_wait3A_291 = arith.constant 0 : i32
    %dma_wait3A_292 = tpu.memref_slice %arg2[%dma_wait3A_290, %dma_wait3A_291] : memref<10000x16xf32, #tpu.memory_space<hbm>> -> memref<10000x16xf32, #tpu.memory_space<hbm>>
    %dma_wait3A_293 = tpu.memref_slice %arg20[%dma_wait3A_286] : memref<8x!tpu.dma_semaphore, #tpu.memory_space<semaphore_mem>> -> memref<1x!tpu.dma_semaphore, #tpu.memory_space<semaphore_mem>>
    %dma_wait3A_294 = tpu.memref_squeeze %dma_wait3A_293 : memref<1x!tpu.dma_semaphore, #tpu.memory_space<semaphore_mem>> -> memref<!tpu.dma_semaphore, #tpu.memory_space<semaphore_mem>>
    tpu.wait_indirect_dma semaphore(%dma_wait3A_294 : memref<!tpu.dma_semaphore, #tpu.memory_space<semaphore_mem>>) src(%dma_wait3A_292 : memref<10000x16xf32, #tpu.memory_space<hbm>>) dst(%arg14 : memref<128x16xf32, #tpu.memory_space<vmem>>)
    %dma_start3A_295 = arith.constant 5 : i32
    %dma_start3A_296 = arith.constant 5 : i32
    %dma_start3A_297 = arith.constant 0 : i32
    %dma_start3A_298 = tpu.memref_slice %arg6[%dma_start3A_295, %dma_start3A_297] : memref<78x128xi32, #tpu.memory_space<vmem>> -> memref<1x128xi32, #tpu.memory_space<vmem>>
    %dma_start3A_299 = tpu.memref_squeeze %dma_start3A_298 : memref<1x128xi32, #tpu.memory_space<vmem>> -> memref<128xi32, #tpu.memory_space<vmem>>
    %dma_start3A_300 = arith.constant 0 : i32
    %dma_start3A_301 = arith.constant 0 : i32
    %dma_start3A_302 = tpu.memref_slice %arg19[%dma_start3A_300, %dma_start3A_301] : memref<10240x16xf32, #tpu.memory_space<vmem_shared>> -> memref<10240x16xf32, #tpu.memory_space<vmem_shared>>
    %dma_start3A_303 = tpu.memref_slice %arg21[%dma_start3A_296] : memref<8x!tpu.dma_semaphore, #tpu.memory_space<semaphore_mem>> -> memref<1x!tpu.dma_semaphore, #tpu.memory_space<semaphore_mem>>
    %dma_start3A_304 = tpu.memref_squeeze %dma_start3A_303 : memref<1x!tpu.dma_semaphore, #tpu.memory_space<semaphore_mem>> -> memref<!tpu.dma_semaphore, #tpu.memory_space<semaphore_mem>>
    tpu.enqueue_indirect_dma source(%arg14 : memref<128x16xf32, #tpu.memory_space<vmem>>) target(%dma_start3A_302 : memref<10240x16xf32, #tpu.memory_space<vmem_shared>>) offsets(%dma_start3A_299 : memref<128xi32, #tpu.memory_space<vmem>>) semaphore(%dma_start3A_304 : memref<!tpu.dma_semaphore, #tpu.memory_space<semaphore_mem>>) {add = true}
    %dma_wait3A_305 = arith.constant 1 : i32
    %dma_wait3A_306 = arith.constant 1 : i32
    %dma_wait3A_307 = arith.constant 0 : i32
    %dma_wait3A_308 = tpu.memref_slice %arg6[%dma_wait3A_305, %dma_wait3A_307] : memref<78x128xi32, #tpu.memory_space<vmem>> -> memref<1x128xi32, #tpu.memory_space<vmem>>
    %dma_wait3A_309 = tpu.memref_squeeze %dma_wait3A_308 : memref<1x128xi32, #tpu.memory_space<vmem>> -> memref<128xi32, #tpu.memory_space<vmem>>
    %dma_wait3A_310 = arith.constant 0 : i32
    %dma_wait3A_311 = arith.constant 0 : i32
    %dma_wait3A_312 = tpu.memref_slice %arg19[%dma_wait3A_310, %dma_wait3A_311] : memref<10240x16xf32, #tpu.memory_space<vmem_shared>> -> memref<10240x16xf32, #tpu.memory_space<vmem_shared>>
    %dma_wait3A_313 = tpu.memref_slice %arg21[%dma_wait3A_306] : memref<8x!tpu.dma_semaphore, #tpu.memory_space<semaphore_mem>> -> memref<1x!tpu.dma_semaphore, #tpu.memory_space<semaphore_mem>>
    %dma_wait3A_314 = tpu.memref_squeeze %dma_wait3A_313 : memref<1x!tpu.dma_semaphore, #tpu.memory_space<semaphore_mem>> -> memref<!tpu.dma_semaphore, #tpu.memory_space<semaphore_mem>>
    tpu.wait_indirect_dma semaphore(%dma_wait3A_314 : memref<!tpu.dma_semaphore, #tpu.memory_space<semaphore_mem>>) src(%arg10 : memref<128x16xf32, #tpu.memory_space<vmem>>) dst(%dma_wait3A_312 : memref<10240x16xf32, #tpu.memory_space<vmem_shared>>)
    %dma_start3A_315 = arith.constant 9 : i32
    %dma_start3A_316 = arith.constant 1 : i32
    %dma_start3A_317 = arith.constant 0 : i32
    %dma_start3A_318 = tpu.memref_slice %arg5[%dma_start3A_315, %dma_start3A_317] : memref<78x128xi32, #tpu.memory_space<vmem>> -> memref<1x128xi32, #tpu.memory_space<vmem>>
    %dma_start3A_319 = tpu.memref_squeeze %dma_start3A_318 : memref<1x128xi32, #tpu.memory_space<vmem>> -> memref<128xi32, #tpu.memory_space<vmem>>
    %dma_start3A_320 = arith.constant 0 : i32
    %dma_start3A_321 = arith.constant 0 : i32
    %dma_start3A_322 = tpu.memref_slice %arg2[%dma_start3A_320, %dma_start3A_321] : memref<10000x16xf32, #tpu.memory_space<hbm>> -> memref<10000x16xf32, #tpu.memory_space<hbm>>
    %dma_start3A_323 = tpu.memref_slice %arg20[%dma_start3A_316] : memref<8x!tpu.dma_semaphore, #tpu.memory_space<semaphore_mem>> -> memref<1x!tpu.dma_semaphore, #tpu.memory_space<semaphore_mem>>
    %dma_start3A_324 = tpu.memref_squeeze %dma_start3A_323 : memref<1x!tpu.dma_semaphore, #tpu.memory_space<semaphore_mem>> -> memref<!tpu.dma_semaphore, #tpu.memory_space<semaphore_mem>>
    tpu.enqueue_indirect_dma source(%dma_start3A_322 : memref<10000x16xf32, #tpu.memory_space<hbm>>) target(%arg10 : memref<128x16xf32, #tpu.memory_space<vmem>>) offsets(%dma_start3A_319 : memref<128xi32, #tpu.memory_space<vmem>>) semaphore(%dma_start3A_324 : memref<!tpu.dma_semaphore, #tpu.memory_space<semaphore_mem>>)
    %dma_wait3A_325 = arith.constant 6 : i32
    %dma_wait3A_326 = arith.constant 6 : i32
    %dma_wait3A_327 = arith.constant 0 : i32
    %dma_wait3A_328 = tpu.memref_slice %arg5[%dma_wait3A_325, %dma_wait3A_327] : memref<78x128xi32, #tpu.memory_space<vmem>> -> memref<1x128xi32, #tpu.memory_space<vmem>>
    %dma_wait3A_329 = tpu.memref_squeeze %dma_wait3A_328 : memref<1x128xi32, #tpu.memory_space<vmem>> -> memref<128xi32, #tpu.memory_space<vmem>>
    %dma_wait3A_330 = arith.constant 0 : i32
    %dma_wait3A_331 = arith.constant 0 : i32
    %dma_wait3A_332 = tpu.memref_slice %arg2[%dma_wait3A_330, %dma_wait3A_331] : memref<10000x16xf32, #tpu.memory_space<hbm>> -> memref<10000x16xf32, #tpu.memory_space<hbm>>
    %dma_wait3A_333 = tpu.memref_slice %arg20[%dma_wait3A_326] : memref<8x!tpu.dma_semaphore, #tpu.memory_space<semaphore_mem>> -> memref<1x!tpu.dma_semaphore, #tpu.memory_space<semaphore_mem>>
    %dma_wait3A_334 = tpu.memref_squeeze %dma_wait3A_333 : memref<1x!tpu.dma_semaphore, #tpu.memory_space<semaphore_mem>> -> memref<!tpu.dma_semaphore, #tpu.memory_space<semaphore_mem>>
    tpu.wait_indirect_dma semaphore(%dma_wait3A_334 : memref<!tpu.dma_semaphore, #tpu.memory_space<semaphore_mem>>) src(%dma_wait3A_332 : memref<10000x16xf32, #tpu.memory_space<hbm>>) dst(%arg15 : memref<128x16xf32, #tpu.memory_space<vmem>>)
    %dma_start3A_335 = arith.constant 6 : i32
    %dma_start3A_336 = arith.constant 6 : i32
    %dma_start3A_337 = arith.constant 0 : i32
    %dma_start3A_338 = tpu.memref_slice %arg6[%dma_start3A_335, %dma_start3A_337] : memref<78x128xi32, #tpu.memory_space<vmem>> -> memref<1x128xi32, #tpu.memory_space<vmem>>
    %dma_start3A_339 = tpu.memref_squeeze %dma_start3A_338 : memref<1x128xi32, #tpu.memory_space<vmem>> -> memref<128xi32, #tpu.memory_space<vmem>>
    %dma_start3A_340 = arith.constant 0 : i32
    %dma_start3A_341 = arith.constant 0 : i32
    %dma_start3A_342 = tpu.memref_slice %arg19[%dma_start3A_340, %dma_start3A_341] : memref<10240x16xf32, #tpu.memory_space<vmem_shared>> -> memref<10240x16xf32, #tpu.memory_space<vmem_shared>>
    %dma_start3A_343 = tpu.memref_slice %arg21[%dma_start3A_336] : memref<8x!tpu.dma_semaphore, #tpu.memory_space<semaphore_mem>> -> memref<1x!tpu.dma_semaphore, #tpu.memory_space<semaphore_mem>>
    %dma_start3A_344 = tpu.memref_squeeze %dma_start3A_343 : memref<1x!tpu.dma_semaphore, #tpu.memory_space<semaphore_mem>> -> memref<!tpu.dma_semaphore, #tpu.memory_space<semaphore_mem>>
    tpu.enqueue_indirect_dma source(%arg15 : memref<128x16xf32, #tpu.memory_space<vmem>>) target(%dma_start3A_342 : memref<10240x16xf32, #tpu.memory_space<vmem_shared>>) offsets(%dma_start3A_339 : memref<128xi32, #tpu.memory_space<vmem>>) semaphore(%dma_start3A_344 : memref<!tpu.dma_semaphore, #tpu.memory_space<semaphore_mem>>) {add = true}
    %dma_wait3A_345 = arith.constant 2 : i32
    %dma_wait3A_346 = arith.constant 2 : i32
    %dma_wait3A_347 = arith.constant 0 : i32
    %dma_wait3A_348 = tpu.memref_slice %arg6[%dma_wait3A_345, %dma_wait3A_347] : memref<78x128xi32, #tpu.memory_space<vmem>> -> memref<1x128xi32, #tpu.memory_space<vmem>>
    %dma_wait3A_349 = tpu.memref_squeeze %dma_wait3A_348 : memref<1x128xi32, #tpu.memory_space<vmem>> -> memref<128xi32, #tpu.memory_space<vmem>>
    %dma_wait3A_350 = arith.constant 0 : i32
    %dma_wait3A_351 = arith.constant 0 : i32
    %dma_wait3A_352 = tpu.memref_slice %arg19[%dma_wait3A_350, %dma_wait3A_351] : memref<10240x16xf32, #tpu.memory_space<vmem_shared>> -> memref<10240x16xf32, #tpu.memory_space<vmem_shared>>
    %dma_wait3A_353 = tpu.memref_slice %arg21[%dma_wait3A_346] : memref<8x!tpu.dma_semaphore, #tpu.memory_space<semaphore_mem>> -> memref<1x!tpu.dma_semaphore, #tpu.memory_space<semaphore_mem>>
    %dma_wait3A_354 = tpu.memref_squeeze %dma_wait3A_353 : memref<1x!tpu.dma_semaphore, #tpu.memory_space<semaphore_mem>> -> memref<!tpu.dma_semaphore, #tpu.memory_space<semaphore_mem>>
    tpu.wait_indirect_dma semaphore(%dma_wait3A_354 : memref<!tpu.dma_semaphore, #tpu.memory_space<semaphore_mem>>) src(%arg11 : memref<128x16xf32, #tpu.memory_space<vmem>>) dst(%dma_wait3A_352 : memref<10240x16xf32, #tpu.memory_space<vmem_shared>>)
    %dma_start3A_355 = arith.constant 10 : i32
    %dma_start3A_356 = arith.constant 2 : i32
    %dma_start3A_357 = arith.constant 0 : i32
    %dma_start3A_358 = tpu.memref_slice %arg5[%dma_start3A_355, %dma_start3A_357] : memref<78x128xi32, #tpu.memory_space<vmem>> -> memref<1x128xi32, #tpu.memory_space<vmem>>
    %dma_start3A_359 = tpu.memref_squeeze %dma_start3A_358 : memref<1x128xi32, #tpu.memory_space<vmem>> -> memref<128xi32, #tpu.memory_space<vmem>>
    %dma_start3A_360 = arith.constant 0 : i32
    %dma_start3A_361 = arith.constant 0 : i32
    %dma_start3A_362 = tpu.memref_slice %arg2[%dma_start3A_360, %dma_start3A_361] : memref<10000x16xf32, #tpu.memory_space<hbm>> -> memref<10000x16xf32, #tpu.memory_space<hbm>>
    %dma_start3A_363 = tpu.memref_slice %arg20[%dma_start3A_356] : memref<8x!tpu.dma_semaphore, #tpu.memory_space<semaphore_mem>> -> memref<1x!tpu.dma_semaphore, #tpu.memory_space<semaphore_mem>>
    %dma_start3A_364 = tpu.memref_squeeze %dma_start3A_363 : memref<1x!tpu.dma_semaphore, #tpu.memory_space<semaphore_mem>> -> memref<!tpu.dma_semaphore, #tpu.memory_space<semaphore_mem>>
    tpu.enqueue_indirect_dma source(%dma_start3A_362 : memref<10000x16xf32, #tpu.memory_space<hbm>>) target(%arg11 : memref<128x16xf32, #tpu.memory_space<vmem>>) offsets(%dma_start3A_359 : memref<128xi32, #tpu.memory_space<vmem>>) semaphore(%dma_start3A_364 : memref<!tpu.dma_semaphore, #tpu.memory_space<semaphore_mem>>)
    %dma_wait3A_365 = arith.constant 7 : i32
    %dma_wait3A_366 = arith.constant 7 : i32
    %dma_wait3A_367 = arith.constant 0 : i32
    %dma_wait3A_368 = tpu.memref_slice %arg5[%dma_wait3A_365, %dma_wait3A_367] : memref<78x128xi32, #tpu.memory_space<vmem>> -> memref<1x128xi32, #tpu.memory_space<vmem>>
    %dma_wait3A_369 = tpu.memref_squeeze %dma_wait3A_368 : memref<1x128xi32, #tpu.memory_space<vmem>> -> memref<128xi32, #tpu.memory_space<vmem>>
    %dma_wait3A_370 = arith.constant 0 : i32
    %dma_wait3A_371 = arith.constant 0 : i32
    %dma_wait3A_372 = tpu.memref_slice %arg2[%dma_wait3A_370, %dma_wait3A_371] : memref<10000x16xf32, #tpu.memory_space<hbm>> -> memref<10000x16xf32, #tpu.memory_space<hbm>>
    %dma_wait3A_373 = tpu.memref_slice %arg20[%dma_wait3A_366] : memref<8x!tpu.dma_semaphore, #tpu.memory_space<semaphore_mem>> -> memref<1x!tpu.dma_semaphore, #tpu.memory_space<semaphore_mem>>
    %dma_wait3A_374 = tpu.memref_squeeze %dma_wait3A_373 : memref<1x!tpu.dma_semaphore, #tpu.memory_space<semaphore_mem>> -> memref<!tpu.dma_semaphore, #tpu.memory_space<semaphore_mem>>
    tpu.wait_indirect_dma semaphore(%dma_wait3A_374 : memref<!tpu.dma_semaphore, #tpu.memory_space<semaphore_mem>>) src(%dma_wait3A_372 : memref<10000x16xf32, #tpu.memory_space<hbm>>) dst(%arg16 : memref<128x16xf32, #tpu.memory_space<vmem>>)
    %dma_start3A_375 = arith.constant 7 : i32
    %dma_start3A_376 = arith.constant 7 : i32
    %dma_start3A_377 = arith.constant 0 : i32
    %dma_start3A_378 = tpu.memref_slice %arg6[%dma_start3A_375, %dma_start3A_377] : memref<78x128xi32, #tpu.memory_space<vmem>> -> memref<1x128xi32, #tpu.memory_space<vmem>>
    %dma_start3A_379 = tpu.memref_squeeze %dma_start3A_378 : memref<1x128xi32, #tpu.memory_space<vmem>> -> memref<128xi32, #tpu.memory_space<vmem>>
    %dma_start3A_380 = arith.constant 0 : i32
    %dma_start3A_381 = arith.constant 0 : i32
    %dma_start3A_382 = tpu.memref_slice %arg19[%dma_start3A_380, %dma_start3A_381] : memref<10240x16xf32, #tpu.memory_space<vmem_shared>> -> memref<10240x16xf32, #tpu.memory_space<vmem_shared>>
    %dma_start3A_383 = tpu.memref_slice %arg21[%dma_start3A_376] : memref<8x!tpu.dma_semaphore, #tpu.memory_space<semaphore_mem>> -> memref<1x!tpu.dma_semaphore, #tpu.memory_space<semaphore_mem>>
    %dma_start3A_384 = tpu.memref_squeeze %dma_start3A_383 : memref<1x!tpu.dma_semaphore, #tpu.memory_space<semaphore_mem>> -> memref<!tpu.dma_semaphore, #tpu.memory_space<semaphore_mem>>
    tpu.enqueue_indirect_dma source(%arg16 : memref<128x16xf32, #tpu.memory_space<vmem>>) target(%dma_start3A_382 : memref<10240x16xf32, #tpu.memory_space<vmem_shared>>) offsets(%dma_start3A_379 : memref<128xi32, #tpu.memory_space<vmem>>) semaphore(%dma_start3A_384 : memref<!tpu.dma_semaphore, #tpu.memory_space<semaphore_mem>>) {add = true}
    %dma_wait3A_385 = arith.constant 3 : i32
    %dma_wait3A_386 = arith.constant 3 : i32
    %dma_wait3A_387 = arith.constant 0 : i32
    %dma_wait3A_388 = tpu.memref_slice %arg6[%dma_wait3A_385, %dma_wait3A_387] : memref<78x128xi32, #tpu.memory_space<vmem>> -> memref<1x128xi32, #tpu.memory_space<vmem>>
    %dma_wait3A_389 = tpu.memref_squeeze %dma_wait3A_388 : memref<1x128xi32, #tpu.memory_space<vmem>> -> memref<128xi32, #tpu.memory_space<vmem>>
    %dma_wait3A_390 = arith.constant 0 : i32
    %dma_wait3A_391 = arith.constant 0 : i32
    %dma_wait3A_392 = tpu.memref_slice %arg19[%dma_wait3A_390, %dma_wait3A_391] : memref<10240x16xf32, #tpu.memory_space<vmem_shared>> -> memref<10240x16xf32, #tpu.memory_space<vmem_shared>>
    %dma_wait3A_393 = tpu.memref_slice %arg21[%dma_wait3A_386] : memref<8x!tpu.dma_semaphore, #tpu.memory_space<semaphore_mem>> -> memref<1x!tpu.dma_semaphore, #tpu.memory_space<semaphore_mem>>
    %dma_wait3A_394 = tpu.memref_squeeze %dma_wait3A_393 : memref<1x!tpu.dma_semaphore, #tpu.memory_space<semaphore_mem>> -> memref<!tpu.dma_semaphore, #tpu.memory_space<semaphore_mem>>
    tpu.wait_indirect_dma semaphore(%dma_wait3A_394 : memref<!tpu.dma_semaphore, #tpu.memory_space<semaphore_mem>>) src(%arg12 : memref<128x16xf32, #tpu.memory_space<vmem>>) dst(%dma_wait3A_392 : memref<10240x16xf32, #tpu.memory_space<vmem_shared>>)
    %dma_start3A_395 = arith.constant 11 : i32
    %dma_start3A_396 = arith.constant 3 : i32
    %dma_start3A_397 = arith.constant 0 : i32
    %dma_start3A_398 = tpu.memref_slice %arg5[%dma_start3A_395, %dma_start3A_397] : memref<78x128xi32, #tpu.memory_space<vmem>> -> memref<1x128xi32, #tpu.memory_space<vmem>>
    %dma_start3A_399 = tpu.memref_squeeze %dma_start3A_398 : memref<1x128xi32, #tpu.memory_space<vmem>> -> memref<128xi32, #tpu.memory_space<vmem>>
    %dma_start3A_400 = arith.constant 0 : i32
    %dma_start3A_401 = arith.constant 0 : i32
    %dma_start3A_402 = tpu.memref_slice %arg2[%dma_start3A_400, %dma_start3A_401] : memref<10000x16xf32, #tpu.memory_space<hbm>> -> memref<10000x16xf32, #tpu.memory_space<hbm>>
    %dma_start3A_403 = tpu.memref_slice %arg20[%dma_start3A_396] : memref<8x!tpu.dma_semaphore, #tpu.memory_space<semaphore_mem>> -> memref<1x!tpu.dma_semaphore, #tpu.memory_space<semaphore_mem>>
    %dma_start3A_404 = tpu.memref_squeeze %dma_start3A_403 : memref<1x!tpu.dma_semaphore, #tpu.memory_space<semaphore_mem>> -> memref<!tpu.dma_semaphore, #tpu.memory_space<semaphore_mem>>
    tpu.enqueue_indirect_dma source(%dma_start3A_402 : memref<10000x16xf32, #tpu.memory_space<hbm>>) target(%arg12 : memref<128x16xf32, #tpu.memory_space<vmem>>) offsets(%dma_start3A_399 : memref<128xi32, #tpu.memory_space<vmem>>) semaphore(%dma_start3A_404 : memref<!tpu.dma_semaphore, #tpu.memory_space<semaphore_mem>>)
    %scan3A_405 = arith.constant 0 : i32
    %scan3A_406 = arith.constant 8 : i32
    %scan3A_407 = arith.addi %scan3A_405, %scan3A_406 : i32
    %scan3A_408 = arith.constant 1 : i32
    scf.for %scan3A_676 = %scan3A_405 to %scan3A_407 step %scan3A_408  : i32 {
      %mul3A_677 = arith.constant 8 : i32
      %mul3A_678 = arith.muli %scan3A_676, %mul3A_677 : i32
      %add3A_679 = arith.constant 8 : i32
      %add3A_680 = arith.addi %add3A_679, %mul3A_678 : i32
      %add3A_681 = arith.constant 0 : i32
      %add3A_682 = arith.addi %add3A_680, %add3A_681 : i32
      %dma_wait3A_683 = arith.constant 0 : i32
      %dma_wait3A_684 = arith.constant 0 : i32
      %dma_wait3A_685 = tpu.memref_slice %arg5[%add3A_682, %dma_wait3A_684] : memref<78x128xi32, #tpu.memory_space<vmem>> -> memref<1x128xi32, #tpu.memory_space<vmem>>
      %dma_wait3A_686 = tpu.memref_squeeze %dma_wait3A_685 : memref<1x128xi32, #tpu.memory_space<vmem>> -> memref<128xi32, #tpu.memory_space<vmem>>
      %dma_wait3A_687 = arith.constant 0 : i32
      %dma_wait3A_688 = arith.constant 0 : i32
      %dma_wait3A_689 = tpu.memref_slice %arg2[%dma_wait3A_687, %dma_wait3A_688] : memref<10000x16xf32, #tpu.memory_space<hbm>> -> memref<10000x16xf32, #tpu.memory_space<hbm>>
      %dma_wait3A_690 = tpu.memref_slice %arg20[%dma_wait3A_683] : memref<8x!tpu.dma_semaphore, #tpu.memory_space<semaphore_mem>> -> memref<1x!tpu.dma_semaphore, #tpu.memory_space<semaphore_mem>>
      %dma_wait3A_691 = tpu.memref_squeeze %dma_wait3A_690 : memref<1x!tpu.dma_semaphore, #tpu.memory_space<semaphore_mem>> -> memref<!tpu.dma_semaphore, #tpu.memory_space<semaphore_mem>>
      tpu.wait_indirect_dma semaphore(%dma_wait3A_691 : memref<!tpu.dma_semaphore, #tpu.memory_space<semaphore_mem>>) src(%dma_wait3A_689 : memref<10000x16xf32, #tpu.memory_space<hbm>>) dst(%arg9 : memref<128x16xf32, #tpu.memory_space<vmem>>)
      %dma_start3A_692 = arith.constant 0 : i32
      %dma_start3A_693 = arith.constant 0 : i32
      %dma_start3A_694 = tpu.memref_slice %arg6[%add3A_682, %dma_start3A_693] : memref<78x128xi32, #tpu.memory_space<vmem>> -> memref<1x128xi32, #tpu.memory_space<vmem>>
      %dma_start3A_695 = tpu.memref_squeeze %dma_start3A_694 : memref<1x128xi32, #tpu.memory_space<vmem>> -> memref<128xi32, #tpu.memory_space<vmem>>
      %dma_start3A_696 = arith.constant 0 : i32
      %dma_start3A_697 = arith.constant 0 : i32
      %dma_start3A_698 = tpu.memref_slice %arg19[%dma_start3A_696, %dma_start3A_697] : memref<10240x16xf32, #tpu.memory_space<vmem_shared>> -> memref<10240x16xf32, #tpu.memory_space<vmem_shared>>
      %dma_start3A_699 = tpu.memref_slice %arg21[%dma_start3A_692] : memref<8x!tpu.dma_semaphore, #tpu.memory_space<semaphore_mem>> -> memref<1x!tpu.dma_semaphore, #tpu.memory_space<semaphore_mem>>
      %dma_start3A_700 = tpu.memref_squeeze %dma_start3A_699 : memref<1x!tpu.dma_semaphore, #tpu.memory_space<semaphore_mem>> -> memref<!tpu.dma_semaphore, #tpu.memory_space<semaphore_mem>>
      tpu.enqueue_indirect_dma source(%arg9 : memref<128x16xf32, #tpu.memory_space<vmem>>) target(%dma_start3A_698 : memref<10240x16xf32, #tpu.memory_space<vmem_shared>>) offsets(%dma_start3A_695 : memref<128xi32, #tpu.memory_space<vmem>>) semaphore(%dma_start3A_700 : memref<!tpu.dma_semaphore, #tpu.memory_space<semaphore_mem>>) {add = true}
      %sub3A = arith.constant 4 : i32
      %sub3A_701 = arith.subi %add3A_682, %sub3A : i32
      %dma_wait3A_702 = arith.constant 4 : i32
      %dma_wait3A_703 = arith.constant 0 : i32
      %dma_wait3A_704 = tpu.memref_slice %arg6[%sub3A_701, %dma_wait3A_703] : memref<78x128xi32, #tpu.memory_space<vmem>> -> memref<1x128xi32, #tpu.memory_space<vmem>>
      %dma_wait3A_705 = tpu.memref_squeeze %dma_wait3A_704 : memref<1x128xi32, #tpu.memory_space<vmem>> -> memref<128xi32, #tpu.memory_space<vmem>>
      %dma_wait3A_706 = arith.constant 0 : i32
      %dma_wait3A_707 = arith.constant 0 : i32
      %dma_wait3A_708 = tpu.memref_slice %arg19[%dma_wait3A_706, %dma_wait3A_707] : memref<10240x16xf32, #tpu.memory_space<vmem_shared>> -> memref<10240x16xf32, #tpu.memory_space<vmem_shared>>
      %dma_wait3A_709 = tpu.memref_slice %arg21[%dma_wait3A_702] : memref<8x!tpu.dma_semaphore, #tpu.memory_space<semaphore_mem>> -> memref<1x!tpu.dma_semaphore, #tpu.memory_space<semaphore_mem>>
      %dma_wait3A_710 = tpu.memref_squeeze %dma_wait3A_709 : memref<1x!tpu.dma_semaphore, #tpu.memory_space<semaphore_mem>> -> memref<!tpu.dma_semaphore, #tpu.memory_space<semaphore_mem>>
      tpu.wait_indirect_dma semaphore(%dma_wait3A_710 : memref<!tpu.dma_semaphore, #tpu.memory_space<semaphore_mem>>) src(%arg13 : memref<128x16xf32, #tpu.memory_space<vmem>>) dst(%dma_wait3A_708 : memref<10240x16xf32, #tpu.memory_space<vmem_shared>>)
      %add3A_711 = arith.constant 4 : i32
      %add3A_712 = arith.addi %add3A_682, %add3A_711 : i32
      %dma_start3A_713 = arith.constant 4 : i32
      %dma_start3A_714 = arith.constant 0 : i32
      %dma_start3A_715 = tpu.memref_slice %arg5[%add3A_712, %dma_start3A_714] : memref<78x128xi32, #tpu.memory_space<vmem>> -> memref<1x128xi32, #tpu.memory_space<vmem>>
      %dma_start3A_716 = tpu.memref_squeeze %dma_start3A_715 : memref<1x128xi32, #tpu.memory_space<vmem>> -> memref<128xi32, #tpu.memory_space<vmem>>
      %dma_start3A_717 = arith.constant 0 : i32
      %dma_start3A_718 = arith.constant 0 : i32
      %dma_start3A_719 = tpu.memref_slice %arg2[%dma_start3A_717, %dma_start3A_718] : memref<10000x16xf32, #tpu.memory_space<hbm>> -> memref<10000x16xf32, #tpu.memory_space<hbm>>
      %dma_start3A_720 = tpu.memref_slice %arg20[%dma_start3A_713] : memref<8x!tpu.dma_semaphore, #tpu.memory_space<semaphore_mem>> -> memref<1x!tpu.dma_semaphore, #tpu.memory_space<semaphore_mem>>
      %dma_start3A_721 = tpu.memref_squeeze %dma_start3A_720 : memref<1x!tpu.dma_semaphore, #tpu.memory_space<semaphore_mem>> -> memref<!tpu.dma_semaphore, #tpu.memory_space<semaphore_mem>>
      tpu.enqueue_indirect_dma source(%dma_start3A_719 : memref<10000x16xf32, #tpu.memory_space<hbm>>) target(%arg13 : memref<128x16xf32, #tpu.memory_space<vmem>>) offsets(%dma_start3A_716 : memref<128xi32, #tpu.memory_space<vmem>>) semaphore(%dma_start3A_721 : memref<!tpu.dma_semaphore, #tpu.memory_space<semaphore_mem>>)
      %add3A_722 = arith.constant 1 : i32
      %add3A_723 = arith.addi %add3A_680, %add3A_722 : i32
      %dma_wait3A_724 = arith.constant 1 : i32
      %dma_wait3A_725 = arith.constant 0 : i32
      %dma_wait3A_726 = tpu.memref_slice %arg5[%add3A_723, %dma_wait3A_725] : memref<78x128xi32, #tpu.memory_space<vmem>> -> memref<1x128xi32, #tpu.memory_space<vmem>>
      %dma_wait3A_727 = tpu.memref_squeeze %dma_wait3A_726 : memref<1x128xi32, #tpu.memory_space<vmem>> -> memref<128xi32, #tpu.memory_space<vmem>>
      %dma_wait3A_728 = arith.constant 0 : i32
      %dma_wait3A_729 = arith.constant 0 : i32
      %dma_wait3A_730 = tpu.memref_slice %arg2[%dma_wait3A_728, %dma_wait3A_729] : memref<10000x16xf32, #tpu.memory_space<hbm>> -> memref<10000x16xf32, #tpu.memory_space<hbm>>
      %dma_wait3A_731 = tpu.memref_slice %arg20[%dma_wait3A_724] : memref<8x!tpu.dma_semaphore, #tpu.memory_space<semaphore_mem>> -> memref<1x!tpu.dma_semaphore, #tpu.memory_space<semaphore_mem>>
      %dma_wait3A_732 = tpu.memref_squeeze %dma_wait3A_731 : memref<1x!tpu.dma_semaphore, #tpu.memory_space<semaphore_mem>> -> memref<!tpu.dma_semaphore, #tpu.memory_space<semaphore_mem>>
      tpu.wait_indirect_dma semaphore(%dma_wait3A_732 : memref<!tpu.dma_semaphore, #tpu.memory_space<semaphore_mem>>) src(%dma_wait3A_730 : memref<10000x16xf32, #tpu.memory_space<hbm>>) dst(%arg10 : memref<128x16xf32, #tpu.memory_space<vmem>>)
      %dma_start3A_733 = arith.constant 1 : i32
      %dma_start3A_734 = arith.constant 0 : i32
      %dma_start3A_735 = tpu.memref_slice %arg6[%add3A_723, %dma_start3A_734] : memref<78x128xi32, #tpu.memory_space<vmem>> -> memref<1x128xi32, #tpu.memory_space<vmem>>
      %dma_start3A_736 = tpu.memref_squeeze %dma_start3A_735 : memref<1x128xi32, #tpu.memory_space<vmem>> -> memref<128xi32, #tpu.memory_space<vmem>>
      %dma_start3A_737 = arith.constant 0 : i32
      %dma_start3A_738 = arith.constant 0 : i32
      %dma_start3A_739 = tpu.memref_slice %arg19[%dma_start3A_737, %dma_start3A_738] : memref<10240x16xf32, #tpu.memory_space<vmem_shared>> -> memref<10240x16xf32, #tpu.memory_space<vmem_shared>>
      %dma_start3A_740 = tpu.memref_slice %arg21[%dma_start3A_733] : memref<8x!tpu.dma_semaphore, #tpu.memory_space<semaphore_mem>> -> memref<1x!tpu.dma_semaphore, #tpu.memory_space<semaphore_mem>>
      %dma_start3A_741 = tpu.memref_squeeze %dma_start3A_740 : memref<1x!tpu.dma_semaphore, #tpu.memory_space<semaphore_mem>> -> memref<!tpu.dma_semaphore, #tpu.memory_space<semaphore_mem>>
      tpu.enqueue_indirect_dma source(%arg10 : memref<128x16xf32, #tpu.memory_space<vmem>>) target(%dma_start3A_739 : memref<10240x16xf32, #tpu.memory_space<vmem_shared>>) offsets(%dma_start3A_736 : memref<128xi32, #tpu.memory_space<vmem>>) semaphore(%dma_start3A_741 : memref<!tpu.dma_semaphore, #tpu.memory_space<semaphore_mem>>) {add = true}
      %sub3A_742 = arith.constant 4 : i32
      %sub3A_743 = arith.subi %add3A_723, %sub3A_742 : i32
      %dma_wait3A_744 = arith.constant 5 : i32
      %dma_wait3A_745 = arith.constant 0 : i32
      %dma_wait3A_746 = tpu.memref_slice %arg6[%sub3A_743, %dma_wait3A_745] : memref<78x128xi32, #tpu.memory_space<vmem>> -> memref<1x128xi32, #tpu.memory_space<vmem>>
      %dma_wait3A_747 = tpu.memref_squeeze %dma_wait3A_746 : memref<1x128xi32, #tpu.memory_space<vmem>> -> memref<128xi32, #tpu.memory_space<vmem>>
      %dma_wait3A_748 = arith.constant 0 : i32
      %dma_wait3A_749 = arith.constant 0 : i32
      %dma_wait3A_750 = tpu.memref_slice %arg19[%dma_wait3A_748, %dma_wait3A_749] : memref<10240x16xf32, #tpu.memory_space<vmem_shared>> -> memref<10240x16xf32, #tpu.memory_space<vmem_shared>>
      %dma_wait3A_751 = tpu.memref_slice %arg21[%dma_wait3A_744] : memref<8x!tpu.dma_semaphore, #tpu.memory_space<semaphore_mem>> -> memref<1x!tpu.dma_semaphore, #tpu.memory_space<semaphore_mem>>
      %dma_wait3A_752 = tpu.memref_squeeze %dma_wait3A_751 : memref<1x!tpu.dma_semaphore, #tpu.memory_space<semaphore_mem>> -> memref<!tpu.dma_semaphore, #tpu.memory_space<semaphore_mem>>
      tpu.wait_indirect_dma semaphore(%dma_wait3A_752 : memref<!tpu.dma_semaphore, #tpu.memory_space<semaphore_mem>>) src(%arg14 : memref<128x16xf32, #tpu.memory_space<vmem>>) dst(%dma_wait3A_750 : memref<10240x16xf32, #tpu.memory_space<vmem_shared>>)
      %add3A_753 = arith.constant 4 : i32
      %add3A_754 = arith.addi %add3A_723, %add3A_753 : i32
      %dma_start3A_755 = arith.constant 5 : i32
      %dma_start3A_756 = arith.constant 0 : i32
      %dma_start3A_757 = tpu.memref_slice %arg5[%add3A_754, %dma_start3A_756] : memref<78x128xi32, #tpu.memory_space<vmem>> -> memref<1x128xi32, #tpu.memory_space<vmem>>
      %dma_start3A_758 = tpu.memref_squeeze %dma_start3A_757 : memref<1x128xi32, #tpu.memory_space<vmem>> -> memref<128xi32, #tpu.memory_space<vmem>>
      %dma_start3A_759 = arith.constant 0 : i32
      %dma_start3A_760 = arith.constant 0 : i32
      %dma_start3A_761 = tpu.memref_slice %arg2[%dma_start3A_759, %dma_start3A_760] : memref<10000x16xf32, #tpu.memory_space<hbm>> -> memref<10000x16xf32, #tpu.memory_space<hbm>>
      %dma_start3A_762 = tpu.memref_slice %arg20[%dma_start3A_755] : memref<8x!tpu.dma_semaphore, #tpu.memory_space<semaphore_mem>> -> memref<1x!tpu.dma_semaphore, #tpu.memory_space<semaphore_mem>>
      %dma_start3A_763 = tpu.memref_squeeze %dma_start3A_762 : memref<1x!tpu.dma_semaphore, #tpu.memory_space<semaphore_mem>> -> memref<!tpu.dma_semaphore, #tpu.memory_space<semaphore_mem>>
      tpu.enqueue_indirect_dma source(%dma_start3A_761 : memref<10000x16xf32, #tpu.memory_space<hbm>>) target(%arg14 : memref<128x16xf32, #tpu.memory_space<vmem>>) offsets(%dma_start3A_758 : memref<128xi32, #tpu.memory_space<vmem>>) semaphore(%dma_start3A_763 : memref<!tpu.dma_semaphore, #tpu.memory_space<semaphore_mem>>)
      %add3A_764 = arith.constant 2 : i32
      %add3A_765 = arith.addi %add3A_680, %add3A_764 : i32
      %dma_wait3A_766 = arith.constant 2 : i32
      %dma_wait3A_767 = arith.constant 0 : i32
      %dma_wait3A_768 = tpu.memref_slice %arg5[%add3A_765, %dma_wait3A_767] : memref<78x128xi32, #tpu.memory_space<vmem>> -> memref<1x128xi32, #tpu.memory_space<vmem>>
      %dma_wait3A_769 = tpu.memref_squeeze %dma_wait3A_768 : memref<1x128xi32, #tpu.memory_space<vmem>> -> memref<128xi32, #tpu.memory_space<vmem>>
      %dma_wait3A_770 = arith.constant 0 : i32
      %dma_wait3A_771 = arith.constant 0 : i32
      %dma_wait3A_772 = tpu.memref_slice %arg2[%dma_wait3A_770, %dma_wait3A_771] : memref<10000x16xf32, #tpu.memory_space<hbm>> -> memref<10000x16xf32, #tpu.memory_space<hbm>>
      %dma_wait3A_773 = tpu.memref_slice %arg20[%dma_wait3A_766] : memref<8x!tpu.dma_semaphore, #tpu.memory_space<semaphore_mem>> -> memref<1x!tpu.dma_semaphore, #tpu.memory_space<semaphore_mem>>
      %dma_wait3A_774 = tpu.memref_squeeze %dma_wait3A_773 : memref<1x!tpu.dma_semaphore, #tpu.memory_space<semaphore_mem>> -> memref<!tpu.dma_semaphore, #tpu.memory_space<semaphore_mem>>
      tpu.wait_indirect_dma semaphore(%dma_wait3A_774 : memref<!tpu.dma_semaphore, #tpu.memory_space<semaphore_mem>>) src(%dma_wait3A_772 : memref<10000x16xf32, #tpu.memory_space<hbm>>) dst(%arg11 : memref<128x16xf32, #tpu.memory_space<vmem>>)
      %dma_start3A_775 = arith.constant 2 : i32
      %dma_start3A_776 = arith.constant 0 : i32
      %dma_start3A_777 = tpu.memref_slice %arg6[%add3A_765, %dma_start3A_776] : memref<78x128xi32, #tpu.memory_space<vmem>> -> memref<1x128xi32, #tpu.memory_space<vmem>>
      %dma_start3A_778 = tpu.memref_squeeze %dma_start3A_777 : memref<1x128xi32, #tpu.memory_space<vmem>> -> memref<128xi32, #tpu.memory_space<vmem>>
      %dma_start3A_779 = arith.constant 0 : i32
      %dma_start3A_780 = arith.constant 0 : i32
      %dma_start3A_781 = tpu.memref_slice %arg19[%dma_start3A_779, %dma_start3A_780] : memref<10240x16xf32, #tpu.memory_space<vmem_shared>> -> memref<10240x16xf32, #tpu.memory_space<vmem_shared>>
      %dma_start3A_782 = tpu.memref_slice %arg21[%dma_start3A_775] : memref<8x!tpu.dma_semaphore, #tpu.memory_space<semaphore_mem>> -> memref<1x!tpu.dma_semaphore, #tpu.memory_space<semaphore_mem>>
      %dma_start3A_783 = tpu.memref_squeeze %dma_start3A_782 : memref<1x!tpu.dma_semaphore, #tpu.memory_space<semaphore_mem>> -> memref<!tpu.dma_semaphore, #tpu.memory_space<semaphore_mem>>
      tpu.enqueue_indirect_dma source(%arg11 : memref<128x16xf32, #tpu.memory_space<vmem>>) target(%dma_start3A_781 : memref<10240x16xf32, #tpu.memory_space<vmem_shared>>) offsets(%dma_start3A_778 : memref<128xi32, #tpu.memory_space<vmem>>) semaphore(%dma_start3A_783 : memref<!tpu.dma_semaphore, #tpu.memory_space<semaphore_mem>>) {add = true}
      %sub3A_784 = arith.constant 4 : i32
      %sub3A_785 = arith.subi %add3A_765, %sub3A_784 : i32
      %dma_wait3A_786 = arith.constant 6 : i32
      %dma_wait3A_787 = arith.constant 0 : i32
      %dma_wait3A_788 = tpu.memref_slice %arg6[%sub3A_785, %dma_wait3A_787] : memref<78x128xi32, #tpu.memory_space<vmem>> -> memref<1x128xi32, #tpu.memory_space<vmem>>
      %dma_wait3A_789 = tpu.memref_squeeze %dma_wait3A_788 : memref<1x128xi32, #tpu.memory_space<vmem>> -> memref<128xi32, #tpu.memory_space<vmem>>
      %dma_wait3A_790 = arith.constant 0 : i32
      %dma_wait3A_791 = arith.constant 0 : i32
      %dma_wait3A_792 = tpu.memref_slice %arg19[%dma_wait3A_790, %dma_wait3A_791] : memref<10240x16xf32, #tpu.memory_space<vmem_shared>> -> memref<10240x16xf32, #tpu.memory_space<vmem_shared>>
      %dma_wait3A_793 = tpu.memref_slice %arg21[%dma_wait3A_786] : memref<8x!tpu.dma_semaphore, #tpu.memory_space<semaphore_mem>> -> memref<1x!tpu.dma_semaphore, #tpu.memory_space<semaphore_mem>>
      %dma_wait3A_794 = tpu.memref_squeeze %dma_wait3A_793 : memref<1x!tpu.dma_semaphore, #tpu.memory_space<semaphore_mem>> -> memref<!tpu.dma_semaphore, #tpu.memory_space<semaphore_mem>>
      tpu.wait_indirect_dma semaphore(%dma_wait3A_794 : memref<!tpu.dma_semaphore, #tpu.memory_space<semaphore_mem>>) src(%arg15 : memref<128x16xf32, #tpu.memory_space<vmem>>) dst(%dma_wait3A_792 : memref<10240x16xf32, #tpu.memory_space<vmem_shared>>)
      %add3A_795 = arith.constant 4 : i32
      %add3A_796 = arith.addi %add3A_765, %add3A_795 : i32
      %dma_start3A_797 = arith.constant 6 : i32
      %dma_start3A_798 = arith.constant 0 : i32
      %dma_start3A_799 = tpu.memref_slice %arg5[%add3A_796, %dma_start3A_798] : memref<78x128xi32, #tpu.memory_space<vmem>> -> memref<1x128xi32, #tpu.memory_space<vmem>>
      %dma_start3A_800 = tpu.memref_squeeze %dma_start3A_799 : memref<1x128xi32, #tpu.memory_space<vmem>> -> memref<128xi32, #tpu.memory_space<vmem>>
      %dma_start3A_801 = arith.constant 0 : i32
      %dma_start3A_802 = arith.constant 0 : i32
      %dma_start3A_803 = tpu.memref_slice %arg2[%dma_start3A_801, %dma_start3A_802] : memref<10000x16xf32, #tpu.memory_space<hbm>> -> memref<10000x16xf32, #tpu.memory_space<hbm>>
      %dma_start3A_804 = tpu.memref_slice %arg20[%dma_start3A_797] : memref<8x!tpu.dma_semaphore, #tpu.memory_space<semaphore_mem>> -> memref<1x!tpu.dma_semaphore, #tpu.memory_space<semaphore_mem>>
      %dma_start3A_805 = tpu.memref_squeeze %dma_start3A_804 : memref<1x!tpu.dma_semaphore, #tpu.memory_space<semaphore_mem>> -> memref<!tpu.dma_semaphore, #tpu.memory_space<semaphore_mem>>
      tpu.enqueue_indirect_dma source(%dma_start3A_803 : memref<10000x16xf32, #tpu.memory_space<hbm>>) target(%arg15 : memref<128x16xf32, #tpu.memory_space<vmem>>) offsets(%dma_start3A_800 : memref<128xi32, #tpu.memory_space<vmem>>) semaphore(%dma_start3A_805 : memref<!tpu.dma_semaphore, #tpu.memory_space<semaphore_mem>>)
      %add3A_806 = arith.constant 3 : i32
      %add3A_807 = arith.addi %add3A_680, %add3A_806 : i32
      %dma_wait3A_808 = arith.constant 3 : i32
      %dma_wait3A_809 = arith.constant 0 : i32
      %dma_wait3A_810 = tpu.memref_slice %arg5[%add3A_807, %dma_wait3A_809] : memref<78x128xi32, #tpu.memory_space<vmem>> -> memref<1x128xi32, #tpu.memory_space<vmem>>
      %dma_wait3A_811 = tpu.memref_squeeze %dma_wait3A_810 : memref<1x128xi32, #tpu.memory_space<vmem>> -> memref<128xi32, #tpu.memory_space<vmem>>
      %dma_wait3A_812 = arith.constant 0 : i32
      %dma_wait3A_813 = arith.constant 0 : i32
      %dma_wait3A_814 = tpu.memref_slice %arg2[%dma_wait3A_812, %dma_wait3A_813] : memref<10000x16xf32, #tpu.memory_space<hbm>> -> memref<10000x16xf32, #tpu.memory_space<hbm>>
      %dma_wait3A_815 = tpu.memref_slice %arg20[%dma_wait3A_808] : memref<8x!tpu.dma_semaphore, #tpu.memory_space<semaphore_mem>> -> memref<1x!tpu.dma_semaphore, #tpu.memory_space<semaphore_mem>>
      %dma_wait3A_816 = tpu.memref_squeeze %dma_wait3A_815 : memref<1x!tpu.dma_semaphore, #tpu.memory_space<semaphore_mem>> -> memref<!tpu.dma_semaphore, #tpu.memory_space<semaphore_mem>>
      tpu.wait_indirect_dma semaphore(%dma_wait3A_816 : memref<!tpu.dma_semaphore, #tpu.memory_space<semaphore_mem>>) src(%dma_wait3A_814 : memref<10000x16xf32, #tpu.memory_space<hbm>>) dst(%arg12 : memref<128x16xf32, #tpu.memory_space<vmem>>)
      %dma_start3A_817 = arith.constant 3 : i32
      %dma_start3A_818 = arith.constant 0 : i32
      %dma_start3A_819 = tpu.memref_slice %arg6[%add3A_807, %dma_start3A_818] : memref<78x128xi32, #tpu.memory_space<vmem>> -> memref<1x128xi32, #tpu.memory_space<vmem>>
      %dma_start3A_820 = tpu.memref_squeeze %dma_start3A_819 : memref<1x128xi32, #tpu.memory_space<vmem>> -> memref<128xi32, #tpu.memory_space<vmem>>
      %dma_start3A_821 = arith.constant 0 : i32
      %dma_start3A_822 = arith.constant 0 : i32
      %dma_start3A_823 = tpu.memref_slice %arg19[%dma_start3A_821, %dma_start3A_822] : memref<10240x16xf32, #tpu.memory_space<vmem_shared>> -> memref<10240x16xf32, #tpu.memory_space<vmem_shared>>
      %dma_start3A_824 = tpu.memref_slice %arg21[%dma_start3A_817] : memref<8x!tpu.dma_semaphore, #tpu.memory_space<semaphore_mem>> -> memref<1x!tpu.dma_semaphore, #tpu.memory_space<semaphore_mem>>
      %dma_start3A_825 = tpu.memref_squeeze %dma_start3A_824 : memref<1x!tpu.dma_semaphore, #tpu.memory_space<semaphore_mem>> -> memref<!tpu.dma_semaphore, #tpu.memory_space<semaphore_mem>>
      tpu.enqueue_indirect_dma source(%arg12 : memref<128x16xf32, #tpu.memory_space<vmem>>) target(%dma_start3A_823 : memref<10240x16xf32, #tpu.memory_space<vmem_shared>>) offsets(%dma_start3A_820 : memref<128xi32, #tpu.memory_space<vmem>>) semaphore(%dma_start3A_825 : memref<!tpu.dma_semaphore, #tpu.memory_space<semaphore_mem>>) {add = true}
      %sub3A_826 = arith.constant 4 : i32
      %sub3A_827 = arith.subi %add3A_807, %sub3A_826 : i32
      %dma_wait3A_828 = arith.constant 7 : i32
      %dma_wait3A_829 = arith.constant 0 : i32
      %dma_wait3A_830 = tpu.memref_slice %arg6[%sub3A_827, %dma_wait3A_829] : memref<78x128xi32, #tpu.memory_space<vmem>> -> memref<1x128xi32, #tpu.memory_space<vmem>>
      %dma_wait3A_831 = tpu.memref_squeeze %dma_wait3A_830 : memref<1x128xi32, #tpu.memory_space<vmem>> -> memref<128xi32, #tpu.memory_space<vmem>>
      %dma_wait3A_832 = arith.constant 0 : i32
      %dma_wait3A_833 = arith.constant 0 : i32
      %dma_wait3A_834 = tpu.memref_slice %arg19[%dma_wait3A_832, %dma_wait3A_833] : memref<10240x16xf32, #tpu.memory_space<vmem_shared>> -> memref<10240x16xf32, #tpu.memory_space<vmem_shared>>
      %dma_wait3A_835 = tpu.memref_slice %arg21[%dma_wait3A_828] : memref<8x!tpu.dma_semaphore, #tpu.memory_space<semaphore_mem>> -> memref<1x!tpu.dma_semaphore, #tpu.memory_space<semaphore_mem>>
      %dma_wait3A_836 = tpu.memref_squeeze %dma_wait3A_835 : memref<1x!tpu.dma_semaphore, #tpu.memory_space<semaphore_mem>> -> memref<!tpu.dma_semaphore, #tpu.memory_space<semaphore_mem>>
      tpu.wait_indirect_dma semaphore(%dma_wait3A_836 : memref<!tpu.dma_semaphore, #tpu.memory_space<semaphore_mem>>) src(%arg16 : memref<128x16xf32, #tpu.memory_space<vmem>>) dst(%dma_wait3A_834 : memref<10240x16xf32, #tpu.memory_space<vmem_shared>>)
      %add3A_837 = arith.constant 4 : i32
      %add3A_838 = arith.addi %add3A_807, %add3A_837 : i32
      %dma_start3A_839 = arith.constant 7 : i32
      %dma_start3A_840 = arith.constant 0 : i32
      %dma_start3A_841 = tpu.memref_slice %arg5[%add3A_838, %dma_start3A_840] : memref<78x128xi32, #tpu.memory_space<vmem>> -> memref<1x128xi32, #tpu.memory_space<vmem>>
      %dma_start3A_842 = tpu.memref_squeeze %dma_start3A_841 : memref<1x128xi32, #tpu.memory_space<vmem>> -> memref<128xi32, #tpu.memory_space<vmem>>
      %dma_start3A_843 = arith.constant 0 : i32
      %dma_start3A_844 = arith.constant 0 : i32
      %dma_start3A_845 = tpu.memref_slice %arg2[%dma_start3A_843, %dma_start3A_844] : memref<10000x16xf32, #tpu.memory_space<hbm>> -> memref<10000x16xf32, #tpu.memory_space<hbm>>
      %dma_start3A_846 = tpu.memref_slice %arg20[%dma_start3A_839] : memref<8x!tpu.dma_semaphore, #tpu.memory_space<semaphore_mem>> -> memref<1x!tpu.dma_semaphore, #tpu.memory_space<semaphore_mem>>
      %dma_start3A_847 = tpu.memref_squeeze %dma_start3A_846 : memref<1x!tpu.dma_semaphore, #tpu.memory_space<semaphore_mem>> -> memref<!tpu.dma_semaphore, #tpu.memory_space<semaphore_mem>>
      tpu.enqueue_indirect_dma source(%dma_start3A_845 : memref<10000x16xf32, #tpu.memory_space<hbm>>) target(%arg16 : memref<128x16xf32, #tpu.memory_space<vmem>>) offsets(%dma_start3A_842 : memref<128xi32, #tpu.memory_space<vmem>>) semaphore(%dma_start3A_847 : memref<!tpu.dma_semaphore, #tpu.memory_space<semaphore_mem>>)
      %add3A_848 = arith.constant 4 : i32
      %add3A_849 = arith.addi %add3A_680, %add3A_848 : i32
      %dma_wait3A_850 = arith.constant 4 : i32
      %dma_wait3A_851 = arith.constant 0 : i32
      %dma_wait3A_852 = tpu.memref_slice %arg5[%add3A_849, %dma_wait3A_851] : memref<78x128xi32, #tpu.memory_space<vmem>> -> memref<1x128xi32, #tpu.memory_space<vmem>>
      %dma_wait3A_853 = tpu.memref_squeeze %dma_wait3A_852 : memref<1x128xi32, #tpu.memory_space<vmem>> -> memref<128xi32, #tpu.memory_space<vmem>>
      %dma_wait3A_854 = arith.constant 0 : i32
      %dma_wait3A_855 = arith.constant 0 : i32
      %dma_wait3A_856 = tpu.memref_slice %arg2[%dma_wait3A_854, %dma_wait3A_855] : memref<10000x16xf32, #tpu.memory_space<hbm>> -> memref<10000x16xf32, #tpu.memory_space<hbm>>
      %dma_wait3A_857 = tpu.memref_slice %arg20[%dma_wait3A_850] : memref<8x!tpu.dma_semaphore, #tpu.memory_space<semaphore_mem>> -> memref<1x!tpu.dma_semaphore, #tpu.memory_space<semaphore_mem>>
      %dma_wait3A_858 = tpu.memref_squeeze %dma_wait3A_857 : memref<1x!tpu.dma_semaphore, #tpu.memory_space<semaphore_mem>> -> memref<!tpu.dma_semaphore, #tpu.memory_space<semaphore_mem>>
      tpu.wait_indirect_dma semaphore(%dma_wait3A_858 : memref<!tpu.dma_semaphore, #tpu.memory_space<semaphore_mem>>) src(%dma_wait3A_856 : memref<10000x16xf32, #tpu.memory_space<hbm>>) dst(%arg13 : memref<128x16xf32, #tpu.memory_space<vmem>>)
      %dma_start3A_859 = arith.constant 4 : i32
      %dma_start3A_860 = arith.constant 0 : i32
      %dma_start3A_861 = tpu.memref_slice %arg6[%add3A_849, %dma_start3A_860] : memref<78x128xi32, #tpu.memory_space<vmem>> -> memref<1x128xi32, #tpu.memory_space<vmem>>
      %dma_start3A_862 = tpu.memref_squeeze %dma_start3A_861 : memref<1x128xi32, #tpu.memory_space<vmem>> -> memref<128xi32, #tpu.memory_space<vmem>>
      %dma_start3A_863 = arith.constant 0 : i32
      %dma_start3A_864 = arith.constant 0 : i32
      %dma_start3A_865 = tpu.memref_slice %arg19[%dma_start3A_863, %dma_start3A_864] : memref<10240x16xf32, #tpu.memory_space<vmem_shared>> -> memref<10240x16xf32, #tpu.memory_space<vmem_shared>>
      %dma_start3A_866 = tpu.memref_slice %arg21[%dma_start3A_859] : memref<8x!tpu.dma_semaphore, #tpu.memory_space<semaphore_mem>> -> memref<1x!tpu.dma_semaphore, #tpu.memory_space<semaphore_mem>>
      %dma_start3A_867 = tpu.memref_squeeze %dma_start3A_866 : memref<1x!tpu.dma_semaphore, #tpu.memory_space<semaphore_mem>> -> memref<!tpu.dma_semaphore, #tpu.memory_space<semaphore_mem>>
      tpu.enqueue_indirect_dma source(%arg13 : memref<128x16xf32, #tpu.memory_space<vmem>>) target(%dma_start3A_865 : memref<10240x16xf32, #tpu.memory_space<vmem_shared>>) offsets(%dma_start3A_862 : memref<128xi32, #tpu.memory_space<vmem>>) semaphore(%dma_start3A_867 : memref<!tpu.dma_semaphore, #tpu.memory_space<semaphore_mem>>) {add = true}
      %sub3A_868 = arith.constant 4 : i32
      %sub3A_869 = arith.subi %add3A_849, %sub3A_868 : i32
      %dma_wait3A_870 = arith.constant 0 : i32
      %dma_wait3A_871 = arith.constant 0 : i32
      %dma_wait3A_872 = tpu.memref_slice %arg6[%sub3A_869, %dma_wait3A_871] : memref<78x128xi32, #tpu.memory_space<vmem>> -> memref<1x128xi32, #tpu.memory_space<vmem>>
      %dma_wait3A_873 = tpu.memref_squeeze %dma_wait3A_872 : memref<1x128xi32, #tpu.memory_space<vmem>> -> memref<128xi32, #tpu.memory_space<vmem>>
      %dma_wait3A_874 = arith.constant 0 : i32
      %dma_wait3A_875 = arith.constant 0 : i32
      %dma_wait3A_876 = tpu.memref_slice %arg19[%dma_wait3A_874, %dma_wait3A_875] : memref<10240x16xf32, #tpu.memory_space<vmem_shared>> -> memref<10240x16xf32, #tpu.memory_space<vmem_shared>>
      %dma_wait3A_877 = tpu.memref_slice %arg21[%dma_wait3A_870] : memref<8x!tpu.dma_semaphore, #tpu.memory_space<semaphore_mem>> -> memref<1x!tpu.dma_semaphore, #tpu.memory_space<semaphore_mem>>
      %dma_wait3A_878 = tpu.memref_squeeze %dma_wait3A_877 : memref<1x!tpu.dma_semaphore, #tpu.memory_space<semaphore_mem>> -> memref<!tpu.dma_semaphore, #tpu.memory_space<semaphore_mem>>
      tpu.wait_indirect_dma semaphore(%dma_wait3A_878 : memref<!tpu.dma_semaphore, #tpu.memory_space<semaphore_mem>>) src(%arg9 : memref<128x16xf32, #tpu.memory_space<vmem>>) dst(%dma_wait3A_876 : memref<10240x16xf32, #tpu.memory_space<vmem_shared>>)
      %add3A_879 = arith.constant 4 : i32
      %add3A_880 = arith.addi %add3A_849, %add3A_879 : i32
      %dma_start3A_881 = arith.constant 0 : i32
      %dma_start3A_882 = arith.constant 0 : i32
      %dma_start3A_883 = tpu.memref_slice %arg5[%add3A_880, %dma_start3A_882] : memref<78x128xi32, #tpu.memory_space<vmem>> -> memref<1x128xi32, #tpu.memory_space<vmem>>
      %dma_start3A_884 = tpu.memref_squeeze %dma_start3A_883 : memref<1x128xi32, #tpu.memory_space<vmem>> -> memref<128xi32, #tpu.memory_space<vmem>>
      %dma_start3A_885 = arith.constant 0 : i32
      %dma_start3A_886 = arith.constant 0 : i32
      %dma_start3A_887 = tpu.memref_slice %arg2[%dma_start3A_885, %dma_start3A_886] : memref<10000x16xf32, #tpu.memory_space<hbm>> -> memref<10000x16xf32, #tpu.memory_space<hbm>>
      %dma_start3A_888 = tpu.memref_slice %arg20[%dma_start3A_881] : memref<8x!tpu.dma_semaphore, #tpu.memory_space<semaphore_mem>> -> memref<1x!tpu.dma_semaphore, #tpu.memory_space<semaphore_mem>>
      %dma_start3A_889 = tpu.memref_squeeze %dma_start3A_888 : memref<1x!tpu.dma_semaphore, #tpu.memory_space<semaphore_mem>> -> memref<!tpu.dma_semaphore, #tpu.memory_space<semaphore_mem>>
      tpu.enqueue_indirect_dma source(%dma_start3A_887 : memref<10000x16xf32, #tpu.memory_space<hbm>>) target(%arg9 : memref<128x16xf32, #tpu.memory_space<vmem>>) offsets(%dma_start3A_884 : memref<128xi32, #tpu.memory_space<vmem>>) semaphore(%dma_start3A_889 : memref<!tpu.dma_semaphore, #tpu.memory_space<semaphore_mem>>)
      %add3A_890 = arith.constant 5 : i32
      %add3A_891 = arith.addi %add3A_680, %add3A_890 : i32
      %dma_wait3A_892 = arith.constant 5 : i32
      %dma_wait3A_893 = arith.constant 0 : i32
      %dma_wait3A_894 = tpu.memref_slice %arg5[%add3A_891, %dma_wait3A_893] : memref<78x128xi32, #tpu.memory_space<vmem>> -> memref<1x128xi32, #tpu.memory_space<vmem>>
      %dma_wait3A_895 = tpu.memref_squeeze %dma_wait3A_894 : memref<1x128xi32, #tpu.memory_space<vmem>> -> memref<128xi32, #tpu.memory_space<vmem>>
      %dma_wait3A_896 = arith.constant 0 : i32
      %dma_wait3A_897 = arith.constant 0 : i32
      %dma_wait3A_898 = tpu.memref_slice %arg2[%dma_wait3A_896, %dma_wait3A_897] : memref<10000x16xf32, #tpu.memory_space<hbm>> -> memref<10000x16xf32, #tpu.memory_space<hbm>>
      %dma_wait3A_899 = tpu.memref_slice %arg20[%dma_wait3A_892] : memref<8x!tpu.dma_semaphore, #tpu.memory_space<semaphore_mem>> -> memref<1x!tpu.dma_semaphore, #tpu.memory_space<semaphore_mem>>
      %dma_wait3A_900 = tpu.memref_squeeze %dma_wait3A_899 : memref<1x!tpu.dma_semaphore, #tpu.memory_space<semaphore_mem>> -> memref<!tpu.dma_semaphore, #tpu.memory_space<semaphore_mem>>
      tpu.wait_indirect_dma semaphore(%dma_wait3A_900 : memref<!tpu.dma_semaphore, #tpu.memory_space<semaphore_mem>>) src(%dma_wait3A_898 : memref<10000x16xf32, #tpu.memory_space<hbm>>) dst(%arg14 : memref<128x16xf32, #tpu.memory_space<vmem>>)
      %dma_start3A_901 = arith.constant 5 : i32
      %dma_start3A_902 = arith.constant 0 : i32
      %dma_start3A_903 = tpu.memref_slice %arg6[%add3A_891, %dma_start3A_902] : memref<78x128xi32, #tpu.memory_space<vmem>> -> memref<1x128xi32, #tpu.memory_space<vmem>>
      %dma_start3A_904 = tpu.memref_squeeze %dma_start3A_903 : memref<1x128xi32, #tpu.memory_space<vmem>> -> memref<128xi32, #tpu.memory_space<vmem>>
      %dma_start3A_905 = arith.constant 0 : i32
      %dma_start3A_906 = arith.constant 0 : i32
      %dma_start3A_907 = tpu.memref_slice %arg19[%dma_start3A_905, %dma_start3A_906] : memref<10240x16xf32, #tpu.memory_space<vmem_shared>> -> memref<10240x16xf32, #tpu.memory_space<vmem_shared>>
      %dma_start3A_908 = tpu.memref_slice %arg21[%dma_start3A_901] : memref<8x!tpu.dma_semaphore, #tpu.memory_space<semaphore_mem>> -> memref<1x!tpu.dma_semaphore, #tpu.memory_space<semaphore_mem>>
      %dma_start3A_909 = tpu.memref_squeeze %dma_start3A_908 : memref<1x!tpu.dma_semaphore, #tpu.memory_space<semaphore_mem>> -> memref<!tpu.dma_semaphore, #tpu.memory_space<semaphore_mem>>
      tpu.enqueue_indirect_dma source(%arg14 : memref<128x16xf32, #tpu.memory_space<vmem>>) target(%dma_start3A_907 : memref<10240x16xf32, #tpu.memory_space<vmem_shared>>) offsets(%dma_start3A_904 : memref<128xi32, #tpu.memory_space<vmem>>) semaphore(%dma_start3A_909 : memref<!tpu.dma_semaphore, #tpu.memory_space<semaphore_mem>>) {add = true}
      %sub3A_910 = arith.constant 4 : i32
      %sub3A_911 = arith.subi %add3A_891, %sub3A_910 : i32
      %dma_wait3A_912 = arith.constant 1 : i32
      %dma_wait3A_913 = arith.constant 0 : i32
      %dma_wait3A_914 = tpu.memref_slice %arg6[%sub3A_911, %dma_wait3A_913] : memref<78x128xi32, #tpu.memory_space<vmem>> -> memref<1x128xi32, #tpu.memory_space<vmem>>
      %dma_wait3A_915 = tpu.memref_squeeze %dma_wait3A_914 : memref<1x128xi32, #tpu.memory_space<vmem>> -> memref<128xi32, #tpu.memory_space<vmem>>
      %dma_wait3A_916 = arith.constant 0 : i32
      %dma_wait3A_917 = arith.constant 0 : i32
      %dma_wait3A_918 = tpu.memref_slice %arg19[%dma_wait3A_916, %dma_wait3A_917] : memref<10240x16xf32, #tpu.memory_space<vmem_shared>> -> memref<10240x16xf32, #tpu.memory_space<vmem_shared>>
      %dma_wait3A_919 = tpu.memref_slice %arg21[%dma_wait3A_912] : memref<8x!tpu.dma_semaphore, #tpu.memory_space<semaphore_mem>> -> memref<1x!tpu.dma_semaphore, #tpu.memory_space<semaphore_mem>>
      %dma_wait3A_920 = tpu.memref_squeeze %dma_wait3A_919 : memref<1x!tpu.dma_semaphore, #tpu.memory_space<semaphore_mem>> -> memref<!tpu.dma_semaphore, #tpu.memory_space<semaphore_mem>>
      tpu.wait_indirect_dma semaphore(%dma_wait3A_920 : memref<!tpu.dma_semaphore, #tpu.memory_space<semaphore_mem>>) src(%arg10 : memref<128x16xf32, #tpu.memory_space<vmem>>) dst(%dma_wait3A_918 : memref<10240x16xf32, #tpu.memory_space<vmem_shared>>)
      %add3A_921 = arith.constant 4 : i32
      %add3A_922 = arith.addi %add3A_891, %add3A_921 : i32
      %dma_start3A_923 = arith.constant 1 : i32
      %dma_start3A_924 = arith.constant 0 : i32
      %dma_start3A_925 = tpu.memref_slice %arg5[%add3A_922, %dma_start3A_924] : memref<78x128xi32, #tpu.memory_space<vmem>> -> memref<1x128xi32, #tpu.memory_space<vmem>>
      %dma_start3A_926 = tpu.memref_squeeze %dma_start3A_925 : memref<1x128xi32, #tpu.memory_space<vmem>> -> memref<128xi32, #tpu.memory_space<vmem>>
      %dma_start3A_927 = arith.constant 0 : i32
      %dma_start3A_928 = arith.constant 0 : i32
      %dma_start3A_929 = tpu.memref_slice %arg2[%dma_start3A_927, %dma_start3A_928] : memref<10000x16xf32, #tpu.memory_space<hbm>> -> memref<10000x16xf32, #tpu.memory_space<hbm>>
      %dma_start3A_930 = tpu.memref_slice %arg20[%dma_start3A_923] : memref<8x!tpu.dma_semaphore, #tpu.memory_space<semaphore_mem>> -> memref<1x!tpu.dma_semaphore, #tpu.memory_space<semaphore_mem>>
      %dma_start3A_931 = tpu.memref_squeeze %dma_start3A_930 : memref<1x!tpu.dma_semaphore, #tpu.memory_space<semaphore_mem>> -> memref<!tpu.dma_semaphore, #tpu.memory_space<semaphore_mem>>
      tpu.enqueue_indirect_dma source(%dma_start3A_929 : memref<10000x16xf32, #tpu.memory_space<hbm>>) target(%arg10 : memref<128x16xf32, #tpu.memory_space<vmem>>) offsets(%dma_start3A_926 : memref<128xi32, #tpu.memory_space<vmem>>) semaphore(%dma_start3A_931 : memref<!tpu.dma_semaphore, #tpu.memory_space<semaphore_mem>>)
      %add3A_932 = arith.constant 6 : i32
      %add3A_933 = arith.addi %add3A_680, %add3A_932 : i32
      %dma_wait3A_934 = arith.constant 6 : i32
      %dma_wait3A_935 = arith.constant 0 : i32
      %dma_wait3A_936 = tpu.memref_slice %arg5[%add3A_933, %dma_wait3A_935] : memref<78x128xi32, #tpu.memory_space<vmem>> -> memref<1x128xi32, #tpu.memory_space<vmem>>
      %dma_wait3A_937 = tpu.memref_squeeze %dma_wait3A_936 : memref<1x128xi32, #tpu.memory_space<vmem>> -> memref<128xi32, #tpu.memory_space<vmem>>
      %dma_wait3A_938 = arith.constant 0 : i32
      %dma_wait3A_939 = arith.constant 0 : i32
      %dma_wait3A_940 = tpu.memref_slice %arg2[%dma_wait3A_938, %dma_wait3A_939] : memref<10000x16xf32, #tpu.memory_space<hbm>> -> memref<10000x16xf32, #tpu.memory_space<hbm>>
      %dma_wait3A_941 = tpu.memref_slice %arg20[%dma_wait3A_934] : memref<8x!tpu.dma_semaphore, #tpu.memory_space<semaphore_mem>> -> memref<1x!tpu.dma_semaphore, #tpu.memory_space<semaphore_mem>>
      %dma_wait3A_942 = tpu.memref_squeeze %dma_wait3A_941 : memref<1x!tpu.dma_semaphore, #tpu.memory_space<semaphore_mem>> -> memref<!tpu.dma_semaphore, #tpu.memory_space<semaphore_mem>>
      tpu.wait_indirect_dma semaphore(%dma_wait3A_942 : memref<!tpu.dma_semaphore, #tpu.memory_space<semaphore_mem>>) src(%dma_wait3A_940 : memref<10000x16xf32, #tpu.memory_space<hbm>>) dst(%arg15 : memref<128x16xf32, #tpu.memory_space<vmem>>)
      %dma_start3A_943 = arith.constant 6 : i32
      %dma_start3A_944 = arith.constant 0 : i32
      %dma_start3A_945 = tpu.memref_slice %arg6[%add3A_933, %dma_start3A_944] : memref<78x128xi32, #tpu.memory_space<vmem>> -> memref<1x128xi32, #tpu.memory_space<vmem>>
      %dma_start3A_946 = tpu.memref_squeeze %dma_start3A_945 : memref<1x128xi32, #tpu.memory_space<vmem>> -> memref<128xi32, #tpu.memory_space<vmem>>
      %dma_start3A_947 = arith.constant 0 : i32
      %dma_start3A_948 = arith.constant 0 : i32
      %dma_start3A_949 = tpu.memref_slice %arg19[%dma_start3A_947, %dma_start3A_948] : memref<10240x16xf32, #tpu.memory_space<vmem_shared>> -> memref<10240x16xf32, #tpu.memory_space<vmem_shared>>
      %dma_start3A_950 = tpu.memref_slice %arg21[%dma_start3A_943] : memref<8x!tpu.dma_semaphore, #tpu.memory_space<semaphore_mem>> -> memref<1x!tpu.dma_semaphore, #tpu.memory_space<semaphore_mem>>
      %dma_start3A_951 = tpu.memref_squeeze %dma_start3A_950 : memref<1x!tpu.dma_semaphore, #tpu.memory_space<semaphore_mem>> -> memref<!tpu.dma_semaphore, #tpu.memory_space<semaphore_mem>>
      tpu.enqueue_indirect_dma source(%arg15 : memref<128x16xf32, #tpu.memory_space<vmem>>) target(%dma_start3A_949 : memref<10240x16xf32, #tpu.memory_space<vmem_shared>>) offsets(%dma_start3A_946 : memref<128xi32, #tpu.memory_space<vmem>>) semaphore(%dma_start3A_951 : memref<!tpu.dma_semaphore, #tpu.memory_space<semaphore_mem>>) {add = true}
      %sub3A_952 = arith.constant 4 : i32
      %sub3A_953 = arith.subi %add3A_933, %sub3A_952 : i32
      %dma_wait3A_954 = arith.constant 2 : i32
      %dma_wait3A_955 = arith.constant 0 : i32
      %dma_wait3A_956 = tpu.memref_slice %arg6[%sub3A_953, %dma_wait3A_955] : memref<78x128xi32, #tpu.memory_space<vmem>> -> memref<1x128xi32, #tpu.memory_space<vmem>>
      %dma_wait3A_957 = tpu.memref_squeeze %dma_wait3A_956 : memref<1x128xi32, #tpu.memory_space<vmem>> -> memref<128xi32, #tpu.memory_space<vmem>>
      %dma_wait3A_958 = arith.constant 0 : i32
      %dma_wait3A_959 = arith.constant 0 : i32
      %dma_wait3A_960 = tpu.memref_slice %arg19[%dma_wait3A_958, %dma_wait3A_959] : memref<10240x16xf32, #tpu.memory_space<vmem_shared>> -> memref<10240x16xf32, #tpu.memory_space<vmem_shared>>
      %dma_wait3A_961 = tpu.memref_slice %arg21[%dma_wait3A_954] : memref<8x!tpu.dma_semaphore, #tpu.memory_space<semaphore_mem>> -> memref<1x!tpu.dma_semaphore, #tpu.memory_space<semaphore_mem>>
      %dma_wait3A_962 = tpu.memref_squeeze %dma_wait3A_961 : memref<1x!tpu.dma_semaphore, #tpu.memory_space<semaphore_mem>> -> memref<!tpu.dma_semaphore, #tpu.memory_space<semaphore_mem>>
      tpu.wait_indirect_dma semaphore(%dma_wait3A_962 : memref<!tpu.dma_semaphore, #tpu.memory_space<semaphore_mem>>) src(%arg11 : memref<128x16xf32, #tpu.memory_space<vmem>>) dst(%dma_wait3A_960 : memref<10240x16xf32, #tpu.memory_space<vmem_shared>>)
      %add3A_963 = arith.constant 4 : i32
      %add3A_964 = arith.addi %add3A_933, %add3A_963 : i32
      %dma_start3A_965 = arith.constant 2 : i32
      %dma_start3A_966 = arith.constant 0 : i32
      %dma_start3A_967 = tpu.memref_slice %arg5[%add3A_964, %dma_start3A_966] : memref<78x128xi32, #tpu.memory_space<vmem>> -> memref<1x128xi32, #tpu.memory_space<vmem>>
      %dma_start3A_968 = tpu.memref_squeeze %dma_start3A_967 : memref<1x128xi32, #tpu.memory_space<vmem>> -> memref<128xi32, #tpu.memory_space<vmem>>
      %dma_start3A_969 = arith.constant 0 : i32
      %dma_start3A_970 = arith.constant 0 : i32
      %dma_start3A_971 = tpu.memref_slice %arg2[%dma_start3A_969, %dma_start3A_970] : memref<10000x16xf32, #tpu.memory_space<hbm>> -> memref<10000x16xf32, #tpu.memory_space<hbm>>
      %dma_start3A_972 = tpu.memref_slice %arg20[%dma_start3A_965] : memref<8x!tpu.dma_semaphore, #tpu.memory_space<semaphore_mem>> -> memref<1x!tpu.dma_semaphore, #tpu.memory_space<semaphore_mem>>
      %dma_start3A_973 = tpu.memref_squeeze %dma_start3A_972 : memref<1x!tpu.dma_semaphore, #tpu.memory_space<semaphore_mem>> -> memref<!tpu.dma_semaphore, #tpu.memory_space<semaphore_mem>>
      tpu.enqueue_indirect_dma source(%dma_start3A_971 : memref<10000x16xf32, #tpu.memory_space<hbm>>) target(%arg11 : memref<128x16xf32, #tpu.memory_space<vmem>>) offsets(%dma_start3A_968 : memref<128xi32, #tpu.memory_space<vmem>>) semaphore(%dma_start3A_973 : memref<!tpu.dma_semaphore, #tpu.memory_space<semaphore_mem>>)
      %add3A_974 = arith.constant 7 : i32
      %add3A_975 = arith.addi %add3A_680, %add3A_974 : i32
      %dma_wait3A_976 = arith.constant 7 : i32
      %dma_wait3A_977 = arith.constant 0 : i32
      %dma_wait3A_978 = tpu.memref_slice %arg5[%add3A_975, %dma_wait3A_977] : memref<78x128xi32, #tpu.memory_space<vmem>> -> memref<1x128xi32, #tpu.memory_space<vmem>>
      %dma_wait3A_979 = tpu.memref_squeeze %dma_wait3A_978 : memref<1x128xi32, #tpu.memory_space<vmem>> -> memref<128xi32, #tpu.memory_space<vmem>>
      %dma_wait3A_980 = arith.constant 0 : i32
      %dma_wait3A_981 = arith.constant 0 : i32
      %dma_wait3A_982 = tpu.memref_slice %arg2[%dma_wait3A_980, %dma_wait3A_981] : memref<10000x16xf32, #tpu.memory_space<hbm>> -> memref<10000x16xf32, #tpu.memory_space<hbm>>
      %dma_wait3A_983 = tpu.memref_slice %arg20[%dma_wait3A_976] : memref<8x!tpu.dma_semaphore, #tpu.memory_space<semaphore_mem>> -> memref<1x!tpu.dma_semaphore, #tpu.memory_space<semaphore_mem>>
      %dma_wait3A_984 = tpu.memref_squeeze %dma_wait3A_983 : memref<1x!tpu.dma_semaphore, #tpu.memory_space<semaphore_mem>> -> memref<!tpu.dma_semaphore, #tpu.memory_space<semaphore_mem>>
      tpu.wait_indirect_dma semaphore(%dma_wait3A_984 : memref<!tpu.dma_semaphore, #tpu.memory_space<semaphore_mem>>) src(%dma_wait3A_982 : memref<10000x16xf32, #tpu.memory_space<hbm>>) dst(%arg16 : memref<128x16xf32, #tpu.memory_space<vmem>>)
      %dma_start3A_985 = arith.constant 7 : i32
      %dma_start3A_986 = arith.constant 0 : i32
      %dma_start3A_987 = tpu.memref_slice %arg6[%add3A_975, %dma_start3A_986] : memref<78x128xi32, #tpu.memory_space<vmem>> -> memref<1x128xi32, #tpu.memory_space<vmem>>
      %dma_start3A_988 = tpu.memref_squeeze %dma_start3A_987 : memref<1x128xi32, #tpu.memory_space<vmem>> -> memref<128xi32, #tpu.memory_space<vmem>>
      %dma_start3A_989 = arith.constant 0 : i32
      %dma_start3A_990 = arith.constant 0 : i32
      %dma_start3A_991 = tpu.memref_slice %arg19[%dma_start3A_989, %dma_start3A_990] : memref<10240x16xf32, #tpu.memory_space<vmem_shared>> -> memref<10240x16xf32, #tpu.memory_space<vmem_shared>>
      %dma_start3A_992 = tpu.memref_slice %arg21[%dma_start3A_985] : memref<8x!tpu.dma_semaphore, #tpu.memory_space<semaphore_mem>> -> memref<1x!tpu.dma_semaphore, #tpu.memory_space<semaphore_mem>>
      %dma_start3A_993 = tpu.memref_squeeze %dma_start3A_992 : memref<1x!tpu.dma_semaphore, #tpu.memory_space<semaphore_mem>> -> memref<!tpu.dma_semaphore, #tpu.memory_space<semaphore_mem>>
      tpu.enqueue_indirect_dma source(%arg16 : memref<128x16xf32, #tpu.memory_space<vmem>>) target(%dma_start3A_991 : memref<10240x16xf32, #tpu.memory_space<vmem_shared>>) offsets(%dma_start3A_988 : memref<128xi32, #tpu.memory_space<vmem>>) semaphore(%dma_start3A_993 : memref<!tpu.dma_semaphore, #tpu.memory_space<semaphore_mem>>) {add = true}
      %sub3A_994 = arith.constant 4 : i32
      %sub3A_995 = arith.subi %add3A_975, %sub3A_994 : i32
      %dma_wait3A_996 = arith.constant 3 : i32
      %dma_wait3A_997 = arith.constant 0 : i32
      %dma_wait3A_998 = tpu.memref_slice %arg6[%sub3A_995, %dma_wait3A_997] : memref<78x128xi32, #tpu.memory_space<vmem>> -> memref<1x128xi32, #tpu.memory_space<vmem>>
      %dma_wait3A_999 = tpu.memref_squeeze %dma_wait3A_998 : memref<1x128xi32, #tpu.memory_space<vmem>> -> memref<128xi32, #tpu.memory_space<vmem>>
      %dma_wait3A_1000 = arith.constant 0 : i32
      %dma_wait3A_1001 = arith.constant 0 : i32
      %dma_wait3A_1002 = tpu.memref_slice %arg19[%dma_wait3A_1000, %dma_wait3A_1001] : memref<10240x16xf32, #tpu.memory_space<vmem_shared>> -> memref<10240x16xf32, #tpu.memory_space<vmem_shared>>
      %dma_wait3A_1003 = tpu.memref_slice %arg21[%dma_wait3A_996] : memref<8x!tpu.dma_semaphore, #tpu.memory_space<semaphore_mem>> -> memref<1x!tpu.dma_semaphore, #tpu.memory_space<semaphore_mem>>
      %dma_wait3A_1004 = tpu.memref_squeeze %dma_wait3A_1003 : memref<1x!tpu.dma_semaphore, #tpu.memory_space<semaphore_mem>> -> memref<!tpu.dma_semaphore, #tpu.memory_space<semaphore_mem>>
      tpu.wait_indirect_dma semaphore(%dma_wait3A_1004 : memref<!tpu.dma_semaphore, #tpu.memory_space<semaphore_mem>>) src(%arg12 : memref<128x16xf32, #tpu.memory_space<vmem>>) dst(%dma_wait3A_1002 : memref<10240x16xf32, #tpu.memory_space<vmem_shared>>)
      %add3A_1005 = arith.constant 4 : i32
      %add3A_1006 = arith.addi %add3A_975, %add3A_1005 : i32
      %dma_start3A_1007 = arith.constant 3 : i32
      %dma_start3A_1008 = arith.constant 0 : i32
      %dma_start3A_1009 = tpu.memref_slice %arg5[%add3A_1006, %dma_start3A_1008] : memref<78x128xi32, #tpu.memory_space<vmem>> -> memref<1x128xi32, #tpu.memory_space<vmem>>
      %dma_start3A_1010 = tpu.memref_squeeze %dma_start3A_1009 : memref<1x128xi32, #tpu.memory_space<vmem>> -> memref<128xi32, #tpu.memory_space<vmem>>
      %dma_start3A_1011 = arith.constant 0 : i32
      %dma_start3A_1012 = arith.constant 0 : i32
      %dma_start3A_1013 = tpu.memref_slice %arg2[%dma_start3A_1011, %dma_start3A_1012] : memref<10000x16xf32, #tpu.memory_space<hbm>> -> memref<10000x16xf32, #tpu.memory_space<hbm>>
      %dma_start3A_1014 = tpu.memref_slice %arg20[%dma_start3A_1007] : memref<8x!tpu.dma_semaphore, #tpu.memory_space<semaphore_mem>> -> memref<1x!tpu.dma_semaphore, #tpu.memory_space<semaphore_mem>>
      %dma_start3A_1015 = tpu.memref_squeeze %dma_start3A_1014 : memref<1x!tpu.dma_semaphore, #tpu.memory_space<semaphore_mem>> -> memref<!tpu.dma_semaphore, #tpu.memory_space<semaphore_mem>>
      tpu.enqueue_indirect_dma source(%dma_start3A_1013 : memref<10000x16xf32, #tpu.memory_space<hbm>>) target(%arg12 : memref<128x16xf32, #tpu.memory_space<vmem>>) offsets(%dma_start3A_1010 : memref<128xi32, #tpu.memory_space<vmem>>) semaphore(%dma_start3A_1015 : memref<!tpu.dma_semaphore, #tpu.memory_space<semaphore_mem>>)
    }
    %scan3A_409 = arith.constant 8 : i32
    %dma_wait3A_410 = arith.constant 72 : i32
    %dma_wait3A_411 = arith.constant 0 : i32
    %dma_wait3A_412 = arith.constant 0 : i32
    %dma_wait3A_413 = tpu.memref_slice %arg5[%dma_wait3A_410, %dma_wait3A_412] : memref<78x128xi32, #tpu.memory_space<vmem>> -> memref<1x128xi32, #tpu.memory_space<vmem>>
    %dma_wait3A_414 = tpu.memref_squeeze %dma_wait3A_413 : memref<1x128xi32, #tpu.memory_space<vmem>> -> memref<128xi32, #tpu.memory_space<vmem>>
    %dma_wait3A_415 = arith.constant 0 : i32
    %dma_wait3A_416 = arith.constant 0 : i32
    %dma_wait3A_417 = tpu.memref_slice %arg2[%dma_wait3A_415, %dma_wait3A_416] : memref<10000x16xf32, #tpu.memory_space<hbm>> -> memref<10000x16xf32, #tpu.memory_space<hbm>>
    %dma_wait3A_418 = tpu.memref_slice %arg20[%dma_wait3A_411] : memref<8x!tpu.dma_semaphore, #tpu.memory_space<semaphore_mem>> -> memref<1x!tpu.dma_semaphore, #tpu.memory_space<semaphore_mem>>
    %dma_wait3A_419 = tpu.memref_squeeze %dma_wait3A_418 : memref<1x!tpu.dma_semaphore, #tpu.memory_space<semaphore_mem>> -> memref<!tpu.dma_semaphore, #tpu.memory_space<semaphore_mem>>
    tpu.wait_indirect_dma semaphore(%dma_wait3A_419 : memref<!tpu.dma_semaphore, #tpu.memory_space<semaphore_mem>>) src(%dma_wait3A_417 : memref<10000x16xf32, #tpu.memory_space<hbm>>) dst(%arg9 : memref<128x16xf32, #tpu.memory_space<vmem>>)
    %dma_start3A_420 = arith.constant 72 : i32
    %dma_start3A_421 = arith.constant 0 : i32
    %dma_start3A_422 = arith.constant 0 : i32
    %dma_start3A_423 = tpu.memref_slice %arg6[%dma_start3A_420, %dma_start3A_422] : memref<78x128xi32, #tpu.memory_space<vmem>> -> memref<1x128xi32, #tpu.memory_space<vmem>>
    %dma_start3A_424 = tpu.memref_squeeze %dma_start3A_423 : memref<1x128xi32, #tpu.memory_space<vmem>> -> memref<128xi32, #tpu.memory_space<vmem>>
    %dma_start3A_425 = arith.constant 0 : i32
    %dma_start3A_426 = arith.constant 0 : i32
    %dma_start3A_427 = tpu.memref_slice %arg19[%dma_start3A_425, %dma_start3A_426] : memref<10240x16xf32, #tpu.memory_space<vmem_shared>> -> memref<10240x16xf32, #tpu.memory_space<vmem_shared>>
    %dma_start3A_428 = tpu.memref_slice %arg21[%dma_start3A_421] : memref<8x!tpu.dma_semaphore, #tpu.memory_space<semaphore_mem>> -> memref<1x!tpu.dma_semaphore, #tpu.memory_space<semaphore_mem>>
    %dma_start3A_429 = tpu.memref_squeeze %dma_start3A_428 : memref<1x!tpu.dma_semaphore, #tpu.memory_space<semaphore_mem>> -> memref<!tpu.dma_semaphore, #tpu.memory_space<semaphore_mem>>
    tpu.enqueue_indirect_dma source(%arg9 : memref<128x16xf32, #tpu.memory_space<vmem>>) target(%dma_start3A_427 : memref<10240x16xf32, #tpu.memory_space<vmem_shared>>) offsets(%dma_start3A_424 : memref<128xi32, #tpu.memory_space<vmem>>) semaphore(%dma_start3A_429 : memref<!tpu.dma_semaphore, #tpu.memory_space<semaphore_mem>>) {add = true}
    %dma_wait3A_430 = arith.constant 68 : i32
    %dma_wait3A_431 = arith.constant 4 : i32
    %dma_wait3A_432 = arith.constant 0 : i32
    %dma_wait3A_433 = tpu.memref_slice %arg6[%dma_wait3A_430, %dma_wait3A_432] : memref<78x128xi32, #tpu.memory_space<vmem>> -> memref<1x128xi32, #tpu.memory_space<vmem>>
    %dma_wait3A_434 = tpu.memref_squeeze %dma_wait3A_433 : memref<1x128xi32, #tpu.memory_space<vmem>> -> memref<128xi32, #tpu.memory_space<vmem>>
    %dma_wait3A_435 = arith.constant 0 : i32
    %dma_wait3A_436 = arith.constant 0 : i32
    %dma_wait3A_437 = tpu.memref_slice %arg19[%dma_wait3A_435, %dma_wait3A_436] : memref<10240x16xf32, #tpu.memory_space<vmem_shared>> -> memref<10240x16xf32, #tpu.memory_space<vmem_shared>>
    %dma_wait3A_438 = tpu.memref_slice %arg21[%dma_wait3A_431] : memref<8x!tpu.dma_semaphore, #tpu.memory_space<semaphore_mem>> -> memref<1x!tpu.dma_semaphore, #tpu.memory_space<semaphore_mem>>
    %dma_wait3A_439 = tpu.memref_squeeze %dma_wait3A_438 : memref<1x!tpu.dma_semaphore, #tpu.memory_space<semaphore_mem>> -> memref<!tpu.dma_semaphore, #tpu.memory_space<semaphore_mem>>
    tpu.wait_indirect_dma semaphore(%dma_wait3A_439 : memref<!tpu.dma_semaphore, #tpu.memory_space<semaphore_mem>>) src(%arg13 : memref<128x16xf32, #tpu.memory_space<vmem>>) dst(%dma_wait3A_437 : memref<10240x16xf32, #tpu.memory_space<vmem_shared>>)
    %dma_start3A_440 = arith.constant 76 : i32
    %dma_start3A_441 = arith.constant 4 : i32
    %dma_start3A_442 = arith.constant 0 : i32
    %dma_start3A_443 = tpu.memref_slice %arg5[%dma_start3A_440, %dma_start3A_442] : memref<78x128xi32, #tpu.memory_space<vmem>> -> memref<1x128xi32, #tpu.memory_space<vmem>>
    %dma_start3A_444 = tpu.memref_squeeze %dma_start3A_443 : memref<1x128xi32, #tpu.memory_space<vmem>> -> memref<128xi32, #tpu.memory_space<vmem>>
    %dma_start3A_445 = arith.constant 0 : i32
    %dma_start3A_446 = arith.constant 0 : i32
    %dma_start3A_447 = tpu.memref_slice %arg2[%dma_start3A_445, %dma_start3A_446] : memref<10000x16xf32, #tpu.memory_space<hbm>> -> memref<10000x16xf32, #tpu.memory_space<hbm>>
    %dma_start3A_448 = tpu.memref_slice %arg20[%dma_start3A_441] : memref<8x!tpu.dma_semaphore, #tpu.memory_space<semaphore_mem>> -> memref<1x!tpu.dma_semaphore, #tpu.memory_space<semaphore_mem>>
    %dma_start3A_449 = tpu.memref_squeeze %dma_start3A_448 : memref<1x!tpu.dma_semaphore, #tpu.memory_space<semaphore_mem>> -> memref<!tpu.dma_semaphore, #tpu.memory_space<semaphore_mem>>
    tpu.enqueue_indirect_dma source(%dma_start3A_447 : memref<10000x16xf32, #tpu.memory_space<hbm>>) target(%arg13 : memref<128x16xf32, #tpu.memory_space<vmem>>) offsets(%dma_start3A_444 : memref<128xi32, #tpu.memory_space<vmem>>) semaphore(%dma_start3A_449 : memref<!tpu.dma_semaphore, #tpu.memory_space<semaphore_mem>>)
    %dma_wait3A_450 = arith.constant 73 : i32
    %dma_wait3A_451 = arith.constant 1 : i32
    %dma_wait3A_452 = arith.constant 0 : i32
    %dma_wait3A_453 = tpu.memref_slice %arg5[%dma_wait3A_450, %dma_wait3A_452] : memref<78x128xi32, #tpu.memory_space<vmem>> -> memref<1x128xi32, #tpu.memory_space<vmem>>
    %dma_wait3A_454 = tpu.memref_squeeze %dma_wait3A_453 : memref<1x128xi32, #tpu.memory_space<vmem>> -> memref<128xi32, #tpu.memory_space<vmem>>
    %dma_wait3A_455 = arith.constant 0 : i32
    %dma_wait3A_456 = arith.constant 0 : i32
    %dma_wait3A_457 = tpu.memref_slice %arg2[%dma_wait3A_455, %dma_wait3A_456] : memref<10000x16xf32, #tpu.memory_space<hbm>> -> memref<10000x16xf32, #tpu.memory_space<hbm>>
    %dma_wait3A_458 = tpu.memref_slice %arg20[%dma_wait3A_451] : memref<8x!tpu.dma_semaphore, #tpu.memory_space<semaphore_mem>> -> memref<1x!tpu.dma_semaphore, #tpu.memory_space<semaphore_mem>>
    %dma_wait3A_459 = tpu.memref_squeeze %dma_wait3A_458 : memref<1x!tpu.dma_semaphore, #tpu.memory_space<semaphore_mem>> -> memref<!tpu.dma_semaphore, #tpu.memory_space<semaphore_mem>>
    tpu.wait_indirect_dma semaphore(%dma_wait3A_459 : memref<!tpu.dma_semaphore, #tpu.memory_space<semaphore_mem>>) src(%dma_wait3A_457 : memref<10000x16xf32, #tpu.memory_space<hbm>>) dst(%arg10 : memref<128x16xf32, #tpu.memory_space<vmem>>)
    %dma_start3A_460 = arith.constant 73 : i32
    %dma_start3A_461 = arith.constant 1 : i32
    %dma_start3A_462 = arith.constant 0 : i32
    %dma_start3A_463 = tpu.memref_slice %arg6[%dma_start3A_460, %dma_start3A_462] : memref<78x128xi32, #tpu.memory_space<vmem>> -> memref<1x128xi32, #tpu.memory_space<vmem>>
    %dma_start3A_464 = tpu.memref_squeeze %dma_start3A_463 : memref<1x128xi32, #tpu.memory_space<vmem>> -> memref<128xi32, #tpu.memory_space<vmem>>
    %dma_start3A_465 = arith.constant 0 : i32
    %dma_start3A_466 = arith.constant 0 : i32
    %dma_start3A_467 = tpu.memref_slice %arg19[%dma_start3A_465, %dma_start3A_466] : memref<10240x16xf32, #tpu.memory_space<vmem_shared>> -> memref<10240x16xf32, #tpu.memory_space<vmem_shared>>
    %dma_start3A_468 = tpu.memref_slice %arg21[%dma_start3A_461] : memref<8x!tpu.dma_semaphore, #tpu.memory_space<semaphore_mem>> -> memref<1x!tpu.dma_semaphore, #tpu.memory_space<semaphore_mem>>
    %dma_start3A_469 = tpu.memref_squeeze %dma_start3A_468 : memref<1x!tpu.dma_semaphore, #tpu.memory_space<semaphore_mem>> -> memref<!tpu.dma_semaphore, #tpu.memory_space<semaphore_mem>>
    tpu.enqueue_indirect_dma source(%arg10 : memref<128x16xf32, #tpu.memory_space<vmem>>) target(%dma_start3A_467 : memref<10240x16xf32, #tpu.memory_space<vmem_shared>>) offsets(%dma_start3A_464 : memref<128xi32, #tpu.memory_space<vmem>>) semaphore(%dma_start3A_469 : memref<!tpu.dma_semaphore, #tpu.memory_space<semaphore_mem>>) {add = true}
    %dma_wait3A_470 = arith.constant 69 : i32
    %dma_wait3A_471 = arith.constant 5 : i32
    %dma_wait3A_472 = arith.constant 0 : i32
    %dma_wait3A_473 = tpu.memref_slice %arg6[%dma_wait3A_470, %dma_wait3A_472] : memref<78x128xi32, #tpu.memory_space<vmem>> -> memref<1x128xi32, #tpu.memory_space<vmem>>
    %dma_wait3A_474 = tpu.memref_squeeze %dma_wait3A_473 : memref<1x128xi32, #tpu.memory_space<vmem>> -> memref<128xi32, #tpu.memory_space<vmem>>
    %dma_wait3A_475 = arith.constant 0 : i32
    %dma_wait3A_476 = arith.constant 0 : i32
    %dma_wait3A_477 = tpu.memref_slice %arg19[%dma_wait3A_475, %dma_wait3A_476] : memref<10240x16xf32, #tpu.memory_space<vmem_shared>> -> memref<10240x16xf32, #tpu.memory_space<vmem_shared>>
    %dma_wait3A_478 = tpu.memref_slice %arg21[%dma_wait3A_471] : memref<8x!tpu.dma_semaphore, #tpu.memory_space<semaphore_mem>> -> memref<1x!tpu.dma_semaphore, #tpu.memory_space<semaphore_mem>>
    %dma_wait3A_479 = tpu.memref_squeeze %dma_wait3A_478 : memref<1x!tpu.dma_semaphore, #tpu.memory_space<semaphore_mem>> -> memref<!tpu.dma_semaphore, #tpu.memory_space<semaphore_mem>>
    tpu.wait_indirect_dma semaphore(%dma_wait3A_479 : memref<!tpu.dma_semaphore, #tpu.memory_space<semaphore_mem>>) src(%arg14 : memref<128x16xf32, #tpu.memory_space<vmem>>) dst(%dma_wait3A_477 : memref<10240x16xf32, #tpu.memory_space<vmem_shared>>)
    %dma_start3A_480 = arith.constant 77 : i32
    %dma_start3A_481 = arith.constant 5 : i32
    %dma_start3A_482 = arith.constant 0 : i32
    %dma_start3A_483 = tpu.memref_slice %arg5[%dma_start3A_480, %dma_start3A_482] : memref<78x128xi32, #tpu.memory_space<vmem>> -> memref<1x128xi32, #tpu.memory_space<vmem>>
    %dma_start3A_484 = tpu.memref_squeeze %dma_start3A_483 : memref<1x128xi32, #tpu.memory_space<vmem>> -> memref<128xi32, #tpu.memory_space<vmem>>
    %dma_start3A_485 = arith.constant 0 : i32
    %dma_start3A_486 = arith.constant 0 : i32
    %dma_start3A_487 = tpu.memref_slice %arg2[%dma_start3A_485, %dma_start3A_486] : memref<10000x16xf32, #tpu.memory_space<hbm>> -> memref<10000x16xf32, #tpu.memory_space<hbm>>
    %dma_start3A_488 = tpu.memref_slice %arg20[%dma_start3A_481] : memref<8x!tpu.dma_semaphore, #tpu.memory_space<semaphore_mem>> -> memref<1x!tpu.dma_semaphore, #tpu.memory_space<semaphore_mem>>
    %dma_start3A_489 = tpu.memref_squeeze %dma_start3A_488 : memref<1x!tpu.dma_semaphore, #tpu.memory_space<semaphore_mem>> -> memref<!tpu.dma_semaphore, #tpu.memory_space<semaphore_mem>>
    tpu.enqueue_indirect_dma source(%dma_start3A_487 : memref<10000x16xf32, #tpu.memory_space<hbm>>) target(%arg14 : memref<128x16xf32, #tpu.memory_space<vmem>>) offsets(%dma_start3A_484 : memref<128xi32, #tpu.memory_space<vmem>>) semaphore(%dma_start3A_489 : memref<!tpu.dma_semaphore, #tpu.memory_space<semaphore_mem>>)
    %dma_wait3A_490 = arith.constant 74 : i32
    %dma_wait3A_491 = arith.constant 2 : i32
    %dma_wait3A_492 = arith.constant 0 : i32
    %dma_wait3A_493 = tpu.memref_slice %arg5[%dma_wait3A_490, %dma_wait3A_492] : memref<78x128xi32, #tpu.memory_space<vmem>> -> memref<1x128xi32, #tpu.memory_space<vmem>>
    %dma_wait3A_494 = tpu.memref_squeeze %dma_wait3A_493 : memref<1x128xi32, #tpu.memory_space<vmem>> -> memref<128xi32, #tpu.memory_space<vmem>>
    %dma_wait3A_495 = arith.constant 0 : i32
    %dma_wait3A_496 = arith.constant 0 : i32
    %dma_wait3A_497 = tpu.memref_slice %arg2[%dma_wait3A_495, %dma_wait3A_496] : memref<10000x16xf32, #tpu.memory_space<hbm>> -> memref<10000x16xf32, #tpu.memory_space<hbm>>
    %dma_wait3A_498 = tpu.memref_slice %arg20[%dma_wait3A_491] : memref<8x!tpu.dma_semaphore, #tpu.memory_space<semaphore_mem>> -> memref<1x!tpu.dma_semaphore, #tpu.memory_space<semaphore_mem>>
    %dma_wait3A_499 = tpu.memref_squeeze %dma_wait3A_498 : memref<1x!tpu.dma_semaphore, #tpu.memory_space<semaphore_mem>> -> memref<!tpu.dma_semaphore, #tpu.memory_space<semaphore_mem>>
    tpu.wait_indirect_dma semaphore(%dma_wait3A_499 : memref<!tpu.dma_semaphore, #tpu.memory_space<semaphore_mem>>) src(%dma_wait3A_497 : memref<10000x16xf32, #tpu.memory_space<hbm>>) dst(%arg11 : memref<128x16xf32, #tpu.memory_space<vmem>>)
    %dma_start3A_500 = arith.constant 74 : i32
    %dma_start3A_501 = arith.constant 2 : i32
    %dma_start3A_502 = arith.constant 0 : i32
    %dma_start3A_503 = tpu.memref_slice %arg6[%dma_start3A_500, %dma_start3A_502] : memref<78x128xi32, #tpu.memory_space<vmem>> -> memref<1x128xi32, #tpu.memory_space<vmem>>
    %dma_start3A_504 = tpu.memref_squeeze %dma_start3A_503 : memref<1x128xi32, #tpu.memory_space<vmem>> -> memref<128xi32, #tpu.memory_space<vmem>>
    %dma_start3A_505 = arith.constant 0 : i32
    %dma_start3A_506 = arith.constant 0 : i32
    %dma_start3A_507 = tpu.memref_slice %arg19[%dma_start3A_505, %dma_start3A_506] : memref<10240x16xf32, #tpu.memory_space<vmem_shared>> -> memref<10240x16xf32, #tpu.memory_space<vmem_shared>>
    %dma_start3A_508 = tpu.memref_slice %arg21[%dma_start3A_501] : memref<8x!tpu.dma_semaphore, #tpu.memory_space<semaphore_mem>> -> memref<1x!tpu.dma_semaphore, #tpu.memory_space<semaphore_mem>>
    %dma_start3A_509 = tpu.memref_squeeze %dma_start3A_508 : memref<1x!tpu.dma_semaphore, #tpu.memory_space<semaphore_mem>> -> memref<!tpu.dma_semaphore, #tpu.memory_space<semaphore_mem>>
    tpu.enqueue_indirect_dma source(%arg11 : memref<128x16xf32, #tpu.memory_space<vmem>>) target(%dma_start3A_507 : memref<10240x16xf32, #tpu.memory_space<vmem_shared>>) offsets(%dma_start3A_504 : memref<128xi32, #tpu.memory_space<vmem>>) semaphore(%dma_start3A_509 : memref<!tpu.dma_semaphore, #tpu.memory_space<semaphore_mem>>) {add = true}
    %dma_wait3A_510 = arith.constant 70 : i32
    %dma_wait3A_511 = arith.constant 6 : i32
    %dma_wait3A_512 = arith.constant 0 : i32
    %dma_wait3A_513 = tpu.memref_slice %arg6[%dma_wait3A_510, %dma_wait3A_512] : memref<78x128xi32, #tpu.memory_space<vmem>> -> memref<1x128xi32, #tpu.memory_space<vmem>>
    %dma_wait3A_514 = tpu.memref_squeeze %dma_wait3A_513 : memref<1x128xi32, #tpu.memory_space<vmem>> -> memref<128xi32, #tpu.memory_space<vmem>>
    %dma_wait3A_515 = arith.constant 0 : i32
    %dma_wait3A_516 = arith.constant 0 : i32
    %dma_wait3A_517 = tpu.memref_slice %arg19[%dma_wait3A_515, %dma_wait3A_516] : memref<10240x16xf32, #tpu.memory_space<vmem_shared>> -> memref<10240x16xf32, #tpu.memory_space<vmem_shared>>
    %dma_wait3A_518 = tpu.memref_slice %arg21[%dma_wait3A_511] : memref<8x!tpu.dma_semaphore, #tpu.memory_space<semaphore_mem>> -> memref<1x!tpu.dma_semaphore, #tpu.memory_space<semaphore_mem>>
    %dma_wait3A_519 = tpu.memref_squeeze %dma_wait3A_518 : memref<1x!tpu.dma_semaphore, #tpu.memory_space<semaphore_mem>> -> memref<!tpu.dma_semaphore, #tpu.memory_space<semaphore_mem>>
    tpu.wait_indirect_dma semaphore(%dma_wait3A_519 : memref<!tpu.dma_semaphore, #tpu.memory_space<semaphore_mem>>) src(%arg15 : memref<128x16xf32, #tpu.memory_space<vmem>>) dst(%dma_wait3A_517 : memref<10240x16xf32, #tpu.memory_space<vmem_shared>>)
    %dma_wait3A_520 = arith.constant 75 : i32
    %dma_wait3A_521 = arith.constant 3 : i32
    %dma_wait3A_522 = arith.constant 0 : i32
    %dma_wait3A_523 = tpu.memref_slice %arg5[%dma_wait3A_520, %dma_wait3A_522] : memref<78x128xi32, #tpu.memory_space<vmem>> -> memref<1x128xi32, #tpu.memory_space<vmem>>
    %dma_wait3A_524 = tpu.memref_squeeze %dma_wait3A_523 : memref<1x128xi32, #tpu.memory_space<vmem>> -> memref<128xi32, #tpu.memory_space<vmem>>
    %dma_wait3A_525 = arith.constant 0 : i32
    %dma_wait3A_526 = arith.constant 0 : i32
    %dma_wait3A_527 = tpu.memref_slice %arg2[%dma_wait3A_525, %dma_wait3A_526] : memref<10000x16xf32, #tpu.memory_space<hbm>> -> memref<10000x16xf32, #tpu.memory_space<hbm>>
    %dma_wait3A_528 = tpu.memref_slice %arg20[%dma_wait3A_521] : memref<8x!tpu.dma_semaphore, #tpu.memory_space<semaphore_mem>> -> memref<1x!tpu.dma_semaphore, #tpu.memory_space<semaphore_mem>>
    %dma_wait3A_529 = tpu.memref_squeeze %dma_wait3A_528 : memref<1x!tpu.dma_semaphore, #tpu.memory_space<semaphore_mem>> -> memref<!tpu.dma_semaphore, #tpu.memory_space<semaphore_mem>>
    tpu.wait_indirect_dma semaphore(%dma_wait3A_529 : memref<!tpu.dma_semaphore, #tpu.memory_space<semaphore_mem>>) src(%dma_wait3A_527 : memref<10000x16xf32, #tpu.memory_space<hbm>>) dst(%arg12 : memref<128x16xf32, #tpu.memory_space<vmem>>)
    %dma_start3A_530 = arith.constant 75 : i32
    %dma_start3A_531 = arith.constant 3 : i32
    %dma_start3A_532 = arith.constant 0 : i32
    %dma_start3A_533 = tpu.memref_slice %arg6[%dma_start3A_530, %dma_start3A_532] : memref<78x128xi32, #tpu.memory_space<vmem>> -> memref<1x128xi32, #tpu.memory_space<vmem>>
    %dma_start3A_534 = tpu.memref_squeeze %dma_start3A_533 : memref<1x128xi32, #tpu.memory_space<vmem>> -> memref<128xi32, #tpu.memory_space<vmem>>
    %dma_start3A_535 = arith.constant 0 : i32
    %dma_start3A_536 = arith.constant 0 : i32
    %dma_start3A_537 = tpu.memref_slice %arg19[%dma_start3A_535, %dma_start3A_536] : memref<10240x16xf32, #tpu.memory_space<vmem_shared>> -> memref<10240x16xf32, #tpu.memory_space<vmem_shared>>
    %dma_start3A_538 = tpu.memref_slice %arg21[%dma_start3A_531] : memref<8x!tpu.dma_semaphore, #tpu.memory_space<semaphore_mem>> -> memref<1x!tpu.dma_semaphore, #tpu.memory_space<semaphore_mem>>
    %dma_start3A_539 = tpu.memref_squeeze %dma_start3A_538 : memref<1x!tpu.dma_semaphore, #tpu.memory_space<semaphore_mem>> -> memref<!tpu.dma_semaphore, #tpu.memory_space<semaphore_mem>>
    tpu.enqueue_indirect_dma source(%arg12 : memref<128x16xf32, #tpu.memory_space<vmem>>) target(%dma_start3A_537 : memref<10240x16xf32, #tpu.memory_space<vmem_shared>>) offsets(%dma_start3A_534 : memref<128xi32, #tpu.memory_space<vmem>>) semaphore(%dma_start3A_539 : memref<!tpu.dma_semaphore, #tpu.memory_space<semaphore_mem>>) {add = true}
    %dma_wait3A_540 = arith.constant 71 : i32
    %dma_wait3A_541 = arith.constant 7 : i32
    %dma_wait3A_542 = arith.constant 0 : i32
    %dma_wait3A_543 = tpu.memref_slice %arg6[%dma_wait3A_540, %dma_wait3A_542] : memref<78x128xi32, #tpu.memory_space<vmem>> -> memref<1x128xi32, #tpu.memory_space<vmem>>
    %dma_wait3A_544 = tpu.memref_squeeze %dma_wait3A_543 : memref<1x128xi32, #tpu.memory_space<vmem>> -> memref<128xi32, #tpu.memory_space<vmem>>
    %dma_wait3A_545 = arith.constant 0 : i32
    %dma_wait3A_546 = arith.constant 0 : i32
    %dma_wait3A_547 = tpu.memref_slice %arg19[%dma_wait3A_545, %dma_wait3A_546] : memref<10240x16xf32, #tpu.memory_space<vmem_shared>> -> memref<10240x16xf32, #tpu.memory_space<vmem_shared>>
    %dma_wait3A_548 = tpu.memref_slice %arg21[%dma_wait3A_541] : memref<8x!tpu.dma_semaphore, #tpu.memory_space<semaphore_mem>> -> memref<1x!tpu.dma_semaphore, #tpu.memory_space<semaphore_mem>>
    %dma_wait3A_549 = tpu.memref_squeeze %dma_wait3A_548 : memref<1x!tpu.dma_semaphore, #tpu.memory_space<semaphore_mem>> -> memref<!tpu.dma_semaphore, #tpu.memory_space<semaphore_mem>>
    tpu.wait_indirect_dma semaphore(%dma_wait3A_549 : memref<!tpu.dma_semaphore, #tpu.memory_space<semaphore_mem>>) src(%arg16 : memref<128x16xf32, #tpu.memory_space<vmem>>) dst(%dma_wait3A_547 : memref<10240x16xf32, #tpu.memory_space<vmem_shared>>)
    %dma_wait3A_550 = arith.constant 76 : i32
    %dma_wait3A_551 = arith.constant 4 : i32
    %dma_wait3A_552 = arith.constant 0 : i32
    %dma_wait3A_553 = tpu.memref_slice %arg5[%dma_wait3A_550, %dma_wait3A_552] : memref<78x128xi32, #tpu.memory_space<vmem>> -> memref<1x128xi32, #tpu.memory_space<vmem>>
    %dma_wait3A_554 = tpu.memref_squeeze %dma_wait3A_553 : memref<1x128xi32, #tpu.memory_space<vmem>> -> memref<128xi32, #tpu.memory_space<vmem>>
    %dma_wait3A_555 = arith.constant 0 : i32
    %dma_wait3A_556 = arith.constant 0 : i32
    %dma_wait3A_557 = tpu.memref_slice %arg2[%dma_wait3A_555, %dma_wait3A_556] : memref<10000x16xf32, #tpu.memory_space<hbm>> -> memref<10000x16xf32, #tpu.memory_space<hbm>>
    %dma_wait3A_558 = tpu.memref_slice %arg20[%dma_wait3A_551] : memref<8x!tpu.dma_semaphore, #tpu.memory_space<semaphore_mem>> -> memref<1x!tpu.dma_semaphore, #tpu.memory_space<semaphore_mem>>
    %dma_wait3A_559 = tpu.memref_squeeze %dma_wait3A_558 : memref<1x!tpu.dma_semaphore, #tpu.memory_space<semaphore_mem>> -> memref<!tpu.dma_semaphore, #tpu.memory_space<semaphore_mem>>
    tpu.wait_indirect_dma semaphore(%dma_wait3A_559 : memref<!tpu.dma_semaphore, #tpu.memory_space<semaphore_mem>>) src(%dma_wait3A_557 : memref<10000x16xf32, #tpu.memory_space<hbm>>) dst(%arg13 : memref<128x16xf32, #tpu.memory_space<vmem>>)
    %dma_start3A_560 = arith.constant 76 : i32
    %dma_start3A_561 = arith.constant 4 : i32
    %dma_start3A_562 = arith.constant 0 : i32
    %dma_start3A_563 = tpu.memref_slice %arg6[%dma_start3A_560, %dma_start3A_562] : memref<78x128xi32, #tpu.memory_space<vmem>> -> memref<1x128xi32, #tpu.memory_space<vmem>>
    %dma_start3A_564 = tpu.memref_squeeze %dma_start3A_563 : memref<1x128xi32, #tpu.memory_space<vmem>> -> memref<128xi32, #tpu.memory_space<vmem>>
    %dma_start3A_565 = arith.constant 0 : i32
    %dma_start3A_566 = arith.constant 0 : i32
    %dma_start3A_567 = tpu.memref_slice %arg19[%dma_start3A_565, %dma_start3A_566] : memref<10240x16xf32, #tpu.memory_space<vmem_shared>> -> memref<10240x16xf32, #tpu.memory_space<vmem_shared>>
    %dma_start3A_568 = tpu.memref_slice %arg21[%dma_start3A_561] : memref<8x!tpu.dma_semaphore, #tpu.memory_space<semaphore_mem>> -> memref<1x!tpu.dma_semaphore, #tpu.memory_space<semaphore_mem>>
    %dma_start3A_569 = tpu.memref_squeeze %dma_start3A_568 : memref<1x!tpu.dma_semaphore, #tpu.memory_space<semaphore_mem>> -> memref<!tpu.dma_semaphore, #tpu.memory_space<semaphore_mem>>
    tpu.enqueue_indirect_dma source(%arg13 : memref<128x16xf32, #tpu.memory_space<vmem>>) target(%dma_start3A_567 : memref<10240x16xf32, #tpu.memory_space<vmem_shared>>) offsets(%dma_start3A_564 : memref<128xi32, #tpu.memory_space<vmem>>) semaphore(%dma_start3A_569 : memref<!tpu.dma_semaphore, #tpu.memory_space<semaphore_mem>>) {add = true}
    %dma_wait3A_570 = arith.constant 72 : i32
    %dma_wait3A_571 = arith.constant 0 : i32
    %dma_wait3A_572 = arith.constant 0 : i32
    %dma_wait3A_573 = tpu.memref_slice %arg6[%dma_wait3A_570, %dma_wait3A_572] : memref<78x128xi32, #tpu.memory_space<vmem>> -> memref<1x128xi32, #tpu.memory_space<vmem>>
    %dma_wait3A_574 = tpu.memref_squeeze %dma_wait3A_573 : memref<1x128xi32, #tpu.memory_space<vmem>> -> memref<128xi32, #tpu.memory_space<vmem>>
    %dma_wait3A_575 = arith.constant 0 : i32
    %dma_wait3A_576 = arith.constant 0 : i32
    %dma_wait3A_577 = tpu.memref_slice %arg19[%dma_wait3A_575, %dma_wait3A_576] : memref<10240x16xf32, #tpu.memory_space<vmem_shared>> -> memref<10240x16xf32, #tpu.memory_space<vmem_shared>>
    %dma_wait3A_578 = tpu.memref_slice %arg21[%dma_wait3A_571] : memref<8x!tpu.dma_semaphore, #tpu.memory_space<semaphore_mem>> -> memref<1x!tpu.dma_semaphore, #tpu.memory_space<semaphore_mem>>
    %dma_wait3A_579 = tpu.memref_squeeze %dma_wait3A_578 : memref<1x!tpu.dma_semaphore, #tpu.memory_space<semaphore_mem>> -> memref<!tpu.dma_semaphore, #tpu.memory_space<semaphore_mem>>
    tpu.wait_indirect_dma semaphore(%dma_wait3A_579 : memref<!tpu.dma_semaphore, #tpu.memory_space<semaphore_mem>>) src(%arg9 : memref<128x16xf32, #tpu.memory_space<vmem>>) dst(%dma_wait3A_577 : memref<10240x16xf32, #tpu.memory_space<vmem_shared>>)
    %dma_wait3A_580 = arith.constant 77 : i32
    %dma_wait3A_581 = arith.constant 5 : i32
    %dma_wait3A_582 = arith.constant 0 : i32
    %dma_wait3A_583 = tpu.memref_slice %arg5[%dma_wait3A_580, %dma_wait3A_582] : memref<78x128xi32, #tpu.memory_space<vmem>> -> memref<1x128xi32, #tpu.memory_space<vmem>>
    %dma_wait3A_584 = tpu.memref_squeeze %dma_wait3A_583 : memref<1x128xi32, #tpu.memory_space<vmem>> -> memref<128xi32, #tpu.memory_space<vmem>>
    %dma_wait3A_585 = arith.constant 0 : i32
    %dma_wait3A_586 = arith.constant 0 : i32
    %dma_wait3A_587 = tpu.memref_slice %arg2[%dma_wait3A_585, %dma_wait3A_586] : memref<10000x16xf32, #tpu.memory_space<hbm>> -> memref<10000x16xf32, #tpu.memory_space<hbm>>
    %dma_wait3A_588 = tpu.memref_slice %arg20[%dma_wait3A_581] : memref<8x!tpu.dma_semaphore, #tpu.memory_space<semaphore_mem>> -> memref<1x!tpu.dma_semaphore, #tpu.memory_space<semaphore_mem>>
    %dma_wait3A_589 = tpu.memref_squeeze %dma_wait3A_588 : memref<1x!tpu.dma_semaphore, #tpu.memory_space<semaphore_mem>> -> memref<!tpu.dma_semaphore, #tpu.memory_space<semaphore_mem>>
    tpu.wait_indirect_dma semaphore(%dma_wait3A_589 : memref<!tpu.dma_semaphore, #tpu.memory_space<semaphore_mem>>) src(%dma_wait3A_587 : memref<10000x16xf32, #tpu.memory_space<hbm>>) dst(%arg14 : memref<128x16xf32, #tpu.memory_space<vmem>>)
    %dma_start3A_590 = arith.constant 77 : i32
    %dma_start3A_591 = arith.constant 5 : i32
    %dma_start3A_592 = arith.constant 0 : i32
    %dma_start3A_593 = tpu.memref_slice %arg6[%dma_start3A_590, %dma_start3A_592] : memref<78x128xi32, #tpu.memory_space<vmem>> -> memref<1x128xi32, #tpu.memory_space<vmem>>
    %dma_start3A_594 = tpu.memref_squeeze %dma_start3A_593 : memref<1x128xi32, #tpu.memory_space<vmem>> -> memref<128xi32, #tpu.memory_space<vmem>>
    %dma_start3A_595 = arith.constant 0 : i32
    %dma_start3A_596 = arith.constant 0 : i32
    %dma_start3A_597 = tpu.memref_slice %arg19[%dma_start3A_595, %dma_start3A_596] : memref<10240x16xf32, #tpu.memory_space<vmem_shared>> -> memref<10240x16xf32, #tpu.memory_space<vmem_shared>>
    %dma_start3A_598 = tpu.memref_slice %arg21[%dma_start3A_591] : memref<8x!tpu.dma_semaphore, #tpu.memory_space<semaphore_mem>> -> memref<1x!tpu.dma_semaphore, #tpu.memory_space<semaphore_mem>>
    %dma_start3A_599 = tpu.memref_squeeze %dma_start3A_598 : memref<1x!tpu.dma_semaphore, #tpu.memory_space<semaphore_mem>> -> memref<!tpu.dma_semaphore, #tpu.memory_space<semaphore_mem>>
    tpu.enqueue_indirect_dma source(%arg14 : memref<128x16xf32, #tpu.memory_space<vmem>>) target(%dma_start3A_597 : memref<10240x16xf32, #tpu.memory_space<vmem_shared>>) offsets(%dma_start3A_594 : memref<128xi32, #tpu.memory_space<vmem>>) semaphore(%dma_start3A_599 : memref<!tpu.dma_semaphore, #tpu.memory_space<semaphore_mem>>) {add = true}
    %dma_wait3A_600 = arith.constant 73 : i32
    %dma_wait3A_601 = arith.constant 1 : i32
    %dma_wait3A_602 = arith.constant 0 : i32
    %dma_wait3A_603 = tpu.memref_slice %arg6[%dma_wait3A_600, %dma_wait3A_602] : memref<78x128xi32, #tpu.memory_space<vmem>> -> memref<1x128xi32, #tpu.memory_space<vmem>>
    %dma_wait3A_604 = tpu.memref_squeeze %dma_wait3A_603 : memref<1x128xi32, #tpu.memory_space<vmem>> -> memref<128xi32, #tpu.memory_space<vmem>>
    %dma_wait3A_605 = arith.constant 0 : i32
    %dma_wait3A_606 = arith.constant 0 : i32
    %dma_wait3A_607 = tpu.memref_slice %arg19[%dma_wait3A_605, %dma_wait3A_606] : memref<10240x16xf32, #tpu.memory_space<vmem_shared>> -> memref<10240x16xf32, #tpu.memory_space<vmem_shared>>
    %dma_wait3A_608 = tpu.memref_slice %arg21[%dma_wait3A_601] : memref<8x!tpu.dma_semaphore, #tpu.memory_space<semaphore_mem>> -> memref<1x!tpu.dma_semaphore, #tpu.memory_space<semaphore_mem>>
    %dma_wait3A_609 = tpu.memref_squeeze %dma_wait3A_608 : memref<1x!tpu.dma_semaphore, #tpu.memory_space<semaphore_mem>> -> memref<!tpu.dma_semaphore, #tpu.memory_space<semaphore_mem>>
    tpu.wait_indirect_dma semaphore(%dma_wait3A_609 : memref<!tpu.dma_semaphore, #tpu.memory_space<semaphore_mem>>) src(%arg10 : memref<128x16xf32, #tpu.memory_space<vmem>>) dst(%dma_wait3A_607 : memref<10240x16xf32, #tpu.memory_space<vmem_shared>>)
    %dma_wait3A_610 = arith.constant 74 : i32
    %dma_wait3A_611 = arith.constant 2 : i32
    %dma_wait3A_612 = arith.constant 0 : i32
    %dma_wait3A_613 = tpu.memref_slice %arg6[%dma_wait3A_610, %dma_wait3A_612] : memref<78x128xi32, #tpu.memory_space<vmem>> -> memref<1x128xi32, #tpu.memory_space<vmem>>
    %dma_wait3A_614 = tpu.memref_squeeze %dma_wait3A_613 : memref<1x128xi32, #tpu.memory_space<vmem>> -> memref<128xi32, #tpu.memory_space<vmem>>
    %dma_wait3A_615 = arith.constant 0 : i32
    %dma_wait3A_616 = arith.constant 0 : i32
    %dma_wait3A_617 = tpu.memref_slice %arg19[%dma_wait3A_615, %dma_wait3A_616] : memref<10240x16xf32, #tpu.memory_space<vmem_shared>> -> memref<10240x16xf32, #tpu.memory_space<vmem_shared>>
    %dma_wait3A_618 = tpu.memref_slice %arg21[%dma_wait3A_611] : memref<8x!tpu.dma_semaphore, #tpu.memory_space<semaphore_mem>> -> memref<1x!tpu.dma_semaphore, #tpu.memory_space<semaphore_mem>>
    %dma_wait3A_619 = tpu.memref_squeeze %dma_wait3A_618 : memref<1x!tpu.dma_semaphore, #tpu.memory_space<semaphore_mem>> -> memref<!tpu.dma_semaphore, #tpu.memory_space<semaphore_mem>>
    tpu.wait_indirect_dma semaphore(%dma_wait3A_619 : memref<!tpu.dma_semaphore, #tpu.memory_space<semaphore_mem>>) src(%arg11 : memref<128x16xf32, #tpu.memory_space<vmem>>) dst(%dma_wait3A_617 : memref<10240x16xf32, #tpu.memory_space<vmem_shared>>)
    %dma_wait3A_620 = arith.constant 75 : i32
    %dma_wait3A_621 = arith.constant 3 : i32
    %dma_wait3A_622 = arith.constant 0 : i32
    %dma_wait3A_623 = tpu.memref_slice %arg6[%dma_wait3A_620, %dma_wait3A_622] : memref<78x128xi32, #tpu.memory_space<vmem>> -> memref<1x128xi32, #tpu.memory_space<vmem>>
    %dma_wait3A_624 = tpu.memref_squeeze %dma_wait3A_623 : memref<1x128xi32, #tpu.memory_space<vmem>> -> memref<128xi32, #tpu.memory_space<vmem>>
    %dma_wait3A_625 = arith.constant 0 : i32
    %dma_wait3A_626 = arith.constant 0 : i32
    %dma_wait3A_627 = tpu.memref_slice %arg19[%dma_wait3A_625, %dma_wait3A_626] : memref<10240x16xf32, #tpu.memory_space<vmem_shared>> -> memref<10240x16xf32, #tpu.memory_space<vmem_shared>>
    %dma_wait3A_628 = tpu.memref_slice %arg21[%dma_wait3A_621] : memref<8x!tpu.dma_semaphore, #tpu.memory_space<semaphore_mem>> -> memref<1x!tpu.dma_semaphore, #tpu.memory_space<semaphore_mem>>
    %dma_wait3A_629 = tpu.memref_squeeze %dma_wait3A_628 : memref<1x!tpu.dma_semaphore, #tpu.memory_space<semaphore_mem>> -> memref<!tpu.dma_semaphore, #tpu.memory_space<semaphore_mem>>
    tpu.wait_indirect_dma semaphore(%dma_wait3A_629 : memref<!tpu.dma_semaphore, #tpu.memory_space<semaphore_mem>>) src(%arg12 : memref<128x16xf32, #tpu.memory_space<vmem>>) dst(%dma_wait3A_627 : memref<10240x16xf32, #tpu.memory_space<vmem_shared>>)
    %dma_wait3A_630 = arith.constant 76 : i32
    %dma_wait3A_631 = arith.constant 4 : i32
    %dma_wait3A_632 = arith.constant 0 : i32
    %dma_wait3A_633 = tpu.memref_slice %arg6[%dma_wait3A_630, %dma_wait3A_632] : memref<78x128xi32, #tpu.memory_space<vmem>> -> memref<1x128xi32, #tpu.memory_space<vmem>>
    %dma_wait3A_634 = tpu.memref_squeeze %dma_wait3A_633 : memref<1x128xi32, #tpu.memory_space<vmem>> -> memref<128xi32, #tpu.memory_space<vmem>>
    %dma_wait3A_635 = arith.constant 0 : i32
    %dma_wait3A_636 = arith.constant 0 : i32
    %dma_wait3A_637 = tpu.memref_slice %arg19[%dma_wait3A_635, %dma_wait3A_636] : memref<10240x16xf32, #tpu.memory_space<vmem_shared>> -> memref<10240x16xf32, #tpu.memory_space<vmem_shared>>
    %dma_wait3A_638 = tpu.memref_slice %arg21[%dma_wait3A_631] : memref<8x!tpu.dma_semaphore, #tpu.memory_space<semaphore_mem>> -> memref<1x!tpu.dma_semaphore, #tpu.memory_space<semaphore_mem>>
    %dma_wait3A_639 = tpu.memref_squeeze %dma_wait3A_638 : memref<1x!tpu.dma_semaphore, #tpu.memory_space<semaphore_mem>> -> memref<!tpu.dma_semaphore, #tpu.memory_space<semaphore_mem>>
    tpu.wait_indirect_dma semaphore(%dma_wait3A_639 : memref<!tpu.dma_semaphore, #tpu.memory_space<semaphore_mem>>) src(%arg13 : memref<128x16xf32, #tpu.memory_space<vmem>>) dst(%dma_wait3A_637 : memref<10240x16xf32, #tpu.memory_space<vmem_shared>>)
    %dma_wait3A_640 = arith.constant 77 : i32
    %dma_wait3A_641 = arith.constant 5 : i32
    %dma_wait3A_642 = arith.constant 0 : i32
    %dma_wait3A_643 = tpu.memref_slice %arg6[%dma_wait3A_640, %dma_wait3A_642] : memref<78x128xi32, #tpu.memory_space<vmem>> -> memref<1x128xi32, #tpu.memory_space<vmem>>
    %dma_wait3A_644 = tpu.memref_squeeze %dma_wait3A_643 : memref<1x128xi32, #tpu.memory_space<vmem>> -> memref<128xi32, #tpu.memory_space<vmem>>
    %dma_wait3A_645 = arith.constant 0 : i32
    %dma_wait3A_646 = arith.constant 0 : i32
    %dma_wait3A_647 = tpu.memref_slice %arg19[%dma_wait3A_645, %dma_wait3A_646] : memref<10240x16xf32, #tpu.memory_space<vmem_shared>> -> memref<10240x16xf32, #tpu.memory_space<vmem_shared>>
    %dma_wait3A_648 = tpu.memref_slice %arg21[%dma_wait3A_641] : memref<8x!tpu.dma_semaphore, #tpu.memory_space<semaphore_mem>> -> memref<1x!tpu.dma_semaphore, #tpu.memory_space<semaphore_mem>>
    %dma_wait3A_649 = tpu.memref_squeeze %dma_wait3A_648 : memref<1x!tpu.dma_semaphore, #tpu.memory_space<semaphore_mem>> -> memref<!tpu.dma_semaphore, #tpu.memory_space<semaphore_mem>>
    tpu.wait_indirect_dma semaphore(%dma_wait3A_649 : memref<!tpu.dma_semaphore, #tpu.memory_space<semaphore_mem>>) src(%arg14 : memref<128x16xf32, #tpu.memory_space<vmem>>) dst(%dma_wait3A_647 : memref<10240x16xf32, #tpu.memory_space<vmem_shared>>)
    %dma_start3A_650 = arith.constant 0 : i32
    %dma_start3A_651 = arith.constant 0 : i32
    %dma_start3A_652 = arith.constant 0 : i32
    %dma_start3A_653 = tpu.memref_slice %arg7[%dma_start3A_650, %dma_start3A_652] : memref<1x16xi32, #tpu.memory_space<vmem>> -> memref<1x16xi32, #tpu.memory_space<vmem>>
    %dma_start3A_654 = tpu.memref_squeeze %dma_start3A_653 : memref<1x16xi32, #tpu.memory_space<vmem>> -> memref<16xi32, #tpu.memory_space<vmem>>
    %dma_start3A_655 = arith.constant 0 : i32
    %dma_start3A_656 = arith.constant 0 : i32
    %dma_start3A_657 = tpu.memref_slice %arg2[%dma_start3A_655, %dma_start3A_656] : memref<10000x16xf32, #tpu.memory_space<hbm>> -> memref<10000x16xf32, #tpu.memory_space<hbm>>
    %dma_start3A_658 = tpu.memref_slice %arg20[%dma_start3A_651] : memref<8x!tpu.dma_semaphore, #tpu.memory_space<semaphore_mem>> -> memref<1x!tpu.dma_semaphore, #tpu.memory_space<semaphore_mem>>
    %dma_start3A_659 = tpu.memref_squeeze %dma_start3A_658 : memref<1x!tpu.dma_semaphore, #tpu.memory_space<semaphore_mem>> -> memref<!tpu.dma_semaphore, #tpu.memory_space<semaphore_mem>>
    tpu.enqueue_indirect_dma source(%dma_start3A_657 : memref<10000x16xf32, #tpu.memory_space<hbm>>) target(%arg17 : memref<16x16xf32, #tpu.memory_space<vmem>>) offsets(%dma_start3A_654 : memref<16xi32, #tpu.memory_space<vmem>>) semaphore(%dma_start3A_659 : memref<!tpu.dma_semaphore, #tpu.memory_space<semaphore_mem>>)
    %dma_wait3A_660 = arith.constant 0 : i32
    %dma_wait3A_661 = arith.constant 0 : i32
    %dma_wait3A_662 = arith.constant 0 : i32
    %dma_wait3A_663 = tpu.memref_slice %arg7[%dma_wait3A_660, %dma_wait3A_662] : memref<1x16xi32, #tpu.memory_space<vmem>> -> memref<1x16xi32, #tpu.memory_space<vmem>>
    %dma_wait3A_664 = tpu.memref_squeeze %dma_wait3A_663 : memref<1x16xi32, #tpu.memory_space<vmem>> -> memref<16xi32, #tpu.memory_space<vmem>>
    %dma_wait3A_665 = arith.constant 0 : i32
    %dma_wait3A_666 = arith.constant 0 : i32
    %dma_wait3A_667 = tpu.memref_slice %arg2[%dma_wait3A_665, %dma_wait3A_666] : memref<10000x16xf32, #tpu.memory_space<hbm>> -> memref<10000x16xf32, #tpu.memory_space<hbm>>
    %dma_wait3A_668 = tpu.memref_slice %arg20[%dma_wait3A_661] : memref<8x!tpu.dma_semaphore, #tpu.memory_space<semaphore_mem>> -> memref<1x!tpu.dma_semaphore, #tpu.memory_space<semaphore_mem>>
    %dma_wait3A_669 = tpu.memref_squeeze %dma_wait3A_668 : memref<1x!tpu.dma_semaphore, #tpu.memory_space<semaphore_mem>> -> memref<!tpu.dma_semaphore, #tpu.memory_space<semaphore_mem>>
    tpu.wait_indirect_dma semaphore(%dma_wait3A_669 : memref<!tpu.dma_semaphore, #tpu.memory_space<semaphore_mem>>) src(%dma_wait3A_667 : memref<10000x16xf32, #tpu.memory_space<hbm>>) dst(%arg17 : memref<16x16xf32, #tpu.memory_space<vmem>>)
    %run_scoped3A = arith.constant 0 : i32
    "tpu.region"() ({
      %run_scoped3A_676 = tpu.sem_alloc : memref<!tpu.dma_semaphore, #tpu.memory_space<semaphore_mem>>
      %dma_start3A_677 = arith.constant 0 : i32
      %dma_start3A_678 = tpu.memref_slice %arg8[%run_scoped3A, %dma_start3A_677] : memref<1x16xi32, #tpu.memory_space<vmem>> -> memref<1x16xi32, #tpu.memory_space<vmem>>
      %dma_start3A_679 = tpu.memref_squeeze %dma_start3A_678 : memref<1x16xi32, #tpu.memory_space<vmem>> -> memref<16xi32, #tpu.memory_space<vmem>>
      %dma_start3A_680 = arith.constant 0 : i32
      %dma_start3A_681 = arith.constant 0 : i32
      %dma_start3A_682 = tpu.memref_slice %arg19[%dma_start3A_680, %dma_start3A_681] : memref<10240x16xf32, #tpu.memory_space<vmem_shared>> -> memref<10240x16xf32, #tpu.memory_space<vmem_shared>>
      tpu.enqueue_indirect_dma source(%arg17 : memref<16x16xf32, #tpu.memory_space<vmem>>) target(%dma_start3A_682 : memref<10240x16xf32, #tpu.memory_space<vmem_shared>>) offsets(%dma_start3A_679 : memref<16xi32, #tpu.memory_space<vmem>>) semaphore(%run_scoped3A_676 : memref<!tpu.dma_semaphore, #tpu.memory_space<semaphore_mem>>) {add = true}
      %dma_wait3A_683 = arith.constant 0 : i32
      %dma_wait3A_684 = tpu.memref_slice %arg8[%run_scoped3A, %dma_wait3A_683] : memref<1x16xi32, #tpu.memory_space<vmem>> -> memref<1x16xi32, #tpu.memory_space<vmem>>
      %dma_wait3A_685 = tpu.memref_squeeze %dma_wait3A_684 : memref<1x16xi32, #tpu.memory_space<vmem>> -> memref<16xi32, #tpu.memory_space<vmem>>
      %dma_wait3A_686 = arith.constant 0 : i32
      %dma_wait3A_687 = arith.constant 0 : i32
      %dma_wait3A_688 = tpu.memref_slice %arg19[%dma_wait3A_686, %dma_wait3A_687] : memref<10240x16xf32, #tpu.memory_space<vmem_shared>> -> memref<10240x16xf32, #tpu.memory_space<vmem_shared>>
      tpu.wait_indirect_dma semaphore(%run_scoped3A_676 : memref<!tpu.dma_semaphore, #tpu.memory_space<semaphore_mem>>) src(%arg17 : memref<16x16xf32, #tpu.memory_space<vmem>>) dst(%dma_wait3A_688 : memref<10240x16xf32, #tpu.memory_space<vmem_shared>>)
      tpu.yield
    }) : () -> ()
    %barrier3A_670 = arith.constant 0 : index
    tpu.barrier barrier_id(%barrier3A_670)
    %scan3A_671 = arith.constant 0 : i32
    %scan3A_672 = arith.constant 5 : i32
    %scan3A_673 = arith.addi %scan3A_671, %scan3A_672 : i32
    %scan3A_674 = arith.constant 1 : i32
    scf.for %scan3A_676 = %scan3A_671 to %scan3A_673 step %scan3A_674  : i32 {
      %mul3A_677 = arith.constant 1 : i32
      %mul3A_678 = arith.muli %scan3A_676, %mul3A_677 : i32
      %add3A_679 = arith.constant 0 : i32
      %add3A_680 = arith.addi %add3A_679, %mul3A_678 : i32
      %mul3A_681 = arith.constant 640 : i32
      %mul3A_682 = arith.muli %arg1, %mul3A_681 : i32
      %mul3A_683 = arith.constant 128 : i32
      %mul3A_684 = arith.muli %add3A_680, %mul3A_683 : i32
      %add3A_685 = arith.addi %mul3A_682, %mul3A_684 : i32
      "tpu.region"() ({
        %run_scoped3A_686 = tpu.sem_alloc : memref<!tpu.dma_semaphore, #tpu.memory_space<semaphore_mem>>
        %dma_start3A_687 = arith.constant 0 : i32
        %dma_start3A_688 = arith.constant 0 : i32
        %dma_start3A_689 = tpu.memref_slice %arg18[%dma_start3A_687, %dma_start3A_688] : memref<128x128xf32, #tpu.memory_space<vmem>> -> memref<128x16xf32, #tpu.memory_space<vmem>>
        %dma_start3A_690 = arith.constant 0 : i32
        %dma_start3A_691 = tpu.memref_slice %arg19[%add3A_685, %dma_start3A_690] : memref<10240x16xf32, #tpu.memory_space<vmem_shared>> -> memref<128x16xf32, #tpu.memory_space<vmem_shared>>
        %dma_start3A_692 = arith.constant 0 : i32
        %dma_start3A_693 = arith.constant 0 : i32
        %dma_start3A_694 = tpu.memref_slice %arg18[%dma_start3A_692, %dma_start3A_693] : memref<128x128xf32, #tpu.memory_space<vmem>> -> memref<128x16xf32, #tpu.memory_space<vmem>>
        %dma_start3A_695 = arith.constant 0 : i32
        %dma_start3A_696 = tpu.memref_slice %arg19[%add3A_685, %dma_start3A_695] : memref<10240x16xf32, #tpu.memory_space<vmem_shared>> -> memref<128x16xf32, #tpu.memory_space<vmem_shared>>
        tpu.enqueue_dma source(%dma_start3A_696 : memref<128x16xf32, #tpu.memory_space<vmem_shared>>) target(%dma_start3A_694 : memref<128x16xf32, #tpu.memory_space<vmem>>) target_semaphore(%run_scoped3A_686 : memref<!tpu.dma_semaphore, #tpu.memory_space<semaphore_mem>>)
        %dma_wait3A_697 = arith.constant 0 : i32
        %dma_wait3A_698 = arith.constant 0 : i32
        %dma_wait3A_699 = tpu.memref_slice %arg18[%dma_wait3A_697, %dma_wait3A_698] : memref<128x128xf32, #tpu.memory_space<vmem>> -> memref<128x16xf32, #tpu.memory_space<vmem>>
        %dma_wait3A_700 = arith.constant 0 : i32
        %dma_wait3A_701 = tpu.memref_slice %arg19[%add3A_685, %dma_wait3A_700] : memref<10240x16xf32, #tpu.memory_space<vmem_shared>> -> memref<128x16xf32, #tpu.memory_space<vmem_shared>>
        %dma_wait3A_702 = arith.constant 0 : i32
        %dma_wait3A_703 = arith.constant 0 : i32
        %dma_wait3A_704 = tpu.memref_slice %arg18[%dma_wait3A_702, %dma_wait3A_703] : memref<128x128xf32, #tpu.memory_space<vmem>> -> memref<128x16xf32, #tpu.memory_space<vmem>>
        %dma_wait3A_705 = arith.constant 0 : i32
        %dma_wait3A_706 = tpu.memref_slice %arg19[%add3A_685, %dma_wait3A_705] : memref<10240x16xf32, #tpu.memory_space<vmem_shared>> -> memref<128x16xf32, #tpu.memory_space<vmem_shared>>
        tpu.wait_dma2 semaphore(%run_scoped3A_686 : memref<!tpu.dma_semaphore, #tpu.memory_space<semaphore_mem>>) src(%dma_wait3A_706 : memref<128x16xf32, #tpu.memory_space<vmem_shared>>) dst(%dma_wait3A_704 : memref<128x16xf32, #tpu.memory_space<vmem>>)
        tpu.yield
      }) : () -> ()
      "tpu.region"() ({
        %run_scoped3A_686 = tpu.sem_alloc : memref<!tpu.dma_semaphore, #tpu.memory_space<semaphore_mem>>
        %dma_start3A_687 = arith.constant 0 : i32
        %dma_start3A_688 = tpu.memref_slice %arg4[%arg0, %add3A_685, %dma_start3A_687] : memref<2x10240x128xf32, #tpu.memory_space<hbm>> -> memref<1x128x128xf32, #tpu.memory_space<hbm>>
        %dma_start3A_689 = tpu.memref_squeeze %dma_start3A_688 : memref<1x128x128xf32, #tpu.memory_space<hbm>> -> memref<128x128xf32, #tpu.memory_space<hbm>>
        %dma_start3A_690 = arith.constant 0 : i32
        %dma_start3A_691 = tpu.memref_slice %arg4[%arg0, %add3A_685, %dma_start3A_690] : memref<2x10240x128xf32, #tpu.memory_space<hbm>> -> memref<1x128x128xf32, #tpu.memory_space<hbm>>
        %dma_start3A_692 = tpu.memref_squeeze %dma_start3A_691 : memref<1x128x128xf32, #tpu.memory_space<hbm>> -> memref<128x128xf32, #tpu.memory_space<hbm>>
        tpu.enqueue_dma source(%arg18 : memref<128x128xf32, #tpu.memory_space<vmem>>) target(%dma_start3A_692 : memref<128x128xf32, #tpu.memory_space<hbm>>) target_semaphore(%run_scoped3A_686 : memref<!tpu.dma_semaphore, #tpu.memory_space<semaphore_mem>>)
        %dma_wait3A_693 = arith.constant 0 : i32
        %dma_wait3A_694 = tpu.memref_slice %arg4[%arg0, %add3A_685, %dma_wait3A_693] : memref<2x10240x128xf32, #tpu.memory_space<hbm>> -> memref<1x128x128xf32, #tpu.memory_space<hbm>>
        %dma_wait3A_695 = tpu.memref_squeeze %dma_wait3A_694 : memref<1x128x128xf32, #tpu.memory_space<hbm>> -> memref<128x128xf32, #tpu.memory_space<hbm>>
        %dma_wait3A_696 = arith.constant 0 : i32
        %dma_wait3A_697 = tpu.memref_slice %arg4[%arg0, %add3A_685, %dma_wait3A_696] : memref<2x10240x128xf32, #tpu.memory_space<hbm>> -> memref<1x128x128xf32, #tpu.memory_space<hbm>>
        %dma_wait3A_698 = tpu.memref_squeeze %dma_wait3A_697 : memref<1x128x128xf32, #tpu.memory_space<hbm>> -> memref<128x128xf32, #tpu.memory_space<hbm>>
        tpu.wait_dma2 semaphore(%run_scoped3A_686 : memref<!tpu.dma_semaphore, #tpu.memory_space<semaphore_mem>>) src(%arg18 : memref<128x128xf32, #tpu.memory_space<vmem>>) dst(%dma_wait3A_698 : memref<128x128xf32, #tpu.memory_space<hbm>>)
        tpu.yield
      }) : () -> ()
    }
    %scan3A_675 = arith.constant 5 : i32
    return
  }
}

#map = affine_map<(d0, d1) -> (0, 0)>
#map1 = affine_map<(d0, d1) -> (0, 0, 0)>
module attributes {stable_mosaic.version = 14 : i64} {
  func.func @seg_kernel(%arg0: i32, %arg1: i32, %arg2: memref<10000x64xf32, #tpu.memory_space<hbm>>, %arg3: memref<2x320000xi32, #tpu.memory_space<hbm>>, %arg4: memref<2x10240x128xf32, #tpu.memory_space<hbm>>, %arg5: memref<78x128xi32, #tpu.memory_space<vmem>>, %arg6: memref<78x128xi32, #tpu.memory_space<vmem>>, %arg7: memref<1x16xi32, #tpu.memory_space<vmem>>, %arg8: memref<1x16xi32, #tpu.memory_space<vmem>>, %arg9: memref<128x64xf32, #tpu.memory_space<vmem>>, %arg10: memref<128x64xf32, #tpu.memory_space<vmem>>, %arg11: memref<128x64xf32, #tpu.memory_space<vmem>>, %arg12: memref<128x64xf32, #tpu.memory_space<vmem>>, %arg13: memref<128x64xf32, #tpu.memory_space<vmem>>, %arg14: memref<128x64xf32, #tpu.memory_space<vmem>>, %arg15: memref<16x64xf32, #tpu.memory_space<vmem>>, %arg16: memref<128x128xf32, #tpu.memory_space<vmem>>, %arg17: memref<10240x64xf32, #tpu.memory_space<vmem_shared>>, %arg18: memref<6x!tpu.dma_semaphore, #tpu.memory_space<semaphore_mem>>, %arg19: memref<6x!tpu.dma_semaphore, #tpu.memory_space<semaphore_mem>>, %arg20: memref<!tpu.dma_semaphore, #tpu.memory_space<semaphore_mem>>) attributes {dimension_semantics = [#tpu.dimension_semantics<core_parallel>, #tpu.dimension_semantics<subcore_parallel>], iteration_bounds = array<i64: 2, 16>, scalar_prefetch = 0 : i64, scratch_operands = 16 : i64, tpu.core_type = #tpu.core_type<sc_vector_subcore>, window_params = [{transform_indices = #map}, {transform_indices = #map}, {transform_indices = #map1}]} {
    %mul3A = arith.constant 16 : i32
    %mul3A_0 = arith.muli %arg0, %mul3A : i32
    %add3A = arith.addi %mul3A_0, %arg1 : i32
    %scan3A = arith.constant 0 : i32
    %scan3A_1 = arith.constant 78 : i32
    %scan3A_2 = arith.addi %scan3A, %scan3A_1 : i32
    %scan3A_3 = arith.constant 1 : i32
    scf.for %scan3A_596 = %scan3A to %scan3A_2 step %scan3A_3  : i32 {
      %mul3A_597 = arith.constant 1 : i32
      %mul3A_598 = arith.muli %scan3A_596, %mul3A_597 : i32
      %add3A_599 = arith.constant 0 : i32
      %add3A_600 = arith.addi %add3A_599, %mul3A_598 : i32
      %mul3A_601 = arith.constant 10000 : i32
      %mul3A_602 = arith.muli %add3A, %mul3A_601 : i32
      %mul3A_603 = arith.constant 128 : i32
      %mul3A_604 = arith.muli %add3A_600, %mul3A_603 : i32
      %add3A_605 = arith.addi %mul3A_602, %mul3A_604 : i32
      %dma_start3A_606 = arith.constant 0 : i32
      %dma_start3A_607 = arith.constant 0 : i32
      %dma_start3A_608 = tpu.memref_slice %arg5[%add3A_600, %dma_start3A_607] : memref<78x128xi32, #tpu.memory_space<vmem>> -> memref<1x128xi32, #tpu.memory_space<vmem>>
      %dma_start3A_609 = tpu.memref_squeeze %dma_start3A_608 : memref<1x128xi32, #tpu.memory_space<vmem>> -> memref<128xi32, #tpu.memory_space<vmem>>
      %dma_start3A_610 = tpu.memref_slice %arg3[%dma_start3A_606, %add3A_605] : memref<2x320000xi32, #tpu.memory_space<hbm>> -> memref<1x128xi32, #tpu.memory_space<hbm>>
      %dma_start3A_611 = tpu.memref_squeeze %dma_start3A_610 : memref<1x128xi32, #tpu.memory_space<hbm>> -> memref<128xi32, #tpu.memory_space<hbm>>
      %dma_start3A_612 = arith.constant 0 : i32
      %dma_start3A_613 = tpu.memref_slice %arg5[%add3A_600, %dma_start3A_612] : memref<78x128xi32, #tpu.memory_space<vmem>> -> memref<1x128xi32, #tpu.memory_space<vmem>>
      %dma_start3A_614 = tpu.memref_squeeze %dma_start3A_613 : memref<1x128xi32, #tpu.memory_space<vmem>> -> memref<128xi32, #tpu.memory_space<vmem>>
      %dma_start3A_615 = tpu.memref_slice %arg3[%dma_start3A_606, %add3A_605] : memref<2x320000xi32, #tpu.memory_space<hbm>> -> memref<1x128xi32, #tpu.memory_space<hbm>>
      %dma_start3A_616 = tpu.memref_squeeze %dma_start3A_615 : memref<1x128xi32, #tpu.memory_space<hbm>> -> memref<128xi32, #tpu.memory_space<hbm>>
      tpu.enqueue_dma source(%dma_start3A_616 : memref<128xi32, #tpu.memory_space<hbm>>) target(%dma_start3A_614 : memref<128xi32, #tpu.memory_space<vmem>>) target_semaphore(%arg20 : memref<!tpu.dma_semaphore, #tpu.memory_space<semaphore_mem>>)
      %dma_start3A_617 = arith.constant 1 : i32
      %dma_start3A_618 = arith.constant 0 : i32
      %dma_start3A_619 = tpu.memref_slice %arg6[%add3A_600, %dma_start3A_618] : memref<78x128xi32, #tpu.memory_space<vmem>> -> memref<1x128xi32, #tpu.memory_space<vmem>>
      %dma_start3A_620 = tpu.memref_squeeze %dma_start3A_619 : memref<1x128xi32, #tpu.memory_space<vmem>> -> memref<128xi32, #tpu.memory_space<vmem>>
      %dma_start3A_621 = tpu.memref_slice %arg3[%dma_start3A_617, %add3A_605] : memref<2x320000xi32, #tpu.memory_space<hbm>> -> memref<1x128xi32, #tpu.memory_space<hbm>>
      %dma_start3A_622 = tpu.memref_squeeze %dma_start3A_621 : memref<1x128xi32, #tpu.memory_space<hbm>> -> memref<128xi32, #tpu.memory_space<hbm>>
      %dma_start3A_623 = arith.constant 0 : i32
      %dma_start3A_624 = tpu.memref_slice %arg6[%add3A_600, %dma_start3A_623] : memref<78x128xi32, #tpu.memory_space<vmem>> -> memref<1x128xi32, #tpu.memory_space<vmem>>
      %dma_start3A_625 = tpu.memref_squeeze %dma_start3A_624 : memref<1x128xi32, #tpu.memory_space<vmem>> -> memref<128xi32, #tpu.memory_space<vmem>>
      %dma_start3A_626 = tpu.memref_slice %arg3[%dma_start3A_617, %add3A_605] : memref<2x320000xi32, #tpu.memory_space<hbm>> -> memref<1x128xi32, #tpu.memory_space<hbm>>
      %dma_start3A_627 = tpu.memref_squeeze %dma_start3A_626 : memref<1x128xi32, #tpu.memory_space<hbm>> -> memref<128xi32, #tpu.memory_space<hbm>>
      tpu.enqueue_dma source(%dma_start3A_627 : memref<128xi32, #tpu.memory_space<hbm>>) target(%dma_start3A_625 : memref<128xi32, #tpu.memory_space<vmem>>) target_semaphore(%arg20 : memref<!tpu.dma_semaphore, #tpu.memory_space<semaphore_mem>>)
    }
    %scan3A_4 = arith.constant 78 : i32
    %mul3A_5 = arith.constant 10000 : i32
    %mul3A_6 = arith.muli %add3A, %mul3A_5 : i32
    %add3A_7 = arith.constant 9984 : i32
    %add3A_8 = arith.addi %mul3A_6, %add3A_7 : i32
    %dma_start3A = arith.constant 0 : i32
    %dma_start3A_9 = arith.constant 0 : i32
    %dma_start3A_10 = arith.constant 0 : i32
    %dma_start3A_11 = tpu.memref_slice %arg7[%dma_start3A_9, %dma_start3A_10] : memref<1x16xi32, #tpu.memory_space<vmem>> -> memref<1x16xi32, #tpu.memory_space<vmem>>
    %dma_start3A_12 = tpu.memref_squeeze %dma_start3A_11 : memref<1x16xi32, #tpu.memory_space<vmem>> -> memref<16xi32, #tpu.memory_space<vmem>>
    %dma_start3A_13 = tpu.memref_slice %arg3[%dma_start3A, %add3A_8] : memref<2x320000xi32, #tpu.memory_space<hbm>> -> memref<1x16xi32, #tpu.memory_space<hbm>>
    %dma_start3A_14 = tpu.memref_squeeze %dma_start3A_13 : memref<1x16xi32, #tpu.memory_space<hbm>> -> memref<16xi32, #tpu.memory_space<hbm>>
    %dma_start3A_15 = arith.constant 0 : i32
    %dma_start3A_16 = tpu.memref_slice %arg7[%dma_start3A_9, %dma_start3A_15] : memref<1x16xi32, #tpu.memory_space<vmem>> -> memref<1x16xi32, #tpu.memory_space<vmem>>
    %dma_start3A_17 = tpu.memref_squeeze %dma_start3A_16 : memref<1x16xi32, #tpu.memory_space<vmem>> -> memref<16xi32, #tpu.memory_space<vmem>>
    %dma_start3A_18 = tpu.memref_slice %arg3[%dma_start3A, %add3A_8] : memref<2x320000xi32, #tpu.memory_space<hbm>> -> memref<1x16xi32, #tpu.memory_space<hbm>>
    %dma_start3A_19 = tpu.memref_squeeze %dma_start3A_18 : memref<1x16xi32, #tpu.memory_space<hbm>> -> memref<16xi32, #tpu.memory_space<hbm>>
    tpu.enqueue_dma source(%dma_start3A_19 : memref<16xi32, #tpu.memory_space<hbm>>) target(%dma_start3A_17 : memref<16xi32, #tpu.memory_space<vmem>>) target_semaphore(%arg20 : memref<!tpu.dma_semaphore, #tpu.memory_space<semaphore_mem>>)
    %dma_start3A_20 = arith.constant 1 : i32
    %dma_start3A_21 = arith.constant 0 : i32
    %dma_start3A_22 = arith.constant 0 : i32
    %dma_start3A_23 = tpu.memref_slice %arg8[%dma_start3A_21, %dma_start3A_22] : memref<1x16xi32, #tpu.memory_space<vmem>> -> memref<1x16xi32, #tpu.memory_space<vmem>>
    %dma_start3A_24 = tpu.memref_squeeze %dma_start3A_23 : memref<1x16xi32, #tpu.memory_space<vmem>> -> memref<16xi32, #tpu.memory_space<vmem>>
    %dma_start3A_25 = tpu.memref_slice %arg3[%dma_start3A_20, %add3A_8] : memref<2x320000xi32, #tpu.memory_space<hbm>> -> memref<1x16xi32, #tpu.memory_space<hbm>>
    %dma_start3A_26 = tpu.memref_squeeze %dma_start3A_25 : memref<1x16xi32, #tpu.memory_space<hbm>> -> memref<16xi32, #tpu.memory_space<hbm>>
    %dma_start3A_27 = arith.constant 0 : i32
    %dma_start3A_28 = tpu.memref_slice %arg8[%dma_start3A_21, %dma_start3A_27] : memref<1x16xi32, #tpu.memory_space<vmem>> -> memref<1x16xi32, #tpu.memory_space<vmem>>
    %dma_start3A_29 = tpu.memref_squeeze %dma_start3A_28 : memref<1x16xi32, #tpu.memory_space<vmem>> -> memref<16xi32, #tpu.memory_space<vmem>>
    %dma_start3A_30 = tpu.memref_slice %arg3[%dma_start3A_20, %add3A_8] : memref<2x320000xi32, #tpu.memory_space<hbm>> -> memref<1x16xi32, #tpu.memory_space<hbm>>
    %dma_start3A_31 = tpu.memref_squeeze %dma_start3A_30 : memref<1x16xi32, #tpu.memory_space<hbm>> -> memref<16xi32, #tpu.memory_space<hbm>>
    tpu.enqueue_dma source(%dma_start3A_31 : memref<16xi32, #tpu.memory_space<hbm>>) target(%dma_start3A_29 : memref<16xi32, #tpu.memory_space<vmem>>) target_semaphore(%arg20 : memref<!tpu.dma_semaphore, #tpu.memory_space<semaphore_mem>>)
    %scan3A_32 = arith.constant 0 : i32
    %scan3A_33 = arith.constant 128 : i32
    %scan3A_34 = arith.addi %scan3A_32, %scan3A_33 : i32
    %scan3A_35 = arith.constant 1 : i32
    scf.for %scan3A_596 = %scan3A_32 to %scan3A_34 step %scan3A_35  : i32 {
      %mul3A_597 = arith.constant 1 : i32
      %mul3A_598 = arith.muli %scan3A_596, %mul3A_597 : i32
      %add3A_599 = arith.constant 0 : i32
      %add3A_600 = arith.addi %add3A_599, %mul3A_598 : i32
      %broadcast_in_dim3A = arith.constant 0.000000e+00 : f32
      %broadcast_in_dim3A_601 = vector.broadcast %broadcast_in_dim3A : f32 to vector<16xf32>
      %swap3A = arith.index_cast %add3A_600 : i32 to index
      %swap3A_602 = arith.constant 0 : index
      %swap3A_603 = tpu.vector_load %arg9[%swap3A, %swap3A_602] {strides = array<i32>} : memref<128x64xf32, #tpu.memory_space<vmem>>, vector<1x16xf32>,
      %swap3A_604 = vector.shape_cast %swap3A_603 : vector<1x16xf32> to vector<16xf32>
      %swap3A_605 = vector.shape_cast %broadcast_in_dim3A_601 : vector<16xf32> to vector<1x16xf32>
      tpu.vector_store %arg9[%swap3A, %swap3A_602], %swap3A_605 {strides = array<i32>} : memref<128x64xf32, #tpu.memory_space<vmem>>, vector<1x16xf32>,
      %broadcast_in_dim3A_606 = arith.constant 0.000000e+00 : f32
      %broadcast_in_dim3A_607 = vector.broadcast %broadcast_in_dim3A_606 : f32 to vector<16xf32>
      %swap3A_608 = arith.index_cast %add3A_600 : i32 to index
      %swap3A_609 = arith.constant 16 : index
      %swap3A_610 = tpu.vector_load %arg9[%swap3A_608, %swap3A_609] {strides = array<i32>} : memref<128x64xf32, #tpu.memory_space<vmem>>, vector<1x16xf32>,
      %swap3A_611 = vector.shape_cast %swap3A_610 : vector<1x16xf32> to vector<16xf32>
      %swap3A_612 = vector.shape_cast %broadcast_in_dim3A_607 : vector<16xf32> to vector<1x16xf32>
      tpu.vector_store %arg9[%swap3A_608, %swap3A_609], %swap3A_612 {strides = array<i32>} : memref<128x64xf32, #tpu.memory_space<vmem>>, vector<1x16xf32>,
      %broadcast_in_dim3A_613 = arith.constant 0.000000e+00 : f32
      %broadcast_in_dim3A_614 = vector.broadcast %broadcast_in_dim3A_613 : f32 to vector<16xf32>
      %swap3A_615 = arith.index_cast %add3A_600 : i32 to index
      %swap3A_616 = arith.constant 32 : index
      %swap3A_617 = tpu.vector_load %arg9[%swap3A_615, %swap3A_616] {strides = array<i32>} : memref<128x64xf32, #tpu.memory_space<vmem>>, vector<1x16xf32>,
      %swap3A_618 = vector.shape_cast %swap3A_617 : vector<1x16xf32> to vector<16xf32>
      %swap3A_619 = vector.shape_cast %broadcast_in_dim3A_614 : vector<16xf32> to vector<1x16xf32>
      tpu.vector_store %arg9[%swap3A_615, %swap3A_616], %swap3A_619 {strides = array<i32>} : memref<128x64xf32, #tpu.memory_space<vmem>>, vector<1x16xf32>,
      %broadcast_in_dim3A_620 = arith.constant 0.000000e+00 : f32
      %broadcast_in_dim3A_621 = vector.broadcast %broadcast_in_dim3A_620 : f32 to vector<16xf32>
      %swap3A_622 = arith.index_cast %add3A_600 : i32 to index
      %swap3A_623 = arith.constant 48 : index
      %swap3A_624 = tpu.vector_load %arg9[%swap3A_622, %swap3A_623] {strides = array<i32>} : memref<128x64xf32, #tpu.memory_space<vmem>>, vector<1x16xf32>,
      %swap3A_625 = vector.shape_cast %swap3A_624 : vector<1x16xf32> to vector<16xf32>
      %swap3A_626 = vector.shape_cast %broadcast_in_dim3A_621 : vector<16xf32> to vector<1x16xf32>
      tpu.vector_store %arg9[%swap3A_622, %swap3A_623], %swap3A_626 {strides = array<i32>} : memref<128x64xf32, #tpu.memory_space<vmem>>, vector<1x16xf32>,
    }
    %scan3A_36 = arith.constant 128 : i32
    %mul3A_37 = arith.constant 640 : i32
    %mul3A_38 = arith.muli %arg1, %mul3A_37 : i32
    %add3A_39 = arith.constant 0 : i32
    %add3A_40 = arith.addi %mul3A_38, %add3A_39 : i32
    "tpu.region"() ({
      %run_scoped3A_596 = tpu.sem_alloc : memref<!tpu.dma_semaphore, #tpu.memory_space<semaphore_mem>>
      %dma_start3A_597 = arith.constant 0 : i32
      %dma_start3A_598 = tpu.memref_slice %arg17[%add3A_40, %dma_start3A_597] : memref<10240x64xf32, #tpu.memory_space<vmem_shared>> -> memref<128x64xf32, #tpu.memory_space<vmem_shared>>
      %dma_start3A_599 = arith.constant 0 : i32
      %dma_start3A_600 = tpu.memref_slice %arg17[%add3A_40, %dma_start3A_599] : memref<10240x64xf32, #tpu.memory_space<vmem_shared>> -> memref<128x64xf32, #tpu.memory_space<vmem_shared>>
      tpu.enqueue_dma source(%arg9 : memref<128x64xf32, #tpu.memory_space<vmem>>) target(%dma_start3A_600 : memref<128x64xf32, #tpu.memory_space<vmem_shared>>) target_semaphore(%run_scoped3A_596 : memref<!tpu.dma_semaphore, #tpu.memory_space<semaphore_mem>>)
      %dma_wait3A_601 = arith.constant 0 : i32
      %dma_wait3A_602 = tpu.memref_slice %arg17[%add3A_40, %dma_wait3A_601] : memref<10240x64xf32, #tpu.memory_space<vmem_shared>> -> memref<128x64xf32, #tpu.memory_space<vmem_shared>>
      %dma_wait3A_603 = arith.constant 0 : i32
      %dma_wait3A_604 = tpu.memref_slice %arg17[%add3A_40, %dma_wait3A_603] : memref<10240x64xf32, #tpu.memory_space<vmem_shared>> -> memref<128x64xf32, #tpu.memory_space<vmem_shared>>
      tpu.wait_dma2 semaphore(%run_scoped3A_596 : memref<!tpu.dma_semaphore, #tpu.memory_space<semaphore_mem>>) src(%arg9 : memref<128x64xf32, #tpu.memory_space<vmem>>) dst(%dma_wait3A_604 : memref<128x64xf32, #tpu.memory_space<vmem_shared>>)
      tpu.yield
    }) : () -> ()
    %mul3A_41 = arith.constant 640 : i32
    %mul3A_42 = arith.muli %arg1, %mul3A_41 : i32
    %add3A_43 = arith.constant 128 : i32
    %add3A_44 = arith.addi %mul3A_42, %add3A_43 : i32
    "tpu.region"() ({
      %run_scoped3A_596 = tpu.sem_alloc : memref<!tpu.dma_semaphore, #tpu.memory_space<semaphore_mem>>
      %dma_start3A_597 = arith.constant 0 : i32
      %dma_start3A_598 = tpu.memref_slice %arg17[%add3A_44, %dma_start3A_597] : memref<10240x64xf32, #tpu.memory_space<vmem_shared>> -> memref<128x64xf32, #tpu.memory_space<vmem_shared>>
      %dma_start3A_599 = arith.constant 0 : i32
      %dma_start3A_600 = tpu.memref_slice %arg17[%add3A_44, %dma_start3A_599] : memref<10240x64xf32, #tpu.memory_space<vmem_shared>> -> memref<128x64xf32, #tpu.memory_space<vmem_shared>>
      tpu.enqueue_dma source(%arg9 : memref<128x64xf32, #tpu.memory_space<vmem>>) target(%dma_start3A_600 : memref<128x64xf32, #tpu.memory_space<vmem_shared>>) target_semaphore(%run_scoped3A_596 : memref<!tpu.dma_semaphore, #tpu.memory_space<semaphore_mem>>)
      %dma_wait3A_601 = arith.constant 0 : i32
      %dma_wait3A_602 = tpu.memref_slice %arg17[%add3A_44, %dma_wait3A_601] : memref<10240x64xf32, #tpu.memory_space<vmem_shared>> -> memref<128x64xf32, #tpu.memory_space<vmem_shared>>
      %dma_wait3A_603 = arith.constant 0 : i32
      %dma_wait3A_604 = tpu.memref_slice %arg17[%add3A_44, %dma_wait3A_603] : memref<10240x64xf32, #tpu.memory_space<vmem_shared>> -> memref<128x64xf32, #tpu.memory_space<vmem_shared>>
      tpu.wait_dma2 semaphore(%run_scoped3A_596 : memref<!tpu.dma_semaphore, #tpu.memory_space<semaphore_mem>>) src(%arg9 : memref<128x64xf32, #tpu.memory_space<vmem>>) dst(%dma_wait3A_604 : memref<128x64xf32, #tpu.memory_space<vmem_shared>>)
      tpu.yield
    }) : () -> ()
    %mul3A_45 = arith.constant 640 : i32
    %mul3A_46 = arith.muli %arg1, %mul3A_45 : i32
    %add3A_47 = arith.constant 256 : i32
    %add3A_48 = arith.addi %mul3A_46, %add3A_47 : i32
    "tpu.region"() ({
      %run_scoped3A_596 = tpu.sem_alloc : memref<!tpu.dma_semaphore, #tpu.memory_space<semaphore_mem>>
      %dma_start3A_597 = arith.constant 0 : i32
      %dma_start3A_598 = tpu.memref_slice %arg17[%add3A_48, %dma_start3A_597] : memref<10240x64xf32, #tpu.memory_space<vmem_shared>> -> memref<128x64xf32, #tpu.memory_space<vmem_shared>>
      %dma_start3A_599 = arith.constant 0 : i32
      %dma_start3A_600 = tpu.memref_slice %arg17[%add3A_48, %dma_start3A_599] : memref<10240x64xf32, #tpu.memory_space<vmem_shared>> -> memref<128x64xf32, #tpu.memory_space<vmem_shared>>
      tpu.enqueue_dma source(%arg9 : memref<128x64xf32, #tpu.memory_space<vmem>>) target(%dma_start3A_600 : memref<128x64xf32, #tpu.memory_space<vmem_shared>>) target_semaphore(%run_scoped3A_596 : memref<!tpu.dma_semaphore, #tpu.memory_space<semaphore_mem>>)
      %dma_wait3A_601 = arith.constant 0 : i32
      %dma_wait3A_602 = tpu.memref_slice %arg17[%add3A_48, %dma_wait3A_601] : memref<10240x64xf32, #tpu.memory_space<vmem_shared>> -> memref<128x64xf32, #tpu.memory_space<vmem_shared>>
      %dma_wait3A_603 = arith.constant 0 : i32
      %dma_wait3A_604 = tpu.memref_slice %arg17[%add3A_48, %dma_wait3A_603] : memref<10240x64xf32, #tpu.memory_space<vmem_shared>> -> memref<128x64xf32, #tpu.memory_space<vmem_shared>>
      tpu.wait_dma2 semaphore(%run_scoped3A_596 : memref<!tpu.dma_semaphore, #tpu.memory_space<semaphore_mem>>) src(%arg9 : memref<128x64xf32, #tpu.memory_space<vmem>>) dst(%dma_wait3A_604 : memref<128x64xf32, #tpu.memory_space<vmem_shared>>)
      tpu.yield
    }) : () -> ()
    %mul3A_49 = arith.constant 640 : i32
    %mul3A_50 = arith.muli %arg1, %mul3A_49 : i32
    %add3A_51 = arith.constant 384 : i32
    %add3A_52 = arith.addi %mul3A_50, %add3A_51 : i32
    "tpu.region"() ({
      %run_scoped3A_596 = tpu.sem_alloc : memref<!tpu.dma_semaphore, #tpu.memory_space<semaphore_mem>>
      %dma_start3A_597 = arith.constant 0 : i32
      %dma_start3A_598 = tpu.memref_slice %arg17[%add3A_52, %dma_start3A_597] : memref<10240x64xf32, #tpu.memory_space<vmem_shared>> -> memref<128x64xf32, #tpu.memory_space<vmem_shared>>
      %dma_start3A_599 = arith.constant 0 : i32
      %dma_start3A_600 = tpu.memref_slice %arg17[%add3A_52, %dma_start3A_599] : memref<10240x64xf32, #tpu.memory_space<vmem_shared>> -> memref<128x64xf32, #tpu.memory_space<vmem_shared>>
      tpu.enqueue_dma source(%arg9 : memref<128x64xf32, #tpu.memory_space<vmem>>) target(%dma_start3A_600 : memref<128x64xf32, #tpu.memory_space<vmem_shared>>) target_semaphore(%run_scoped3A_596 : memref<!tpu.dma_semaphore, #tpu.memory_space<semaphore_mem>>)
      %dma_wait3A_601 = arith.constant 0 : i32
      %dma_wait3A_602 = tpu.memref_slice %arg17[%add3A_52, %dma_wait3A_601] : memref<10240x64xf32, #tpu.memory_space<vmem_shared>> -> memref<128x64xf32, #tpu.memory_space<vmem_shared>>
      %dma_wait3A_603 = arith.constant 0 : i32
      %dma_wait3A_604 = tpu.memref_slice %arg17[%add3A_52, %dma_wait3A_603] : memref<10240x64xf32, #tpu.memory_space<vmem_shared>> -> memref<128x64xf32, #tpu.memory_space<vmem_shared>>
      tpu.wait_dma2 semaphore(%run_scoped3A_596 : memref<!tpu.dma_semaphore, #tpu.memory_space<semaphore_mem>>) src(%arg9 : memref<128x64xf32, #tpu.memory_space<vmem>>) dst(%dma_wait3A_604 : memref<128x64xf32, #tpu.memory_space<vmem_shared>>)
      tpu.yield
    }) : () -> ()
    %mul3A_53 = arith.constant 640 : i32
    %mul3A_54 = arith.muli %arg1, %mul3A_53 : i32
    %add3A_55 = arith.constant 512 : i32
    %add3A_56 = arith.addi %mul3A_54, %add3A_55 : i32
    "tpu.region"() ({
      %run_scoped3A_596 = tpu.sem_alloc : memref<!tpu.dma_semaphore, #tpu.memory_space<semaphore_mem>>
      %dma_start3A_597 = arith.constant 0 : i32
      %dma_start3A_598 = tpu.memref_slice %arg17[%add3A_56, %dma_start3A_597] : memref<10240x64xf32, #tpu.memory_space<vmem_shared>> -> memref<128x64xf32, #tpu.memory_space<vmem_shared>>
      %dma_start3A_599 = arith.constant 0 : i32
      %dma_start3A_600 = tpu.memref_slice %arg17[%add3A_56, %dma_start3A_599] : memref<10240x64xf32, #tpu.memory_space<vmem_shared>> -> memref<128x64xf32, #tpu.memory_space<vmem_shared>>
      tpu.enqueue_dma source(%arg9 : memref<128x64xf32, #tpu.memory_space<vmem>>) target(%dma_start3A_600 : memref<128x64xf32, #tpu.memory_space<vmem_shared>>) target_semaphore(%run_scoped3A_596 : memref<!tpu.dma_semaphore, #tpu.memory_space<semaphore_mem>>)
      %dma_wait3A_601 = arith.constant 0 : i32
      %dma_wait3A_602 = tpu.memref_slice %arg17[%add3A_56, %dma_wait3A_601] : memref<10240x64xf32, #tpu.memory_space<vmem_shared>> -> memref<128x64xf32, #tpu.memory_space<vmem_shared>>
      %dma_wait3A_603 = arith.constant 0 : i32
      %dma_wait3A_604 = tpu.memref_slice %arg17[%add3A_56, %dma_wait3A_603] : memref<10240x64xf32, #tpu.memory_space<vmem_shared>> -> memref<128x64xf32, #tpu.memory_space<vmem_shared>>
      tpu.wait_dma2 semaphore(%run_scoped3A_596 : memref<!tpu.dma_semaphore, #tpu.memory_space<semaphore_mem>>) src(%arg9 : memref<128x64xf32, #tpu.memory_space<vmem>>) dst(%dma_wait3A_604 : memref<128x64xf32, #tpu.memory_space<vmem_shared>>)
      tpu.yield
    }) : () -> ()
    %scan3A_57 = arith.constant 0 : i32
    %scan3A_58 = arith.constant 78 : i32
    %scan3A_59 = arith.addi %scan3A_57, %scan3A_58 : i32
    %scan3A_60 = arith.constant 1 : i32
    scf.for %scan3A_596 = %scan3A_57 to %scan3A_59 step %scan3A_60  : i32 {
      %mul3A_597 = arith.constant 1 : i32
      %mul3A_598 = arith.muli %scan3A_596, %mul3A_597 : i32
      %add3A_599 = arith.constant 0 : i32
      %add3A_600 = arith.addi %add3A_599, %mul3A_598 : i32
      %mul3A_601 = arith.constant 10000 : i32
      %mul3A_602 = arith.muli %add3A, %mul3A_601 : i32
      %dma_wait3A_603 = arith.constant 0 : i32
      %dma_wait3A_604 = arith.constant 0 : i32
      %dma_wait3A_605 = arith.constant 0 : i32
      %dma_wait3A_606 = tpu.memref_slice %arg5[%dma_wait3A_604, %dma_wait3A_605] : memref<78x128xi32, #tpu.memory_space<vmem>> -> memref<1x128xi32, #tpu.memory_space<vmem>>
      %dma_wait3A_607 = tpu.memref_squeeze %dma_wait3A_606 : memref<1x128xi32, #tpu.memory_space<vmem>> -> memref<128xi32, #tpu.memory_space<vmem>>
      %dma_wait3A_608 = tpu.memref_slice %arg3[%dma_wait3A_603, %mul3A_602] : memref<2x320000xi32, #tpu.memory_space<hbm>> -> memref<1x128xi32, #tpu.memory_space<hbm>>
      %dma_wait3A_609 = tpu.memref_squeeze %dma_wait3A_608 : memref<1x128xi32, #tpu.memory_space<hbm>> -> memref<128xi32, #tpu.memory_space<hbm>>
      %dma_wait3A_610 = arith.constant 0 : i32
      %dma_wait3A_611 = tpu.memref_slice %arg5[%dma_wait3A_604, %dma_wait3A_610] : memref<78x128xi32, #tpu.memory_space<vmem>> -> memref<1x128xi32, #tpu.memory_space<vmem>>
      %dma_wait3A_612 = tpu.memref_squeeze %dma_wait3A_611 : memref<1x128xi32, #tpu.memory_space<vmem>> -> memref<128xi32, #tpu.memory_space<vmem>>
      %dma_wait3A_613 = tpu.memref_slice %arg3[%dma_wait3A_603, %mul3A_602] : memref<2x320000xi32, #tpu.memory_space<hbm>> -> memref<1x128xi32, #tpu.memory_space<hbm>>
      %dma_wait3A_614 = tpu.memref_squeeze %dma_wait3A_613 : memref<1x128xi32, #tpu.memory_space<hbm>> -> memref<128xi32, #tpu.memory_space<hbm>>
      tpu.wait_dma2 semaphore(%arg20 : memref<!tpu.dma_semaphore, #tpu.memory_space<semaphore_mem>>) src(%dma_wait3A_614 : memref<128xi32, #tpu.memory_space<hbm>>) dst(%dma_wait3A_612 : memref<128xi32, #tpu.memory_space<vmem>>)
      %mul3A_615 = arith.constant 10000 : i32
      %mul3A_616 = arith.muli %add3A, %mul3A_615 : i32
      %dma_wait3A_617 = arith.constant 1 : i32
      %dma_wait3A_618 = arith.constant 0 : i32
      %dma_wait3A_619 = arith.constant 0 : i32
      %dma_wait3A_620 = tpu.memref_slice %arg6[%dma_wait3A_618, %dma_wait3A_619] : memref<78x128xi32, #tpu.memory_space<vmem>> -> memref<1x128xi32, #tpu.memory_space<vmem>>
      %dma_wait3A_621 = tpu.memref_squeeze %dma_wait3A_620 : memref<1x128xi32, #tpu.memory_space<vmem>> -> memref<128xi32, #tpu.memory_space<vmem>>
      %dma_wait3A_622 = tpu.memref_slice %arg3[%dma_wait3A_617, %mul3A_616] : memref<2x320000xi32, #tpu.memory_space<hbm>> -> memref<1x128xi32, #tpu.memory_space<hbm>>
      %dma_wait3A_623 = tpu.memref_squeeze %dma_wait3A_622 : memref<1x128xi32, #tpu.memory_space<hbm>> -> memref<128xi32, #tpu.memory_space<hbm>>
      %dma_wait3A_624 = arith.constant 0 : i32
      %dma_wait3A_625 = tpu.memref_slice %arg6[%dma_wait3A_618, %dma_wait3A_624] : memref<78x128xi32, #tpu.memory_space<vmem>> -> memref<1x128xi32, #tpu.memory_space<vmem>>
      %dma_wait3A_626 = tpu.memref_squeeze %dma_wait3A_625 : memref<1x128xi32, #tpu.memory_space<vmem>> -> memref<128xi32, #tpu.memory_space<vmem>>
      %dma_wait3A_627 = tpu.memref_slice %arg3[%dma_wait3A_617, %mul3A_616] : memref<2x320000xi32, #tpu.memory_space<hbm>> -> memref<1x128xi32, #tpu.memory_space<hbm>>
      %dma_wait3A_628 = tpu.memref_squeeze %dma_wait3A_627 : memref<1x128xi32, #tpu.memory_space<hbm>> -> memref<128xi32, #tpu.memory_space<hbm>>
      tpu.wait_dma2 semaphore(%arg20 : memref<!tpu.dma_semaphore, #tpu.memory_space<semaphore_mem>>) src(%dma_wait3A_628 : memref<128xi32, #tpu.memory_space<hbm>>) dst(%dma_wait3A_626 : memref<128xi32, #tpu.memory_space<vmem>>)
    }
    %scan3A_61 = arith.constant 78 : i32
    %dma_wait3A = arith.constant 0 : i32
    %dma_wait3A_62 = arith.constant 0 : i32
    %dma_wait3A_63 = arith.constant 0 : i32
    %dma_wait3A_64 = tpu.memref_slice %arg7[%dma_wait3A_62, %dma_wait3A_63] : memref<1x16xi32, #tpu.memory_space<vmem>> -> memref<1x16xi32, #tpu.memory_space<vmem>>
    %dma_wait3A_65 = tpu.memref_squeeze %dma_wait3A_64 : memref<1x16xi32, #tpu.memory_space<vmem>> -> memref<16xi32, #tpu.memory_space<vmem>>
    %dma_wait3A_66 = tpu.memref_slice %arg3[%dma_wait3A, %add3A_8] : memref<2x320000xi32, #tpu.memory_space<hbm>> -> memref<1x16xi32, #tpu.memory_space<hbm>>
    %dma_wait3A_67 = tpu.memref_squeeze %dma_wait3A_66 : memref<1x16xi32, #tpu.memory_space<hbm>> -> memref<16xi32, #tpu.memory_space<hbm>>
    %dma_wait3A_68 = arith.constant 0 : i32
    %dma_wait3A_69 = tpu.memref_slice %arg7[%dma_wait3A_62, %dma_wait3A_68] : memref<1x16xi32, #tpu.memory_space<vmem>> -> memref<1x16xi32, #tpu.memory_space<vmem>>
    %dma_wait3A_70 = tpu.memref_squeeze %dma_wait3A_69 : memref<1x16xi32, #tpu.memory_space<vmem>> -> memref<16xi32, #tpu.memory_space<vmem>>
    %dma_wait3A_71 = tpu.memref_slice %arg3[%dma_wait3A, %add3A_8] : memref<2x320000xi32, #tpu.memory_space<hbm>> -> memref<1x16xi32, #tpu.memory_space<hbm>>
    %dma_wait3A_72 = tpu.memref_squeeze %dma_wait3A_71 : memref<1x16xi32, #tpu.memory_space<hbm>> -> memref<16xi32, #tpu.memory_space<hbm>>
    tpu.wait_dma2 semaphore(%arg20 : memref<!tpu.dma_semaphore, #tpu.memory_space<semaphore_mem>>) src(%dma_wait3A_72 : memref<16xi32, #tpu.memory_space<hbm>>) dst(%dma_wait3A_70 : memref<16xi32, #tpu.memory_space<vmem>>)
    %dma_wait3A_73 = arith.constant 1 : i32
    %dma_wait3A_74 = arith.constant 0 : i32
    %dma_wait3A_75 = arith.constant 0 : i32
    %dma_wait3A_76 = tpu.memref_slice %arg8[%dma_wait3A_74, %dma_wait3A_75] : memref<1x16xi32, #tpu.memory_space<vmem>> -> memref<1x16xi32, #tpu.memory_space<vmem>>
    %dma_wait3A_77 = tpu.memref_squeeze %dma_wait3A_76 : memref<1x16xi32, #tpu.memory_space<vmem>> -> memref<16xi32, #tpu.memory_space<vmem>>
    %dma_wait3A_78 = tpu.memref_slice %arg3[%dma_wait3A_73, %add3A_8] : memref<2x320000xi32, #tpu.memory_space<hbm>> -> memref<1x16xi32, #tpu.memory_space<hbm>>
    %dma_wait3A_79 = tpu.memref_squeeze %dma_wait3A_78 : memref<1x16xi32, #tpu.memory_space<hbm>> -> memref<16xi32, #tpu.memory_space<hbm>>
    %dma_wait3A_80 = arith.constant 0 : i32
    %dma_wait3A_81 = tpu.memref_slice %arg8[%dma_wait3A_74, %dma_wait3A_80] : memref<1x16xi32, #tpu.memory_space<vmem>> -> memref<1x16xi32, #tpu.memory_space<vmem>>
    %dma_wait3A_82 = tpu.memref_squeeze %dma_wait3A_81 : memref<1x16xi32, #tpu.memory_space<vmem>> -> memref<16xi32, #tpu.memory_space<vmem>>
    %dma_wait3A_83 = tpu.memref_slice %arg3[%dma_wait3A_73, %add3A_8] : memref<2x320000xi32, #tpu.memory_space<hbm>> -> memref<1x16xi32, #tpu.memory_space<hbm>>
    %dma_wait3A_84 = tpu.memref_squeeze %dma_wait3A_83 : memref<1x16xi32, #tpu.memory_space<hbm>> -> memref<16xi32, #tpu.memory_space<hbm>>
    tpu.wait_dma2 semaphore(%arg20 : memref<!tpu.dma_semaphore, #tpu.memory_space<semaphore_mem>>) src(%dma_wait3A_84 : memref<16xi32, #tpu.memory_space<hbm>>) dst(%dma_wait3A_82 : memref<16xi32, #tpu.memory_space<vmem>>)
    %barrier3A = arith.constant 0 : index
    tpu.barrier barrier_id(%barrier3A)
    %dma_start3A_85 = arith.constant 0 : i32
    %dma_start3A_86 = arith.constant 0 : i32
    %dma_start3A_87 = arith.constant 0 : i32
    %dma_start3A_88 = tpu.memref_slice %arg5[%dma_start3A_85, %dma_start3A_87] : memref<78x128xi32, #tpu.memory_space<vmem>> -> memref<1x128xi32, #tpu.memory_space<vmem>>
    %dma_start3A_89 = tpu.memref_squeeze %dma_start3A_88 : memref<1x128xi32, #tpu.memory_space<vmem>> -> memref<128xi32, #tpu.memory_space<vmem>>
    %dma_start3A_90 = arith.constant 0 : i32
    %dma_start3A_91 = arith.constant 0 : i32
    %dma_start3A_92 = tpu.memref_slice %arg2[%dma_start3A_90, %dma_start3A_91] : memref<10000x64xf32, #tpu.memory_space<hbm>> -> memref<10000x64xf32, #tpu.memory_space<hbm>>
    %dma_start3A_93 = tpu.memref_slice %arg18[%dma_start3A_86] : memref<6x!tpu.dma_semaphore, #tpu.memory_space<semaphore_mem>> -> memref<1x!tpu.dma_semaphore, #tpu.memory_space<semaphore_mem>>
    %dma_start3A_94 = tpu.memref_squeeze %dma_start3A_93 : memref<1x!tpu.dma_semaphore, #tpu.memory_space<semaphore_mem>> -> memref<!tpu.dma_semaphore, #tpu.memory_space<semaphore_mem>>
    tpu.enqueue_indirect_dma source(%dma_start3A_92 : memref<10000x64xf32, #tpu.memory_space<hbm>>) target(%arg9 : memref<128x64xf32, #tpu.memory_space<vmem>>) offsets(%dma_start3A_89 : memref<128xi32, #tpu.memory_space<vmem>>) semaphore(%dma_start3A_94 : memref<!tpu.dma_semaphore, #tpu.memory_space<semaphore_mem>>)
    %dma_start3A_95 = arith.constant 1 : i32
    %dma_start3A_96 = arith.constant 1 : i32
    %dma_start3A_97 = arith.constant 0 : i32
    %dma_start3A_98 = tpu.memref_slice %arg5[%dma_start3A_95, %dma_start3A_97] : memref<78x128xi32, #tpu.memory_space<vmem>> -> memref<1x128xi32, #tpu.memory_space<vmem>>
    %dma_start3A_99 = tpu.memref_squeeze %dma_start3A_98 : memref<1x128xi32, #tpu.memory_space<vmem>> -> memref<128xi32, #tpu.memory_space<vmem>>
    %dma_start3A_100 = arith.constant 0 : i32
    %dma_start3A_101 = arith.constant 0 : i32
    %dma_start3A_102 = tpu.memref_slice %arg2[%dma_start3A_100, %dma_start3A_101] : memref<10000x64xf32, #tpu.memory_space<hbm>> -> memref<10000x64xf32, #tpu.memory_space<hbm>>
    %dma_start3A_103 = tpu.memref_slice %arg18[%dma_start3A_96] : memref<6x!tpu.dma_semaphore, #tpu.memory_space<semaphore_mem>> -> memref<1x!tpu.dma_semaphore, #tpu.memory_space<semaphore_mem>>
    %dma_start3A_104 = tpu.memref_squeeze %dma_start3A_103 : memref<1x!tpu.dma_semaphore, #tpu.memory_space<semaphore_mem>> -> memref<!tpu.dma_semaphore, #tpu.memory_space<semaphore_mem>>
    tpu.enqueue_indirect_dma source(%dma_start3A_102 : memref<10000x64xf32, #tpu.memory_space<hbm>>) target(%arg10 : memref<128x64xf32, #tpu.memory_space<vmem>>) offsets(%dma_start3A_99 : memref<128xi32, #tpu.memory_space<vmem>>) semaphore(%dma_start3A_104 : memref<!tpu.dma_semaphore, #tpu.memory_space<semaphore_mem>>)
    %dma_start3A_105 = arith.constant 2 : i32
    %dma_start3A_106 = arith.constant 2 : i32
    %dma_start3A_107 = arith.constant 0 : i32
    %dma_start3A_108 = tpu.memref_slice %arg5[%dma_start3A_105, %dma_start3A_107] : memref<78x128xi32, #tpu.memory_space<vmem>> -> memref<1x128xi32, #tpu.memory_space<vmem>>
    %dma_start3A_109 = tpu.memref_squeeze %dma_start3A_108 : memref<1x128xi32, #tpu.memory_space<vmem>> -> memref<128xi32, #tpu.memory_space<vmem>>
    %dma_start3A_110 = arith.constant 0 : i32
    %dma_start3A_111 = arith.constant 0 : i32
    %dma_start3A_112 = tpu.memref_slice %arg2[%dma_start3A_110, %dma_start3A_111] : memref<10000x64xf32, #tpu.memory_space<hbm>> -> memref<10000x64xf32, #tpu.memory_space<hbm>>
    %dma_start3A_113 = tpu.memref_slice %arg18[%dma_start3A_106] : memref<6x!tpu.dma_semaphore, #tpu.memory_space<semaphore_mem>> -> memref<1x!tpu.dma_semaphore, #tpu.memory_space<semaphore_mem>>
    %dma_start3A_114 = tpu.memref_squeeze %dma_start3A_113 : memref<1x!tpu.dma_semaphore, #tpu.memory_space<semaphore_mem>> -> memref<!tpu.dma_semaphore, #tpu.memory_space<semaphore_mem>>
    tpu.enqueue_indirect_dma source(%dma_start3A_112 : memref<10000x64xf32, #tpu.memory_space<hbm>>) target(%arg11 : memref<128x64xf32, #tpu.memory_space<vmem>>) offsets(%dma_start3A_109 : memref<128xi32, #tpu.memory_space<vmem>>) semaphore(%dma_start3A_114 : memref<!tpu.dma_semaphore, #tpu.memory_space<semaphore_mem>>)
    %dma_wait3A_115 = arith.constant 0 : i32
    %dma_wait3A_116 = arith.constant 0 : i32
    %dma_wait3A_117 = arith.constant 0 : i32
    %dma_wait3A_118 = tpu.memref_slice %arg5[%dma_wait3A_115, %dma_wait3A_117] : memref<78x128xi32, #tpu.memory_space<vmem>> -> memref<1x128xi32, #tpu.memory_space<vmem>>
    %dma_wait3A_119 = tpu.memref_squeeze %dma_wait3A_118 : memref<1x128xi32, #tpu.memory_space<vmem>> -> memref<128xi32, #tpu.memory_space<vmem>>
    %dma_wait3A_120 = arith.constant 0 : i32
    %dma_wait3A_121 = arith.constant 0 : i32
    %dma_wait3A_122 = tpu.memref_slice %arg2[%dma_wait3A_120, %dma_wait3A_121] : memref<10000x64xf32, #tpu.memory_space<hbm>> -> memref<10000x64xf32, #tpu.memory_space<hbm>>
    %dma_wait3A_123 = tpu.memref_slice %arg18[%dma_wait3A_116] : memref<6x!tpu.dma_semaphore, #tpu.memory_space<semaphore_mem>> -> memref<1x!tpu.dma_semaphore, #tpu.memory_space<semaphore_mem>>
    %dma_wait3A_124 = tpu.memref_squeeze %dma_wait3A_123 : memref<1x!tpu.dma_semaphore, #tpu.memory_space<semaphore_mem>> -> memref<!tpu.dma_semaphore, #tpu.memory_space<semaphore_mem>>
    tpu.wait_indirect_dma semaphore(%dma_wait3A_124 : memref<!tpu.dma_semaphore, #tpu.memory_space<semaphore_mem>>) src(%dma_wait3A_122 : memref<10000x64xf32, #tpu.memory_space<hbm>>) dst(%arg9 : memref<128x64xf32, #tpu.memory_space<vmem>>)
    %dma_start3A_125 = arith.constant 0 : i32
    %dma_start3A_126 = arith.constant 0 : i32
    %dma_start3A_127 = arith.constant 0 : i32
    %dma_start3A_128 = tpu.memref_slice %arg6[%dma_start3A_125, %dma_start3A_127] : memref<78x128xi32, #tpu.memory_space<vmem>> -> memref<1x128xi32, #tpu.memory_space<vmem>>
    %dma_start3A_129 = tpu.memref_squeeze %dma_start3A_128 : memref<1x128xi32, #tpu.memory_space<vmem>> -> memref<128xi32, #tpu.memory_space<vmem>>
    %dma_start3A_130 = arith.constant 0 : i32
    %dma_start3A_131 = arith.constant 0 : i32
    %dma_start3A_132 = tpu.memref_slice %arg17[%dma_start3A_130, %dma_start3A_131] : memref<10240x64xf32, #tpu.memory_space<vmem_shared>> -> memref<10240x64xf32, #tpu.memory_space<vmem_shared>>
    %dma_start3A_133 = tpu.memref_slice %arg19[%dma_start3A_126] : memref<6x!tpu.dma_semaphore, #tpu.memory_space<semaphore_mem>> -> memref<1x!tpu.dma_semaphore, #tpu.memory_space<semaphore_mem>>
    %dma_start3A_134 = tpu.memref_squeeze %dma_start3A_133 : memref<1x!tpu.dma_semaphore, #tpu.memory_space<semaphore_mem>> -> memref<!tpu.dma_semaphore, #tpu.memory_space<semaphore_mem>>
    tpu.enqueue_indirect_dma source(%arg9 : memref<128x64xf32, #tpu.memory_space<vmem>>) target(%dma_start3A_132 : memref<10240x64xf32, #tpu.memory_space<vmem_shared>>) offsets(%dma_start3A_129 : memref<128xi32, #tpu.memory_space<vmem>>) semaphore(%dma_start3A_134 : memref<!tpu.dma_semaphore, #tpu.memory_space<semaphore_mem>>) {add = true}
    %dma_start3A_135 = arith.constant 3 : i32
    %dma_start3A_136 = arith.constant 3 : i32
    %dma_start3A_137 = arith.constant 0 : i32
    %dma_start3A_138 = tpu.memref_slice %arg5[%dma_start3A_135, %dma_start3A_137] : memref<78x128xi32, #tpu.memory_space<vmem>> -> memref<1x128xi32, #tpu.memory_space<vmem>>
    %dma_start3A_139 = tpu.memref_squeeze %dma_start3A_138 : memref<1x128xi32, #tpu.memory_space<vmem>> -> memref<128xi32, #tpu.memory_space<vmem>>
    %dma_start3A_140 = arith.constant 0 : i32
    %dma_start3A_141 = arith.constant 0 : i32
    %dma_start3A_142 = tpu.memref_slice %arg2[%dma_start3A_140, %dma_start3A_141] : memref<10000x64xf32, #tpu.memory_space<hbm>> -> memref<10000x64xf32, #tpu.memory_space<hbm>>
    %dma_start3A_143 = tpu.memref_slice %arg18[%dma_start3A_136] : memref<6x!tpu.dma_semaphore, #tpu.memory_space<semaphore_mem>> -> memref<1x!tpu.dma_semaphore, #tpu.memory_space<semaphore_mem>>
    %dma_start3A_144 = tpu.memref_squeeze %dma_start3A_143 : memref<1x!tpu.dma_semaphore, #tpu.memory_space<semaphore_mem>> -> memref<!tpu.dma_semaphore, #tpu.memory_space<semaphore_mem>>
    tpu.enqueue_indirect_dma source(%dma_start3A_142 : memref<10000x64xf32, #tpu.memory_space<hbm>>) target(%arg12 : memref<128x64xf32, #tpu.memory_space<vmem>>) offsets(%dma_start3A_139 : memref<128xi32, #tpu.memory_space<vmem>>) semaphore(%dma_start3A_144 : memref<!tpu.dma_semaphore, #tpu.memory_space<semaphore_mem>>)
    %dma_wait3A_145 = arith.constant 1 : i32
    %dma_wait3A_146 = arith.constant 1 : i32
    %dma_wait3A_147 = arith.constant 0 : i32
    %dma_wait3A_148 = tpu.memref_slice %arg5[%dma_wait3A_145, %dma_wait3A_147] : memref<78x128xi32, #tpu.memory_space<vmem>> -> memref<1x128xi32, #tpu.memory_space<vmem>>
    %dma_wait3A_149 = tpu.memref_squeeze %dma_wait3A_148 : memref<1x128xi32, #tpu.memory_space<vmem>> -> memref<128xi32, #tpu.memory_space<vmem>>
    %dma_wait3A_150 = arith.constant 0 : i32
    %dma_wait3A_151 = arith.constant 0 : i32
    %dma_wait3A_152 = tpu.memref_slice %arg2[%dma_wait3A_150, %dma_wait3A_151] : memref<10000x64xf32, #tpu.memory_space<hbm>> -> memref<10000x64xf32, #tpu.memory_space<hbm>>
    %dma_wait3A_153 = tpu.memref_slice %arg18[%dma_wait3A_146] : memref<6x!tpu.dma_semaphore, #tpu.memory_space<semaphore_mem>> -> memref<1x!tpu.dma_semaphore, #tpu.memory_space<semaphore_mem>>
    %dma_wait3A_154 = tpu.memref_squeeze %dma_wait3A_153 : memref<1x!tpu.dma_semaphore, #tpu.memory_space<semaphore_mem>> -> memref<!tpu.dma_semaphore, #tpu.memory_space<semaphore_mem>>
    tpu.wait_indirect_dma semaphore(%dma_wait3A_154 : memref<!tpu.dma_semaphore, #tpu.memory_space<semaphore_mem>>) src(%dma_wait3A_152 : memref<10000x64xf32, #tpu.memory_space<hbm>>) dst(%arg10 : memref<128x64xf32, #tpu.memory_space<vmem>>)
    %dma_start3A_155 = arith.constant 1 : i32
    %dma_start3A_156 = arith.constant 1 : i32
    %dma_start3A_157 = arith.constant 0 : i32
    %dma_start3A_158 = tpu.memref_slice %arg6[%dma_start3A_155, %dma_start3A_157] : memref<78x128xi32, #tpu.memory_space<vmem>> -> memref<1x128xi32, #tpu.memory_space<vmem>>
    %dma_start3A_159 = tpu.memref_squeeze %dma_start3A_158 : memref<1x128xi32, #tpu.memory_space<vmem>> -> memref<128xi32, #tpu.memory_space<vmem>>
    %dma_start3A_160 = arith.constant 0 : i32
    %dma_start3A_161 = arith.constant 0 : i32
    %dma_start3A_162 = tpu.memref_slice %arg17[%dma_start3A_160, %dma_start3A_161] : memref<10240x64xf32, #tpu.memory_space<vmem_shared>> -> memref<10240x64xf32, #tpu.memory_space<vmem_shared>>
    %dma_start3A_163 = tpu.memref_slice %arg19[%dma_start3A_156] : memref<6x!tpu.dma_semaphore, #tpu.memory_space<semaphore_mem>> -> memref<1x!tpu.dma_semaphore, #tpu.memory_space<semaphore_mem>>
    %dma_start3A_164 = tpu.memref_squeeze %dma_start3A_163 : memref<1x!tpu.dma_semaphore, #tpu.memory_space<semaphore_mem>> -> memref<!tpu.dma_semaphore, #tpu.memory_space<semaphore_mem>>
    tpu.enqueue_indirect_dma source(%arg10 : memref<128x64xf32, #tpu.memory_space<vmem>>) target(%dma_start3A_162 : memref<10240x64xf32, #tpu.memory_space<vmem_shared>>) offsets(%dma_start3A_159 : memref<128xi32, #tpu.memory_space<vmem>>) semaphore(%dma_start3A_164 : memref<!tpu.dma_semaphore, #tpu.memory_space<semaphore_mem>>) {add = true}
    %dma_start3A_165 = arith.constant 4 : i32
    %dma_start3A_166 = arith.constant 4 : i32
    %dma_start3A_167 = arith.constant 0 : i32
    %dma_start3A_168 = tpu.memref_slice %arg5[%dma_start3A_165, %dma_start3A_167] : memref<78x128xi32, #tpu.memory_space<vmem>> -> memref<1x128xi32, #tpu.memory_space<vmem>>
    %dma_start3A_169 = tpu.memref_squeeze %dma_start3A_168 : memref<1x128xi32, #tpu.memory_space<vmem>> -> memref<128xi32, #tpu.memory_space<vmem>>
    %dma_start3A_170 = arith.constant 0 : i32
    %dma_start3A_171 = arith.constant 0 : i32
    %dma_start3A_172 = tpu.memref_slice %arg2[%dma_start3A_170, %dma_start3A_171] : memref<10000x64xf32, #tpu.memory_space<hbm>> -> memref<10000x64xf32, #tpu.memory_space<hbm>>
    %dma_start3A_173 = tpu.memref_slice %arg18[%dma_start3A_166] : memref<6x!tpu.dma_semaphore, #tpu.memory_space<semaphore_mem>> -> memref<1x!tpu.dma_semaphore, #tpu.memory_space<semaphore_mem>>
    %dma_start3A_174 = tpu.memref_squeeze %dma_start3A_173 : memref<1x!tpu.dma_semaphore, #tpu.memory_space<semaphore_mem>> -> memref<!tpu.dma_semaphore, #tpu.memory_space<semaphore_mem>>
    tpu.enqueue_indirect_dma source(%dma_start3A_172 : memref<10000x64xf32, #tpu.memory_space<hbm>>) target(%arg13 : memref<128x64xf32, #tpu.memory_space<vmem>>) offsets(%dma_start3A_169 : memref<128xi32, #tpu.memory_space<vmem>>) semaphore(%dma_start3A_174 : memref<!tpu.dma_semaphore, #tpu.memory_space<semaphore_mem>>)
    %dma_wait3A_175 = arith.constant 2 : i32
    %dma_wait3A_176 = arith.constant 2 : i32
    %dma_wait3A_177 = arith.constant 0 : i32
    %dma_wait3A_178 = tpu.memref_slice %arg5[%dma_wait3A_175, %dma_wait3A_177] : memref<78x128xi32, #tpu.memory_space<vmem>> -> memref<1x128xi32, #tpu.memory_space<vmem>>
    %dma_wait3A_179 = tpu.memref_squeeze %dma_wait3A_178 : memref<1x128xi32, #tpu.memory_space<vmem>> -> memref<128xi32, #tpu.memory_space<vmem>>
    %dma_wait3A_180 = arith.constant 0 : i32
    %dma_wait3A_181 = arith.constant 0 : i32
    %dma_wait3A_182 = tpu.memref_slice %arg2[%dma_wait3A_180, %dma_wait3A_181] : memref<10000x64xf32, #tpu.memory_space<hbm>> -> memref<10000x64xf32, #tpu.memory_space<hbm>>
    %dma_wait3A_183 = tpu.memref_slice %arg18[%dma_wait3A_176] : memref<6x!tpu.dma_semaphore, #tpu.memory_space<semaphore_mem>> -> memref<1x!tpu.dma_semaphore, #tpu.memory_space<semaphore_mem>>
    %dma_wait3A_184 = tpu.memref_squeeze %dma_wait3A_183 : memref<1x!tpu.dma_semaphore, #tpu.memory_space<semaphore_mem>> -> memref<!tpu.dma_semaphore, #tpu.memory_space<semaphore_mem>>
    tpu.wait_indirect_dma semaphore(%dma_wait3A_184 : memref<!tpu.dma_semaphore, #tpu.memory_space<semaphore_mem>>) src(%dma_wait3A_182 : memref<10000x64xf32, #tpu.memory_space<hbm>>) dst(%arg11 : memref<128x64xf32, #tpu.memory_space<vmem>>)
    %dma_start3A_185 = arith.constant 2 : i32
    %dma_start3A_186 = arith.constant 2 : i32
    %dma_start3A_187 = arith.constant 0 : i32
    %dma_start3A_188 = tpu.memref_slice %arg6[%dma_start3A_185, %dma_start3A_187] : memref<78x128xi32, #tpu.memory_space<vmem>> -> memref<1x128xi32, #tpu.memory_space<vmem>>
    %dma_start3A_189 = tpu.memref_squeeze %dma_start3A_188 : memref<1x128xi32, #tpu.memory_space<vmem>> -> memref<128xi32, #tpu.memory_space<vmem>>
    %dma_start3A_190 = arith.constant 0 : i32
    %dma_start3A_191 = arith.constant 0 : i32
    %dma_start3A_192 = tpu.memref_slice %arg17[%dma_start3A_190, %dma_start3A_191] : memref<10240x64xf32, #tpu.memory_space<vmem_shared>> -> memref<10240x64xf32, #tpu.memory_space<vmem_shared>>
    %dma_start3A_193 = tpu.memref_slice %arg19[%dma_start3A_186] : memref<6x!tpu.dma_semaphore, #tpu.memory_space<semaphore_mem>> -> memref<1x!tpu.dma_semaphore, #tpu.memory_space<semaphore_mem>>
    %dma_start3A_194 = tpu.memref_squeeze %dma_start3A_193 : memref<1x!tpu.dma_semaphore, #tpu.memory_space<semaphore_mem>> -> memref<!tpu.dma_semaphore, #tpu.memory_space<semaphore_mem>>
    tpu.enqueue_indirect_dma source(%arg11 : memref<128x64xf32, #tpu.memory_space<vmem>>) target(%dma_start3A_192 : memref<10240x64xf32, #tpu.memory_space<vmem_shared>>) offsets(%dma_start3A_189 : memref<128xi32, #tpu.memory_space<vmem>>) semaphore(%dma_start3A_194 : memref<!tpu.dma_semaphore, #tpu.memory_space<semaphore_mem>>) {add = true}
    %dma_start3A_195 = arith.constant 5 : i32
    %dma_start3A_196 = arith.constant 5 : i32
    %dma_start3A_197 = arith.constant 0 : i32
    %dma_start3A_198 = tpu.memref_slice %arg5[%dma_start3A_195, %dma_start3A_197] : memref<78x128xi32, #tpu.memory_space<vmem>> -> memref<1x128xi32, #tpu.memory_space<vmem>>
    %dma_start3A_199 = tpu.memref_squeeze %dma_start3A_198 : memref<1x128xi32, #tpu.memory_space<vmem>> -> memref<128xi32, #tpu.memory_space<vmem>>
    %dma_start3A_200 = arith.constant 0 : i32
    %dma_start3A_201 = arith.constant 0 : i32
    %dma_start3A_202 = tpu.memref_slice %arg2[%dma_start3A_200, %dma_start3A_201] : memref<10000x64xf32, #tpu.memory_space<hbm>> -> memref<10000x64xf32, #tpu.memory_space<hbm>>
    %dma_start3A_203 = tpu.memref_slice %arg18[%dma_start3A_196] : memref<6x!tpu.dma_semaphore, #tpu.memory_space<semaphore_mem>> -> memref<1x!tpu.dma_semaphore, #tpu.memory_space<semaphore_mem>>
    %dma_start3A_204 = tpu.memref_squeeze %dma_start3A_203 : memref<1x!tpu.dma_semaphore, #tpu.memory_space<semaphore_mem>> -> memref<!tpu.dma_semaphore, #tpu.memory_space<semaphore_mem>>
    tpu.enqueue_indirect_dma source(%dma_start3A_202 : memref<10000x64xf32, #tpu.memory_space<hbm>>) target(%arg14 : memref<128x64xf32, #tpu.memory_space<vmem>>) offsets(%dma_start3A_199 : memref<128xi32, #tpu.memory_space<vmem>>) semaphore(%dma_start3A_204 : memref<!tpu.dma_semaphore, #tpu.memory_space<semaphore_mem>>)
    %dma_wait3A_205 = arith.constant 3 : i32
    %dma_wait3A_206 = arith.constant 3 : i32
    %dma_wait3A_207 = arith.constant 0 : i32
    %dma_wait3A_208 = tpu.memref_slice %arg5[%dma_wait3A_205, %dma_wait3A_207] : memref<78x128xi32, #tpu.memory_space<vmem>> -> memref<1x128xi32, #tpu.memory_space<vmem>>
    %dma_wait3A_209 = tpu.memref_squeeze %dma_wait3A_208 : memref<1x128xi32, #tpu.memory_space<vmem>> -> memref<128xi32, #tpu.memory_space<vmem>>
    %dma_wait3A_210 = arith.constant 0 : i32
    %dma_wait3A_211 = arith.constant 0 : i32
    %dma_wait3A_212 = tpu.memref_slice %arg2[%dma_wait3A_210, %dma_wait3A_211] : memref<10000x64xf32, #tpu.memory_space<hbm>> -> memref<10000x64xf32, #tpu.memory_space<hbm>>
    %dma_wait3A_213 = tpu.memref_slice %arg18[%dma_wait3A_206] : memref<6x!tpu.dma_semaphore, #tpu.memory_space<semaphore_mem>> -> memref<1x!tpu.dma_semaphore, #tpu.memory_space<semaphore_mem>>
    %dma_wait3A_214 = tpu.memref_squeeze %dma_wait3A_213 : memref<1x!tpu.dma_semaphore, #tpu.memory_space<semaphore_mem>> -> memref<!tpu.dma_semaphore, #tpu.memory_space<semaphore_mem>>
    tpu.wait_indirect_dma semaphore(%dma_wait3A_214 : memref<!tpu.dma_semaphore, #tpu.memory_space<semaphore_mem>>) src(%dma_wait3A_212 : memref<10000x64xf32, #tpu.memory_space<hbm>>) dst(%arg12 : memref<128x64xf32, #tpu.memory_space<vmem>>)
    %dma_start3A_215 = arith.constant 3 : i32
    %dma_start3A_216 = arith.constant 3 : i32
    %dma_start3A_217 = arith.constant 0 : i32
    %dma_start3A_218 = tpu.memref_slice %arg6[%dma_start3A_215, %dma_start3A_217] : memref<78x128xi32, #tpu.memory_space<vmem>> -> memref<1x128xi32, #tpu.memory_space<vmem>>
    %dma_start3A_219 = tpu.memref_squeeze %dma_start3A_218 : memref<1x128xi32, #tpu.memory_space<vmem>> -> memref<128xi32, #tpu.memory_space<vmem>>
    %dma_start3A_220 = arith.constant 0 : i32
    %dma_start3A_221 = arith.constant 0 : i32
    %dma_start3A_222 = tpu.memref_slice %arg17[%dma_start3A_220, %dma_start3A_221] : memref<10240x64xf32, #tpu.memory_space<vmem_shared>> -> memref<10240x64xf32, #tpu.memory_space<vmem_shared>>
    %dma_start3A_223 = tpu.memref_slice %arg19[%dma_start3A_216] : memref<6x!tpu.dma_semaphore, #tpu.memory_space<semaphore_mem>> -> memref<1x!tpu.dma_semaphore, #tpu.memory_space<semaphore_mem>>
    %dma_start3A_224 = tpu.memref_squeeze %dma_start3A_223 : memref<1x!tpu.dma_semaphore, #tpu.memory_space<semaphore_mem>> -> memref<!tpu.dma_semaphore, #tpu.memory_space<semaphore_mem>>
    tpu.enqueue_indirect_dma source(%arg12 : memref<128x64xf32, #tpu.memory_space<vmem>>) target(%dma_start3A_222 : memref<10240x64xf32, #tpu.memory_space<vmem_shared>>) offsets(%dma_start3A_219 : memref<128xi32, #tpu.memory_space<vmem>>) semaphore(%dma_start3A_224 : memref<!tpu.dma_semaphore, #tpu.memory_space<semaphore_mem>>) {add = true}
    %dma_wait3A_225 = arith.constant 0 : i32
    %dma_wait3A_226 = arith.constant 0 : i32
    %dma_wait3A_227 = arith.constant 0 : i32
    %dma_wait3A_228 = tpu.memref_slice %arg6[%dma_wait3A_225, %dma_wait3A_227] : memref<78x128xi32, #tpu.memory_space<vmem>> -> memref<1x128xi32, #tpu.memory_space<vmem>>
    %dma_wait3A_229 = tpu.memref_squeeze %dma_wait3A_228 : memref<1x128xi32, #tpu.memory_space<vmem>> -> memref<128xi32, #tpu.memory_space<vmem>>
    %dma_wait3A_230 = arith.constant 0 : i32
    %dma_wait3A_231 = arith.constant 0 : i32
    %dma_wait3A_232 = tpu.memref_slice %arg17[%dma_wait3A_230, %dma_wait3A_231] : memref<10240x64xf32, #tpu.memory_space<vmem_shared>> -> memref<10240x64xf32, #tpu.memory_space<vmem_shared>>
    %dma_wait3A_233 = tpu.memref_slice %arg19[%dma_wait3A_226] : memref<6x!tpu.dma_semaphore, #tpu.memory_space<semaphore_mem>> -> memref<1x!tpu.dma_semaphore, #tpu.memory_space<semaphore_mem>>
    %dma_wait3A_234 = tpu.memref_squeeze %dma_wait3A_233 : memref<1x!tpu.dma_semaphore, #tpu.memory_space<semaphore_mem>> -> memref<!tpu.dma_semaphore, #tpu.memory_space<semaphore_mem>>
    tpu.wait_indirect_dma semaphore(%dma_wait3A_234 : memref<!tpu.dma_semaphore, #tpu.memory_space<semaphore_mem>>) src(%arg9 : memref<128x64xf32, #tpu.memory_space<vmem>>) dst(%dma_wait3A_232 : memref<10240x64xf32, #tpu.memory_space<vmem_shared>>)
    %dma_start3A_235 = arith.constant 6 : i32
    %dma_start3A_236 = arith.constant 0 : i32
    %dma_start3A_237 = arith.constant 0 : i32
    %dma_start3A_238 = tpu.memref_slice %arg5[%dma_start3A_235, %dma_start3A_237] : memref<78x128xi32, #tpu.memory_space<vmem>> -> memref<1x128xi32, #tpu.memory_space<vmem>>
    %dma_start3A_239 = tpu.memref_squeeze %dma_start3A_238 : memref<1x128xi32, #tpu.memory_space<vmem>> -> memref<128xi32, #tpu.memory_space<vmem>>
    %dma_start3A_240 = arith.constant 0 : i32
    %dma_start3A_241 = arith.constant 0 : i32
    %dma_start3A_242 = tpu.memref_slice %arg2[%dma_start3A_240, %dma_start3A_241] : memref<10000x64xf32, #tpu.memory_space<hbm>> -> memref<10000x64xf32, #tpu.memory_space<hbm>>
    %dma_start3A_243 = tpu.memref_slice %arg18[%dma_start3A_236] : memref<6x!tpu.dma_semaphore, #tpu.memory_space<semaphore_mem>> -> memref<1x!tpu.dma_semaphore, #tpu.memory_space<semaphore_mem>>
    %dma_start3A_244 = tpu.memref_squeeze %dma_start3A_243 : memref<1x!tpu.dma_semaphore, #tpu.memory_space<semaphore_mem>> -> memref<!tpu.dma_semaphore, #tpu.memory_space<semaphore_mem>>
    tpu.enqueue_indirect_dma source(%dma_start3A_242 : memref<10000x64xf32, #tpu.memory_space<hbm>>) target(%arg9 : memref<128x64xf32, #tpu.memory_space<vmem>>) offsets(%dma_start3A_239 : memref<128xi32, #tpu.memory_space<vmem>>) semaphore(%dma_start3A_244 : memref<!tpu.dma_semaphore, #tpu.memory_space<semaphore_mem>>)
    %dma_wait3A_245 = arith.constant 4 : i32
    %dma_wait3A_246 = arith.constant 4 : i32
    %dma_wait3A_247 = arith.constant 0 : i32
    %dma_wait3A_248 = tpu.memref_slice %arg5[%dma_wait3A_245, %dma_wait3A_247] : memref<78x128xi32, #tpu.memory_space<vmem>> -> memref<1x128xi32, #tpu.memory_space<vmem>>
    %dma_wait3A_249 = tpu.memref_squeeze %dma_wait3A_248 : memref<1x128xi32, #tpu.memory_space<vmem>> -> memref<128xi32, #tpu.memory_space<vmem>>
    %dma_wait3A_250 = arith.constant 0 : i32
    %dma_wait3A_251 = arith.constant 0 : i32
    %dma_wait3A_252 = tpu.memref_slice %arg2[%dma_wait3A_250, %dma_wait3A_251] : memref<10000x64xf32, #tpu.memory_space<hbm>> -> memref<10000x64xf32, #tpu.memory_space<hbm>>
    %dma_wait3A_253 = tpu.memref_slice %arg18[%dma_wait3A_246] : memref<6x!tpu.dma_semaphore, #tpu.memory_space<semaphore_mem>> -> memref<1x!tpu.dma_semaphore, #tpu.memory_space<semaphore_mem>>
    %dma_wait3A_254 = tpu.memref_squeeze %dma_wait3A_253 : memref<1x!tpu.dma_semaphore, #tpu.memory_space<semaphore_mem>> -> memref<!tpu.dma_semaphore, #tpu.memory_space<semaphore_mem>>
    tpu.wait_indirect_dma semaphore(%dma_wait3A_254 : memref<!tpu.dma_semaphore, #tpu.memory_space<semaphore_mem>>) src(%dma_wait3A_252 : memref<10000x64xf32, #tpu.memory_space<hbm>>) dst(%arg13 : memref<128x64xf32, #tpu.memory_space<vmem>>)
    %dma_start3A_255 = arith.constant 4 : i32
    %dma_start3A_256 = arith.constant 4 : i32
    %dma_start3A_257 = arith.constant 0 : i32
    %dma_start3A_258 = tpu.memref_slice %arg6[%dma_start3A_255, %dma_start3A_257] : memref<78x128xi32, #tpu.memory_space<vmem>> -> memref<1x128xi32, #tpu.memory_space<vmem>>
    %dma_start3A_259 = tpu.memref_squeeze %dma_start3A_258 : memref<1x128xi32, #tpu.memory_space<vmem>> -> memref<128xi32, #tpu.memory_space<vmem>>
    %dma_start3A_260 = arith.constant 0 : i32
    %dma_start3A_261 = arith.constant 0 : i32
    %dma_start3A_262 = tpu.memref_slice %arg17[%dma_start3A_260, %dma_start3A_261] : memref<10240x64xf32, #tpu.memory_space<vmem_shared>> -> memref<10240x64xf32, #tpu.memory_space<vmem_shared>>
    %dma_start3A_263 = tpu.memref_slice %arg19[%dma_start3A_256] : memref<6x!tpu.dma_semaphore, #tpu.memory_space<semaphore_mem>> -> memref<1x!tpu.dma_semaphore, #tpu.memory_space<semaphore_mem>>
    %dma_start3A_264 = tpu.memref_squeeze %dma_start3A_263 : memref<1x!tpu.dma_semaphore, #tpu.memory_space<semaphore_mem>> -> memref<!tpu.dma_semaphore, #tpu.memory_space<semaphore_mem>>
    tpu.enqueue_indirect_dma source(%arg13 : memref<128x64xf32, #tpu.memory_space<vmem>>) target(%dma_start3A_262 : memref<10240x64xf32, #tpu.memory_space<vmem_shared>>) offsets(%dma_start3A_259 : memref<128xi32, #tpu.memory_space<vmem>>) semaphore(%dma_start3A_264 : memref<!tpu.dma_semaphore, #tpu.memory_space<semaphore_mem>>) {add = true}
    %dma_wait3A_265 = arith.constant 1 : i32
    %dma_wait3A_266 = arith.constant 1 : i32
    %dma_wait3A_267 = arith.constant 0 : i32
    %dma_wait3A_268 = tpu.memref_slice %arg6[%dma_wait3A_265, %dma_wait3A_267] : memref<78x128xi32, #tpu.memory_space<vmem>> -> memref<1x128xi32, #tpu.memory_space<vmem>>
    %dma_wait3A_269 = tpu.memref_squeeze %dma_wait3A_268 : memref<1x128xi32, #tpu.memory_space<vmem>> -> memref<128xi32, #tpu.memory_space<vmem>>
    %dma_wait3A_270 = arith.constant 0 : i32
    %dma_wait3A_271 = arith.constant 0 : i32
    %dma_wait3A_272 = tpu.memref_slice %arg17[%dma_wait3A_270, %dma_wait3A_271] : memref<10240x64xf32, #tpu.memory_space<vmem_shared>> -> memref<10240x64xf32, #tpu.memory_space<vmem_shared>>
    %dma_wait3A_273 = tpu.memref_slice %arg19[%dma_wait3A_266] : memref<6x!tpu.dma_semaphore, #tpu.memory_space<semaphore_mem>> -> memref<1x!tpu.dma_semaphore, #tpu.memory_space<semaphore_mem>>
    %dma_wait3A_274 = tpu.memref_squeeze %dma_wait3A_273 : memref<1x!tpu.dma_semaphore, #tpu.memory_space<semaphore_mem>> -> memref<!tpu.dma_semaphore, #tpu.memory_space<semaphore_mem>>
    tpu.wait_indirect_dma semaphore(%dma_wait3A_274 : memref<!tpu.dma_semaphore, #tpu.memory_space<semaphore_mem>>) src(%arg10 : memref<128x64xf32, #tpu.memory_space<vmem>>) dst(%dma_wait3A_272 : memref<10240x64xf32, #tpu.memory_space<vmem_shared>>)
    %dma_start3A_275 = arith.constant 7 : i32
    %dma_start3A_276 = arith.constant 1 : i32
    %dma_start3A_277 = arith.constant 0 : i32
    %dma_start3A_278 = tpu.memref_slice %arg5[%dma_start3A_275, %dma_start3A_277] : memref<78x128xi32, #tpu.memory_space<vmem>> -> memref<1x128xi32, #tpu.memory_space<vmem>>
    %dma_start3A_279 = tpu.memref_squeeze %dma_start3A_278 : memref<1x128xi32, #tpu.memory_space<vmem>> -> memref<128xi32, #tpu.memory_space<vmem>>
    %dma_start3A_280 = arith.constant 0 : i32
    %dma_start3A_281 = arith.constant 0 : i32
    %dma_start3A_282 = tpu.memref_slice %arg2[%dma_start3A_280, %dma_start3A_281] : memref<10000x64xf32, #tpu.memory_space<hbm>> -> memref<10000x64xf32, #tpu.memory_space<hbm>>
    %dma_start3A_283 = tpu.memref_slice %arg18[%dma_start3A_276] : memref<6x!tpu.dma_semaphore, #tpu.memory_space<semaphore_mem>> -> memref<1x!tpu.dma_semaphore, #tpu.memory_space<semaphore_mem>>
    %dma_start3A_284 = tpu.memref_squeeze %dma_start3A_283 : memref<1x!tpu.dma_semaphore, #tpu.memory_space<semaphore_mem>> -> memref<!tpu.dma_semaphore, #tpu.memory_space<semaphore_mem>>
    tpu.enqueue_indirect_dma source(%dma_start3A_282 : memref<10000x64xf32, #tpu.memory_space<hbm>>) target(%arg10 : memref<128x64xf32, #tpu.memory_space<vmem>>) offsets(%dma_start3A_279 : memref<128xi32, #tpu.memory_space<vmem>>) semaphore(%dma_start3A_284 : memref<!tpu.dma_semaphore, #tpu.memory_space<semaphore_mem>>)
    %dma_wait3A_285 = arith.constant 5 : i32
    %dma_wait3A_286 = arith.constant 5 : i32
    %dma_wait3A_287 = arith.constant 0 : i32
    %dma_wait3A_288 = tpu.memref_slice %arg5[%dma_wait3A_285, %dma_wait3A_287] : memref<78x128xi32, #tpu.memory_space<vmem>> -> memref<1x128xi32, #tpu.memory_space<vmem>>
    %dma_wait3A_289 = tpu.memref_squeeze %dma_wait3A_288 : memref<1x128xi32, #tpu.memory_space<vmem>> -> memref<128xi32, #tpu.memory_space<vmem>>
    %dma_wait3A_290 = arith.constant 0 : i32
    %dma_wait3A_291 = arith.constant 0 : i32
    %dma_wait3A_292 = tpu.memref_slice %arg2[%dma_wait3A_290, %dma_wait3A_291] : memref<10000x64xf32, #tpu.memory_space<hbm>> -> memref<10000x64xf32, #tpu.memory_space<hbm>>
    %dma_wait3A_293 = tpu.memref_slice %arg18[%dma_wait3A_286] : memref<6x!tpu.dma_semaphore, #tpu.memory_space<semaphore_mem>> -> memref<1x!tpu.dma_semaphore, #tpu.memory_space<semaphore_mem>>
    %dma_wait3A_294 = tpu.memref_squeeze %dma_wait3A_293 : memref<1x!tpu.dma_semaphore, #tpu.memory_space<semaphore_mem>> -> memref<!tpu.dma_semaphore, #tpu.memory_space<semaphore_mem>>
    tpu.wait_indirect_dma semaphore(%dma_wait3A_294 : memref<!tpu.dma_semaphore, #tpu.memory_space<semaphore_mem>>) src(%dma_wait3A_292 : memref<10000x64xf32, #tpu.memory_space<hbm>>) dst(%arg14 : memref<128x64xf32, #tpu.memory_space<vmem>>)
    %dma_start3A_295 = arith.constant 5 : i32
    %dma_start3A_296 = arith.constant 5 : i32
    %dma_start3A_297 = arith.constant 0 : i32
    %dma_start3A_298 = tpu.memref_slice %arg6[%dma_start3A_295, %dma_start3A_297] : memref<78x128xi32, #tpu.memory_space<vmem>> -> memref<1x128xi32, #tpu.memory_space<vmem>>
    %dma_start3A_299 = tpu.memref_squeeze %dma_start3A_298 : memref<1x128xi32, #tpu.memory_space<vmem>> -> memref<128xi32, #tpu.memory_space<vmem>>
    %dma_start3A_300 = arith.constant 0 : i32
    %dma_start3A_301 = arith.constant 0 : i32
    %dma_start3A_302 = tpu.memref_slice %arg17[%dma_start3A_300, %dma_start3A_301] : memref<10240x64xf32, #tpu.memory_space<vmem_shared>> -> memref<10240x64xf32, #tpu.memory_space<vmem_shared>>
    %dma_start3A_303 = tpu.memref_slice %arg19[%dma_start3A_296] : memref<6x!tpu.dma_semaphore, #tpu.memory_space<semaphore_mem>> -> memref<1x!tpu.dma_semaphore, #tpu.memory_space<semaphore_mem>>
    %dma_start3A_304 = tpu.memref_squeeze %dma_start3A_303 : memref<1x!tpu.dma_semaphore, #tpu.memory_space<semaphore_mem>> -> memref<!tpu.dma_semaphore, #tpu.memory_space<semaphore_mem>>
    tpu.enqueue_indirect_dma source(%arg14 : memref<128x64xf32, #tpu.memory_space<vmem>>) target(%dma_start3A_302 : memref<10240x64xf32, #tpu.memory_space<vmem_shared>>) offsets(%dma_start3A_299 : memref<128xi32, #tpu.memory_space<vmem>>) semaphore(%dma_start3A_304 : memref<!tpu.dma_semaphore, #tpu.memory_space<semaphore_mem>>) {add = true}
    %dma_wait3A_305 = arith.constant 2 : i32
    %dma_wait3A_306 = arith.constant 2 : i32
    %dma_wait3A_307 = arith.constant 0 : i32
    %dma_wait3A_308 = tpu.memref_slice %arg6[%dma_wait3A_305, %dma_wait3A_307] : memref<78x128xi32, #tpu.memory_space<vmem>> -> memref<1x128xi32, #tpu.memory_space<vmem>>
    %dma_wait3A_309 = tpu.memref_squeeze %dma_wait3A_308 : memref<1x128xi32, #tpu.memory_space<vmem>> -> memref<128xi32, #tpu.memory_space<vmem>>
    %dma_wait3A_310 = arith.constant 0 : i32
    %dma_wait3A_311 = arith.constant 0 : i32
    %dma_wait3A_312 = tpu.memref_slice %arg17[%dma_wait3A_310, %dma_wait3A_311] : memref<10240x64xf32, #tpu.memory_space<vmem_shared>> -> memref<10240x64xf32, #tpu.memory_space<vmem_shared>>
    %dma_wait3A_313 = tpu.memref_slice %arg19[%dma_wait3A_306] : memref<6x!tpu.dma_semaphore, #tpu.memory_space<semaphore_mem>> -> memref<1x!tpu.dma_semaphore, #tpu.memory_space<semaphore_mem>>
    %dma_wait3A_314 = tpu.memref_squeeze %dma_wait3A_313 : memref<1x!tpu.dma_semaphore, #tpu.memory_space<semaphore_mem>> -> memref<!tpu.dma_semaphore, #tpu.memory_space<semaphore_mem>>
    tpu.wait_indirect_dma semaphore(%dma_wait3A_314 : memref<!tpu.dma_semaphore, #tpu.memory_space<semaphore_mem>>) src(%arg11 : memref<128x64xf32, #tpu.memory_space<vmem>>) dst(%dma_wait3A_312 : memref<10240x64xf32, #tpu.memory_space<vmem_shared>>)
    %dma_start3A_315 = arith.constant 8 : i32
    %dma_start3A_316 = arith.constant 2 : i32
    %dma_start3A_317 = arith.constant 0 : i32
    %dma_start3A_318 = tpu.memref_slice %arg5[%dma_start3A_315, %dma_start3A_317] : memref<78x128xi32, #tpu.memory_space<vmem>> -> memref<1x128xi32, #tpu.memory_space<vmem>>
    %dma_start3A_319 = tpu.memref_squeeze %dma_start3A_318 : memref<1x128xi32, #tpu.memory_space<vmem>> -> memref<128xi32, #tpu.memory_space<vmem>>
    %dma_start3A_320 = arith.constant 0 : i32
    %dma_start3A_321 = arith.constant 0 : i32
    %dma_start3A_322 = tpu.memref_slice %arg2[%dma_start3A_320, %dma_start3A_321] : memref<10000x64xf32, #tpu.memory_space<hbm>> -> memref<10000x64xf32, #tpu.memory_space<hbm>>
    %dma_start3A_323 = tpu.memref_slice %arg18[%dma_start3A_316] : memref<6x!tpu.dma_semaphore, #tpu.memory_space<semaphore_mem>> -> memref<1x!tpu.dma_semaphore, #tpu.memory_space<semaphore_mem>>
    %dma_start3A_324 = tpu.memref_squeeze %dma_start3A_323 : memref<1x!tpu.dma_semaphore, #tpu.memory_space<semaphore_mem>> -> memref<!tpu.dma_semaphore, #tpu.memory_space<semaphore_mem>>
    tpu.enqueue_indirect_dma source(%dma_start3A_322 : memref<10000x64xf32, #tpu.memory_space<hbm>>) target(%arg11 : memref<128x64xf32, #tpu.memory_space<vmem>>) offsets(%dma_start3A_319 : memref<128xi32, #tpu.memory_space<vmem>>) semaphore(%dma_start3A_324 : memref<!tpu.dma_semaphore, #tpu.memory_space<semaphore_mem>>)
    %scan3A_325 = arith.constant 0 : i32
    %scan3A_326 = arith.constant 11 : i32
    %scan3A_327 = arith.addi %scan3A_325, %scan3A_326 : i32
    %scan3A_328 = arith.constant 1 : i32
    scf.for %scan3A_596 = %scan3A_325 to %scan3A_327 step %scan3A_328  : i32 {
      %mul3A_597 = arith.constant 6 : i32
      %mul3A_598 = arith.muli %scan3A_596, %mul3A_597 : i32
      %add3A_599 = arith.constant 6 : i32
      %add3A_600 = arith.addi %add3A_599, %mul3A_598 : i32
      %add3A_601 = arith.constant 0 : i32
      %add3A_602 = arith.addi %add3A_600, %add3A_601 : i32
      %dma_wait3A_603 = arith.constant 0 : i32
      %dma_wait3A_604 = arith.constant 0 : i32
      %dma_wait3A_605 = tpu.memref_slice %arg5[%add3A_602, %dma_wait3A_604] : memref<78x128xi32, #tpu.memory_space<vmem>> -> memref<1x128xi32, #tpu.memory_space<vmem>>
      %dma_wait3A_606 = tpu.memref_squeeze %dma_wait3A_605 : memref<1x128xi32, #tpu.memory_space<vmem>> -> memref<128xi32, #tpu.memory_space<vmem>>
      %dma_wait3A_607 = arith.constant 0 : i32
      %dma_wait3A_608 = arith.constant 0 : i32
      %dma_wait3A_609 = tpu.memref_slice %arg2[%dma_wait3A_607, %dma_wait3A_608] : memref<10000x64xf32, #tpu.memory_space<hbm>> -> memref<10000x64xf32, #tpu.memory_space<hbm>>
      %dma_wait3A_610 = tpu.memref_slice %arg18[%dma_wait3A_603] : memref<6x!tpu.dma_semaphore, #tpu.memory_space<semaphore_mem>> -> memref<1x!tpu.dma_semaphore, #tpu.memory_space<semaphore_mem>>
      %dma_wait3A_611 = tpu.memref_squeeze %dma_wait3A_610 : memref<1x!tpu.dma_semaphore, #tpu.memory_space<semaphore_mem>> -> memref<!tpu.dma_semaphore, #tpu.memory_space<semaphore_mem>>
      tpu.wait_indirect_dma semaphore(%dma_wait3A_611 : memref<!tpu.dma_semaphore, #tpu.memory_space<semaphore_mem>>) src(%dma_wait3A_609 : memref<10000x64xf32, #tpu.memory_space<hbm>>) dst(%arg9 : memref<128x64xf32, #tpu.memory_space<vmem>>)
      %dma_start3A_612 = arith.constant 0 : i32
      %dma_start3A_613 = arith.constant 0 : i32
      %dma_start3A_614 = tpu.memref_slice %arg6[%add3A_602, %dma_start3A_613] : memref<78x128xi32, #tpu.memory_space<vmem>> -> memref<1x128xi32, #tpu.memory_space<vmem>>
      %dma_start3A_615 = tpu.memref_squeeze %dma_start3A_614 : memref<1x128xi32, #tpu.memory_space<vmem>> -> memref<128xi32, #tpu.memory_space<vmem>>
      %dma_start3A_616 = arith.constant 0 : i32
      %dma_start3A_617 = arith.constant 0 : i32
      %dma_start3A_618 = tpu.memref_slice %arg17[%dma_start3A_616, %dma_start3A_617] : memref<10240x64xf32, #tpu.memory_space<vmem_shared>> -> memref<10240x64xf32, #tpu.memory_space<vmem_shared>>
      %dma_start3A_619 = tpu.memref_slice %arg19[%dma_start3A_612] : memref<6x!tpu.dma_semaphore, #tpu.memory_space<semaphore_mem>> -> memref<1x!tpu.dma_semaphore, #tpu.memory_space<semaphore_mem>>
      %dma_start3A_620 = tpu.memref_squeeze %dma_start3A_619 : memref<1x!tpu.dma_semaphore, #tpu.memory_space<semaphore_mem>> -> memref<!tpu.dma_semaphore, #tpu.memory_space<semaphore_mem>>
      tpu.enqueue_indirect_dma source(%arg9 : memref<128x64xf32, #tpu.memory_space<vmem>>) target(%dma_start3A_618 : memref<10240x64xf32, #tpu.memory_space<vmem_shared>>) offsets(%dma_start3A_615 : memref<128xi32, #tpu.memory_space<vmem>>) semaphore(%dma_start3A_620 : memref<!tpu.dma_semaphore, #tpu.memory_space<semaphore_mem>>) {add = true}
      %sub3A = arith.constant 3 : i32
      %sub3A_621 = arith.subi %add3A_602, %sub3A : i32
      %dma_wait3A_622 = arith.constant 3 : i32
      %dma_wait3A_623 = arith.constant 0 : i32
      %dma_wait3A_624 = tpu.memref_slice %arg6[%sub3A_621, %dma_wait3A_623] : memref<78x128xi32, #tpu.memory_space<vmem>> -> memref<1x128xi32, #tpu.memory_space<vmem>>
      %dma_wait3A_625 = tpu.memref_squeeze %dma_wait3A_624 : memref<1x128xi32, #tpu.memory_space<vmem>> -> memref<128xi32, #tpu.memory_space<vmem>>
      %dma_wait3A_626 = arith.constant 0 : i32
      %dma_wait3A_627 = arith.constant 0 : i32
      %dma_wait3A_628 = tpu.memref_slice %arg17[%dma_wait3A_626, %dma_wait3A_627] : memref<10240x64xf32, #tpu.memory_space<vmem_shared>> -> memref<10240x64xf32, #tpu.memory_space<vmem_shared>>
      %dma_wait3A_629 = tpu.memref_slice %arg19[%dma_wait3A_622] : memref<6x!tpu.dma_semaphore, #tpu.memory_space<semaphore_mem>> -> memref<1x!tpu.dma_semaphore, #tpu.memory_space<semaphore_mem>>
      %dma_wait3A_630 = tpu.memref_squeeze %dma_wait3A_629 : memref<1x!tpu.dma_semaphore, #tpu.memory_space<semaphore_mem>> -> memref<!tpu.dma_semaphore, #tpu.memory_space<semaphore_mem>>
      tpu.wait_indirect_dma semaphore(%dma_wait3A_630 : memref<!tpu.dma_semaphore, #tpu.memory_space<semaphore_mem>>) src(%arg12 : memref<128x64xf32, #tpu.memory_space<vmem>>) dst(%dma_wait3A_628 : memref<10240x64xf32, #tpu.memory_space<vmem_shared>>)
      %add3A_631 = arith.constant 3 : i32
      %add3A_632 = arith.addi %add3A_602, %add3A_631 : i32
      %dma_start3A_633 = arith.constant 3 : i32
      %dma_start3A_634 = arith.constant 0 : i32
      %dma_start3A_635 = tpu.memref_slice %arg5[%add3A_632, %dma_start3A_634] : memref<78x128xi32, #tpu.memory_space<vmem>> -> memref<1x128xi32, #tpu.memory_space<vmem>>
      %dma_start3A_636 = tpu.memref_squeeze %dma_start3A_635 : memref<1x128xi32, #tpu.memory_space<vmem>> -> memref<128xi32, #tpu.memory_space<vmem>>
      %dma_start3A_637 = arith.constant 0 : i32
      %dma_start3A_638 = arith.constant 0 : i32
      %dma_start3A_639 = tpu.memref_slice %arg2[%dma_start3A_637, %dma_start3A_638] : memref<10000x64xf32, #tpu.memory_space<hbm>> -> memref<10000x64xf32, #tpu.memory_space<hbm>>
      %dma_start3A_640 = tpu.memref_slice %arg18[%dma_start3A_633] : memref<6x!tpu.dma_semaphore, #tpu.memory_space<semaphore_mem>> -> memref<1x!tpu.dma_semaphore, #tpu.memory_space<semaphore_mem>>
      %dma_start3A_641 = tpu.memref_squeeze %dma_start3A_640 : memref<1x!tpu.dma_semaphore, #tpu.memory_space<semaphore_mem>> -> memref<!tpu.dma_semaphore, #tpu.memory_space<semaphore_mem>>
      tpu.enqueue_indirect_dma source(%dma_start3A_639 : memref<10000x64xf32, #tpu.memory_space<hbm>>) target(%arg12 : memref<128x64xf32, #tpu.memory_space<vmem>>) offsets(%dma_start3A_636 : memref<128xi32, #tpu.memory_space<vmem>>) semaphore(%dma_start3A_641 : memref<!tpu.dma_semaphore, #tpu.memory_space<semaphore_mem>>)
      %add3A_642 = arith.constant 1 : i32
      %add3A_643 = arith.addi %add3A_600, %add3A_642 : i32
      %dma_wait3A_644 = arith.constant 1 : i32
      %dma_wait3A_645 = arith.constant 0 : i32
      %dma_wait3A_646 = tpu.memref_slice %arg5[%add3A_643, %dma_wait3A_645] : memref<78x128xi32, #tpu.memory_space<vmem>> -> memref<1x128xi32, #tpu.memory_space<vmem>>
      %dma_wait3A_647 = tpu.memref_squeeze %dma_wait3A_646 : memref<1x128xi32, #tpu.memory_space<vmem>> -> memref<128xi32, #tpu.memory_space<vmem>>
      %dma_wait3A_648 = arith.constant 0 : i32
      %dma_wait3A_649 = arith.constant 0 : i32
      %dma_wait3A_650 = tpu.memref_slice %arg2[%dma_wait3A_648, %dma_wait3A_649] : memref<10000x64xf32, #tpu.memory_space<hbm>> -> memref<10000x64xf32, #tpu.memory_space<hbm>>
      %dma_wait3A_651 = tpu.memref_slice %arg18[%dma_wait3A_644] : memref<6x!tpu.dma_semaphore, #tpu.memory_space<semaphore_mem>> -> memref<1x!tpu.dma_semaphore, #tpu.memory_space<semaphore_mem>>
      %dma_wait3A_652 = tpu.memref_squeeze %dma_wait3A_651 : memref<1x!tpu.dma_semaphore, #tpu.memory_space<semaphore_mem>> -> memref<!tpu.dma_semaphore, #tpu.memory_space<semaphore_mem>>
      tpu.wait_indirect_dma semaphore(%dma_wait3A_652 : memref<!tpu.dma_semaphore, #tpu.memory_space<semaphore_mem>>) src(%dma_wait3A_650 : memref<10000x64xf32, #tpu.memory_space<hbm>>) dst(%arg10 : memref<128x64xf32, #tpu.memory_space<vmem>>)
      %dma_start3A_653 = arith.constant 1 : i32
      %dma_start3A_654 = arith.constant 0 : i32
      %dma_start3A_655 = tpu.memref_slice %arg6[%add3A_643, %dma_start3A_654] : memref<78x128xi32, #tpu.memory_space<vmem>> -> memref<1x128xi32, #tpu.memory_space<vmem>>
      %dma_start3A_656 = tpu.memref_squeeze %dma_start3A_655 : memref<1x128xi32, #tpu.memory_space<vmem>> -> memref<128xi32, #tpu.memory_space<vmem>>
      %dma_start3A_657 = arith.constant 0 : i32
      %dma_start3A_658 = arith.constant 0 : i32
      %dma_start3A_659 = tpu.memref_slice %arg17[%dma_start3A_657, %dma_start3A_658] : memref<10240x64xf32, #tpu.memory_space<vmem_shared>> -> memref<10240x64xf32, #tpu.memory_space<vmem_shared>>
      %dma_start3A_660 = tpu.memref_slice %arg19[%dma_start3A_653] : memref<6x!tpu.dma_semaphore, #tpu.memory_space<semaphore_mem>> -> memref<1x!tpu.dma_semaphore, #tpu.memory_space<semaphore_mem>>
      %dma_start3A_661 = tpu.memref_squeeze %dma_start3A_660 : memref<1x!tpu.dma_semaphore, #tpu.memory_space<semaphore_mem>> -> memref<!tpu.dma_semaphore, #tpu.memory_space<semaphore_mem>>
      tpu.enqueue_indirect_dma source(%arg10 : memref<128x64xf32, #tpu.memory_space<vmem>>) target(%dma_start3A_659 : memref<10240x64xf32, #tpu.memory_space<vmem_shared>>) offsets(%dma_start3A_656 : memref<128xi32, #tpu.memory_space<vmem>>) semaphore(%dma_start3A_661 : memref<!tpu.dma_semaphore, #tpu.memory_space<semaphore_mem>>) {add = true}
      %sub3A_662 = arith.constant 3 : i32
      %sub3A_663 = arith.subi %add3A_643, %sub3A_662 : i32
      %dma_wait3A_664 = arith.constant 4 : i32
      %dma_wait3A_665 = arith.constant 0 : i32
      %dma_wait3A_666 = tpu.memref_slice %arg6[%sub3A_663, %dma_wait3A_665] : memref<78x128xi32, #tpu.memory_space<vmem>> -> memref<1x128xi32, #tpu.memory_space<vmem>>
      %dma_wait3A_667 = tpu.memref_squeeze %dma_wait3A_666 : memref<1x128xi32, #tpu.memory_space<vmem>> -> memref<128xi32, #tpu.memory_space<vmem>>
      %dma_wait3A_668 = arith.constant 0 : i32
      %dma_wait3A_669 = arith.constant 0 : i32
      %dma_wait3A_670 = tpu.memref_slice %arg17[%dma_wait3A_668, %dma_wait3A_669] : memref<10240x64xf32, #tpu.memory_space<vmem_shared>> -> memref<10240x64xf32, #tpu.memory_space<vmem_shared>>
      %dma_wait3A_671 = tpu.memref_slice %arg19[%dma_wait3A_664] : memref<6x!tpu.dma_semaphore, #tpu.memory_space<semaphore_mem>> -> memref<1x!tpu.dma_semaphore, #tpu.memory_space<semaphore_mem>>
      %dma_wait3A_672 = tpu.memref_squeeze %dma_wait3A_671 : memref<1x!tpu.dma_semaphore, #tpu.memory_space<semaphore_mem>> -> memref<!tpu.dma_semaphore, #tpu.memory_space<semaphore_mem>>
      tpu.wait_indirect_dma semaphore(%dma_wait3A_672 : memref<!tpu.dma_semaphore, #tpu.memory_space<semaphore_mem>>) src(%arg13 : memref<128x64xf32, #tpu.memory_space<vmem>>) dst(%dma_wait3A_670 : memref<10240x64xf32, #tpu.memory_space<vmem_shared>>)
      %add3A_673 = arith.constant 3 : i32
      %add3A_674 = arith.addi %add3A_643, %add3A_673 : i32
      %dma_start3A_675 = arith.constant 4 : i32
      %dma_start3A_676 = arith.constant 0 : i32
      %dma_start3A_677 = tpu.memref_slice %arg5[%add3A_674, %dma_start3A_676] : memref<78x128xi32, #tpu.memory_space<vmem>> -> memref<1x128xi32, #tpu.memory_space<vmem>>
      %dma_start3A_678 = tpu.memref_squeeze %dma_start3A_677 : memref<1x128xi32, #tpu.memory_space<vmem>> -> memref<128xi32, #tpu.memory_space<vmem>>
      %dma_start3A_679 = arith.constant 0 : i32
      %dma_start3A_680 = arith.constant 0 : i32
      %dma_start3A_681 = tpu.memref_slice %arg2[%dma_start3A_679, %dma_start3A_680] : memref<10000x64xf32, #tpu.memory_space<hbm>> -> memref<10000x64xf32, #tpu.memory_space<hbm>>
      %dma_start3A_682 = tpu.memref_slice %arg18[%dma_start3A_675] : memref<6x!tpu.dma_semaphore, #tpu.memory_space<semaphore_mem>> -> memref<1x!tpu.dma_semaphore, #tpu.memory_space<semaphore_mem>>
      %dma_start3A_683 = tpu.memref_squeeze %dma_start3A_682 : memref<1x!tpu.dma_semaphore, #tpu.memory_space<semaphore_mem>> -> memref<!tpu.dma_semaphore, #tpu.memory_space<semaphore_mem>>
      tpu.enqueue_indirect_dma source(%dma_start3A_681 : memref<10000x64xf32, #tpu.memory_space<hbm>>) target(%arg13 : memref<128x64xf32, #tpu.memory_space<vmem>>) offsets(%dma_start3A_678 : memref<128xi32, #tpu.memory_space<vmem>>) semaphore(%dma_start3A_683 : memref<!tpu.dma_semaphore, #tpu.memory_space<semaphore_mem>>)
      %add3A_684 = arith.constant 2 : i32
      %add3A_685 = arith.addi %add3A_600, %add3A_684 : i32
      %dma_wait3A_686 = arith.constant 2 : i32
      %dma_wait3A_687 = arith.constant 0 : i32
      %dma_wait3A_688 = tpu.memref_slice %arg5[%add3A_685, %dma_wait3A_687] : memref<78x128xi32, #tpu.memory_space<vmem>> -> memref<1x128xi32, #tpu.memory_space<vmem>>
      %dma_wait3A_689 = tpu.memref_squeeze %dma_wait3A_688 : memref<1x128xi32, #tpu.memory_space<vmem>> -> memref<128xi32, #tpu.memory_space<vmem>>
      %dma_wait3A_690 = arith.constant 0 : i32
      %dma_wait3A_691 = arith.constant 0 : i32
      %dma_wait3A_692 = tpu.memref_slice %arg2[%dma_wait3A_690, %dma_wait3A_691] : memref<10000x64xf32, #tpu.memory_space<hbm>> -> memref<10000x64xf32, #tpu.memory_space<hbm>>
      %dma_wait3A_693 = tpu.memref_slice %arg18[%dma_wait3A_686] : memref<6x!tpu.dma_semaphore, #tpu.memory_space<semaphore_mem>> -> memref<1x!tpu.dma_semaphore, #tpu.memory_space<semaphore_mem>>
      %dma_wait3A_694 = tpu.memref_squeeze %dma_wait3A_693 : memref<1x!tpu.dma_semaphore, #tpu.memory_space<semaphore_mem>> -> memref<!tpu.dma_semaphore, #tpu.memory_space<semaphore_mem>>
      tpu.wait_indirect_dma semaphore(%dma_wait3A_694 : memref<!tpu.dma_semaphore, #tpu.memory_space<semaphore_mem>>) src(%dma_wait3A_692 : memref<10000x64xf32, #tpu.memory_space<hbm>>) dst(%arg11 : memref<128x64xf32, #tpu.memory_space<vmem>>)
      %dma_start3A_695 = arith.constant 2 : i32
      %dma_start3A_696 = arith.constant 0 : i32
      %dma_start3A_697 = tpu.memref_slice %arg6[%add3A_685, %dma_start3A_696] : memref<78x128xi32, #tpu.memory_space<vmem>> -> memref<1x128xi32, #tpu.memory_space<vmem>>
      %dma_start3A_698 = tpu.memref_squeeze %dma_start3A_697 : memref<1x128xi32, #tpu.memory_space<vmem>> -> memref<128xi32, #tpu.memory_space<vmem>>
      %dma_start3A_699 = arith.constant 0 : i32
      %dma_start3A_700 = arith.constant 0 : i32
      %dma_start3A_701 = tpu.memref_slice %arg17[%dma_start3A_699, %dma_start3A_700] : memref<10240x64xf32, #tpu.memory_space<vmem_shared>> -> memref<10240x64xf32, #tpu.memory_space<vmem_shared>>
      %dma_start3A_702 = tpu.memref_slice %arg19[%dma_start3A_695] : memref<6x!tpu.dma_semaphore, #tpu.memory_space<semaphore_mem>> -> memref<1x!tpu.dma_semaphore, #tpu.memory_space<semaphore_mem>>
      %dma_start3A_703 = tpu.memref_squeeze %dma_start3A_702 : memref<1x!tpu.dma_semaphore, #tpu.memory_space<semaphore_mem>> -> memref<!tpu.dma_semaphore, #tpu.memory_space<semaphore_mem>>
      tpu.enqueue_indirect_dma source(%arg11 : memref<128x64xf32, #tpu.memory_space<vmem>>) target(%dma_start3A_701 : memref<10240x64xf32, #tpu.memory_space<vmem_shared>>) offsets(%dma_start3A_698 : memref<128xi32, #tpu.memory_space<vmem>>) semaphore(%dma_start3A_703 : memref<!tpu.dma_semaphore, #tpu.memory_space<semaphore_mem>>) {add = true}
      %sub3A_704 = arith.constant 3 : i32
      %sub3A_705 = arith.subi %add3A_685, %sub3A_704 : i32
      %dma_wait3A_706 = arith.constant 5 : i32
      %dma_wait3A_707 = arith.constant 0 : i32
      %dma_wait3A_708 = tpu.memref_slice %arg6[%sub3A_705, %dma_wait3A_707] : memref<78x128xi32, #tpu.memory_space<vmem>> -> memref<1x128xi32, #tpu.memory_space<vmem>>
      %dma_wait3A_709 = tpu.memref_squeeze %dma_wait3A_708 : memref<1x128xi32, #tpu.memory_space<vmem>> -> memref<128xi32, #tpu.memory_space<vmem>>
      %dma_wait3A_710 = arith.constant 0 : i32
      %dma_wait3A_711 = arith.constant 0 : i32
      %dma_wait3A_712 = tpu.memref_slice %arg17[%dma_wait3A_710, %dma_wait3A_711] : memref<10240x64xf32, #tpu.memory_space<vmem_shared>> -> memref<10240x64xf32, #tpu.memory_space<vmem_shared>>
      %dma_wait3A_713 = tpu.memref_slice %arg19[%dma_wait3A_706] : memref<6x!tpu.dma_semaphore, #tpu.memory_space<semaphore_mem>> -> memref<1x!tpu.dma_semaphore, #tpu.memory_space<semaphore_mem>>
      %dma_wait3A_714 = tpu.memref_squeeze %dma_wait3A_713 : memref<1x!tpu.dma_semaphore, #tpu.memory_space<semaphore_mem>> -> memref<!tpu.dma_semaphore, #tpu.memory_space<semaphore_mem>>
      tpu.wait_indirect_dma semaphore(%dma_wait3A_714 : memref<!tpu.dma_semaphore, #tpu.memory_space<semaphore_mem>>) src(%arg14 : memref<128x64xf32, #tpu.memory_space<vmem>>) dst(%dma_wait3A_712 : memref<10240x64xf32, #tpu.memory_space<vmem_shared>>)
      %add3A_715 = arith.constant 3 : i32
      %add3A_716 = arith.addi %add3A_685, %add3A_715 : i32
      %dma_start3A_717 = arith.constant 5 : i32
      %dma_start3A_718 = arith.constant 0 : i32
      %dma_start3A_719 = tpu.memref_slice %arg5[%add3A_716, %dma_start3A_718] : memref<78x128xi32, #tpu.memory_space<vmem>> -> memref<1x128xi32, #tpu.memory_space<vmem>>
      %dma_start3A_720 = tpu.memref_squeeze %dma_start3A_719 : memref<1x128xi32, #tpu.memory_space<vmem>> -> memref<128xi32, #tpu.memory_space<vmem>>
      %dma_start3A_721 = arith.constant 0 : i32
      %dma_start3A_722 = arith.constant 0 : i32
      %dma_start3A_723 = tpu.memref_slice %arg2[%dma_start3A_721, %dma_start3A_722] : memref<10000x64xf32, #tpu.memory_space<hbm>> -> memref<10000x64xf32, #tpu.memory_space<hbm>>
      %dma_start3A_724 = tpu.memref_slice %arg18[%dma_start3A_717] : memref<6x!tpu.dma_semaphore, #tpu.memory_space<semaphore_mem>> -> memref<1x!tpu.dma_semaphore, #tpu.memory_space<semaphore_mem>>
      %dma_start3A_725 = tpu.memref_squeeze %dma_start3A_724 : memref<1x!tpu.dma_semaphore, #tpu.memory_space<semaphore_mem>> -> memref<!tpu.dma_semaphore, #tpu.memory_space<semaphore_mem>>
      tpu.enqueue_indirect_dma source(%dma_start3A_723 : memref<10000x64xf32, #tpu.memory_space<hbm>>) target(%arg14 : memref<128x64xf32, #tpu.memory_space<vmem>>) offsets(%dma_start3A_720 : memref<128xi32, #tpu.memory_space<vmem>>) semaphore(%dma_start3A_725 : memref<!tpu.dma_semaphore, #tpu.memory_space<semaphore_mem>>)
      %add3A_726 = arith.constant 3 : i32
      %add3A_727 = arith.addi %add3A_600, %add3A_726 : i32
      %dma_wait3A_728 = arith.constant 3 : i32
      %dma_wait3A_729 = arith.constant 0 : i32
      %dma_wait3A_730 = tpu.memref_slice %arg5[%add3A_727, %dma_wait3A_729] : memref<78x128xi32, #tpu.memory_space<vmem>> -> memref<1x128xi32, #tpu.memory_space<vmem>>
      %dma_wait3A_731 = tpu.memref_squeeze %dma_wait3A_730 : memref<1x128xi32, #tpu.memory_space<vmem>> -> memref<128xi32, #tpu.memory_space<vmem>>
      %dma_wait3A_732 = arith.constant 0 : i32
      %dma_wait3A_733 = arith.constant 0 : i32
      %dma_wait3A_734 = tpu.memref_slice %arg2[%dma_wait3A_732, %dma_wait3A_733] : memref<10000x64xf32, #tpu.memory_space<hbm>> -> memref<10000x64xf32, #tpu.memory_space<hbm>>
      %dma_wait3A_735 = tpu.memref_slice %arg18[%dma_wait3A_728] : memref<6x!tpu.dma_semaphore, #tpu.memory_space<semaphore_mem>> -> memref<1x!tpu.dma_semaphore, #tpu.memory_space<semaphore_mem>>
      %dma_wait3A_736 = tpu.memref_squeeze %dma_wait3A_735 : memref<1x!tpu.dma_semaphore, #tpu.memory_space<semaphore_mem>> -> memref<!tpu.dma_semaphore, #tpu.memory_space<semaphore_mem>>
      tpu.wait_indirect_dma semaphore(%dma_wait3A_736 : memref<!tpu.dma_semaphore, #tpu.memory_space<semaphore_mem>>) src(%dma_wait3A_734 : memref<10000x64xf32, #tpu.memory_space<hbm>>) dst(%arg12 : memref<128x64xf32, #tpu.memory_space<vmem>>)
      %dma_start3A_737 = arith.constant 3 : i32
      %dma_start3A_738 = arith.constant 0 : i32
      %dma_start3A_739 = tpu.memref_slice %arg6[%add3A_727, %dma_start3A_738] : memref<78x128xi32, #tpu.memory_space<vmem>> -> memref<1x128xi32, #tpu.memory_space<vmem>>
      %dma_start3A_740 = tpu.memref_squeeze %dma_start3A_739 : memref<1x128xi32, #tpu.memory_space<vmem>> -> memref<128xi32, #tpu.memory_space<vmem>>
      %dma_start3A_741 = arith.constant 0 : i32
      %dma_start3A_742 = arith.constant 0 : i32
      %dma_start3A_743 = tpu.memref_slice %arg17[%dma_start3A_741, %dma_start3A_742] : memref<10240x64xf32, #tpu.memory_space<vmem_shared>> -> memref<10240x64xf32, #tpu.memory_space<vmem_shared>>
      %dma_start3A_744 = tpu.memref_slice %arg19[%dma_start3A_737] : memref<6x!tpu.dma_semaphore, #tpu.memory_space<semaphore_mem>> -> memref<1x!tpu.dma_semaphore, #tpu.memory_space<semaphore_mem>>
      %dma_start3A_745 = tpu.memref_squeeze %dma_start3A_744 : memref<1x!tpu.dma_semaphore, #tpu.memory_space<semaphore_mem>> -> memref<!tpu.dma_semaphore, #tpu.memory_space<semaphore_mem>>
      tpu.enqueue_indirect_dma source(%arg12 : memref<128x64xf32, #tpu.memory_space<vmem>>) target(%dma_start3A_743 : memref<10240x64xf32, #tpu.memory_space<vmem_shared>>) offsets(%dma_start3A_740 : memref<128xi32, #tpu.memory_space<vmem>>) semaphore(%dma_start3A_745 : memref<!tpu.dma_semaphore, #tpu.memory_space<semaphore_mem>>) {add = true}
      %sub3A_746 = arith.constant 3 : i32
      %sub3A_747 = arith.subi %add3A_727, %sub3A_746 : i32
      %dma_wait3A_748 = arith.constant 0 : i32
      %dma_wait3A_749 = arith.constant 0 : i32
      %dma_wait3A_750 = tpu.memref_slice %arg6[%sub3A_747, %dma_wait3A_749] : memref<78x128xi32, #tpu.memory_space<vmem>> -> memref<1x128xi32, #tpu.memory_space<vmem>>
      %dma_wait3A_751 = tpu.memref_squeeze %dma_wait3A_750 : memref<1x128xi32, #tpu.memory_space<vmem>> -> memref<128xi32, #tpu.memory_space<vmem>>
      %dma_wait3A_752 = arith.constant 0 : i32
      %dma_wait3A_753 = arith.constant 0 : i32
      %dma_wait3A_754 = tpu.memref_slice %arg17[%dma_wait3A_752, %dma_wait3A_753] : memref<10240x64xf32, #tpu.memory_space<vmem_shared>> -> memref<10240x64xf32, #tpu.memory_space<vmem_shared>>
      %dma_wait3A_755 = tpu.memref_slice %arg19[%dma_wait3A_748] : memref<6x!tpu.dma_semaphore, #tpu.memory_space<semaphore_mem>> -> memref<1x!tpu.dma_semaphore, #tpu.memory_space<semaphore_mem>>
      %dma_wait3A_756 = tpu.memref_squeeze %dma_wait3A_755 : memref<1x!tpu.dma_semaphore, #tpu.memory_space<semaphore_mem>> -> memref<!tpu.dma_semaphore, #tpu.memory_space<semaphore_mem>>
      tpu.wait_indirect_dma semaphore(%dma_wait3A_756 : memref<!tpu.dma_semaphore, #tpu.memory_space<semaphore_mem>>) src(%arg9 : memref<128x64xf32, #tpu.memory_space<vmem>>) dst(%dma_wait3A_754 : memref<10240x64xf32, #tpu.memory_space<vmem_shared>>)
      %add3A_757 = arith.constant 3 : i32
      %add3A_758 = arith.addi %add3A_727, %add3A_757 : i32
      %dma_start3A_759 = arith.constant 0 : i32
      %dma_start3A_760 = arith.constant 0 : i32
      %dma_start3A_761 = tpu.memref_slice %arg5[%add3A_758, %dma_start3A_760] : memref<78x128xi32, #tpu.memory_space<vmem>> -> memref<1x128xi32, #tpu.memory_space<vmem>>
      %dma_start3A_762 = tpu.memref_squeeze %dma_start3A_761 : memref<1x128xi32, #tpu.memory_space<vmem>> -> memref<128xi32, #tpu.memory_space<vmem>>
      %dma_start3A_763 = arith.constant 0 : i32
      %dma_start3A_764 = arith.constant 0 : i32
      %dma_start3A_765 = tpu.memref_slice %arg2[%dma_start3A_763, %dma_start3A_764] : memref<10000x64xf32, #tpu.memory_space<hbm>> -> memref<10000x64xf32, #tpu.memory_space<hbm>>
      %dma_start3A_766 = tpu.memref_slice %arg18[%dma_start3A_759] : memref<6x!tpu.dma_semaphore, #tpu.memory_space<semaphore_mem>> -> memref<1x!tpu.dma_semaphore, #tpu.memory_space<semaphore_mem>>
      %dma_start3A_767 = tpu.memref_squeeze %dma_start3A_766 : memref<1x!tpu.dma_semaphore, #tpu.memory_space<semaphore_mem>> -> memref<!tpu.dma_semaphore, #tpu.memory_space<semaphore_mem>>
      tpu.enqueue_indirect_dma source(%dma_start3A_765 : memref<10000x64xf32, #tpu.memory_space<hbm>>) target(%arg9 : memref<128x64xf32, #tpu.memory_space<vmem>>) offsets(%dma_start3A_762 : memref<128xi32, #tpu.memory_space<vmem>>) semaphore(%dma_start3A_767 : memref<!tpu.dma_semaphore, #tpu.memory_space<semaphore_mem>>)
      %add3A_768 = arith.constant 4 : i32
      %add3A_769 = arith.addi %add3A_600, %add3A_768 : i32
      %dma_wait3A_770 = arith.constant 4 : i32
      %dma_wait3A_771 = arith.constant 0 : i32
      %dma_wait3A_772 = tpu.memref_slice %arg5[%add3A_769, %dma_wait3A_771] : memref<78x128xi32, #tpu.memory_space<vmem>> -> memref<1x128xi32, #tpu.memory_space<vmem>>
      %dma_wait3A_773 = tpu.memref_squeeze %dma_wait3A_772 : memref<1x128xi32, #tpu.memory_space<vmem>> -> memref<128xi32, #tpu.memory_space<vmem>>
      %dma_wait3A_774 = arith.constant 0 : i32
      %dma_wait3A_775 = arith.constant 0 : i32
      %dma_wait3A_776 = tpu.memref_slice %arg2[%dma_wait3A_774, %dma_wait3A_775] : memref<10000x64xf32, #tpu.memory_space<hbm>> -> memref<10000x64xf32, #tpu.memory_space<hbm>>
      %dma_wait3A_777 = tpu.memref_slice %arg18[%dma_wait3A_770] : memref<6x!tpu.dma_semaphore, #tpu.memory_space<semaphore_mem>> -> memref<1x!tpu.dma_semaphore, #tpu.memory_space<semaphore_mem>>
      %dma_wait3A_778 = tpu.memref_squeeze %dma_wait3A_777 : memref<1x!tpu.dma_semaphore, #tpu.memory_space<semaphore_mem>> -> memref<!tpu.dma_semaphore, #tpu.memory_space<semaphore_mem>>
      tpu.wait_indirect_dma semaphore(%dma_wait3A_778 : memref<!tpu.dma_semaphore, #tpu.memory_space<semaphore_mem>>) src(%dma_wait3A_776 : memref<10000x64xf32, #tpu.memory_space<hbm>>) dst(%arg13 : memref<128x64xf32, #tpu.memory_space<vmem>>)
      %dma_start3A_779 = arith.constant 4 : i32
      %dma_start3A_780 = arith.constant 0 : i32
      %dma_start3A_781 = tpu.memref_slice %arg6[%add3A_769, %dma_start3A_780] : memref<78x128xi32, #tpu.memory_space<vmem>> -> memref<1x128xi32, #tpu.memory_space<vmem>>
      %dma_start3A_782 = tpu.memref_squeeze %dma_start3A_781 : memref<1x128xi32, #tpu.memory_space<vmem>> -> memref<128xi32, #tpu.memory_space<vmem>>
      %dma_start3A_783 = arith.constant 0 : i32
      %dma_start3A_784 = arith.constant 0 : i32
      %dma_start3A_785 = tpu.memref_slice %arg17[%dma_start3A_783, %dma_start3A_784] : memref<10240x64xf32, #tpu.memory_space<vmem_shared>> -> memref<10240x64xf32, #tpu.memory_space<vmem_shared>>
      %dma_start3A_786 = tpu.memref_slice %arg19[%dma_start3A_779] : memref<6x!tpu.dma_semaphore, #tpu.memory_space<semaphore_mem>> -> memref<1x!tpu.dma_semaphore, #tpu.memory_space<semaphore_mem>>
      %dma_start3A_787 = tpu.memref_squeeze %dma_start3A_786 : memref<1x!tpu.dma_semaphore, #tpu.memory_space<semaphore_mem>> -> memref<!tpu.dma_semaphore, #tpu.memory_space<semaphore_mem>>
      tpu.enqueue_indirect_dma source(%arg13 : memref<128x64xf32, #tpu.memory_space<vmem>>) target(%dma_start3A_785 : memref<10240x64xf32, #tpu.memory_space<vmem_shared>>) offsets(%dma_start3A_782 : memref<128xi32, #tpu.memory_space<vmem>>) semaphore(%dma_start3A_787 : memref<!tpu.dma_semaphore, #tpu.memory_space<semaphore_mem>>) {add = true}
      %sub3A_788 = arith.constant 3 : i32
      %sub3A_789 = arith.subi %add3A_769, %sub3A_788 : i32
      %dma_wait3A_790 = arith.constant 1 : i32
      %dma_wait3A_791 = arith.constant 0 : i32
      %dma_wait3A_792 = tpu.memref_slice %arg6[%sub3A_789, %dma_wait3A_791] : memref<78x128xi32, #tpu.memory_space<vmem>> -> memref<1x128xi32, #tpu.memory_space<vmem>>
      %dma_wait3A_793 = tpu.memref_squeeze %dma_wait3A_792 : memref<1x128xi32, #tpu.memory_space<vmem>> -> memref<128xi32, #tpu.memory_space<vmem>>
      %dma_wait3A_794 = arith.constant 0 : i32
      %dma_wait3A_795 = arith.constant 0 : i32
      %dma_wait3A_796 = tpu.memref_slice %arg17[%dma_wait3A_794, %dma_wait3A_795] : memref<10240x64xf32, #tpu.memory_space<vmem_shared>> -> memref<10240x64xf32, #tpu.memory_space<vmem_shared>>
      %dma_wait3A_797 = tpu.memref_slice %arg19[%dma_wait3A_790] : memref<6x!tpu.dma_semaphore, #tpu.memory_space<semaphore_mem>> -> memref<1x!tpu.dma_semaphore, #tpu.memory_space<semaphore_mem>>
      %dma_wait3A_798 = tpu.memref_squeeze %dma_wait3A_797 : memref<1x!tpu.dma_semaphore, #tpu.memory_space<semaphore_mem>> -> memref<!tpu.dma_semaphore, #tpu.memory_space<semaphore_mem>>
      tpu.wait_indirect_dma semaphore(%dma_wait3A_798 : memref<!tpu.dma_semaphore, #tpu.memory_space<semaphore_mem>>) src(%arg10 : memref<128x64xf32, #tpu.memory_space<vmem>>) dst(%dma_wait3A_796 : memref<10240x64xf32, #tpu.memory_space<vmem_shared>>)
      %add3A_799 = arith.constant 3 : i32
      %add3A_800 = arith.addi %add3A_769, %add3A_799 : i32
      %dma_start3A_801 = arith.constant 1 : i32
      %dma_start3A_802 = arith.constant 0 : i32
      %dma_start3A_803 = tpu.memref_slice %arg5[%add3A_800, %dma_start3A_802] : memref<78x128xi32, #tpu.memory_space<vmem>> -> memref<1x128xi32, #tpu.memory_space<vmem>>
      %dma_start3A_804 = tpu.memref_squeeze %dma_start3A_803 : memref<1x128xi32, #tpu.memory_space<vmem>> -> memref<128xi32, #tpu.memory_space<vmem>>
      %dma_start3A_805 = arith.constant 0 : i32
      %dma_start3A_806 = arith.constant 0 : i32
      %dma_start3A_807 = tpu.memref_slice %arg2[%dma_start3A_805, %dma_start3A_806] : memref<10000x64xf32, #tpu.memory_space<hbm>> -> memref<10000x64xf32, #tpu.memory_space<hbm>>
      %dma_start3A_808 = tpu.memref_slice %arg18[%dma_start3A_801] : memref<6x!tpu.dma_semaphore, #tpu.memory_space<semaphore_mem>> -> memref<1x!tpu.dma_semaphore, #tpu.memory_space<semaphore_mem>>
      %dma_start3A_809 = tpu.memref_squeeze %dma_start3A_808 : memref<1x!tpu.dma_semaphore, #tpu.memory_space<semaphore_mem>> -> memref<!tpu.dma_semaphore, #tpu.memory_space<semaphore_mem>>
      tpu.enqueue_indirect_dma source(%dma_start3A_807 : memref<10000x64xf32, #tpu.memory_space<hbm>>) target(%arg10 : memref<128x64xf32, #tpu.memory_space<vmem>>) offsets(%dma_start3A_804 : memref<128xi32, #tpu.memory_space<vmem>>) semaphore(%dma_start3A_809 : memref<!tpu.dma_semaphore, #tpu.memory_space<semaphore_mem>>)
      %add3A_810 = arith.constant 5 : i32
      %add3A_811 = arith.addi %add3A_600, %add3A_810 : i32
      %dma_wait3A_812 = arith.constant 5 : i32
      %dma_wait3A_813 = arith.constant 0 : i32
      %dma_wait3A_814 = tpu.memref_slice %arg5[%add3A_811, %dma_wait3A_813] : memref<78x128xi32, #tpu.memory_space<vmem>> -> memref<1x128xi32, #tpu.memory_space<vmem>>
      %dma_wait3A_815 = tpu.memref_squeeze %dma_wait3A_814 : memref<1x128xi32, #tpu.memory_space<vmem>> -> memref<128xi32, #tpu.memory_space<vmem>>
      %dma_wait3A_816 = arith.constant 0 : i32
      %dma_wait3A_817 = arith.constant 0 : i32
      %dma_wait3A_818 = tpu.memref_slice %arg2[%dma_wait3A_816, %dma_wait3A_817] : memref<10000x64xf32, #tpu.memory_space<hbm>> -> memref<10000x64xf32, #tpu.memory_space<hbm>>
      %dma_wait3A_819 = tpu.memref_slice %arg18[%dma_wait3A_812] : memref<6x!tpu.dma_semaphore, #tpu.memory_space<semaphore_mem>> -> memref<1x!tpu.dma_semaphore, #tpu.memory_space<semaphore_mem>>
      %dma_wait3A_820 = tpu.memref_squeeze %dma_wait3A_819 : memref<1x!tpu.dma_semaphore, #tpu.memory_space<semaphore_mem>> -> memref<!tpu.dma_semaphore, #tpu.memory_space<semaphore_mem>>
      tpu.wait_indirect_dma semaphore(%dma_wait3A_820 : memref<!tpu.dma_semaphore, #tpu.memory_space<semaphore_mem>>) src(%dma_wait3A_818 : memref<10000x64xf32, #tpu.memory_space<hbm>>) dst(%arg14 : memref<128x64xf32, #tpu.memory_space<vmem>>)
      %dma_start3A_821 = arith.constant 5 : i32
      %dma_start3A_822 = arith.constant 0 : i32
      %dma_start3A_823 = tpu.memref_slice %arg6[%add3A_811, %dma_start3A_822] : memref<78x128xi32, #tpu.memory_space<vmem>> -> memref<1x128xi32, #tpu.memory_space<vmem>>
      %dma_start3A_824 = tpu.memref_squeeze %dma_start3A_823 : memref<1x128xi32, #tpu.memory_space<vmem>> -> memref<128xi32, #tpu.memory_space<vmem>>
      %dma_start3A_825 = arith.constant 0 : i32
      %dma_start3A_826 = arith.constant 0 : i32
      %dma_start3A_827 = tpu.memref_slice %arg17[%dma_start3A_825, %dma_start3A_826] : memref<10240x64xf32, #tpu.memory_space<vmem_shared>> -> memref<10240x64xf32, #tpu.memory_space<vmem_shared>>
      %dma_start3A_828 = tpu.memref_slice %arg19[%dma_start3A_821] : memref<6x!tpu.dma_semaphore, #tpu.memory_space<semaphore_mem>> -> memref<1x!tpu.dma_semaphore, #tpu.memory_space<semaphore_mem>>
      %dma_start3A_829 = tpu.memref_squeeze %dma_start3A_828 : memref<1x!tpu.dma_semaphore, #tpu.memory_space<semaphore_mem>> -> memref<!tpu.dma_semaphore, #tpu.memory_space<semaphore_mem>>
      tpu.enqueue_indirect_dma source(%arg14 : memref<128x64xf32, #tpu.memory_space<vmem>>) target(%dma_start3A_827 : memref<10240x64xf32, #tpu.memory_space<vmem_shared>>) offsets(%dma_start3A_824 : memref<128xi32, #tpu.memory_space<vmem>>) semaphore(%dma_start3A_829 : memref<!tpu.dma_semaphore, #tpu.memory_space<semaphore_mem>>) {add = true}
      %sub3A_830 = arith.constant 3 : i32
      %sub3A_831 = arith.subi %add3A_811, %sub3A_830 : i32
      %dma_wait3A_832 = arith.constant 2 : i32
      %dma_wait3A_833 = arith.constant 0 : i32
      %dma_wait3A_834 = tpu.memref_slice %arg6[%sub3A_831, %dma_wait3A_833] : memref<78x128xi32, #tpu.memory_space<vmem>> -> memref<1x128xi32, #tpu.memory_space<vmem>>
      %dma_wait3A_835 = tpu.memref_squeeze %dma_wait3A_834 : memref<1x128xi32, #tpu.memory_space<vmem>> -> memref<128xi32, #tpu.memory_space<vmem>>
      %dma_wait3A_836 = arith.constant 0 : i32
      %dma_wait3A_837 = arith.constant 0 : i32
      %dma_wait3A_838 = tpu.memref_slice %arg17[%dma_wait3A_836, %dma_wait3A_837] : memref<10240x64xf32, #tpu.memory_space<vmem_shared>> -> memref<10240x64xf32, #tpu.memory_space<vmem_shared>>
      %dma_wait3A_839 = tpu.memref_slice %arg19[%dma_wait3A_832] : memref<6x!tpu.dma_semaphore, #tpu.memory_space<semaphore_mem>> -> memref<1x!tpu.dma_semaphore, #tpu.memory_space<semaphore_mem>>
      %dma_wait3A_840 = tpu.memref_squeeze %dma_wait3A_839 : memref<1x!tpu.dma_semaphore, #tpu.memory_space<semaphore_mem>> -> memref<!tpu.dma_semaphore, #tpu.memory_space<semaphore_mem>>
      tpu.wait_indirect_dma semaphore(%dma_wait3A_840 : memref<!tpu.dma_semaphore, #tpu.memory_space<semaphore_mem>>) src(%arg11 : memref<128x64xf32, #tpu.memory_space<vmem>>) dst(%dma_wait3A_838 : memref<10240x64xf32, #tpu.memory_space<vmem_shared>>)
      %add3A_841 = arith.constant 3 : i32
      %add3A_842 = arith.addi %add3A_811, %add3A_841 : i32
      %dma_start3A_843 = arith.constant 2 : i32
      %dma_start3A_844 = arith.constant 0 : i32
      %dma_start3A_845 = tpu.memref_slice %arg5[%add3A_842, %dma_start3A_844] : memref<78x128xi32, #tpu.memory_space<vmem>> -> memref<1x128xi32, #tpu.memory_space<vmem>>
      %dma_start3A_846 = tpu.memref_squeeze %dma_start3A_845 : memref<1x128xi32, #tpu.memory_space<vmem>> -> memref<128xi32, #tpu.memory_space<vmem>>
      %dma_start3A_847 = arith.constant 0 : i32
      %dma_start3A_848 = arith.constant 0 : i32
      %dma_start3A_849 = tpu.memref_slice %arg2[%dma_start3A_847, %dma_start3A_848] : memref<10000x64xf32, #tpu.memory_space<hbm>> -> memref<10000x64xf32, #tpu.memory_space<hbm>>
      %dma_start3A_850 = tpu.memref_slice %arg18[%dma_start3A_843] : memref<6x!tpu.dma_semaphore, #tpu.memory_space<semaphore_mem>> -> memref<1x!tpu.dma_semaphore, #tpu.memory_space<semaphore_mem>>
      %dma_start3A_851 = tpu.memref_squeeze %dma_start3A_850 : memref<1x!tpu.dma_semaphore, #tpu.memory_space<semaphore_mem>> -> memref<!tpu.dma_semaphore, #tpu.memory_space<semaphore_mem>>
      tpu.enqueue_indirect_dma source(%dma_start3A_849 : memref<10000x64xf32, #tpu.memory_space<hbm>>) target(%arg11 : memref<128x64xf32, #tpu.memory_space<vmem>>) offsets(%dma_start3A_846 : memref<128xi32, #tpu.memory_space<vmem>>) semaphore(%dma_start3A_851 : memref<!tpu.dma_semaphore, #tpu.memory_space<semaphore_mem>>)
    }
    %scan3A_329 = arith.constant 11 : i32
    %dma_wait3A_330 = arith.constant 72 : i32
    %dma_wait3A_331 = arith.constant 0 : i32
    %dma_wait3A_332 = arith.constant 0 : i32
    %dma_wait3A_333 = tpu.memref_slice %arg5[%dma_wait3A_330, %dma_wait3A_332] : memref<78x128xi32, #tpu.memory_space<vmem>> -> memref<1x128xi32, #tpu.memory_space<vmem>>
    %dma_wait3A_334 = tpu.memref_squeeze %dma_wait3A_333 : memref<1x128xi32, #tpu.memory_space<vmem>> -> memref<128xi32, #tpu.memory_space<vmem>>
    %dma_wait3A_335 = arith.constant 0 : i32
    %dma_wait3A_336 = arith.constant 0 : i32
    %dma_wait3A_337 = tpu.memref_slice %arg2[%dma_wait3A_335, %dma_wait3A_336] : memref<10000x64xf32, #tpu.memory_space<hbm>> -> memref<10000x64xf32, #tpu.memory_space<hbm>>
    %dma_wait3A_338 = tpu.memref_slice %arg18[%dma_wait3A_331] : memref<6x!tpu.dma_semaphore, #tpu.memory_space<semaphore_mem>> -> memref<1x!tpu.dma_semaphore, #tpu.memory_space<semaphore_mem>>
    %dma_wait3A_339 = tpu.memref_squeeze %dma_wait3A_338 : memref<1x!tpu.dma_semaphore, #tpu.memory_space<semaphore_mem>> -> memref<!tpu.dma_semaphore, #tpu.memory_space<semaphore_mem>>
    tpu.wait_indirect_dma semaphore(%dma_wait3A_339 : memref<!tpu.dma_semaphore, #tpu.memory_space<semaphore_mem>>) src(%dma_wait3A_337 : memref<10000x64xf32, #tpu.memory_space<hbm>>) dst(%arg9 : memref<128x64xf32, #tpu.memory_space<vmem>>)
    %dma_start3A_340 = arith.constant 72 : i32
    %dma_start3A_341 = arith.constant 0 : i32
    %dma_start3A_342 = arith.constant 0 : i32
    %dma_start3A_343 = tpu.memref_slice %arg6[%dma_start3A_340, %dma_start3A_342] : memref<78x128xi32, #tpu.memory_space<vmem>> -> memref<1x128xi32, #tpu.memory_space<vmem>>
    %dma_start3A_344 = tpu.memref_squeeze %dma_start3A_343 : memref<1x128xi32, #tpu.memory_space<vmem>> -> memref<128xi32, #tpu.memory_space<vmem>>
    %dma_start3A_345 = arith.constant 0 : i32
    %dma_start3A_346 = arith.constant 0 : i32
    %dma_start3A_347 = tpu.memref_slice %arg17[%dma_start3A_345, %dma_start3A_346] : memref<10240x64xf32, #tpu.memory_space<vmem_shared>> -> memref<10240x64xf32, #tpu.memory_space<vmem_shared>>
    %dma_start3A_348 = tpu.memref_slice %arg19[%dma_start3A_341] : memref<6x!tpu.dma_semaphore, #tpu.memory_space<semaphore_mem>> -> memref<1x!tpu.dma_semaphore, #tpu.memory_space<semaphore_mem>>
    %dma_start3A_349 = tpu.memref_squeeze %dma_start3A_348 : memref<1x!tpu.dma_semaphore, #tpu.memory_space<semaphore_mem>> -> memref<!tpu.dma_semaphore, #tpu.memory_space<semaphore_mem>>
    tpu.enqueue_indirect_dma source(%arg9 : memref<128x64xf32, #tpu.memory_space<vmem>>) target(%dma_start3A_347 : memref<10240x64xf32, #tpu.memory_space<vmem_shared>>) offsets(%dma_start3A_344 : memref<128xi32, #tpu.memory_space<vmem>>) semaphore(%dma_start3A_349 : memref<!tpu.dma_semaphore, #tpu.memory_space<semaphore_mem>>) {add = true}
    %dma_wait3A_350 = arith.constant 69 : i32
    %dma_wait3A_351 = arith.constant 3 : i32
    %dma_wait3A_352 = arith.constant 0 : i32
    %dma_wait3A_353 = tpu.memref_slice %arg6[%dma_wait3A_350, %dma_wait3A_352] : memref<78x128xi32, #tpu.memory_space<vmem>> -> memref<1x128xi32, #tpu.memory_space<vmem>>
    %dma_wait3A_354 = tpu.memref_squeeze %dma_wait3A_353 : memref<1x128xi32, #tpu.memory_space<vmem>> -> memref<128xi32, #tpu.memory_space<vmem>>
    %dma_wait3A_355 = arith.constant 0 : i32
    %dma_wait3A_356 = arith.constant 0 : i32
    %dma_wait3A_357 = tpu.memref_slice %arg17[%dma_wait3A_355, %dma_wait3A_356] : memref<10240x64xf32, #tpu.memory_space<vmem_shared>> -> memref<10240x64xf32, #tpu.memory_space<vmem_shared>>
    %dma_wait3A_358 = tpu.memref_slice %arg19[%dma_wait3A_351] : memref<6x!tpu.dma_semaphore, #tpu.memory_space<semaphore_mem>> -> memref<1x!tpu.dma_semaphore, #tpu.memory_space<semaphore_mem>>
    %dma_wait3A_359 = tpu.memref_squeeze %dma_wait3A_358 : memref<1x!tpu.dma_semaphore, #tpu.memory_space<semaphore_mem>> -> memref<!tpu.dma_semaphore, #tpu.memory_space<semaphore_mem>>
    tpu.wait_indirect_dma semaphore(%dma_wait3A_359 : memref<!tpu.dma_semaphore, #tpu.memory_space<semaphore_mem>>) src(%arg12 : memref<128x64xf32, #tpu.memory_space<vmem>>) dst(%dma_wait3A_357 : memref<10240x64xf32, #tpu.memory_space<vmem_shared>>)
    %dma_start3A_360 = arith.constant 75 : i32
    %dma_start3A_361 = arith.constant 3 : i32
    %dma_start3A_362 = arith.constant 0 : i32
    %dma_start3A_363 = tpu.memref_slice %arg5[%dma_start3A_360, %dma_start3A_362] : memref<78x128xi32, #tpu.memory_space<vmem>> -> memref<1x128xi32, #tpu.memory_space<vmem>>
    %dma_start3A_364 = tpu.memref_squeeze %dma_start3A_363 : memref<1x128xi32, #tpu.memory_space<vmem>> -> memref<128xi32, #tpu.memory_space<vmem>>
    %dma_start3A_365 = arith.constant 0 : i32
    %dma_start3A_366 = arith.constant 0 : i32
    %dma_start3A_367 = tpu.memref_slice %arg2[%dma_start3A_365, %dma_start3A_366] : memref<10000x64xf32, #tpu.memory_space<hbm>> -> memref<10000x64xf32, #tpu.memory_space<hbm>>
    %dma_start3A_368 = tpu.memref_slice %arg18[%dma_start3A_361] : memref<6x!tpu.dma_semaphore, #tpu.memory_space<semaphore_mem>> -> memref<1x!tpu.dma_semaphore, #tpu.memory_space<semaphore_mem>>
    %dma_start3A_369 = tpu.memref_squeeze %dma_start3A_368 : memref<1x!tpu.dma_semaphore, #tpu.memory_space<semaphore_mem>> -> memref<!tpu.dma_semaphore, #tpu.memory_space<semaphore_mem>>
    tpu.enqueue_indirect_dma source(%dma_start3A_367 : memref<10000x64xf32, #tpu.memory_space<hbm>>) target(%arg12 : memref<128x64xf32, #tpu.memory_space<vmem>>) offsets(%dma_start3A_364 : memref<128xi32, #tpu.memory_space<vmem>>) semaphore(%dma_start3A_369 : memref<!tpu.dma_semaphore, #tpu.memory_space<semaphore_mem>>)
    %dma_wait3A_370 = arith.constant 73 : i32
    %dma_wait3A_371 = arith.constant 1 : i32
    %dma_wait3A_372 = arith.constant 0 : i32
    %dma_wait3A_373 = tpu.memref_slice %arg5[%dma_wait3A_370, %dma_wait3A_372] : memref<78x128xi32, #tpu.memory_space<vmem>> -> memref<1x128xi32, #tpu.memory_space<vmem>>
    %dma_wait3A_374 = tpu.memref_squeeze %dma_wait3A_373 : memref<1x128xi32, #tpu.memory_space<vmem>> -> memref<128xi32, #tpu.memory_space<vmem>>
    %dma_wait3A_375 = arith.constant 0 : i32
    %dma_wait3A_376 = arith.constant 0 : i32
    %dma_wait3A_377 = tpu.memref_slice %arg2[%dma_wait3A_375, %dma_wait3A_376] : memref<10000x64xf32, #tpu.memory_space<hbm>> -> memref<10000x64xf32, #tpu.memory_space<hbm>>
    %dma_wait3A_378 = tpu.memref_slice %arg18[%dma_wait3A_371] : memref<6x!tpu.dma_semaphore, #tpu.memory_space<semaphore_mem>> -> memref<1x!tpu.dma_semaphore, #tpu.memory_space<semaphore_mem>>
    %dma_wait3A_379 = tpu.memref_squeeze %dma_wait3A_378 : memref<1x!tpu.dma_semaphore, #tpu.memory_space<semaphore_mem>> -> memref<!tpu.dma_semaphore, #tpu.memory_space<semaphore_mem>>
    tpu.wait_indirect_dma semaphore(%dma_wait3A_379 : memref<!tpu.dma_semaphore, #tpu.memory_space<semaphore_mem>>) src(%dma_wait3A_377 : memref<10000x64xf32, #tpu.memory_space<hbm>>) dst(%arg10 : memref<128x64xf32, #tpu.memory_space<vmem>>)
    %dma_start3A_380 = arith.constant 73 : i32
    %dma_start3A_381 = arith.constant 1 : i32
    %dma_start3A_382 = arith.constant 0 : i32
    %dma_start3A_383 = tpu.memref_slice %arg6[%dma_start3A_380, %dma_start3A_382] : memref<78x128xi32, #tpu.memory_space<vmem>> -> memref<1x128xi32, #tpu.memory_space<vmem>>
    %dma_start3A_384 = tpu.memref_squeeze %dma_start3A_383 : memref<1x128xi32, #tpu.memory_space<vmem>> -> memref<128xi32, #tpu.memory_space<vmem>>
    %dma_start3A_385 = arith.constant 0 : i32
    %dma_start3A_386 = arith.constant 0 : i32
    %dma_start3A_387 = tpu.memref_slice %arg17[%dma_start3A_385, %dma_start3A_386] : memref<10240x64xf32, #tpu.memory_space<vmem_shared>> -> memref<10240x64xf32, #tpu.memory_space<vmem_shared>>
    %dma_start3A_388 = tpu.memref_slice %arg19[%dma_start3A_381] : memref<6x!tpu.dma_semaphore, #tpu.memory_space<semaphore_mem>> -> memref<1x!tpu.dma_semaphore, #tpu.memory_space<semaphore_mem>>
    %dma_start3A_389 = tpu.memref_squeeze %dma_start3A_388 : memref<1x!tpu.dma_semaphore, #tpu.memory_space<semaphore_mem>> -> memref<!tpu.dma_semaphore, #tpu.memory_space<semaphore_mem>>
    tpu.enqueue_indirect_dma source(%arg10 : memref<128x64xf32, #tpu.memory_space<vmem>>) target(%dma_start3A_387 : memref<10240x64xf32, #tpu.memory_space<vmem_shared>>) offsets(%dma_start3A_384 : memref<128xi32, #tpu.memory_space<vmem>>) semaphore(%dma_start3A_389 : memref<!tpu.dma_semaphore, #tpu.memory_space<semaphore_mem>>) {add = true}
    %dma_wait3A_390 = arith.constant 70 : i32
    %dma_wait3A_391 = arith.constant 4 : i32
    %dma_wait3A_392 = arith.constant 0 : i32
    %dma_wait3A_393 = tpu.memref_slice %arg6[%dma_wait3A_390, %dma_wait3A_392] : memref<78x128xi32, #tpu.memory_space<vmem>> -> memref<1x128xi32, #tpu.memory_space<vmem>>
    %dma_wait3A_394 = tpu.memref_squeeze %dma_wait3A_393 : memref<1x128xi32, #tpu.memory_space<vmem>> -> memref<128xi32, #tpu.memory_space<vmem>>
    %dma_wait3A_395 = arith.constant 0 : i32
    %dma_wait3A_396 = arith.constant 0 : i32
    %dma_wait3A_397 = tpu.memref_slice %arg17[%dma_wait3A_395, %dma_wait3A_396] : memref<10240x64xf32, #tpu.memory_space<vmem_shared>> -> memref<10240x64xf32, #tpu.memory_space<vmem_shared>>
    %dma_wait3A_398 = tpu.memref_slice %arg19[%dma_wait3A_391] : memref<6x!tpu.dma_semaphore, #tpu.memory_space<semaphore_mem>> -> memref<1x!tpu.dma_semaphore, #tpu.memory_space<semaphore_mem>>
    %dma_wait3A_399 = tpu.memref_squeeze %dma_wait3A_398 : memref<1x!tpu.dma_semaphore, #tpu.memory_space<semaphore_mem>> -> memref<!tpu.dma_semaphore, #tpu.memory_space<semaphore_mem>>
    tpu.wait_indirect_dma semaphore(%dma_wait3A_399 : memref<!tpu.dma_semaphore, #tpu.memory_space<semaphore_mem>>) src(%arg13 : memref<128x64xf32, #tpu.memory_space<vmem>>) dst(%dma_wait3A_397 : memref<10240x64xf32, #tpu.memory_space<vmem_shared>>)
    %dma_start3A_400 = arith.constant 76 : i32
    %dma_start3A_401 = arith.constant 4 : i32
    %dma_start3A_402 = arith.constant 0 : i32
    %dma_start3A_403 = tpu.memref_slice %arg5[%dma_start3A_400, %dma_start3A_402] : memref<78x128xi32, #tpu.memory_space<vmem>> -> memref<1x128xi32, #tpu.memory_space<vmem>>
    %dma_start3A_404 = tpu.memref_squeeze %dma_start3A_403 : memref<1x128xi32, #tpu.memory_space<vmem>> -> memref<128xi32, #tpu.memory_space<vmem>>
    %dma_start3A_405 = arith.constant 0 : i32
    %dma_start3A_406 = arith.constant 0 : i32
    %dma_start3A_407 = tpu.memref_slice %arg2[%dma_start3A_405, %dma_start3A_406] : memref<10000x64xf32, #tpu.memory_space<hbm>> -> memref<10000x64xf32, #tpu.memory_space<hbm>>
    %dma_start3A_408 = tpu.memref_slice %arg18[%dma_start3A_401] : memref<6x!tpu.dma_semaphore, #tpu.memory_space<semaphore_mem>> -> memref<1x!tpu.dma_semaphore, #tpu.memory_space<semaphore_mem>>
    %dma_start3A_409 = tpu.memref_squeeze %dma_start3A_408 : memref<1x!tpu.dma_semaphore, #tpu.memory_space<semaphore_mem>> -> memref<!tpu.dma_semaphore, #tpu.memory_space<semaphore_mem>>
    tpu.enqueue_indirect_dma source(%dma_start3A_407 : memref<10000x64xf32, #tpu.memory_space<hbm>>) target(%arg13 : memref<128x64xf32, #tpu.memory_space<vmem>>) offsets(%dma_start3A_404 : memref<128xi32, #tpu.memory_space<vmem>>) semaphore(%dma_start3A_409 : memref<!tpu.dma_semaphore, #tpu.memory_space<semaphore_mem>>)
    %dma_wait3A_410 = arith.constant 74 : i32
    %dma_wait3A_411 = arith.constant 2 : i32
    %dma_wait3A_412 = arith.constant 0 : i32
    %dma_wait3A_413 = tpu.memref_slice %arg5[%dma_wait3A_410, %dma_wait3A_412] : memref<78x128xi32, #tpu.memory_space<vmem>> -> memref<1x128xi32, #tpu.memory_space<vmem>>
    %dma_wait3A_414 = tpu.memref_squeeze %dma_wait3A_413 : memref<1x128xi32, #tpu.memory_space<vmem>> -> memref<128xi32, #tpu.memory_space<vmem>>
    %dma_wait3A_415 = arith.constant 0 : i32
    %dma_wait3A_416 = arith.constant 0 : i32
    %dma_wait3A_417 = tpu.memref_slice %arg2[%dma_wait3A_415, %dma_wait3A_416] : memref<10000x64xf32, #tpu.memory_space<hbm>> -> memref<10000x64xf32, #tpu.memory_space<hbm>>
    %dma_wait3A_418 = tpu.memref_slice %arg18[%dma_wait3A_411] : memref<6x!tpu.dma_semaphore, #tpu.memory_space<semaphore_mem>> -> memref<1x!tpu.dma_semaphore, #tpu.memory_space<semaphore_mem>>
    %dma_wait3A_419 = tpu.memref_squeeze %dma_wait3A_418 : memref<1x!tpu.dma_semaphore, #tpu.memory_space<semaphore_mem>> -> memref<!tpu.dma_semaphore, #tpu.memory_space<semaphore_mem>>
    tpu.wait_indirect_dma semaphore(%dma_wait3A_419 : memref<!tpu.dma_semaphore, #tpu.memory_space<semaphore_mem>>) src(%dma_wait3A_417 : memref<10000x64xf32, #tpu.memory_space<hbm>>) dst(%arg11 : memref<128x64xf32, #tpu.memory_space<vmem>>)
    %dma_start3A_420 = arith.constant 74 : i32
    %dma_start3A_421 = arith.constant 2 : i32
    %dma_start3A_422 = arith.constant 0 : i32
    %dma_start3A_423 = tpu.memref_slice %arg6[%dma_start3A_420, %dma_start3A_422] : memref<78x128xi32, #tpu.memory_space<vmem>> -> memref<1x128xi32, #tpu.memory_space<vmem>>
    %dma_start3A_424 = tpu.memref_squeeze %dma_start3A_423 : memref<1x128xi32, #tpu.memory_space<vmem>> -> memref<128xi32, #tpu.memory_space<vmem>>
    %dma_start3A_425 = arith.constant 0 : i32
    %dma_start3A_426 = arith.constant 0 : i32
    %dma_start3A_427 = tpu.memref_slice %arg17[%dma_start3A_425, %dma_start3A_426] : memref<10240x64xf32, #tpu.memory_space<vmem_shared>> -> memref<10240x64xf32, #tpu.memory_space<vmem_shared>>
    %dma_start3A_428 = tpu.memref_slice %arg19[%dma_start3A_421] : memref<6x!tpu.dma_semaphore, #tpu.memory_space<semaphore_mem>> -> memref<1x!tpu.dma_semaphore, #tpu.memory_space<semaphore_mem>>
    %dma_start3A_429 = tpu.memref_squeeze %dma_start3A_428 : memref<1x!tpu.dma_semaphore, #tpu.memory_space<semaphore_mem>> -> memref<!tpu.dma_semaphore, #tpu.memory_space<semaphore_mem>>
    tpu.enqueue_indirect_dma source(%arg11 : memref<128x64xf32, #tpu.memory_space<vmem>>) target(%dma_start3A_427 : memref<10240x64xf32, #tpu.memory_space<vmem_shared>>) offsets(%dma_start3A_424 : memref<128xi32, #tpu.memory_space<vmem>>) semaphore(%dma_start3A_429 : memref<!tpu.dma_semaphore, #tpu.memory_space<semaphore_mem>>) {add = true}
    %dma_wait3A_430 = arith.constant 71 : i32
    %dma_wait3A_431 = arith.constant 5 : i32
    %dma_wait3A_432 = arith.constant 0 : i32
    %dma_wait3A_433 = tpu.memref_slice %arg6[%dma_wait3A_430, %dma_wait3A_432] : memref<78x128xi32, #tpu.memory_space<vmem>> -> memref<1x128xi32, #tpu.memory_space<vmem>>
    %dma_wait3A_434 = tpu.memref_squeeze %dma_wait3A_433 : memref<1x128xi32, #tpu.memory_space<vmem>> -> memref<128xi32, #tpu.memory_space<vmem>>
    %dma_wait3A_435 = arith.constant 0 : i32
    %dma_wait3A_436 = arith.constant 0 : i32
    %dma_wait3A_437 = tpu.memref_slice %arg17[%dma_wait3A_435, %dma_wait3A_436] : memref<10240x64xf32, #tpu.memory_space<vmem_shared>> -> memref<10240x64xf32, #tpu.memory_space<vmem_shared>>
    %dma_wait3A_438 = tpu.memref_slice %arg19[%dma_wait3A_431] : memref<6x!tpu.dma_semaphore, #tpu.memory_space<semaphore_mem>> -> memref<1x!tpu.dma_semaphore, #tpu.memory_space<semaphore_mem>>
    %dma_wait3A_439 = tpu.memref_squeeze %dma_wait3A_438 : memref<1x!tpu.dma_semaphore, #tpu.memory_space<semaphore_mem>> -> memref<!tpu.dma_semaphore, #tpu.memory_space<semaphore_mem>>
    tpu.wait_indirect_dma semaphore(%dma_wait3A_439 : memref<!tpu.dma_semaphore, #tpu.memory_space<semaphore_mem>>) src(%arg14 : memref<128x64xf32, #tpu.memory_space<vmem>>) dst(%dma_wait3A_437 : memref<10240x64xf32, #tpu.memory_space<vmem_shared>>)
    %dma_start3A_440 = arith.constant 77 : i32
    %dma_start3A_441 = arith.constant 5 : i32
    %dma_start3A_442 = arith.constant 0 : i32
    %dma_start3A_443 = tpu.memref_slice %arg5[%dma_start3A_440, %dma_start3A_442] : memref<78x128xi32, #tpu.memory_space<vmem>> -> memref<1x128xi32, #tpu.memory_space<vmem>>
    %dma_start3A_444 = tpu.memref_squeeze %dma_start3A_443 : memref<1x128xi32, #tpu.memory_space<vmem>> -> memref<128xi32, #tpu.memory_space<vmem>>
    %dma_start3A_445 = arith.constant 0 : i32
    %dma_start3A_446 = arith.constant 0 : i32
    %dma_start3A_447 = tpu.memref_slice %arg2[%dma_start3A_445, %dma_start3A_446] : memref<10000x64xf32, #tpu.memory_space<hbm>> -> memref<10000x64xf32, #tpu.memory_space<hbm>>
    %dma_start3A_448 = tpu.memref_slice %arg18[%dma_start3A_441] : memref<6x!tpu.dma_semaphore, #tpu.memory_space<semaphore_mem>> -> memref<1x!tpu.dma_semaphore, #tpu.memory_space<semaphore_mem>>
    %dma_start3A_449 = tpu.memref_squeeze %dma_start3A_448 : memref<1x!tpu.dma_semaphore, #tpu.memory_space<semaphore_mem>> -> memref<!tpu.dma_semaphore, #tpu.memory_space<semaphore_mem>>
    tpu.enqueue_indirect_dma source(%dma_start3A_447 : memref<10000x64xf32, #tpu.memory_space<hbm>>) target(%arg14 : memref<128x64xf32, #tpu.memory_space<vmem>>) offsets(%dma_start3A_444 : memref<128xi32, #tpu.memory_space<vmem>>) semaphore(%dma_start3A_449 : memref<!tpu.dma_semaphore, #tpu.memory_space<semaphore_mem>>)
    %dma_wait3A_450 = arith.constant 75 : i32
    %dma_wait3A_451 = arith.constant 3 : i32
    %dma_wait3A_452 = arith.constant 0 : i32
    %dma_wait3A_453 = tpu.memref_slice %arg5[%dma_wait3A_450, %dma_wait3A_452] : memref<78x128xi32, #tpu.memory_space<vmem>> -> memref<1x128xi32, #tpu.memory_space<vmem>>
    %dma_wait3A_454 = tpu.memref_squeeze %dma_wait3A_453 : memref<1x128xi32, #tpu.memory_space<vmem>> -> memref<128xi32, #tpu.memory_space<vmem>>
    %dma_wait3A_455 = arith.constant 0 : i32
    %dma_wait3A_456 = arith.constant 0 : i32
    %dma_wait3A_457 = tpu.memref_slice %arg2[%dma_wait3A_455, %dma_wait3A_456] : memref<10000x64xf32, #tpu.memory_space<hbm>> -> memref<10000x64xf32, #tpu.memory_space<hbm>>
    %dma_wait3A_458 = tpu.memref_slice %arg18[%dma_wait3A_451] : memref<6x!tpu.dma_semaphore, #tpu.memory_space<semaphore_mem>> -> memref<1x!tpu.dma_semaphore, #tpu.memory_space<semaphore_mem>>
    %dma_wait3A_459 = tpu.memref_squeeze %dma_wait3A_458 : memref<1x!tpu.dma_semaphore, #tpu.memory_space<semaphore_mem>> -> memref<!tpu.dma_semaphore, #tpu.memory_space<semaphore_mem>>
    tpu.wait_indirect_dma semaphore(%dma_wait3A_459 : memref<!tpu.dma_semaphore, #tpu.memory_space<semaphore_mem>>) src(%dma_wait3A_457 : memref<10000x64xf32, #tpu.memory_space<hbm>>) dst(%arg12 : memref<128x64xf32, #tpu.memory_space<vmem>>)
    %dma_start3A_460 = arith.constant 75 : i32
    %dma_start3A_461 = arith.constant 3 : i32
    %dma_start3A_462 = arith.constant 0 : i32
    %dma_start3A_463 = tpu.memref_slice %arg6[%dma_start3A_460, %dma_start3A_462] : memref<78x128xi32, #tpu.memory_space<vmem>> -> memref<1x128xi32, #tpu.memory_space<vmem>>
    %dma_start3A_464 = tpu.memref_squeeze %dma_start3A_463 : memref<1x128xi32, #tpu.memory_space<vmem>> -> memref<128xi32, #tpu.memory_space<vmem>>
    %dma_start3A_465 = arith.constant 0 : i32
    %dma_start3A_466 = arith.constant 0 : i32
    %dma_start3A_467 = tpu.memref_slice %arg17[%dma_start3A_465, %dma_start3A_466] : memref<10240x64xf32, #tpu.memory_space<vmem_shared>> -> memref<10240x64xf32, #tpu.memory_space<vmem_shared>>
    %dma_start3A_468 = tpu.memref_slice %arg19[%dma_start3A_461] : memref<6x!tpu.dma_semaphore, #tpu.memory_space<semaphore_mem>> -> memref<1x!tpu.dma_semaphore, #tpu.memory_space<semaphore_mem>>
    %dma_start3A_469 = tpu.memref_squeeze %dma_start3A_468 : memref<1x!tpu.dma_semaphore, #tpu.memory_space<semaphore_mem>> -> memref<!tpu.dma_semaphore, #tpu.memory_space<semaphore_mem>>
    tpu.enqueue_indirect_dma source(%arg12 : memref<128x64xf32, #tpu.memory_space<vmem>>) target(%dma_start3A_467 : memref<10240x64xf32, #tpu.memory_space<vmem_shared>>) offsets(%dma_start3A_464 : memref<128xi32, #tpu.memory_space<vmem>>) semaphore(%dma_start3A_469 : memref<!tpu.dma_semaphore, #tpu.memory_space<semaphore_mem>>) {add = true}
    %dma_wait3A_470 = arith.constant 72 : i32
    %dma_wait3A_471 = arith.constant 0 : i32
    %dma_wait3A_472 = arith.constant 0 : i32
    %dma_wait3A_473 = tpu.memref_slice %arg6[%dma_wait3A_470, %dma_wait3A_472] : memref<78x128xi32, #tpu.memory_space<vmem>> -> memref<1x128xi32, #tpu.memory_space<vmem>>
    %dma_wait3A_474 = tpu.memref_squeeze %dma_wait3A_473 : memref<1x128xi32, #tpu.memory_space<vmem>> -> memref<128xi32, #tpu.memory_space<vmem>>
    %dma_wait3A_475 = arith.constant 0 : i32
    %dma_wait3A_476 = arith.constant 0 : i32
    %dma_wait3A_477 = tpu.memref_slice %arg17[%dma_wait3A_475, %dma_wait3A_476] : memref<10240x64xf32, #tpu.memory_space<vmem_shared>> -> memref<10240x64xf32, #tpu.memory_space<vmem_shared>>
    %dma_wait3A_478 = tpu.memref_slice %arg19[%dma_wait3A_471] : memref<6x!tpu.dma_semaphore, #tpu.memory_space<semaphore_mem>> -> memref<1x!tpu.dma_semaphore, #tpu.memory_space<semaphore_mem>>
    %dma_wait3A_479 = tpu.memref_squeeze %dma_wait3A_478 : memref<1x!tpu.dma_semaphore, #tpu.memory_space<semaphore_mem>> -> memref<!tpu.dma_semaphore, #tpu.memory_space<semaphore_mem>>
    tpu.wait_indirect_dma semaphore(%dma_wait3A_479 : memref<!tpu.dma_semaphore, #tpu.memory_space<semaphore_mem>>) src(%arg9 : memref<128x64xf32, #tpu.memory_space<vmem>>) dst(%dma_wait3A_477 : memref<10240x64xf32, #tpu.memory_space<vmem_shared>>)
    %dma_wait3A_480 = arith.constant 76 : i32
    %dma_wait3A_481 = arith.constant 4 : i32
    %dma_wait3A_482 = arith.constant 0 : i32
    %dma_wait3A_483 = tpu.memref_slice %arg5[%dma_wait3A_480, %dma_wait3A_482] : memref<78x128xi32, #tpu.memory_space<vmem>> -> memref<1x128xi32, #tpu.memory_space<vmem>>
    %dma_wait3A_484 = tpu.memref_squeeze %dma_wait3A_483 : memref<1x128xi32, #tpu.memory_space<vmem>> -> memref<128xi32, #tpu.memory_space<vmem>>
    %dma_wait3A_485 = arith.constant 0 : i32
    %dma_wait3A_486 = arith.constant 0 : i32
    %dma_wait3A_487 = tpu.memref_slice %arg2[%dma_wait3A_485, %dma_wait3A_486] : memref<10000x64xf32, #tpu.memory_space<hbm>> -> memref<10000x64xf32, #tpu.memory_space<hbm>>
    %dma_wait3A_488 = tpu.memref_slice %arg18[%dma_wait3A_481] : memref<6x!tpu.dma_semaphore, #tpu.memory_space<semaphore_mem>> -> memref<1x!tpu.dma_semaphore, #tpu.memory_space<semaphore_mem>>
    %dma_wait3A_489 = tpu.memref_squeeze %dma_wait3A_488 : memref<1x!tpu.dma_semaphore, #tpu.memory_space<semaphore_mem>> -> memref<!tpu.dma_semaphore, #tpu.memory_space<semaphore_mem>>
    tpu.wait_indirect_dma semaphore(%dma_wait3A_489 : memref<!tpu.dma_semaphore, #tpu.memory_space<semaphore_mem>>) src(%dma_wait3A_487 : memref<10000x64xf32, #tpu.memory_space<hbm>>) dst(%arg13 : memref<128x64xf32, #tpu.memory_space<vmem>>)
    %dma_start3A_490 = arith.constant 76 : i32
    %dma_start3A_491 = arith.constant 4 : i32
    %dma_start3A_492 = arith.constant 0 : i32
    %dma_start3A_493 = tpu.memref_slice %arg6[%dma_start3A_490, %dma_start3A_492] : memref<78x128xi32, #tpu.memory_space<vmem>> -> memref<1x128xi32, #tpu.memory_space<vmem>>
    %dma_start3A_494 = tpu.memref_squeeze %dma_start3A_493 : memref<1x128xi32, #tpu.memory_space<vmem>> -> memref<128xi32, #tpu.memory_space<vmem>>
    %dma_start3A_495 = arith.constant 0 : i32
    %dma_start3A_496 = arith.constant 0 : i32
    %dma_start3A_497 = tpu.memref_slice %arg17[%dma_start3A_495, %dma_start3A_496] : memref<10240x64xf32, #tpu.memory_space<vmem_shared>> -> memref<10240x64xf32, #tpu.memory_space<vmem_shared>>
    %dma_start3A_498 = tpu.memref_slice %arg19[%dma_start3A_491] : memref<6x!tpu.dma_semaphore, #tpu.memory_space<semaphore_mem>> -> memref<1x!tpu.dma_semaphore, #tpu.memory_space<semaphore_mem>>
    %dma_start3A_499 = tpu.memref_squeeze %dma_start3A_498 : memref<1x!tpu.dma_semaphore, #tpu.memory_space<semaphore_mem>> -> memref<!tpu.dma_semaphore, #tpu.memory_space<semaphore_mem>>
    tpu.enqueue_indirect_dma source(%arg13 : memref<128x64xf32, #tpu.memory_space<vmem>>) target(%dma_start3A_497 : memref<10240x64xf32, #tpu.memory_space<vmem_shared>>) offsets(%dma_start3A_494 : memref<128xi32, #tpu.memory_space<vmem>>) semaphore(%dma_start3A_499 : memref<!tpu.dma_semaphore, #tpu.memory_space<semaphore_mem>>) {add = true}
    %dma_wait3A_500 = arith.constant 73 : i32
    %dma_wait3A_501 = arith.constant 1 : i32
    %dma_wait3A_502 = arith.constant 0 : i32
    %dma_wait3A_503 = tpu.memref_slice %arg6[%dma_wait3A_500, %dma_wait3A_502] : memref<78x128xi32, #tpu.memory_space<vmem>> -> memref<1x128xi32, #tpu.memory_space<vmem>>
    %dma_wait3A_504 = tpu.memref_squeeze %dma_wait3A_503 : memref<1x128xi32, #tpu.memory_space<vmem>> -> memref<128xi32, #tpu.memory_space<vmem>>
    %dma_wait3A_505 = arith.constant 0 : i32
    %dma_wait3A_506 = arith.constant 0 : i32
    %dma_wait3A_507 = tpu.memref_slice %arg17[%dma_wait3A_505, %dma_wait3A_506] : memref<10240x64xf32, #tpu.memory_space<vmem_shared>> -> memref<10240x64xf32, #tpu.memory_space<vmem_shared>>
    %dma_wait3A_508 = tpu.memref_slice %arg19[%dma_wait3A_501] : memref<6x!tpu.dma_semaphore, #tpu.memory_space<semaphore_mem>> -> memref<1x!tpu.dma_semaphore, #tpu.memory_space<semaphore_mem>>
    %dma_wait3A_509 = tpu.memref_squeeze %dma_wait3A_508 : memref<1x!tpu.dma_semaphore, #tpu.memory_space<semaphore_mem>> -> memref<!tpu.dma_semaphore, #tpu.memory_space<semaphore_mem>>
    tpu.wait_indirect_dma semaphore(%dma_wait3A_509 : memref<!tpu.dma_semaphore, #tpu.memory_space<semaphore_mem>>) src(%arg10 : memref<128x64xf32, #tpu.memory_space<vmem>>) dst(%dma_wait3A_507 : memref<10240x64xf32, #tpu.memory_space<vmem_shared>>)
    %dma_wait3A_510 = arith.constant 77 : i32
    %dma_wait3A_511 = arith.constant 5 : i32
    %dma_wait3A_512 = arith.constant 0 : i32
    %dma_wait3A_513 = tpu.memref_slice %arg5[%dma_wait3A_510, %dma_wait3A_512] : memref<78x128xi32, #tpu.memory_space<vmem>> -> memref<1x128xi32, #tpu.memory_space<vmem>>
    %dma_wait3A_514 = tpu.memref_squeeze %dma_wait3A_513 : memref<1x128xi32, #tpu.memory_space<vmem>> -> memref<128xi32, #tpu.memory_space<vmem>>
    %dma_wait3A_515 = arith.constant 0 : i32
    %dma_wait3A_516 = arith.constant 0 : i32
    %dma_wait3A_517 = tpu.memref_slice %arg2[%dma_wait3A_515, %dma_wait3A_516] : memref<10000x64xf32, #tpu.memory_space<hbm>> -> memref<10000x64xf32, #tpu.memory_space<hbm>>
    %dma_wait3A_518 = tpu.memref_slice %arg18[%dma_wait3A_511] : memref<6x!tpu.dma_semaphore, #tpu.memory_space<semaphore_mem>> -> memref<1x!tpu.dma_semaphore, #tpu.memory_space<semaphore_mem>>
    %dma_wait3A_519 = tpu.memref_squeeze %dma_wait3A_518 : memref<1x!tpu.dma_semaphore, #tpu.memory_space<semaphore_mem>> -> memref<!tpu.dma_semaphore, #tpu.memory_space<semaphore_mem>>
    tpu.wait_indirect_dma semaphore(%dma_wait3A_519 : memref<!tpu.dma_semaphore, #tpu.memory_space<semaphore_mem>>) src(%dma_wait3A_517 : memref<10000x64xf32, #tpu.memory_space<hbm>>) dst(%arg14 : memref<128x64xf32, #tpu.memory_space<vmem>>)
    %dma_start3A_520 = arith.constant 77 : i32
    %dma_start3A_521 = arith.constant 5 : i32
    %dma_start3A_522 = arith.constant 0 : i32
    %dma_start3A_523 = tpu.memref_slice %arg6[%dma_start3A_520, %dma_start3A_522] : memref<78x128xi32, #tpu.memory_space<vmem>> -> memref<1x128xi32, #tpu.memory_space<vmem>>
    %dma_start3A_524 = tpu.memref_squeeze %dma_start3A_523 : memref<1x128xi32, #tpu.memory_space<vmem>> -> memref<128xi32, #tpu.memory_space<vmem>>
    %dma_start3A_525 = arith.constant 0 : i32
    %dma_start3A_526 = arith.constant 0 : i32
    %dma_start3A_527 = tpu.memref_slice %arg17[%dma_start3A_525, %dma_start3A_526] : memref<10240x64xf32, #tpu.memory_space<vmem_shared>> -> memref<10240x64xf32, #tpu.memory_space<vmem_shared>>
    %dma_start3A_528 = tpu.memref_slice %arg19[%dma_start3A_521] : memref<6x!tpu.dma_semaphore, #tpu.memory_space<semaphore_mem>> -> memref<1x!tpu.dma_semaphore, #tpu.memory_space<semaphore_mem>>
    %dma_start3A_529 = tpu.memref_squeeze %dma_start3A_528 : memref<1x!tpu.dma_semaphore, #tpu.memory_space<semaphore_mem>> -> memref<!tpu.dma_semaphore, #tpu.memory_space<semaphore_mem>>
    tpu.enqueue_indirect_dma source(%arg14 : memref<128x64xf32, #tpu.memory_space<vmem>>) target(%dma_start3A_527 : memref<10240x64xf32, #tpu.memory_space<vmem_shared>>) offsets(%dma_start3A_524 : memref<128xi32, #tpu.memory_space<vmem>>) semaphore(%dma_start3A_529 : memref<!tpu.dma_semaphore, #tpu.memory_space<semaphore_mem>>) {add = true}
    %dma_wait3A_530 = arith.constant 74 : i32
    %dma_wait3A_531 = arith.constant 2 : i32
    %dma_wait3A_532 = arith.constant 0 : i32
    %dma_wait3A_533 = tpu.memref_slice %arg6[%dma_wait3A_530, %dma_wait3A_532] : memref<78x128xi32, #tpu.memory_space<vmem>> -> memref<1x128xi32, #tpu.memory_space<vmem>>
    %dma_wait3A_534 = tpu.memref_squeeze %dma_wait3A_533 : memref<1x128xi32, #tpu.memory_space<vmem>> -> memref<128xi32, #tpu.memory_space<vmem>>
    %dma_wait3A_535 = arith.constant 0 : i32
    %dma_wait3A_536 = arith.constant 0 : i32
    %dma_wait3A_537 = tpu.memref_slice %arg17[%dma_wait3A_535, %dma_wait3A_536] : memref<10240x64xf32, #tpu.memory_space<vmem_shared>> -> memref<10240x64xf32, #tpu.memory_space<vmem_shared>>
    %dma_wait3A_538 = tpu.memref_slice %arg19[%dma_wait3A_531] : memref<6x!tpu.dma_semaphore, #tpu.memory_space<semaphore_mem>> -> memref<1x!tpu.dma_semaphore, #tpu.memory_space<semaphore_mem>>
    %dma_wait3A_539 = tpu.memref_squeeze %dma_wait3A_538 : memref<1x!tpu.dma_semaphore, #tpu.memory_space<semaphore_mem>> -> memref<!tpu.dma_semaphore, #tpu.memory_space<semaphore_mem>>
    tpu.wait_indirect_dma semaphore(%dma_wait3A_539 : memref<!tpu.dma_semaphore, #tpu.memory_space<semaphore_mem>>) src(%arg11 : memref<128x64xf32, #tpu.memory_space<vmem>>) dst(%dma_wait3A_537 : memref<10240x64xf32, #tpu.memory_space<vmem_shared>>)
    %dma_wait3A_540 = arith.constant 75 : i32
    %dma_wait3A_541 = arith.constant 3 : i32
    %dma_wait3A_542 = arith.constant 0 : i32
    %dma_wait3A_543 = tpu.memref_slice %arg6[%dma_wait3A_540, %dma_wait3A_542] : memref<78x128xi32, #tpu.memory_space<vmem>> -> memref<1x128xi32, #tpu.memory_space<vmem>>
    %dma_wait3A_544 = tpu.memref_squeeze %dma_wait3A_543 : memref<1x128xi32, #tpu.memory_space<vmem>> -> memref<128xi32, #tpu.memory_space<vmem>>
    %dma_wait3A_545 = arith.constant 0 : i32
    %dma_wait3A_546 = arith.constant 0 : i32
    %dma_wait3A_547 = tpu.memref_slice %arg17[%dma_wait3A_545, %dma_wait3A_546] : memref<10240x64xf32, #tpu.memory_space<vmem_shared>> -> memref<10240x64xf32, #tpu.memory_space<vmem_shared>>
    %dma_wait3A_548 = tpu.memref_slice %arg19[%dma_wait3A_541] : memref<6x!tpu.dma_semaphore, #tpu.memory_space<semaphore_mem>> -> memref<1x!tpu.dma_semaphore, #tpu.memory_space<semaphore_mem>>
    %dma_wait3A_549 = tpu.memref_squeeze %dma_wait3A_548 : memref<1x!tpu.dma_semaphore, #tpu.memory_space<semaphore_mem>> -> memref<!tpu.dma_semaphore, #tpu.memory_space<semaphore_mem>>
    tpu.wait_indirect_dma semaphore(%dma_wait3A_549 : memref<!tpu.dma_semaphore, #tpu.memory_space<semaphore_mem>>) src(%arg12 : memref<128x64xf32, #tpu.memory_space<vmem>>) dst(%dma_wait3A_547 : memref<10240x64xf32, #tpu.memory_space<vmem_shared>>)
    %dma_wait3A_550 = arith.constant 76 : i32
    %dma_wait3A_551 = arith.constant 4 : i32
    %dma_wait3A_552 = arith.constant 0 : i32
    %dma_wait3A_553 = tpu.memref_slice %arg6[%dma_wait3A_550, %dma_wait3A_552] : memref<78x128xi32, #tpu.memory_space<vmem>> -> memref<1x128xi32, #tpu.memory_space<vmem>>
    %dma_wait3A_554 = tpu.memref_squeeze %dma_wait3A_553 : memref<1x128xi32, #tpu.memory_space<vmem>> -> memref<128xi32, #tpu.memory_space<vmem>>
    %dma_wait3A_555 = arith.constant 0 : i32
    %dma_wait3A_556 = arith.constant 0 : i32
    %dma_wait3A_557 = tpu.memref_slice %arg17[%dma_wait3A_555, %dma_wait3A_556] : memref<10240x64xf32, #tpu.memory_space<vmem_shared>> -> memref<10240x64xf32, #tpu.memory_space<vmem_shared>>
    %dma_wait3A_558 = tpu.memref_slice %arg19[%dma_wait3A_551] : memref<6x!tpu.dma_semaphore, #tpu.memory_space<semaphore_mem>> -> memref<1x!tpu.dma_semaphore, #tpu.memory_space<semaphore_mem>>
    %dma_wait3A_559 = tpu.memref_squeeze %dma_wait3A_558 : memref<1x!tpu.dma_semaphore, #tpu.memory_space<semaphore_mem>> -> memref<!tpu.dma_semaphore, #tpu.memory_space<semaphore_mem>>
    tpu.wait_indirect_dma semaphore(%dma_wait3A_559 : memref<!tpu.dma_semaphore, #tpu.memory_space<semaphore_mem>>) src(%arg13 : memref<128x64xf32, #tpu.memory_space<vmem>>) dst(%dma_wait3A_557 : memref<10240x64xf32, #tpu.memory_space<vmem_shared>>)
    %dma_wait3A_560 = arith.constant 77 : i32
    %dma_wait3A_561 = arith.constant 5 : i32
    %dma_wait3A_562 = arith.constant 0 : i32
    %dma_wait3A_563 = tpu.memref_slice %arg6[%dma_wait3A_560, %dma_wait3A_562] : memref<78x128xi32, #tpu.memory_space<vmem>> -> memref<1x128xi32, #tpu.memory_space<vmem>>
    %dma_wait3A_564 = tpu.memref_squeeze %dma_wait3A_563 : memref<1x128xi32, #tpu.memory_space<vmem>> -> memref<128xi32, #tpu.memory_space<vmem>>
    %dma_wait3A_565 = arith.constant 0 : i32
    %dma_wait3A_566 = arith.constant 0 : i32
    %dma_wait3A_567 = tpu.memref_slice %arg17[%dma_wait3A_565, %dma_wait3A_566] : memref<10240x64xf32, #tpu.memory_space<vmem_shared>> -> memref<10240x64xf32, #tpu.memory_space<vmem_shared>>
    %dma_wait3A_568 = tpu.memref_slice %arg19[%dma_wait3A_561] : memref<6x!tpu.dma_semaphore, #tpu.memory_space<semaphore_mem>> -> memref<1x!tpu.dma_semaphore, #tpu.memory_space<semaphore_mem>>
    %dma_wait3A_569 = tpu.memref_squeeze %dma_wait3A_568 : memref<1x!tpu.dma_semaphore, #tpu.memory_space<semaphore_mem>> -> memref<!tpu.dma_semaphore, #tpu.memory_space<semaphore_mem>>
    tpu.wait_indirect_dma semaphore(%dma_wait3A_569 : memref<!tpu.dma_semaphore, #tpu.memory_space<semaphore_mem>>) src(%arg14 : memref<128x64xf32, #tpu.memory_space<vmem>>) dst(%dma_wait3A_567 : memref<10240x64xf32, #tpu.memory_space<vmem_shared>>)
    %dma_start3A_570 = arith.constant 0 : i32
    %dma_start3A_571 = arith.constant 0 : i32
    %dma_start3A_572 = arith.constant 0 : i32
    %dma_start3A_573 = tpu.memref_slice %arg7[%dma_start3A_570, %dma_start3A_572] : memref<1x16xi32, #tpu.memory_space<vmem>> -> memref<1x16xi32, #tpu.memory_space<vmem>>
    %dma_start3A_574 = tpu.memref_squeeze %dma_start3A_573 : memref<1x16xi32, #tpu.memory_space<vmem>> -> memref<16xi32, #tpu.memory_space<vmem>>
    %dma_start3A_575 = arith.constant 0 : i32
    %dma_start3A_576 = arith.constant 0 : i32
    %dma_start3A_577 = tpu.memref_slice %arg2[%dma_start3A_575, %dma_start3A_576] : memref<10000x64xf32, #tpu.memory_space<hbm>> -> memref<10000x64xf32, #tpu.memory_space<hbm>>
    %dma_start3A_578 = tpu.memref_slice %arg18[%dma_start3A_571] : memref<6x!tpu.dma_semaphore, #tpu.memory_space<semaphore_mem>> -> memref<1x!tpu.dma_semaphore, #tpu.memory_space<semaphore_mem>>
    %dma_start3A_579 = tpu.memref_squeeze %dma_start3A_578 : memref<1x!tpu.dma_semaphore, #tpu.memory_space<semaphore_mem>> -> memref<!tpu.dma_semaphore, #tpu.memory_space<semaphore_mem>>
    tpu.enqueue_indirect_dma source(%dma_start3A_577 : memref<10000x64xf32, #tpu.memory_space<hbm>>) target(%arg15 : memref<16x64xf32, #tpu.memory_space<vmem>>) offsets(%dma_start3A_574 : memref<16xi32, #tpu.memory_space<vmem>>) semaphore(%dma_start3A_579 : memref<!tpu.dma_semaphore, #tpu.memory_space<semaphore_mem>>)
    %dma_wait3A_580 = arith.constant 0 : i32
    %dma_wait3A_581 = arith.constant 0 : i32
    %dma_wait3A_582 = arith.constant 0 : i32
    %dma_wait3A_583 = tpu.memref_slice %arg7[%dma_wait3A_580, %dma_wait3A_582] : memref<1x16xi32, #tpu.memory_space<vmem>> -> memref<1x16xi32, #tpu.memory_space<vmem>>
    %dma_wait3A_584 = tpu.memref_squeeze %dma_wait3A_583 : memref<1x16xi32, #tpu.memory_space<vmem>> -> memref<16xi32, #tpu.memory_space<vmem>>
    %dma_wait3A_585 = arith.constant 0 : i32
    %dma_wait3A_586 = arith.constant 0 : i32
    %dma_wait3A_587 = tpu.memref_slice %arg2[%dma_wait3A_585, %dma_wait3A_586] : memref<10000x64xf32, #tpu.memory_space<hbm>> -> memref<10000x64xf32, #tpu.memory_space<hbm>>
    %dma_wait3A_588 = tpu.memref_slice %arg18[%dma_wait3A_581] : memref<6x!tpu.dma_semaphore, #tpu.memory_space<semaphore_mem>> -> memref<1x!tpu.dma_semaphore, #tpu.memory_space<semaphore_mem>>
    %dma_wait3A_589 = tpu.memref_squeeze %dma_wait3A_588 : memref<1x!tpu.dma_semaphore, #tpu.memory_space<semaphore_mem>> -> memref<!tpu.dma_semaphore, #tpu.memory_space<semaphore_mem>>
    tpu.wait_indirect_dma semaphore(%dma_wait3A_589 : memref<!tpu.dma_semaphore, #tpu.memory_space<semaphore_mem>>) src(%dma_wait3A_587 : memref<10000x64xf32, #tpu.memory_space<hbm>>) dst(%arg15 : memref<16x64xf32, #tpu.memory_space<vmem>>)
    %run_scoped3A = arith.constant 0 : i32
    "tpu.region"() ({
      %run_scoped3A_596 = tpu.sem_alloc : memref<!tpu.dma_semaphore, #tpu.memory_space<semaphore_mem>>
      %dma_start3A_597 = arith.constant 0 : i32
      %dma_start3A_598 = tpu.memref_slice %arg8[%run_scoped3A, %dma_start3A_597] : memref<1x16xi32, #tpu.memory_space<vmem>> -> memref<1x16xi32, #tpu.memory_space<vmem>>
      %dma_start3A_599 = tpu.memref_squeeze %dma_start3A_598 : memref<1x16xi32, #tpu.memory_space<vmem>> -> memref<16xi32, #tpu.memory_space<vmem>>
      %dma_start3A_600 = arith.constant 0 : i32
      %dma_start3A_601 = arith.constant 0 : i32
      %dma_start3A_602 = tpu.memref_slice %arg17[%dma_start3A_600, %dma_start3A_601] : memref<10240x64xf32, #tpu.memory_space<vmem_shared>> -> memref<10240x64xf32, #tpu.memory_space<vmem_shared>>
      tpu.enqueue_indirect_dma source(%arg15 : memref<16x64xf32, #tpu.memory_space<vmem>>) target(%dma_start3A_602 : memref<10240x64xf32, #tpu.memory_space<vmem_shared>>) offsets(%dma_start3A_599 : memref<16xi32, #tpu.memory_space<vmem>>) semaphore(%run_scoped3A_596 : memref<!tpu.dma_semaphore, #tpu.memory_space<semaphore_mem>>) {add = true}
      %dma_wait3A_603 = arith.constant 0 : i32
      %dma_wait3A_604 = tpu.memref_slice %arg8[%run_scoped3A, %dma_wait3A_603] : memref<1x16xi32, #tpu.memory_space<vmem>> -> memref<1x16xi32, #tpu.memory_space<vmem>>
      %dma_wait3A_605 = tpu.memref_squeeze %dma_wait3A_604 : memref<1x16xi32, #tpu.memory_space<vmem>> -> memref<16xi32, #tpu.memory_space<vmem>>
      %dma_wait3A_606 = arith.constant 0 : i32
      %dma_wait3A_607 = arith.constant 0 : i32
      %dma_wait3A_608 = tpu.memref_slice %arg17[%dma_wait3A_606, %dma_wait3A_607] : memref<10240x64xf32, #tpu.memory_space<vmem_shared>> -> memref<10240x64xf32, #tpu.memory_space<vmem_shared>>
      tpu.wait_indirect_dma semaphore(%run_scoped3A_596 : memref<!tpu.dma_semaphore, #tpu.memory_space<semaphore_mem>>) src(%arg15 : memref<16x64xf32, #tpu.memory_space<vmem>>) dst(%dma_wait3A_608 : memref<10240x64xf32, #tpu.memory_space<vmem_shared>>)
      tpu.yield
    }) : () -> ()
    %barrier3A_590 = arith.constant 0 : index
    tpu.barrier barrier_id(%barrier3A_590)
    %scan3A_591 = arith.constant 0 : i32
    %scan3A_592 = arith.constant 5 : i32
    %scan3A_593 = arith.addi %scan3A_591, %scan3A_592 : i32
    %scan3A_594 = arith.constant 1 : i32
    scf.for %scan3A_596 = %scan3A_591 to %scan3A_593 step %scan3A_594  : i32 {
      %mul3A_597 = arith.constant 1 : i32
      %mul3A_598 = arith.muli %scan3A_596, %mul3A_597 : i32
      %add3A_599 = arith.constant 0 : i32
      %add3A_600 = arith.addi %add3A_599, %mul3A_598 : i32
      %mul3A_601 = arith.constant 640 : i32
      %mul3A_602 = arith.muli %arg1, %mul3A_601 : i32
      %mul3A_603 = arith.constant 128 : i32
      %mul3A_604 = arith.muli %add3A_600, %mul3A_603 : i32
      %add3A_605 = arith.addi %mul3A_602, %mul3A_604 : i32
      "tpu.region"() ({
        %run_scoped3A_606 = tpu.sem_alloc : memref<!tpu.dma_semaphore, #tpu.memory_space<semaphore_mem>>
        %dma_start3A_607 = arith.constant 0 : i32
        %dma_start3A_608 = arith.constant 0 : i32
        %dma_start3A_609 = tpu.memref_slice %arg16[%dma_start3A_607, %dma_start3A_608] : memref<128x128xf32, #tpu.memory_space<vmem>> -> memref<128x64xf32, #tpu.memory_space<vmem>>
        %dma_start3A_610 = arith.constant 0 : i32
        %dma_start3A_611 = tpu.memref_slice %arg17[%add3A_605, %dma_start3A_610] : memref<10240x64xf32, #tpu.memory_space<vmem_shared>> -> memref<128x64xf32, #tpu.memory_space<vmem_shared>>
        %dma_start3A_612 = arith.constant 0 : i32
        %dma_start3A_613 = arith.constant 0 : i32
        %dma_start3A_614 = tpu.memref_slice %arg16[%dma_start3A_612, %dma_start3A_613] : memref<128x128xf32, #tpu.memory_space<vmem>> -> memref<128x64xf32, #tpu.memory_space<vmem>>
        %dma_start3A_615 = arith.constant 0 : i32
        %dma_start3A_616 = tpu.memref_slice %arg17[%add3A_605, %dma_start3A_615] : memref<10240x64xf32, #tpu.memory_space<vmem_shared>> -> memref<128x64xf32, #tpu.memory_space<vmem_shared>>
        tpu.enqueue_dma source(%dma_start3A_616 : memref<128x64xf32, #tpu.memory_space<vmem_shared>>) target(%dma_start3A_614 : memref<128x64xf32, #tpu.memory_space<vmem>>) target_semaphore(%run_scoped3A_606 : memref<!tpu.dma_semaphore, #tpu.memory_space<semaphore_mem>>)
        %dma_wait3A_617 = arith.constant 0 : i32
        %dma_wait3A_618 = arith.constant 0 : i32
        %dma_wait3A_619 = tpu.memref_slice %arg16[%dma_wait3A_617, %dma_wait3A_618] : memref<128x128xf32, #tpu.memory_space<vmem>> -> memref<128x64xf32, #tpu.memory_space<vmem>>
        %dma_wait3A_620 = arith.constant 0 : i32
        %dma_wait3A_621 = tpu.memref_slice %arg17[%add3A_605, %dma_wait3A_620] : memref<10240x64xf32, #tpu.memory_space<vmem_shared>> -> memref<128x64xf32, #tpu.memory_space<vmem_shared>>
        %dma_wait3A_622 = arith.constant 0 : i32
        %dma_wait3A_623 = arith.constant 0 : i32
        %dma_wait3A_624 = tpu.memref_slice %arg16[%dma_wait3A_622, %dma_wait3A_623] : memref<128x128xf32, #tpu.memory_space<vmem>> -> memref<128x64xf32, #tpu.memory_space<vmem>>
        %dma_wait3A_625 = arith.constant 0 : i32
        %dma_wait3A_626 = tpu.memref_slice %arg17[%add3A_605, %dma_wait3A_625] : memref<10240x64xf32, #tpu.memory_space<vmem_shared>> -> memref<128x64xf32, #tpu.memory_space<vmem_shared>>
        tpu.wait_dma2 semaphore(%run_scoped3A_606 : memref<!tpu.dma_semaphore, #tpu.memory_space<semaphore_mem>>) src(%dma_wait3A_626 : memref<128x64xf32, #tpu.memory_space<vmem_shared>>) dst(%dma_wait3A_624 : memref<128x64xf32, #tpu.memory_space<vmem>>)
        tpu.yield
      }) : () -> ()
      "tpu.region"() ({
        %run_scoped3A_606 = tpu.sem_alloc : memref<!tpu.dma_semaphore, #tpu.memory_space<semaphore_mem>>
        %dma_start3A_607 = arith.constant 0 : i32
        %dma_start3A_608 = tpu.memref_slice %arg4[%arg0, %add3A_605, %dma_start3A_607] : memref<2x10240x128xf32, #tpu.memory_space<hbm>> -> memref<1x128x128xf32, #tpu.memory_space<hbm>>
        %dma_start3A_609 = tpu.memref_squeeze %dma_start3A_608 : memref<1x128x128xf32, #tpu.memory_space<hbm>> -> memref<128x128xf32, #tpu.memory_space<hbm>>
        %dma_start3A_610 = arith.constant 0 : i32
        %dma_start3A_611 = tpu.memref_slice %arg4[%arg0, %add3A_605, %dma_start3A_610] : memref<2x10240x128xf32, #tpu.memory_space<hbm>> -> memref<1x128x128xf32, #tpu.memory_space<hbm>>
        %dma_start3A_612 = tpu.memref_squeeze %dma_start3A_611 : memref<1x128x128xf32, #tpu.memory_space<hbm>> -> memref<128x128xf32, #tpu.memory_space<hbm>>
        tpu.enqueue_dma source(%arg16 : memref<128x128xf32, #tpu.memory_space<vmem>>) target(%dma_start3A_612 : memref<128x128xf32, #tpu.memory_space<hbm>>) target_semaphore(%run_scoped3A_606 : memref<!tpu.dma_semaphore, #tpu.memory_space<semaphore_mem>>)
        %dma_wait3A_613 = arith.constant 0 : i32
        %dma_wait3A_614 = tpu.memref_slice %arg4[%arg0, %add3A_605, %dma_wait3A_613] : memref<2x10240x128xf32, #tpu.memory_space<hbm>> -> memref<1x128x128xf32, #tpu.memory_space<hbm>>
        %dma_wait3A_615 = tpu.memref_squeeze %dma_wait3A_614 : memref<1x128x128xf32, #tpu.memory_space<hbm>> -> memref<128x128xf32, #tpu.memory_space<hbm>>
        %dma_wait3A_616 = arith.constant 0 : i32
        %dma_wait3A_617 = tpu.memref_slice %arg4[%arg0, %add3A_605, %dma_wait3A_616] : memref<2x10240x128xf32, #tpu.memory_space<hbm>> -> memref<1x128x128xf32, #tpu.memory_space<hbm>>
        %dma_wait3A_618 = tpu.memref_squeeze %dma_wait3A_617 : memref<1x128x128xf32, #tpu.memory_space<hbm>> -> memref<128x128xf32, #tpu.memory_space<hbm>>
        tpu.wait_dma2 semaphore(%run_scoped3A_606 : memref<!tpu.dma_semaphore, #tpu.memory_space<semaphore_mem>>) src(%arg16 : memref<128x128xf32, #tpu.memory_space<vmem>>) dst(%dma_wait3A_618 : memref<128x128xf32, #tpu.memory_space<hbm>>)
        tpu.yield
      }) : () -> ()
    }
    %scan3A_595 = arith.constant 5 : i32
    return
  }
}

module attributes {stable_mosaic.version = 14 : i64} {
  func.func @body(%arg0: memref<10000x128xf32, #tpu.memory_space<vmem>>, %arg1: memref<64x128xf32, #tpu.memory_space<vmem>>, %arg2: memref<64x128xf32, #tpu.memory_space<vmem>>, %arg3: memref<10000x64xf32, #tpu.memory_space<vmem>>, %arg4: memref<10000x64xf32, #tpu.memory_space<vmem>>) attributes {dimension_semantics = [], scalar_prefetch = 0 : i64, scratch_operands = 0 : i64, tpu.core_type = #tpu.core_type<tc>} {
    %get3A = arith.constant 0 : index
    %get3A_0 = arith.constant 0 : index
    %get3A_1 = vector.load %arg0[%get3A, %get3A_0] : memref<10000x128xf32, #tpu.memory_space<vmem>>, vector<10000x128xf32>
    %get3A_2 = arith.constant 0 : index
    %get3A_3 = arith.constant 0 : index
    %get3A_4 = vector.load %arg1[%get3A_2, %get3A_3] : memref<64x128xf32, #tpu.memory_space<vmem>>, vector<64x128xf32>
    %dot_general3A = arith.constant dense<0.000000e+00> : vector<10000x64xf32>
    %dot_general3A_5 = tpu.matmul %get3A_1, %get3A_4, %dot_general3A {dimension_numbers = #tpu.dot_dimension_numbers<[1], [1], [0], [0], [0, 0, 1, 0], [], []>, transpose_lhs_hint = false} : vector<10000x128xf32>, vector<64x128xf32>, vector<10000x64xf32> -> vector<10000x64xf32>
    %swap3A = arith.constant 0 : index
    %swap3A_6 = arith.constant 0 : index
    %swap3A_7 = vector.load %arg3[%swap3A, %swap3A_6] : memref<10000x64xf32, #tpu.memory_space<vmem>>, vector<10000x64xf32>
    tpu.vector_store %arg3[%swap3A, %swap3A_6], %dot_general3A_5 {strides = array<i32>} : memref<10000x64xf32, #tpu.memory_space<vmem>>, vector<10000x64xf32>,
    %get3A_8 = arith.constant 0 : index
    %get3A_9 = arith.constant 0 : index
    %get3A_10 = vector.load %arg2[%get3A_8, %get3A_9] : memref<64x128xf32, #tpu.memory_space<vmem>>, vector<64x128xf32>
    %dot_general3A_11 = arith.constant dense<0.000000e+00> : vector<10000x64xf32>
    %dot_general3A_12 = tpu.matmul %get3A_1, %get3A_10, %dot_general3A_11 {dimension_numbers = #tpu.dot_dimension_numbers<[1], [1], [0], [0], [0, 0, 1, 0], [], []>, transpose_lhs_hint = false} : vector<10000x128xf32>, vector<64x128xf32>, vector<10000x64xf32> -> vector<10000x64xf32>
    %swap3A_13 = arith.constant 0 : index
    %swap3A_14 = arith.constant 0 : index
    %swap3A_15 = vector.load %arg4[%swap3A_13, %swap3A_14] : memref<10000x64xf32, #tpu.memory_space<vmem>>, vector<10000x64xf32>
    tpu.vector_store %arg4[%swap3A_13, %swap3A_14], %dot_general3A_12 {strides = array<i32>} : memref<10000x64xf32, #tpu.memory_space<vmem>>, vector<10000x64xf32>,
    return
  }
}

module attributes {stable_mosaic.version = 14 : i64} {
  func.func @body(%arg0: memref<2x10240x128xf32, #tpu.memory_space<vmem>>, %arg1: memref<10000x64xf32, #tpu.memory_space<vmem>>, %arg2: memref<1x64xf32, #tpu.memory_space<vmem>>, %arg3: memref<32x64xf32, #tpu.memory_space<vmem>>, %arg4: memref<1x32xf32, #tpu.memory_space<vmem>>, %arg5: memref<16x32xf32, #tpu.memory_space<vmem>>, %arg6: memref<16x32xf32, #tpu.memory_space<vmem>>, %arg7: memref<1x16xf32, #tpu.memory_space<vmem>>, %arg8: memref<10000x16xf32, #tpu.memory_space<vmem>>, %arg9: memref<10000x16xf32, #tpu.memory_space<vmem>>) attributes {dimension_semantics = [], scalar_prefetch = 0 : i64, scratch_operands = 0 : i64, tpu.core_type = #tpu.core_type<tc>} {
    %get3A = arith.constant 0 : index
    %get3A_0 = arith.constant 0 : index
    %get3A_1 = arith.constant 0 : index
    %get3A_2 = vector.load %arg0[%get3A, %get3A_0, %get3A_1] : memref<2x10240x128xf32, #tpu.memory_space<vmem>>, vector<1x10000x64xf32>
    %get3A_3 = vector.shape_cast %get3A_2 : vector<1x10000x64xf32> to vector<10000x64xf32>
    %get3A_4 = arith.constant 1 : index
    %get3A_5 = arith.constant 0 : index
    %get3A_6 = arith.constant 0 : index
    %get3A_7 = vector.load %arg0[%get3A_4, %get3A_5, %get3A_6] : memref<2x10240x128xf32, #tpu.memory_space<vmem>>, vector<1x10000x64xf32>
    %get3A_8 = vector.shape_cast %get3A_7 : vector<1x10000x64xf32> to vector<10000x64xf32>
    %add3A = arith.addf %get3A_3, %get3A_8 : vector<10000x64xf32>
    %get3A_9 = arith.constant 0 : index
    %get3A_10 = arith.constant 0 : index
    %get3A_11 = vector.load %arg1[%get3A_9, %get3A_10] : memref<10000x64xf32, #tpu.memory_space<vmem>>, vector<10000x64xf32>
    %add3A_12 = arith.addf %add3A, %get3A_11 : vector<10000x64xf32>
    %get3A_13 = arith.constant 0 : index
    %get3A_14 = arith.constant 0 : index
    %get3A_15 = vector.load %arg2[%get3A_13, %get3A_14] : memref<1x64xf32, #tpu.memory_space<vmem>>, vector<1x64xf32>
    %add3A_16 = vector.broadcast %get3A_15 : vector<1x64xf32> to vector<10000x64xf32>
    %add3A_17 = arith.addf %add3A_12, %add3A_16 : vector<10000x64xf32>
    %get3A_18 = arith.constant 0 : index
    %get3A_19 = arith.constant 0 : index
    %get3A_20 = vector.load %arg3[%get3A_18, %get3A_19] : memref<32x64xf32, #tpu.memory_space<vmem>>, vector<32x64xf32>
    %dot_general3A = arith.constant dense<0.000000e+00> : vector<10000x32xf32>
    %dot_general3A_21 = tpu.matmul %add3A_17, %get3A_20, %dot_general3A {dimension_numbers = #tpu.dot_dimension_numbers<[1], [1], [0], [0], [0, 0, 1, 0], [], []>, transpose_lhs_hint = false} : vector<10000x64xf32>, vector<32x64xf32>, vector<10000x32xf32> -> vector<10000x32xf32>
    %get3A_22 = arith.constant 0 : index
    %get3A_23 = arith.constant 0 : index
    %get3A_24 = vector.load %arg4[%get3A_22, %get3A_23] : memref<1x32xf32, #tpu.memory_space<vmem>>, vector<1x32xf32>
    %add3A_25 = vector.broadcast %get3A_24 : vector<1x32xf32> to vector<10000x32xf32>
    %add3A_26 = arith.addf %dot_general3A_21, %add3A_25 : vector<10000x32xf32>
    %max3A = arith.constant 0.000000e+00 : f32
    %max3A_27 = vector.broadcast %max3A : f32 to vector<10000x32xf32>
    %max3A_28 = arith.maximumf %add3A_26, %max3A_27 : vector<10000x32xf32>
    %get3A_29 = arith.constant 0 : index
    %get3A_30 = arith.constant 0 : index
    %get3A_31 = vector.load %arg5[%get3A_29, %get3A_30] : memref<16x32xf32, #tpu.memory_space<vmem>>, vector<16x32xf32>
    %dot_general3A_32 = arith.constant dense<0.000000e+00> : vector<10000x16xf32>
    %dot_general3A_33 = tpu.matmul %max3A_28, %get3A_31, %dot_general3A_32 {dimension_numbers = #tpu.dot_dimension_numbers<[1], [1], [0], [0], [0, 0, 1, 0], [], []>, transpose_lhs_hint = false} : vector<10000x32xf32>, vector<16x32xf32>, vector<10000x16xf32> -> vector<10000x16xf32>
    %swap3A = arith.constant 0 : index
    %swap3A_34 = arith.constant 0 : index
    %swap3A_35 = vector.load %arg8[%swap3A, %swap3A_34] : memref<10000x16xf32, #tpu.memory_space<vmem>>, vector<10000x16xf32>
    tpu.vector_store %arg8[%swap3A, %swap3A_34], %dot_general3A_33 {strides = array<i32>} : memref<10000x16xf32, #tpu.memory_space<vmem>>, vector<10000x16xf32>,
    %get3A_36 = arith.constant 0 : index
    %get3A_37 = arith.constant 0 : index
    %get3A_38 = vector.load %arg6[%get3A_36, %get3A_37] : memref<16x32xf32, #tpu.memory_space<vmem>>, vector<16x32xf32>
    %dot_general3A_39 = arith.constant dense<0.000000e+00> : vector<10000x16xf32>
    %dot_general3A_40 = tpu.matmul %max3A_28, %get3A_38, %dot_general3A_39 {dimension_numbers = #tpu.dot_dimension_numbers<[1], [1], [0], [0], [0, 0, 1, 0], [], []>, transpose_lhs_hint = false} : vector<10000x32xf32>, vector<16x32xf32>, vector<10000x16xf32> -> vector<10000x16xf32>
    %get3A_41 = arith.constant 0 : index
    %get3A_42 = arith.constant 0 : index
    %get3A_43 = vector.load %arg7[%get3A_41, %get3A_42] : memref<1x16xf32, #tpu.memory_space<vmem>>, vector<1x16xf32>
    %add3A_44 = vector.broadcast %get3A_43 : vector<1x16xf32> to vector<10000x16xf32>
    %add3A_45 = arith.addf %dot_general3A_40, %add3A_44 : vector<10000x16xf32>
    %swap3A_46 = arith.constant 0 : index
    %swap3A_47 = arith.constant 0 : index
    %swap3A_48 = vector.load %arg9[%swap3A_46, %swap3A_47] : memref<10000x16xf32, #tpu.memory_space<vmem>>, vector<10000x16xf32>
    tpu.vector_store %arg9[%swap3A_46, %swap3A_47], %add3A_45 {strides = array<i32>} : memref<10000x16xf32, #tpu.memory_space<vmem>>, vector<10000x16xf32>,
    return
  }
}

module attributes {stable_mosaic.version = 14 : i64} {
  func.func @body(%arg0: memref<2x10240x128xf32, #tpu.memory_space<vmem>>, %arg1: memref<10000x16xf32, #tpu.memory_space<vmem>>, %arg2: memref<10x16xf32, #tpu.memory_space<vmem>>, %arg3: memref<1x10xf32, #tpu.memory_space<vmem>>, %arg4: memref<10000x10xf32, #tpu.memory_space<vmem>>) attributes {dimension_semantics = [], scalar_prefetch = 0 : i64, scratch_operands = 0 : i64, tpu.core_type = #tpu.core_type<tc>} {
    %get3A = arith.constant 0 : index
    %get3A_0 = arith.constant 0 : index
    %get3A_1 = arith.constant 0 : index
    %get3A_2 = vector.load %arg0[%get3A, %get3A_0, %get3A_1] : memref<2x10240x128xf32, #tpu.memory_space<vmem>>, vector<1x10000x16xf32>
    %get3A_3 = vector.shape_cast %get3A_2 : vector<1x10000x16xf32> to vector<10000x16xf32>
    %get3A_4 = arith.constant 1 : index
    %get3A_5 = arith.constant 0 : index
    %get3A_6 = arith.constant 0 : index
    %get3A_7 = vector.load %arg0[%get3A_4, %get3A_5, %get3A_6] : memref<2x10240x128xf32, #tpu.memory_space<vmem>>, vector<1x10000x16xf32>
    %get3A_8 = vector.shape_cast %get3A_7 : vector<1x10000x16xf32> to vector<10000x16xf32>
    %add3A = arith.addf %get3A_3, %get3A_8 : vector<10000x16xf32>
    %get3A_9 = arith.constant 0 : index
    %get3A_10 = arith.constant 0 : index
    %get3A_11 = vector.load %arg1[%get3A_9, %get3A_10] : memref<10000x16xf32, #tpu.memory_space<vmem>>, vector<10000x16xf32>
    %add3A_12 = arith.addf %add3A, %get3A_11 : vector<10000x16xf32>
    %get3A_13 = arith.constant 0 : index
    %get3A_14 = arith.constant 0 : index
    %get3A_15 = vector.load %arg2[%get3A_13, %get3A_14] : memref<10x16xf32, #tpu.memory_space<vmem>>, vector<10x16xf32>
    %dot_general3A = arith.constant dense<0.000000e+00> : vector<10000x10xf32>
    %dot_general3A_16 = tpu.matmul %add3A_12, %get3A_15, %dot_general3A {dimension_numbers = #tpu.dot_dimension_numbers<[1], [1], [0], [0], [0, 0, 1, 0], [], []>, transpose_lhs_hint = false} : vector<10000x16xf32>, vector<10x16xf32>, vector<10000x10xf32> -> vector<10000x10xf32>
    %get3A_17 = arith.constant 0 : index
    %get3A_18 = arith.constant 0 : index
    %get3A_19 = vector.load %arg3[%get3A_17, %get3A_18] : memref<1x10xf32, #tpu.memory_space<vmem>>, vector<1x10xf32>
    %add3A_20 = vector.broadcast %get3A_19 : vector<1x10xf32> to vector<10000x10xf32>
    %add3A_21 = arith.addf %dot_general3A_16, %add3A_20 : vector<10000x10xf32>
    %reduce_max3A = arith.constant dense<0xFF800000> : vector<10000xf32>
    %reduce_max3A_22 = vector.multi_reduction <maximumf>, %add3A_21, %reduce_max3A [1] : vector<10000x10xf32> to vector<10000xf32>
    %broadcast_in_dim3A = vector.shape_cast %reduce_max3A_22 : vector<10000xf32> to vector<10000x1xf32>
    %sub3A = vector.broadcast %broadcast_in_dim3A : vector<10000x1xf32> to vector<10000x10xf32>
    %sub3A_23 = arith.subf %add3A_21, %sub3A : vector<10000x10xf32>
    %exp3A = math.exp %sub3A_23 : vector<10000x10xf32>
    %reduce_sum3A = arith.constant dense<0.000000e+00> : vector<10000xf32>
    %reduce_sum3A_24 = vector.multi_reduction <add>, %exp3A, %reduce_sum3A [1] : vector<10000x10xf32> to vector<10000xf32>
    %broadcast_in_dim3A_25 = vector.shape_cast %reduce_sum3A_24 : vector<10000xf32> to vector<10000x1xf32>
    %log3A = math.log %broadcast_in_dim3A_25 : vector<10000x1xf32>
    %sub3A_26 = vector.broadcast %log3A : vector<10000x1xf32> to vector<10000x10xf32>
    %sub3A_27 = arith.subf %sub3A_23, %sub3A_26 : vector<10000x10xf32>
    %swap3A = arith.constant 0 : index
    %swap3A_28 = arith.constant 0 : index
    %swap3A_29 = vector.load %arg4[%swap3A, %swap3A_28] : memref<10000x10xf32, #tpu.memory_space<vmem>>, vector<10000x10xf32>
    tpu.vector_store %arg4[%swap3A, %swap3A_28], %sub3A_27 {strides = array<i32>} : memref<10000x10xf32, #tpu.memory_space<vmem>>, vector<10000x10xf32>,
    return
  }
}

</mosaic_0001>

<sc_bundles>
// kernel: kernel.10.cloned.1.call-start
scs
__scs_entry_jumppad:
0x0: {  	(pc) =	sbr.rel $0x88, $3  }
0x1: {  	(tag) =	ssettag $0x0;
	lr =	simm.s32 $0x1  }
0x2: {  	[smem:$0x3F95] =	sst lr;
	_ =	strace $0xD0000000  }
0x3: {  	_ = 	snop  }
0x4: {  	_ = 	snop  }
0x5: {  	_ = 	snop  }
0x6: {  	_ = 	snop  }
0x7: {  	_ = 	snop  }
__scs_overlays_trampoline_lowered:
0x8: {  	[smem:$0x3FA4] =	sst s0  }
0x9: {  	[smem:$0x3FA5] =	sst s1  }
0xa: {  	[smem:$0x3FA6] =	sst s2  }
0xb: {  	[smem:$0x3FA7] =	sst s3  }
0xc: {  	[smem:$0x3FA8] =	sst s4  }
0xd: {  	[smem:$0x3FA9] =	sst s5  }
0xe: {  	[smem:$0x3FAA] =	sst s6  }
0xf: {  	[smem:$0x3FAB] =	sst s7  }
0x10: {  	[smem:$0x3FAC] =	sst s8  }
0x11: {  	[smem:$0x3FAD] =	sst s9;
	s0 =	simm.s32 @!p0 $0x0  }
0x12: {  	s1 =	sld [smem:$0x3F93];
	s0 =	simm.s32 @p0 $0x1  }
0x13: {  	[smem:$0x3FAE] =	sst s0;
	s0 =	simm.s32 @!p1 $0x0  }
0x14: {  	s2 =	sld [smem:$0x3F92];
	s0 =	simm.s32 @p1 $0x1  }
0x15: {  	[smem:$0x3FAF] =	sst s0;
	s0 =	simm.s32 @!p2 $0x0  }
0x16: {  	s3 =	sld [smem:$0x3FDB];
	s0 =	simm.s32 @p2 $0x1  }
0x17: {  	s4 =	simm.s32 $0x1BF5;
	[smem:$0x3FB1] =	sst s0  }
0x18: {  	s0 =	sld [smem:$0x3F94];
	_ =	swait.ge [sflag:s4], $0x0  }
0x19: {  	s7 =	sld [smem:$0x3F95]  }
0x1a: {  	s8 =	sadd.s32 $0xFFFFE003, lr  }
0x1b: {  	s9 =	sadd.s32 $0xFFFFFEF7, lr;
	s5 =	simm.s32 $0xFFFFFFFF;
	p2 =	slt.u32 s8, $0xFFFFF086  }
0x1c: {  	p1 =	slt.u32 s9, $0xF7A;
	s5 =	simm.s32 @!p2 $0x0  }
0x1d: {  	s5 =	simm.s32 @p1 $0x1;
	p0 =	seq.s32 s7, s2  }
0x1e: {  	s7 =	smul.u32 @!p0 $0xF7A, s2;
	p2 =	seq.s32 @!p0 s5, $0x0  }
0x1f: {  	s9 =	smul.u32 $0xF7A, s1;
	s8 =	simm.s32 @!p0 $0x1BF5;
	p2 =	por !p2, p0  }
0x20: {  	[sflag:s8] =	ssyncset.s32 @!p0 $0xFFFFF086;
	s6 =	sadd.s32 @!p0 s3, s7;
	s7 =	simm.s32 @!p0 $0x108  }
0x21: {  	s3 =	sadd.s32 s3, s9;
	s6 =	sadd.s32 @!p0 $0x88, s6;
	s7 =	simm.s32 @p2 $0x1082  }
0x22: {  	[simem:s7], [sflag:s8] =	dma.local @!p0 [hbm:s6], $0xF7A  }
0x23: {  	s9 =	sor.u32 $0xD0000000, s2;
	s6 =	simm.s32 $0x108;
	_ =	swait.ge @!p0 [sflag:s8], $0x0  }
0x24: {  	s3 =	sadd.s32 $0x88, s3;
	s6 =	simm.s32 @!p1 $0x1082;
	[sflag:s4] =	ssyncset.s32 $0xFFFFF086  }
0x25: {  	[simem:s6], [sflag:s4] =	dma.local [hbm:s3], $0xF7A  }
0x26: {  	[smem:$0x3F95] =	sst s1;
	(tag) =	ssettag s2;
	_ =	strace s9  }
0x27: {  	s1 =	sld [smem:$0x3FA5]  }
0x28: {  	s2 =	sld [smem:$0x3FA6]  }
0x29: {  	s4 =	sld [smem:$0x3FA8]  }
0x2a: {  	p0 =	seq.s32 s5, $0x0;
	s5 =	sld [smem:$0x3FA9]  }
0x2b: {  	s6 =	sld [smem:$0x3FAA]  }
0x2c: {  	s7 =	sld [smem:$0x3FAB]  }
0x2d: {  	s3 =	simm.s32 $0x108;
	s8 =	sld [smem:$0x3FAC]  }
0x2e: {  	s3 =	simm.s32 @!p0 $0x1082;
	s9 =	sld [smem:$0x3FAD]  }
0x2f: {  	lr =	sadd.s32 s0, s3;
	s0 =	sld [smem:$0x3FA4]  }
0x30: {  	s3 =	sld [smem:$0x3FA7]  }
0x31: {  	[smem:$0x3FB0] =	sst s10  }
0x32: {  	s10 =	sld [smem:$0x3FAE];
	_ =	sdelay $0x3  }
0x33: {  	p0 =	seq.s32 s10, $0x1;
	s10 =	sld [smem:$0x3FB0];
	_ =	sdelay $0x3  }
0x34: {  	[smem:$0x3FB0] =	sst s10  }
0x35: {  	s10 =	sld [smem:$0x3FAF];
	_ =	sdelay $0x3  }
0x36: {  	p1 =	seq.s32 s10, $0x1;
	s10 =	sld [smem:$0x3FB0];
	_ =	sdelay $0x3  }
0x37: {  	[smem:$0x3FB0] =	sst s10  }
0x38: {  	s10 =	sld [smem:$0x3FB1]  }
0x39: {  	_ = 	snop;
	(pc) =	sbr.ind lr, $3  }
0x3a: {  	_ = 	snop  }
0x3b: {  	_ = 	snop  }
0x3c: {  	p2 =	seq.s32 s10, $0x1;
	s10 =	sld [smem:$0x3FB0]  }
0x3d: {  	_ =	shalt  }
0x3e: {  	_ =	shalt  }
0x3f: {  	_ =	shalt  }
0x40: {  	_ =	shalt  }
0x41: {  	_ =	shalt  }
0x42: {  	_ =	shalt  }
0x43: {  	_ =	shalt  }
0x44: {  	_ =	shalt  }
0x45: {  	_ =	shalt  }
0x46: {  	_ =	shalt  }
0x47: {  	_ =	shalt  }
0x48: {  	_ =	shalt  }
0x49: {  	_ =	shalt  }
0x4a: {  	_ =	shalt  }
0x4b: {  	_ =	shalt  }
0x4c: {  	_ =	shalt  }
0x4d: {  	_ =	shalt  }
0x4e: {  	_ =	shalt  }
0x4f: {  	_ =	shalt  }
0x50: {  	_ =	shalt  }
0x51: {  	_ =	shalt  }
0x52: {  	_ =	shalt  }
0x53: {  	_ =	shalt  }
0x54: {  	_ =	shalt  }
0x55: {  	_ =	shalt  }
0x56: {  	_ =	shalt  }
0x57: {  	_ =	shalt  }
0x58: {  	_ =	shalt  }
0x59: {  	_ =	shalt  }
0x5a: {  	_ =	shalt  }
0x5b: {  	_ =	shalt  }
0x5c: {  	_ =	shalt  }
0x5d: {  	_ =	shalt  }
0x5e: {  	_ =	shalt  }
0x5f: {  	_ =	shalt  }
0x60: {  	_ =	shalt  }
0x61: {  	_ =	shalt  }
0x62: {  	_ =	shalt  }
0x63: {  	_ =	shalt  }
0x64: {  	_ =	shalt  }
0x65: {  	_ =	shalt  }
0x66: {  	_ =	shalt  }
0x67: {  	_ =	shalt  }
0x68: {  	_ =	shalt  }
0x69: {  	_ =	shalt  }
0x6a: {  	_ =	shalt  }
0x6b: {  	_ =	shalt  }
0x6c: {  	_ =	shalt  }
0x6d: {  	_ =	shalt  }
0x6e: {  	_ =	shalt  }
0x6f: {  	_ =	shalt  }
0x70: {  	_ =	shalt  }
0x71: {  	_ =	shalt  }
0x72: {  	_ =	shalt  }
0x73: {  	_ =	shalt  }
0x74: {  	_ =	shalt  }
0x75: {  	_ =	shalt  }
0x76: {  	_ =	shalt  }
0x77: {  	_ =	shalt  }
0x78: {  	_ =	shalt  }
0x79: {  	_ =	shalt  }
0x7a: {  	_ =	shalt  }
0x7b: {  	_ =	shalt  }
0x7c: {  	_ =	shalt  }
0x7d: {  	_ =	shalt  }
0x7e: {  	_ =	shalt  }
0x7f: {  	_ =	shalt  }
0x80: {  	_ =	shalt  }
0x81: {  	_ =	shalt  }
0x82: {  	_ =	shalt  }
0x83: {  	_ =	shalt  }
0x84: {  	_ =	shalt  }
0x85: {  	_ =	shalt  }
0x86: {  	_ =	shalt  }
0x87: {  	_ =	shalt  }
.Lfunc_end0:
.L_simem_size_0:
called_computation.1_lowered:
.L_overlay_start_0:
0x88: {  	s2 =	sld [smem:$0x3FD9]  }
0x89: {  	s3 =	sld [smem:$0x3FFE];
	_ =	sdelay $0x1  }
0x8a: {  	s1 =	srdreg.scid  }
0x8b: {  	s0 =	sand.u32 $0x1, s1  }
0x8c: {  	s17 =	sshll.u32 s0, $0xA;
	s2 =	sadd.s32 s3, s2  }
0x8d: {  	s2 =	sadd.s32 s2, s17  }
0x8e: {  	[smem:$0x3FBC] =	sst s2  }
0x8f: {  	_ = 	snop  }
0x90: {  	s2 =	sld [smem:$0x3FD0];
	(tm) =	ssettm $0x1  }
0x91: {  	s18 =	sld [smem:$0x3FFB];
	_ =	sdelay $0x3  }
0x92: {  	_ =	strace s18  }
0x93: {  	s3 =	sld [smem:$0x3FFC];
	_ =	sdelay $0x3  }
0x94: {  	_ =	strace s3  }
0x95: {  	s3 =	sld [smem:$0x3FFD];
	_ =	sdelay $0x3  }
0x96: {  	_ =	strace s3  }
0x97: {  	_ =	strace $0x8FFFFFFF  }
0x98: {  	s19 =	sld [smem:$0x3FDB];
	_ =	sdelay $0x1  }
0x99: {  	s4 =	simm.s32 $_scs_section_size  }
0x9a: {  	s5 =	simm.s32 $_size__tile_overlayer_lowered;
	s6 =	simm.s32 $_tile_overlayer_lowered  }
0x9b: {  	s22 =	simm.s32 $0x1BFF;
	s21 =	sshll.u32 s6, $0x1;
	s3 =	sadd.s32 s4, s19  }
0x9c: {  	s7 =	simm.s32 $0x0;
	s20 =	sshll.u32 s5, $0x1;
	s5 =	sadd.s32 s21, s3  }
0x9d: {  	[timem:s7], [sflag:s22] =	dma.local [hbm:s5], s20  }
0x9e: {  	_ =	swait.ge [sflag:s22], s20  }
0x9f: {  	s4 =	ssub.s32 $0x0, s20;
	[sflag:s22] =	ssyncset.done $0x0  }
0xa0: {  	[sflag:s22] =	ssyncadd.s32 s4;
	_ =	sdelay $0x1  }
0xa1: {  	s23 =	simm.s32 $0x1B8B  }
0xa2: {  	_ =	swait.ge [sflag:s23], $0x1  }
0xa3: {  	[sflag:s23] =	ssyncset.done $0x0  }
0xa4: {  	s25 =	simm.s32 $0x1B8E;
	s24 =	sld [smem:$0x3FFE];
	[sflag:s23] =	ssyncadd.s32 $0xFFFFFFFF  }
0xa5: {  	s26 =	simm.s32 $execute0_lowered;
	[smem:$0x3FD2] =	sst s25  }
0xa6: {  	s5 =	sshll.u32 s26, $0x1;
	_ =	strace $0x80000049;
	[dreg:$0x1] =	wrdreg $0xFFFFFFFF  }
0xa7: {  	s28 =	simm.s32 $_size_execute0_lowered;
	s3 =	sadd.s32 s3, s5;
	[dreg:$0x0] =	wrdreg $0x0  }
0xa8: {  	s5 =	sshll.u32 s28, $0x1;
	[dreg:$0x2] =	wrdreg s3  }
0xa9: {  	[dreg:$0x3] =	wrdreg s5  }
0xaa: {  	[dreg:$0x4] =	wrdreg $0xC0  }
0xab: {  	_ =	task [dreg:s7], $0x5FFFF  }
0xac: {  	[dreg:$0x1] =	wrdreg $0xFFFFFFFF  }
0xad: {  	[dreg:$0x0] =	wrdreg $0x60  }
0xae: {  	[dreg:$0x2] =	wrdreg s2  }
0xaf: {  	[dreg:$0x3] =	wrdreg s24  }
0xb0: {  	[dreg:$0x4] =	wrdreg $0xCF200  }
0xb1: {  	[dreg:$0x5] =	wrdreg $0x9  }
0xb2: {  	_ =	task.clear_ibuf [dreg:s7], $0x6FFFF;
	_ =	strace $0x90000049  }
0xb3: {  	s29 =	simm.s32 $0x9;
	_ =	strace $0x8000004B  }
0xb4: {  	_ =	swait.ge [sflag:s29], $0x1  }
0xb5: {  	[sflag:s29] =	ssyncadd.s32 $0xFFFFFFFF  }
0xb6: {  	_ =	strace $0x9000004B  }
0xb7: {  	_ =	sfence  }
0xb8: {  	s30 =	sld [smem:$0x0];
	_ =	sdelay $0x2  }
0xb9: {  	s31 =	sshll.u32 s1, $0xD;
	s1 =	sshrl.u32 s1, $0x2  }
0xba: {  	s3 =	sand.u32 $0x4000, s31;
	s1 =	sadd.s32 s1, s30  }
0xbb: {  	s0 =	sor.u32 s3, s0;
	s1 =	sshll.u32 s1, $0x11  }
0xbc: {  	s0 =	sor.u32 s1, s0  }
0xbd: {  	s0 =	sadd.s32 $0x8F2B, s0  }
0xbe: {  	[sflag:s0] =	ssyncadd.remote.s32 $0x1  }
0xbf: {  	_ =	sfence.sel $0xFFFF  }
0xc0: {  	[dreg:$0x0] =	wrdreg $0xFFFFFFFF;
	(pc) =	sbr.abs _section_cstart, $3  }
0xc1: {  	[dreg:$0x1] =	wrdreg $0xFFFFFFFF  }
0xc2: {  	_ =	task.clear_ibuf [dreg:s7], $0x2FFFF;
	_ =	strace $0x9FFFFFFF  }
0xc3: {  	(tm) =	ssettm $0x7FFFFFFF  }
tec
execute0_lowered:
.L_overlay_start_1:
0x0: {  	(tag) =	ssettag $0x1  }
0x1: {  	s1 =	rddreg [dreg:$0x0]  }
0x2: {  	s0 =	rddreg [dreg:$0x1]  }
0x3: {  	s2 =	rddreg [dreg:$0x2];
	s3 =	srdreg.scid  }
0x4: {  	s22 =	simm.s32 $0x0;
	s11 =	stileid.u32;
	s29 =	simm.s32 $0x11  }
0x5: {  	s30 =	simm.s32 $0x80;
	s28 =	simm.s32 $0x8;
	s8 =	smul.u32 $0xA000, s11  }
0x6: {  	s3 =	sand.u32 $0x1, s3;
	[smem:$0x7FF] =	sst s22;
	s18 =	smul.u32 $0x280, s11  }
0x7: {  	s5 =	sadd.s32 $0x2400, s0;
	s0 =	sadd.s32 $0x15E00, s0;
	s20 =	smul.u32 $0x14000, s11  }
0x8: {  	s4 =	sshll.u32 s3, $0x4;
	_ =	strace $0x8000004A;
	s19 =	smul.u32 $0x140000, s3  }
0x9: {  	s6 =	ssub.s32 $0x2, s3;
	s3 =	smul.u32 $0x27100, s3;
	s4 =	sor.u32 s11, s4  }
0xa: {  	s7 =	sshrl.u32 s6, $0x1;
	s8 =	sshrl.u32 s8, $0x2;
	s25 =	sadd.s32 $0x80, s18  }
0xb: {  	s13 =	sadd.s32 $0x100, s18;
	s16 =	sadd.s32 $0x180, s18;
	s4 =	smul.u32 $0x2710, s4  }
0xc: {  	s6 =	ssub.s32 s6, s7;
	s26 =	sadd.s32 s8, s2;
	s31 =	sshll.u32 s25, $0x7  }
0xd: {  	s14 =	sshll.u32 s13, $0x4;
	s8 =	sadd.s32 $0x800, s26;
	[dreg:$0x6] =	wrdreg s26  }
0xe: {  	s17 =	sshll.u32 s16, $0x4;
	s21 =	sadd.s32 $0x1000, s26;
	[dreg:$0x7] =	wrdreg s8  }
0xf: {  	s7 =	sadd.s32 $0x200, s18;
	s23 =	sadd.s32 $0x1800, s26;
	[dreg:$0x8] =	wrdreg s21  }
0x10: {  	s18 =	smul.u32 $0x2710, s11;
	s24 =	sadd.s32 $0x2000, s26;
	[dreg:$0x9] =	wrdreg s23  }
0x11: {  	s11 =	simm.s32 $0x3;
	s6 =	smax.u32 s6, $0x1;
	[dreg:$0xa] =	wrdreg s24  }
0x12: {  	s4 =	sshrl.u32 s4, $0x3;
	[dreg:$0xb] =	wrdreg s6;
	s8 =	sshll.u32 s25, $0x4  }
0x13: {  	s6 =	sadd.s32 s19, s31;
	s21 =	sshll.u32 s7, $0x4;
	s3 =	sadd.s32 s18, s3  }
0x14: {  	s18 =	simm.s32 $0x10;
	s4 =	sadd.s32 s5, s4;
	s12 =	sadd.s32 s8, s2  }
0x15: {  	s10 =	sshrl.u32 s6, $0x3;
	s6 =	sshll.u32 s13, $0x7;
	s24 =	sadd.s32 $0x4E200, s3  }
0x16: {  	s25 =	sshrl.u32 s3, $0x3;
	s13 =	simm.s32 $0x4;
	s8 =	simm.s32 $0x0  }
0x17: {  	s9 =	sadd.s32 $0x4E0, s4;
	s4 =	sadd.s32 $0xA120, s4;
	s15 =	sadd.s32 s19, s6  }
0x18: {  	s6 =	sshll.u32 s16, $0x7;
	s31 =	sshrl.u32 s24, $0x3;
	[dreg:$0xd] =	wrdreg s12  }
0x19: {  	s24 =	simm.s32 $0x6;
	s16 =	simm.s32 $0xF;
	[dreg:$0x4] =	wrdreg s9  }
0x1a: {  	[dreg:$0x5] =	wrdreg s4;
	s4 =	sadd.s32 s19, s20;
	s6 =	sadd.s32 s19, s6  }
0x1b: {  	s3 =	sadd.s32 s31, s5;
	s4 =	sshrl.u32 s4, $0x3;
	s20 =	sshrl.u32 s6, $0x3  }
0x1c: {  	s6 =	simm.s32 $0xB;
	[dreg:$0x16] =	wrdreg s3;
	s4 =	sadd.s32 s0, s4  }
0x1d: {  	[dreg:$0xc] =	wrdreg s4;
	s4 =	sadd.s32 s0, s10;
	s10 =	sshll.u32 s7, $0x7  }
0x1e: {  	s7 =	simm.s32 $0xD;
	[dreg:$0xe] =	wrdreg s4;
	s4 =	sadd.s32 s14, s2  }
0x1f: {  	s9 =	sadd.s32 s19, s10;
	s19 =	sadd.s32 s17, s2;
	s17 =	simm.s32 $0x5  }
0x20: {  	s14 =	simm.s32 $0xE;
	[dreg:$0xf] =	wrdreg s4;
	s4 =	sshrl.u32 s15, $0x3  }
0x21: {  	[dreg:$0x11] =	wrdreg s19;
	s23 =	sshrl.u32 s9, $0x3;
	s4 =	sadd.s32 s0, s4  }
0x22: {  	s9 =	simm.s32 $0x2;
	[dreg:$0x10] =	wrdreg s4;
	s4 =	sadd.s32 s0, s20  }
0x23: {  	s19 =	simm.s32 $0x9;
	s0 =	sadd.s32 s0, s23;
	[dreg:$0x12] =	wrdreg s4  }
0x24: {  	s4 =	sadd.s32 s21, s2;
	[dreg:$0x14] =	wrdreg s0;
	s0 =	sadd.s32 s25, s5  }
0x25: {  	s5 =	simm.s32 $0x1;
	s25 =	simm.s32 $0xA;
	[dreg:$0x13] =	wrdreg s4  }
0x26: {  	v0 =	vimm.f32 $0.0e+00;
	s21 =	simm.s32 $0x7;
	s4 =	simm.s32 $0xC;
	[dreg:$0x15] =	wrdreg s0  }
.LBB2_1:
0x27: {  	[dreg:$0x17] =	wrdreg s8;
	s20 =	sadd.s32 $0x0, s0;
	s26 =	sadd.s32 $0x0, s3  }
0x28: {  	[tilespmem:s22], [sflag:$0x11] =	stream.linear.gather [hbm4b:s20+s22], $0x80, $0x38;
	[tilespmem:$0xF720] =	vst v63  }
0x29: {  	s31 =	simm.s32 $0x2700;
	s8 =	smov.u32 s3;
	s3 =	simm.s32 $0x0  }
0x2a: {  	[tilespmem:s31], [sflag:$0x11] =	stream.linear.gather [hbm4b:s26+s22], $0x80, $0x38;
	[tilespmem:$0xF720] =	vst v63  }
0x2b: {  	s23 =	simm.s32 $0x2700;
	s20 =	simm.s32 $0x10;
	s22 =	simm.s32 $0x80  }
.LBB2_2:
0x2c: {  	s26 =	sadd.s32 s20, s0  }
0x2d: {  	p0 =	sne.s32 s20, $0x4D0;
	s31 =	smov.u32 s20;
	s20 =	sadd.s32 $0x10, s20  }
0x2e: {  	[tilespmem:s22], [sflag:$0x11] =	stream.linear.gather [hbm4b:s26+s3], $0x80, $0x38;
	[tilespmem:$0xF720] =	vst v63  }
.Ltmp0:
0x2f: {  	_ = 	snop;
	(pc) =	sbr.rel @p0 .LBB2_2-.Ltmp0, $4  }
0x30: {  	s23 =	sadd.s32 $0x80, s23;
	s26 =	sadd.s32 s31, s8  }
0x31: {  	[tilespmem:s23], [sflag:$0x11] =	stream.linear.gather [hbm4b:s26+s3], $0x80, $0x38;
	[tilespmem:$0xF720] =	vst v63  }
0x32: {  	_ = 	snop  }
0x33: {  	s22 =	sadd.s32 $0x80, s22  }
0x34: {  	s20 =	simm.s32 $0x0;
	s3 =	rddreg [dreg:$0x4];
	s0 =	simm.s32 $0x4E00  }
0x35: {  	[tilespmem:s0], [sflag:$0x11] =	stream.linear.gather [hbm4b:s3+s20], $0x10, $0x38;
	[tilespmem:$0xF720] =	vst v63  }
0x36: {  	s26 =	rddreg [dreg:$0x5];
	s31 =	simm.s32 $0x4E10  }
0x37: {  	[tilespmem:s31], [sflag:$0x11] =	stream.linear.gather [hbm4b:s26+s20], $0x10, $0x38;
	[tilespmem:$0xF720] =	vst v63  }
0x38: {  	s22 =	simm.s32 $0x0;
	s20 =	simm.s32 $0x40  }
.LBB2_4:
0x39: {  	p0 =	sne.s32 s20, $0x1FC0;
	[tilespmem:s22+$0x4E20] =	vst v0;
	s22 =	smov.u32 s20;
	s20 =	sadd.s32 $0x40, s20  }
.Ltmp1:
0x3a: {  	(pc) =	sbr.rel @p0 .LBB2_4-.Ltmp1, $2  }
0x3b: {  	_ =	sdelay $0x2  }
0x3c: {  	s22 =	sshra.s32 s22, $0x2  }
0x3d: {  	[tilespmem:s22+$0x4E20] =	vst v0;
	s0 =	rddreg [dreg:$0x6];
	s20 =	simm.s32 $0x4E20;
	s15 =	simm.s32 $0x12  }
0x3e: {  	[spmem:s0] =	stream.linear.scatter [tilespmem:s20], [sflag:$0x12], $0x800, $0x38;
	[tilespmem:$0xF720] =	vst v63  }
0x3f: {  	_ =	swait.ge [sflag:s15], $0x800  }
0x40: {  	[sflag:s15] =	ssyncset.done $0x0  }
0x41: {  	s3 =	rddreg [dreg:$0x7];
	[sflag:s15] =	ssyncadd.s32 $0xFFFFF800  }
0x42: {  	[spmem:s3] =	stream.linear.scatter [tilespmem:s20], [sflag:$0x12], $0x800, $0x38;
	[tilespmem:$0xF720] =	vst v63  }
0x43: {  	_ =	swait.ge [sflag:s15], $0x800  }
0x44: {  	[sflag:s15] =	ssyncset.done $0x0  }
0x45: {  	s23 =	rddreg [dreg:$0x8];
	[sflag:s15] =	ssyncadd.s32 $0xFFFFF800  }
0x46: {  	[spmem:s23] =	stream.linear.scatter [tilespmem:s20], [sflag:$0x12], $0x800, $0x38;
	[tilespmem:$0xF720] =	vst v63  }
0x47: {  	_ =	swait.ge [sflag:s15], $0x800  }
0x48: {  	[sflag:s15] =	ssyncset.done $0x0  }
0x49: {  	s26 =	rddreg [dreg:$0x9];
	[sflag:s15] =	ssyncadd.s32 $0xFFFFF800  }
0x4a: {  	[spmem:s26] =	stream.linear.scatter [tilespmem:s20], [sflag:$0x12], $0x800, $0x38;
	[tilespmem:$0xF720] =	vst v63  }
0x4b: {  	_ =	swait.ge [sflag:s15], $0x800  }
0x4c: {  	[sflag:s15] =	ssyncset.done $0x0  }
0x4d: {  	s31 =	rddreg [dreg:$0xa];
	[sflag:s15] =	ssyncadd.s32 $0xFFFFF800  }
0x4e: {  	[spmem:s31] =	stream.linear.scatter [tilespmem:s20], [sflag:$0x12], $0x800, $0x38;
	[tilespmem:$0xF720] =	vst v63  }
0x4f: {  	_ =	swait.ge [sflag:s15], $0x800  }
0x50: {  	[sflag:s15] =	ssyncset.done $0x0  }
0x51: {  	[sflag:s15] =	ssyncadd.s32 $0xFFFFF800  }
0x52: {  	_ =	swait.ge [sflag:s29], $0x80  }
0x53: {  	s8 =	simm.s32 $0x5620;
	[sflag:s29] =	ssyncset.done $0x0  }
0x54: {  	s22 =	simm.s32 $0x6620;
	s10 =	simm.s32 $0x6E20;
	[sflag:s29] =	ssyncadd.s32 $0xFFFFFF80  }
0x55: {  	s3 =	simm.s32 $0x4E20;
	s23 =	simm.s32 $0x8620;
	_ =	swait.ge [sflag:s29], $0x80  }
0x56: {  	s20 =	simm.s32 $0x4D;
	s15 =	simm.s32 $0x7E20;
	[sflag:s29] =	ssyncset.done $0x0  }
.LBB2_6:
0x57: {  	p0 =	sne.s32 s20, $0x1;
	s20 =	sadd.s32 $0xFFFFFFFF, s20;
	[sflag:s29] =	ssyncadd.s32 $0xFFFFFF80  }
.Ltmp2:
0x58: {  	_ =	swait.ge [sflag:s29], $0x80;
	(pc) =	sbr.rel @p0 .LBB2_6-.Ltmp2, $4  }
0x59: {  	[sflag:s29] =	ssyncset.done $0x0  }
0x5a: {  	[sflag:s29] =	ssyncadd.s32 $0xFFFFFF80  }
0x5b: {  	_ =	swait.ge [sflag:s29], $0x80  }
0x5c: {  	[sflag:s29] =	ssyncset.done $0x0  }
0x5d: {  	[sflag:s29] =	ssyncadd.s32 $0xFFFFFF80  }
0x5e: {  	_ =	swait.ge [sflag:s29], $0x10  }
0x5f: {  	[sflag:s29] =	ssyncset.done $0x0  }
0x60: {  	[sflag:s29] =	ssyncadd.s32 $0xFFFFFFF0  }
0x61: {  	_ =	swait.ge [sflag:s29], $0x10  }
0x62: {  	[sflag:s29] =	ssyncset.done $0x0  }
0x63: {  	[sflag:s29] =	ssyncadd.s32 $0xFFFFFFF0  }
0x64: {  	s20 =	simm.s32 $0x0;
	[bflag:$0x0] =	sbarrier.arrive $0xFFFF  }
0x65: {  	[tilespmem:s3], [sflag:$0x1] =	stream.indirect.gather [hbm4b:s1+s30], $0x10, s20, s30, $0xb8;
	[tilespmem:$0xF720] =	vst v63  }
0x66: {  	_ = 	snop  }
0x67: {  	[tilespmem:s8], [sflag:$0x2] =	stream.indirect.gather [hbm4b:s1+s30], $0x10, s30, s30, $0xb8;
	[tilespmem:$0xF720] =	vst v63  }
0x68: {  	s12 =	simm.s32 $0x100;
	s0 =	simm.s32 $0x5E20  }
0x69: {  	[tilespmem:s0], [sflag:$0x3] =	stream.indirect.gather [hbm4b:s1+s30], $0x10, s12, s30, $0xb8;
	[tilespmem:$0xF720] =	vst v63  }
0x6a: {  	s26 =	simm.s32 $0x180  }
0x6b: {  	[tilespmem:s22], [sflag:$0x4] =	stream.indirect.gather [hbm4b:s1+s30], $0x10, s26, s30, $0xb8;
	[tilespmem:$0xF720] =	vst v63  }
0x6c: {  	_ =	swait.ge [sflag:s5], $0x800  }
0x6d: {  	[sflag:s5] =	ssyncset.done $0x0  }
0x6e: {  	s12 =	simm.s32 $0x2700;
	[sflag:s5] =	ssyncadd.s32 $0xFFFFF800  }
0x6f: {  	[spmem:s2] =	stream.indirect.scatter.add.f32 [tilespmem:s3], [sflag:$0x9], $0x10, s12, s30, $0xb8;
	[tilespmem:$0xF720] =	vst v63  }
0x70: {  	s26 =	simm.s32 $0x200  }
0x71: {  	[tilespmem:s10], [sflag:$0x5] =	stream.indirect.gather [hbm4b:s1+s30], $0x10, s26, s30, $0xb8;
	[tilespmem:$0xF720] =	vst v63  }
0x72: {  	_ =	swait.ge [sflag:s9], $0x800  }
0x73: {  	[sflag:s9] =	ssyncset.done $0x0  }
0x74: {  	s12 =	simm.s32 $0x2780;
	[sflag:s9] =	ssyncadd.s32 $0xFFFFF800  }
0x75: {  	[spmem:s2] =	stream.indirect.scatter.add.f32 [tilespmem:s8], [sflag:$0xA], $0x10, s12, s30, $0xb8;
	[tilespmem:$0xF720] =	vst v63  }
0x76: {  	s26 =	simm.s32 $0x280;
	s12 =	simm.s32 $0x7620  }
0x77: {  	[tilespmem:s12], [sflag:$0x6] =	stream.indirect.gather [hbm4b:s1+s30], $0x10, s26, s30, $0xb8;
	[tilespmem:$0xF720] =	vst v63  }
0x78: {  	_ =	swait.ge [sflag:s11], $0x800  }
0x79: {  	[sflag:s11] =	ssyncset.done $0x0  }
0x7a: {  	s26 =	simm.s32 $0x2800;
	[sflag:s11] =	ssyncadd.s32 $0xFFFFF800  }
0x7b: {  	[spmem:s2] =	stream.indirect.scatter.add.f32 [tilespmem:s0], [sflag:$0xB], $0x10, s26, s30, $0xb8;
	[tilespmem:$0xF720] =	vst v63  }
0x7c: {  	s26 =	simm.s32 $0x300  }
0x7d: {  	[tilespmem:s15], [sflag:$0x7] =	stream.indirect.gather [hbm4b:s1+s30], $0x10, s26, s30, $0xb8;
	[tilespmem:$0xF720] =	vst v63  }
0x7e: {  	_ =	swait.ge [sflag:s13], $0x800  }
0x7f: {  	[sflag:s13] =	ssyncset.done $0x0  }
0x80: {  	s26 =	simm.s32 $0x2880;
	[sflag:s13] =	ssyncadd.s32 $0xFFFFF800  }
0x81: {  	[spmem:s2] =	stream.indirect.scatter.add.f32 [tilespmem:s22], [sflag:$0xC], $0x10, s26, s30, $0xb8;
	[tilespmem:$0xF720] =	vst v63  }
0x82: {  	s26 =	simm.s32 $0x380  }
0x83: {  	[tilespmem:s23], [sflag:$0x8] =	stream.indirect.gather [hbm4b:s1+s30], $0x10, s26, s30, $0xb8;
	[tilespmem:$0xF720] =	vst v63  }
0x84: {  	_ =	swait.ge [sflag:s17], $0x800  }
0x85: {  	[sflag:s17] =	ssyncset.done $0x0  }
0x86: {  	s26 =	simm.s32 $0x2900;
	[sflag:s17] =	ssyncadd.s32 $0xFFFFF800  }
0x87: {  	[spmem:s2] =	stream.indirect.scatter.add.f32 [tilespmem:s10], [sflag:$0xD], $0x10, s26, s30, $0xb8;
	[tilespmem:$0xF720] =	vst v63  }
0x88: {  	_ =	swait.ge [sflag:s19], $0x800  }
0x89: {  	[sflag:s19] =	ssyncset.done $0x0  }
0x8a: {  	s26 =	simm.s32 $0x400;
	[sflag:s19] =	ssyncadd.s32 $0xFFFFF800  }
0x8b: {  	[tilespmem:s3], [sflag:$0x1] =	stream.indirect.gather [hbm4b:s1+s30], $0x10, s26, s30, $0xb8;
	[tilespmem:$0xF720] =	vst v63  }
0x8c: {  	_ =	swait.ge [sflag:s24], $0x800  }
0x8d: {  	[sflag:s24] =	ssyncset.done $0x0  }
0x8e: {  	s26 =	simm.s32 $0x2980;
	[sflag:s24] =	ssyncadd.s32 $0xFFFFF800  }
0x8f: {  	[spmem:s2] =	stream.indirect.scatter.add.f32 [tilespmem:s12], [sflag:$0xE], $0x10, s26, s30, $0xb8;
	[tilespmem:$0xF720] =	vst v63  }
0x90: {  	_ =	swait.ge [sflag:s25], $0x800  }
0x91: {  	[sflag:s25] =	ssyncset.done $0x0  }
0x92: {  	s26 =	simm.s32 $0x480;
	[sflag:s25] =	ssyncadd.s32 $0xFFFFF800  }
0x93: {  	[tilespmem:s8], [sflag:$0x2] =	stream.indirect.gather [hbm4b:s1+s30], $0x10, s26, s30, $0xb8;
	[tilespmem:$0xF720] =	vst v63  }
0x94: {  	_ =	swait.ge [sflag:s21], $0x800  }
0x95: {  	[sflag:s21] =	ssyncset.done $0x0  }
0x96: {  	s26 =	simm.s32 $0x2A00;
	[sflag:s21] =	ssyncadd.s32 $0xFFFFF800  }
0x97: {  	[spmem:s2] =	stream.indirect.scatter.add.f32 [tilespmem:s15], [sflag:$0xF], $0x10, s26, s30, $0xb8;
	[tilespmem:$0xF720] =	vst v63  }
0x98: {  	_ =	swait.ge [sflag:s6], $0x800  }
0x99: {  	[sflag:s6] =	ssyncset.done $0x0  }
0x9a: {  	s26 =	simm.s32 $0x500;
	[sflag:s6] =	ssyncadd.s32 $0xFFFFF800  }
0x9b: {  	[tilespmem:s0], [sflag:$0x3] =	stream.indirect.gather [hbm4b:s1+s30], $0x10, s26, s30, $0xb8;
	[tilespmem:$0xF720] =	vst v63  }
0x9c: {  	_ =	swait.ge [sflag:s28], $0x800  }
0x9d: {  	[sflag:s28] =	ssyncset.done $0x0  }
0x9e: {  	s26 =	simm.s32 $0x2A80;
	[sflag:s28] =	ssyncadd.s32 $0xFFFFF800  }
0x9f: {  	[spmem:s2] =	stream.indirect.scatter.add.f32 [tilespmem:s23], [sflag:$0x10], $0x10, s26, s30, $0xb8;
	[tilespmem:$0xF720] =	vst v63  }
0xa0: {  	_ =	swait.ge [sflag:s4], $0x800  }
0xa1: {  	[sflag:s4] =	ssyncset.done $0x0  }
0xa2: {  	s26 =	simm.s32 $0x580;
	[sflag:s4] =	ssyncadd.s32 $0xFFFFF800  }
0xa3: {  	[tilespmem:s22], [sflag:$0x4] =	stream.indirect.gather [hbm4b:s1+s30], $0x10, s26, s30, $0xb8;
	[tilespmem:$0xF720] =	vst v63  }
0xa4: {  	_ =	swait.ge [sflag:s5], $0x800  }
0xa5: {  	[sflag:s5] =	ssyncset.done $0x0  }
0xa6: {  	s26 =	simm.s32 $0x2B00;
	[sflag:s5] =	ssyncadd.s32 $0xFFFFF800  }
0xa7: {  	[spmem:s2] =	stream.indirect.scatter.add.f32 [tilespmem:s3], [sflag:$0x9], $0x10, s26, s30, $0xb8;
	[tilespmem:$0xF720] =	vst v63  }
0xa8: {  	_ =	swait.ge [sflag:s7], $0x800  }
0xa9: {  	[sflag:s7] =	ssyncset.done $0x0  }
0xaa: {  	s26 =	simm.s32 $0x600;
	[sflag:s7] =	ssyncadd.s32 $0xFFFFF800  }
0xab: {  	[tilespmem:s10], [sflag:$0x5] =	stream.indirect.gather [hbm4b:s1+s30], $0x10, s26, s30, $0xb8;
	[tilespmem:$0xF720] =	vst v63  }
0xac: {  	_ =	swait.ge [sflag:s9], $0x800  }
0xad: {  	[sflag:s9] =	ssyncset.done $0x0  }
0xae: {  	s26 =	simm.s32 $0x2B80;
	[sflag:s9] =	ssyncadd.s32 $0xFFFFF800  }
0xaf: {  	[spmem:s2] =	stream.indirect.scatter.add.f32 [tilespmem:s8], [sflag:$0xA], $0x10, s26, s30, $0xb8;
	[tilespmem:$0xF720] =	vst v63  }
0xb0: {  	_ =	swait.ge [sflag:s14], $0x800  }
0xb1: {  	[sflag:s14] =	ssyncset.done $0x0  }
0xb2: {  	s26 =	simm.s32 $0x680;
	[sflag:s14] =	ssyncadd.s32 $0xFFFFF800  }
0xb3: {  	[tilespmem:s12], [sflag:$0x6] =	stream.indirect.gather [hbm4b:s1+s30], $0x10, s26, s30, $0xb8;
	[tilespmem:$0xF720] =	vst v63  }
0xb4: {  	_ =	swait.ge [sflag:s11], $0x800  }
0xb5: {  	[sflag:s11] =	ssyncset.done $0x0  }
0xb6: {  	s26 =	simm.s32 $0x2C00;
	[sflag:s11] =	ssyncadd.s32 $0xFFFFF800  }
0xb7: {  	[spmem:s2] =	stream.indirect.scatter.add.f32 [tilespmem:s0], [sflag:$0xB], $0x10, s26, s30, $0xb8;
	[tilespmem:$0xF720] =	vst v63  }
0xb8: {  	_ =	swait.ge [sflag:s16], $0x800  }
0xb9: {  	[sflag:s16] =	ssyncset.done $0x0  }
0xba: {  	s26 =	simm.s32 $0x700;
	[sflag:s16] =	ssyncadd.s32 $0xFFFFF800  }
0xbb: {  	[tilespmem:s15], [sflag:$0x7] =	stream.indirect.gather [hbm4b:s1+s30], $0x10, s26, s30, $0xb8;
	[tilespmem:$0xF720] =	vst v63  }
0xbc: {  	_ =	swait.ge [sflag:s13], $0x800  }
0xbd: {  	[sflag:s13] =	ssyncset.done $0x0  }
0xbe: {  	s26 =	simm.s32 $0x2C80;
	[sflag:s13] =	ssyncadd.s32 $0xFFFFF800  }
0xbf: {  	[spmem:s2] =	stream.indirect.scatter.add.f32 [tilespmem:s22], [sflag:$0xC], $0x10, s26, s30, $0xb8;
	[tilespmem:$0xF720] =	vst v63  }
0xc0: {  	_ =	swait.ge [sflag:s18], $0x800  }
0xc1: {  	[sflag:s18] =	ssyncset.done $0x0  }
0xc2: {  	s22 =	simm.s32 $0x780;
	[sflag:s18] =	ssyncadd.s32 $0xFFFFF800  }
0xc3: {  	[tilespmem:s23], [sflag:$0x8] =	stream.indirect.gather [hbm4b:s1+s30], $0x10, s22, s30, $0xb8;
	[tilespmem:$0xF720] =	vst v63  }
0xc4: {  	_ =	swait.ge [sflag:s17], $0x800  }
0xc5: {  	[sflag:s17] =	ssyncset.done $0x0  }
0xc6: {  	s26 =	simm.s32 $0x2D00;
	[sflag:s17] =	ssyncadd.s32 $0xFFFFF800  }
0xc7: {  	[spmem:s2] =	stream.indirect.scatter.add.f32 [tilespmem:s10], [sflag:$0xD], $0x10, s26, s30, $0xb8;
	[tilespmem:$0xF720] =	vst v63  }
0xc8: {  	_ =	swait.ge [sflag:s19], $0x800  }
0xc9: {  	[sflag:s19] =	ssyncset.done $0x0  }
0xca: {  	s10 =	simm.s32 $0x800;
	[sflag:s19] =	ssyncadd.s32 $0xFFFFF800  }
0xcb: {  	[tilespmem:s3], [sflag:$0x1] =	stream.indirect.gather [hbm4b:s1+s30], $0x10, s10, s30, $0xb8;
	[tilespmem:$0xF720] =	vst v63  }
0xcc: {  	_ =	swait.ge [sflag:s24], $0x800  }
0xcd: {  	[sflag:s24] =	ssyncset.done $0x0  }
0xce: {  	s22 =	simm.s32 $0x2D80;
	[sflag:s24] =	ssyncadd.s32 $0xFFFFF800  }
0xcf: {  	[spmem:s2] =	stream.indirect.scatter.add.f32 [tilespmem:s12], [sflag:$0xE], $0x10, s22, s30, $0xb8;
	[tilespmem:$0xF720] =	vst v63  }
0xd0: {  	_ =	swait.ge [sflag:s25], $0x800  }
0xd1: {  	[sflag:s25] =	ssyncset.done $0x0  }
0xd2: {  	s26 =	simm.s32 $0x880;
	[sflag:s25] =	ssyncadd.s32 $0xFFFFF800  }
0xd3: {  	[tilespmem:s8], [sflag:$0x2] =	stream.indirect.gather [hbm4b:s1+s30], $0x10, s26, s30, $0xb8;
	[tilespmem:$0xF720] =	vst v63  }
0xd4: {  	_ =	swait.ge [sflag:s21], $0x800  }
0xd5: {  	[sflag:s21] =	ssyncset.done $0x0  }
0xd6: {  	s10 =	simm.s32 $0x2E00;
	[sflag:s21] =	ssyncadd.s32 $0xFFFFF800  }
0xd7: {  	[spmem:s2] =	stream.indirect.scatter.add.f32 [tilespmem:s15], [sflag:$0xF], $0x10, s10, s30, $0xb8;
	[tilespmem:$0xF720] =	vst v63  }
0xd8: {  	_ =	swait.ge [sflag:s6], $0x800  }
0xd9: {  	[sflag:s6] =	ssyncset.done $0x0  }
0xda: {  	s22 =	simm.s32 $0x900;
	[sflag:s6] =	ssyncadd.s32 $0xFFFFF800  }
0xdb: {  	[tilespmem:s0], [sflag:$0x3] =	stream.indirect.gather [hbm4b:s1+s30], $0x10, s22, s30, $0xb8;
	[tilespmem:$0xF720] =	vst v63  }
0xdc: {  	_ =	swait.ge [sflag:s28], $0x800  }
0xdd: {  	[sflag:s28] =	ssyncset.done $0x0  }
0xde: {  	s31 =	simm.s32 $0x8620;
	s26 =	simm.s32 $0x2E80;
	[sflag:s28] =	ssyncadd.s32 $0xFFFFF800  }
0xdf: {  	[spmem:s2] =	stream.indirect.scatter.add.f32 [tilespmem:s23], [sflag:$0x10], $0x10, s26, s30, $0xb8;
	[tilespmem:$0xF720] =	vst v63  }
0xe0: {  	s20 =	simm.s32 $0x1000;
	s8 =	simm.s32 $0x5620;
	_ =	swait.ge [sflag:s4], $0x800  }
0xe1: {  	s10 =	simm.s32 $0x6E20;
	s15 =	simm.s32 $0x7E20;
	[sflag:s4] =	ssyncset.done $0x0  }
0xe2: {  	s22 =	simm.s32 $0x980;
	s26 =	simm.s32 $0x6620;
	[sflag:s4] =	ssyncadd.s32 $0xFFFFF800  }
.LBB2_8:
0xe3: {  	[tilespmem:s26], [sflag:$0x4] =	stream.indirect.gather [hbm4b:s1+s30], $0x10, s22, s30, $0xb8;
	[tilespmem:$0xF720] =	vst v63  }
0xe4: {  	s22 =	smov.u32 s20  }
0xe5: {  	p0 =	sne.s32 s20, $0x7000;
	s20 =	sadd.s32 $0x1000, s20;
	_ =	swait.ge [sflag:s5], $0x800  }
0xe6: {  	s22 =	sshra.s32 s22, $0x2;
	[sflag:s5] =	ssyncset.done $0x0  }
0xe7: {  	s23 =	sadd.s32 $0x2B00, s22;
	[sflag:s5] =	ssyncadd.s32 $0xFFFFF800  }
0xe8: {  	[spmem:s2] =	stream.indirect.scatter.add.f32 [tilespmem:s3], [sflag:$0x9], $0x10, s23, s30, $0xb8;
	[tilespmem:$0xF720] =	vst v63  }
0xe9: {  	_ =	swait.ge [sflag:s7], $0x800  }
0xea: {  	[sflag:s7] =	ssyncset.done $0x0  }
0xeb: {  	s23 =	sadd.s32 $0x600, s22;
	[sflag:s7] =	ssyncadd.s32 $0xFFFFF800  }
0xec: {  	[tilespmem:s10], [sflag:$0x5] =	stream.indirect.gather [hbm4b:s1+s30], $0x10, s23, s30, $0xb8;
	[tilespmem:$0xF720] =	vst v63  }
0xed: {  	_ =	swait.ge [sflag:s9], $0x800  }
0xee: {  	[sflag:s9] =	ssyncset.done $0x0  }
0xef: {  	s23 =	sadd.s32 $0x2B80, s22;
	[sflag:s9] =	ssyncadd.s32 $0xFFFFF800  }
0xf0: {  	[spmem:s2] =	stream.indirect.scatter.add.f32 [tilespmem:s8], [sflag:$0xA], $0x10, s23, s30, $0xb8;
	[tilespmem:$0xF720] =	vst v63  }
0xf1: {  	_ =	swait.ge [sflag:s14], $0x800  }
0xf2: {  	[sflag:s14] =	ssyncset.done $0x0  }
0xf3: {  	s23 =	sadd.s32 $0x680, s22;
	[sflag:s14] =	ssyncadd.s32 $0xFFFFF800  }
0xf4: {  	[tilespmem:s12], [sflag:$0x6] =	stream.indirect.gather [hbm4b:s1+s30], $0x10, s23, s30, $0xb8;
	[tilespmem:$0xF720] =	vst v63  }
0xf5: {  	_ =	swait.ge [sflag:s11], $0x800  }
0xf6: {  	[sflag:s11] =	ssyncset.done $0x0  }
0xf7: {  	s23 =	sadd.s32 $0x2C00, s22;
	[sflag:s11] =	ssyncadd.s32 $0xFFFFF800  }
0xf8: {  	[spmem:s2] =	stream.indirect.scatter.add.f32 [tilespmem:s0], [sflag:$0xB], $0x10, s23, s30, $0xb8;
	[tilespmem:$0xF720] =	vst v63  }
0xf9: {  	_ =	swait.ge [sflag:s16], $0x800  }
0xfa: {  	[sflag:s16] =	ssyncset.done $0x0  }
0xfb: {  	s23 =	sadd.s32 $0x700, s22;
	[sflag:s16] =	ssyncadd.s32 $0xFFFFF800  }
0xfc: {  	[tilespmem:s15], [sflag:$0x7] =	stream.indirect.gather [hbm4b:s1+s30], $0x10, s23, s30, $0xb8;
	[tilespmem:$0xF720] =	vst v63  }
0xfd: {  	_ =	swait.ge [sflag:s13], $0x800  }
0xfe: {  	[sflag:s13] =	ssyncset.done $0x0  }
0xff: {  	s23 =	sadd.s32 $0x2C80, s22;
	[sflag:s13] =	ssyncadd.s32 $0xFFFFF800  }
0x100: {  	[spmem:s2] =	stream.indirect.scatter.add.f32 [tilespmem:s26], [sflag:$0xC], $0x10, s23, s30, $0xb8;
	[tilespmem:$0xF720] =	vst v63  }
0x101: {  	_ =	swait.ge [sflag:s18], $0x800  }
0x102: {  	[sflag:s18] =	ssyncset.done $0x0  }
0x103: {  	s23 =	sadd.s32 $0x780, s22;
	[sflag:s18] =	ssyncadd.s32 $0xFFFFF800  }
0x104: {  	[tilespmem:s31], [sflag:$0x8] =	stream.indirect.gather [hbm4b:s1+s30], $0x10, s23, s30, $0xb8;
	[tilespmem:$0xF720] =	vst v63  }
0x105: {  	_ =	swait.ge [sflag:s17], $0x800  }
0x106: {  	[sflag:s17] =	ssyncset.done $0x0  }
0x107: {  	s23 =	sadd.s32 $0x2D00, s22;
	[sflag:s17] =	ssyncadd.s32 $0xFFFFF800  }
0x108: {  	[spmem:s2] =	stream.indirect.scatter.add.f32 [tilespmem:s10], [sflag:$0xD], $0x10, s23, s30, $0xb8;
	[tilespmem:$0xF720] =	vst v63  }
0x109: {  	_ =	swait.ge [sflag:s19], $0x800  }
0x10a: {  	[sflag:s19] =	ssyncset.done $0x0  }
0x10b: {  	s23 =	sadd.s32 $0x800, s22;
	[sflag:s19] =	ssyncadd.s32 $0xFFFFF800  }
0x10c: {  	[tilespmem:s3], [sflag:$0x1] =	stream.indirect.gather [hbm4b:s1+s30], $0x10, s23, s30, $0xb8;
	[tilespmem:$0xF720] =	vst v63  }
0x10d: {  	_ =	swait.ge [sflag:s24], $0x800  }
0x10e: {  	[sflag:s24] =	ssyncset.done $0x0  }
0x10f: {  	s23 =	sadd.s32 $0x2D80, s22;
	[sflag:s24] =	ssyncadd.s32 $0xFFFFF800  }
0x110: {  	[spmem:s2] =	stream.indirect.scatter.add.f32 [tilespmem:s12], [sflag:$0xE], $0x10, s23, s30, $0xb8;
	[tilespmem:$0xF720] =	vst v63  }
0x111: {  	_ =	swait.ge [sflag:s25], $0x800  }
0x112: {  	[sflag:s25] =	ssyncset.done $0x0  }
0x113: {  	s23 =	sadd.s32 $0x880, s22;
	[sflag:s25] =	ssyncadd.s32 $0xFFFFF800  }
0x114: {  	[tilespmem:s8], [sflag:$0x2] =	stream.indirect.gather [hbm4b:s1+s30], $0x10, s23, s30, $0xb8;
	[tilespmem:$0xF720] =	vst v63  }
0x115: {  	_ =	swait.ge [sflag:s21], $0x800  }
0x116: {  	[sflag:s21] =	ssyncset.done $0x0  }
0x117: {  	s23 =	sadd.s32 $0x2E00, s22;
	[sflag:s21] =	ssyncadd.s32 $0xFFFFF800  }
0x118: {  	[spmem:s2] =	stream.indirect.scatter.add.f32 [tilespmem:s15], [sflag:$0xF], $0x10, s23, s30, $0xb8;
	[tilespmem:$0xF720] =	vst v63  }
0x119: {  	_ =	swait.ge [sflag:s6], $0x800  }
0x11a: {  	[sflag:s6] =	ssyncset.done $0x0  }
0x11b: {  	s23 =	sadd.s32 $0x900, s22;
	[sflag:s6] =	ssyncadd.s32 $0xFFFFF800  }
0x11c: {  	[tilespmem:s0], [sflag:$0x3] =	stream.indirect.gather [hbm4b:s1+s30], $0x10, s23, s30, $0xb8;
	[tilespmem:$0xF720] =	vst v63  }
0x11d: {  	_ =	swait.ge [sflag:s28], $0x800  }
0x11e: {  	[sflag:s28] =	ssyncset.done $0x0  }
.Ltmp3:
0x11f: {  	s23 =	sadd.s32 $0x2E80, s22;
	[sflag:s28] =	ssyncadd.s32 $0xFFFFF800;
	(pc) =	sbr.rel @p0 .LBB2_8-.Ltmp3, $4  }
0x120: {  	[spmem:s2] =	stream.indirect.scatter.add.f32 [tilespmem:s31], [sflag:$0x10], $0x10, s23, s30, $0xb8;
	[tilespmem:$0xF720] =	vst v63  }
0x121: {  	_ =	swait.ge [sflag:s4], $0x800  }
0x122: {  	[sflag:s4] =	ssyncset.done $0x0  }
0x123: {  	s22 =	sadd.s32 $0x980, s22;
	[sflag:s4] =	ssyncadd.s32 $0xFFFFF800  }
0x124: {  	[tilespmem:s26], [sflag:$0x4] =	stream.indirect.gather [hbm4b:s1+s30], $0x10, s22, s30, $0xb8;
	[tilespmem:$0xF720] =	vst v63  }
0x125: {  	_ =	swait.ge [sflag:s5], $0x800  }
0x126: {  	[sflag:s5] =	ssyncset.done $0x0  }
0x127: {  	s15 =	simm.s32 $0x4B00;
	[sflag:s5] =	ssyncadd.s32 $0xFFFFF800  }
0x128: {  	[spmem:s2] =	stream.indirect.scatter.add.f32 [tilespmem:s3], [sflag:$0x9], $0x10, s15, s30, $0xb8;
	[tilespmem:$0xF720] =	vst v63  }
0x129: {  	_ =	swait.ge [sflag:s7], $0x800  }
0x12a: {  	[sflag:s7] =	ssyncset.done $0x0  }
0x12b: {  	s20 =	simm.s32 $0x2600;
	[sflag:s7] =	ssyncadd.s32 $0xFFFFF800  }
0x12c: {  	[tilespmem:s10], [sflag:$0x5] =	stream.indirect.gather [hbm4b:s1+s30], $0x10, s20, s30, $0xb8;
	[tilespmem:$0xF720] =	vst v63  }
0x12d: {  	_ =	swait.ge [sflag:s9], $0x800  }
0x12e: {  	[sflag:s9] =	ssyncset.done $0x0  }
0x12f: {  	s22 =	simm.s32 $0x4B80;
	[sflag:s9] =	ssyncadd.s32 $0xFFFFF800  }
0x130: {  	[spmem:s2] =	stream.indirect.scatter.add.f32 [tilespmem:s8], [sflag:$0xA], $0x10, s22, s30, $0xb8;
	[tilespmem:$0xF720] =	vst v63  }
0x131: {  	_ =	swait.ge [sflag:s14], $0x800  }
0x132: {  	[sflag:s14] =	ssyncset.done $0x0  }
0x133: {  	s23 =	simm.s32 $0x2680;
	[sflag:s14] =	ssyncadd.s32 $0xFFFFF800  }
0x134: {  	[tilespmem:s12], [sflag:$0x6] =	stream.indirect.gather [hbm4b:s1+s30], $0x10, s23, s30, $0xb8;
	[tilespmem:$0xF720] =	vst v63  }
0x135: {  	_ =	swait.ge [sflag:s11], $0x800  }
0x136: {  	[sflag:s11] =	ssyncset.done $0x0  }
0x137: {  	s31 =	simm.s32 $0x4C00;
	[sflag:s11] =	ssyncadd.s32 $0xFFFFF800  }
0x138: {  	[spmem:s2] =	stream.indirect.scatter.add.f32 [tilespmem:s0], [sflag:$0xB], $0x10, s31, s30, $0xb8;
	[tilespmem:$0xF720] =	vst v63  }
0x139: {  	_ =	swait.ge [sflag:s16], $0x800  }
0x13a: {  	[sflag:s16] =	ssyncset.done $0x0  }
0x13b: {  	[sflag:s16] =	ssyncadd.s32 $0xFFFFF800  }
0x13c: {  	_ =	swait.ge [sflag:s13], $0x800  }
0x13d: {  	[sflag:s13] =	ssyncset.done $0x0  }
0x13e: {  	s8 =	simm.s32 $0x4C80;
	[sflag:s13] =	ssyncadd.s32 $0xFFFFF800  }
0x13f: {  	[spmem:s2] =	stream.indirect.scatter.add.f32 [tilespmem:s26], [sflag:$0xC], $0x10, s8, s30, $0xb8;
	[tilespmem:$0xF720] =	vst v63  }
0x140: {  	_ =	swait.ge [sflag:s18], $0x800  }
0x141: {  	[sflag:s18] =	ssyncset.done $0x0  }
0x142: {  	[sflag:s18] =	ssyncadd.s32 $0xFFFFF800  }
0x143: {  	_ =	swait.ge [sflag:s17], $0x800  }
0x144: {  	[sflag:s17] =	ssyncset.done $0x0  }
0x145: {  	s15 =	simm.s32 $0x4D00;
	[sflag:s17] =	ssyncadd.s32 $0xFFFFF800  }
0x146: {  	[spmem:s2] =	stream.indirect.scatter.add.f32 [tilespmem:s10], [sflag:$0xD], $0x10, s15, s30, $0xb8;
	[tilespmem:$0xF720] =	vst v63  }
0x147: {  	_ =	swait.ge [sflag:s19], $0x800  }
0x148: {  	[sflag:s19] =	ssyncset.done $0x0  }
0x149: {  	[sflag:s19] =	ssyncadd.s32 $0xFFFFF800  }
0x14a: {  	_ =	swait.ge [sflag:s24], $0x800  }
0x14b: {  	[sflag:s24] =	ssyncset.done $0x0  }
0x14c: {  	s20 =	simm.s32 $0x4D80;
	[sflag:s24] =	ssyncadd.s32 $0xFFFFF800  }
0x14d: {  	[spmem:s2] =	stream.indirect.scatter.add.f32 [tilespmem:s12], [sflag:$0xE], $0x10, s20, s30, $0xb8;
	[tilespmem:$0xF720] =	vst v63  }
0x14e: {  	_ =	swait.ge [sflag:s25], $0x800  }
0x14f: {  	[sflag:s25] =	ssyncset.done $0x0  }
0x150: {  	[sflag:s25] =	ssyncadd.s32 $0xFFFFF800  }
0x151: {  	_ =	swait.ge [sflag:s6], $0x800  }
0x152: {  	[sflag:s6] =	ssyncset.done $0x0  }
0x153: {  	[sflag:s6] =	ssyncadd.s32 $0xFFFFF800  }
0x154: {  	_ =	swait.ge [sflag:s4], $0x800  }
0x155: {  	[sflag:s4] =	ssyncset.done $0x0  }
0x156: {  	[sflag:s4] =	ssyncadd.s32 $0xFFFFF800  }
0x157: {  	_ =	swait.ge [sflag:s7], $0x800  }
0x158: {  	[sflag:s7] =	ssyncset.done $0x0  }
0x159: {  	[sflag:s7] =	ssyncadd.s32 $0xFFFFF800  }
0x15a: {  	_ =	swait.ge [sflag:s14], $0x800  }
0x15b: {  	[sflag:s14] =	ssyncset.done $0x0  }
0x15c: {  	s22 =	simm.s32 $0x8E20;
	s23 =	simm.s32 $0x4E00;
	[sflag:s14] =	ssyncadd.s32 $0xFFFFF800  }
0x15d: {  	[tilespmem:s22], [sflag:$0x1] =	stream.indirect.gather [hbm4b:s1+s18], $0x10, s23, s18, $0xb8;
	[tilespmem:$0xF720] =	vst v63  }
0x15e: {  	_ =	swait.ge [sflag:s5], $0x100  }
0x15f: {  	[sflag:s5] =	ssyncset.done $0x0  }
0x160: {  	s0 =	simm.s32 $0x12;
	s26 =	simm.s32 $0x4E10;
	[sflag:s5] =	ssyncadd.s32 $0xFFFFFF00  }
0x161: {  	[spmem:s2] =	stream.indirect.scatter.add.f32 [tilespmem:s22], [sflag:$0x12], $0x10, s26, s18, $0xb8;
	[tilespmem:$0xF720] =	vst v63  }
0x162: {  	_ =	swait.ge [sflag:s0], $0x100  }
0x163: {  	[sflag:s0] =	ssyncset.done $0x0  }
0x164: {  	[sflag:s0] =	ssyncadd.s32 $0xFFFFFF00  }
0x165: {  	[bflag:$0x0] =	sbarrier.arrive $0xFFFF  }
0x166: {  	s26 =	rddreg [dreg:$0x6]  }
0x167: {  	s20 =	simm.s32 $0x8F20;
	s22 =	simm.s32 $0x40;
	s31 =	sadd.s32 $0x0, s26  }
0x168: {  	[tilespmem:s20], [sflag:$0x12] =	stream.linear.gather [spmem:s31], $0x10, $0x38;
	[tilespmem:$0xF720] =	vst v63  }
.LBB2_10:
0x169: {  	p0 =	sne.s32 s22, $0x1FC0  }
.Ltmp4:
0x16a: {  	_ = 	snop;
	(pc) =	sbr.rel @p0 .LBB2_10-.Ltmp4, $4  }
0x16b: {  	_ = 	snop  }
0x16c: {  	s23 =	sshra.s32 s22, $0x2;
	s22 =	sadd.s32 $0x40, s22  }
0x16d: {  	s20 =	sadd.s32 $0x80, s20;
	s23 =	sadd.s32 s23, s26  }
0x16e: {  	[tilespmem:s20], [sflag:$0x12] =	stream.linear.gather [spmem:s23], $0x10, $0x38;
	[tilespmem:$0xF720] =	vst v63  }
0x16f: {  	_ =	swait.ge [sflag:s0], $0x800  }
0x170: {  	s22 =	simm.s32 $0x0;
	[sflag:s0] =	ssyncset.done $0x0  }
0x171: {  	s20 =	simm.s32 $0x8F20;
	s3 =	rddreg [dreg:$0xc];
	[sflag:s0] =	ssyncadd.s32 $0xFFFFF800  }
0x172: {  	[hbm4b:s3+s22] =	stream.linear.scatter [tilespmem:s20], [sflag:$0x12], $0x4000, $0x38;
	[tilespmem:$0xF720] =	vst v63  }
0x173: {  	_ =	swait.ge [sflag:s0], $0x4000  }
0x174: {  	[sflag:s0] =	ssyncset.done $0x0;
	s12 =	rddreg [dreg:$0xd]  }
0x175: {  	s22 =	simm.s32 $0x40;
	[sflag:s0] =	ssyncadd.s32 $0xFFFFC000;
	s31 =	sadd.s32 $0x0, s12  }
0x176: {  	[tilespmem:s20], [sflag:$0x12] =	stream.linear.gather [spmem:s31], $0x10, $0x38;
	[tilespmem:$0xF720] =	vst v63  }
.LBB2_12:
0x177: {  	p0 =	sne.s32 s22, $0x1FC0  }
.Ltmp5:
0x178: {  	_ = 	snop;
	(pc) =	sbr.rel @p0 .LBB2_12-.Ltmp5, $4  }
0x179: {  	_ = 	snop  }
0x17a: {  	s23 =	sshra.s32 s22, $0x2;
	s22 =	sadd.s32 $0x40, s22  }
0x17b: {  	s20 =	sadd.s32 $0x80, s20;
	s23 =	sadd.s32 s23, s12  }
0x17c: {  	[tilespmem:s20], [sflag:$0x12] =	stream.linear.gather [spmem:s23], $0x10, $0x38;
	[tilespmem:$0xF720] =	vst v63  }
0x17d: {  	_ =	swait.ge [sflag:s0], $0x800  }
0x17e: {  	s22 =	simm.s32 $0x0;
	[sflag:s0] =	ssyncset.done $0x0  }
0x17f: {  	s20 =	simm.s32 $0x8F20;
	s3 =	rddreg [dreg:$0xe];
	[sflag:s0] =	ssyncadd.s32 $0xFFFFF800  }
0x180: {  	[hbm4b:s3+s22] =	stream.linear.scatter [tilespmem:s20], [sflag:$0x12], $0x4000, $0x38;
	[tilespmem:$0xF720] =	vst v63  }
0x181: {  	_ =	swait.ge [sflag:s0], $0x4000  }
0x182: {  	[sflag:s0] =	ssyncset.done $0x0;
	s3 =	rddreg [dreg:$0xf]  }
0x183: {  	s22 =	simm.s32 $0x40;
	[sflag:s0] =	ssyncadd.s32 $0xFFFFC000;
	s31 =	sadd.s32 $0x0, s3  }
0x184: {  	[tilespmem:s20], [sflag:$0x12] =	stream.linear.gather [spmem:s31], $0x10, $0x38;
	[tilespmem:$0xF720] =	vst v63  }
.LBB2_14:
0x185: {  	p0 =	sne.s32 s22, $0x1FC0  }
.Ltmp6:
0x186: {  	_ = 	snop;
	(pc) =	sbr.rel @p0 .LBB2_14-.Ltmp6, $4  }
0x187: {  	_ = 	snop  }
0x188: {  	s23 =	sshra.s32 s22, $0x2;
	s22 =	sadd.s32 $0x40, s22  }
0x189: {  	s20 =	sadd.s32 $0x80, s20;
	s23 =	sadd.s32 s23, s3  }
0x18a: {  	[tilespmem:s20], [sflag:$0x12] =	stream.linear.gather [spmem:s23], $0x10, $0x38;
	[tilespmem:$0xF720] =	vst v63  }
0x18b: {  	_ =	swait.ge [sflag:s0], $0x800  }
0x18c: {  	s22 =	simm.s32 $0x0;
	[sflag:s0] =	ssyncset.done $0x0  }
0x18d: {  	s20 =	simm.s32 $0x8F20;
	s3 =	rddreg [dreg:$0x10];
	[sflag:s0] =	ssyncadd.s32 $0xFFFFF800  }
0x18e: {  	[hbm4b:s3+s22] =	stream.linear.scatter [tilespmem:s20], [sflag:$0x12], $0x4000, $0x38;
	[tilespmem:$0xF720] =	vst v63  }
0x18f: {  	_ =	swait.ge [sflag:s0], $0x4000  }
0x190: {  	[sflag:s0] =	ssyncset.done $0x0;
	s3 =	rddreg [dreg:$0x11]  }
0x191: {  	s22 =	simm.s32 $0x40;
	[sflag:s0] =	ssyncadd.s32 $0xFFFFC000;
	s31 =	sadd.s32 $0x0, s3  }
0x192: {  	[tilespmem:s20], [sflag:$0x12] =	stream.linear.gather [spmem:s31], $0x10, $0x38;
	[tilespmem:$0xF720] =	vst v63  }
.LBB2_16:
0x193: {  	p0 =	sne.s32 s22, $0x1FC0  }
.Ltmp7:
0x194: {  	_ = 	snop;
	(pc) =	sbr.rel @p0 .LBB2_16-.Ltmp7, $4  }
0x195: {  	_ = 	snop  }
0x196: {  	s23 =	sshra.s32 s22, $0x2;
	s22 =	sadd.s32 $0x40, s22  }
0x197: {  	s20 =	sadd.s32 $0x80, s20;
	s23 =	sadd.s32 s23, s3  }
0x198: {  	[tilespmem:s20], [sflag:$0x12] =	stream.linear.gather [spmem:s23], $0x10, $0x38;
	[tilespmem:$0xF720] =	vst v63  }
0x199: {  	_ =	swait.ge [sflag:s0], $0x800  }
0x19a: {  	s22 =	simm.s32 $0x0;
	[sflag:s0] =	ssyncset.done $0x0  }
0x19b: {  	s20 =	simm.s32 $0x8F20;
	s3 =	rddreg [dreg:$0x12];
	[sflag:s0] =	ssyncadd.s32 $0xFFFFF800  }
0x19c: {  	[hbm4b:s3+s22] =	stream.linear.scatter [tilespmem:s20], [sflag:$0x12], $0x4000, $0x38;
	[tilespmem:$0xF720] =	vst v63  }
0x19d: {  	_ =	swait.ge [sflag:s0], $0x4000  }
0x19e: {  	[sflag:s0] =	ssyncset.done $0x0;
	s3 =	rddreg [dreg:$0x13]  }
0x19f: {  	s22 =	simm.s32 $0x40;
	[sflag:s0] =	ssyncadd.s32 $0xFFFFC000;
	s31 =	sadd.s32 $0x0, s3  }
0x1a0: {  	[tilespmem:s20], [sflag:$0x12] =	stream.linear.gather [spmem:s31], $0x10, $0x38;
	[tilespmem:$0xF720] =	vst v63  }
.LBB2_18:
0x1a1: {  	p0 =	sne.s32 s22, $0x1FC0  }
.Ltmp8:
0x1a2: {  	_ = 	snop;
	(pc) =	sbr.rel @p0 .LBB2_18-.Ltmp8, $4  }
0x1a3: {  	_ = 	snop  }
0x1a4: {  	s23 =	sshra.s32 s22, $0x2;
	s22 =	sadd.s32 $0x40, s22  }
0x1a5: {  	s20 =	sadd.s32 $0x80, s20;
	s23 =	sadd.s32 s23, s3  }
0x1a6: {  	[tilespmem:s20], [sflag:$0x12] =	stream.linear.gather [spmem:s23], $0x10, $0x38;
	[tilespmem:$0xF720] =	vst v63  }
0x1a7: {  	_ =	swait.ge [sflag:s0], $0x800  }
0x1a8: {  	s22 =	simm.s32 $0x0;
	[sflag:s0] =	ssyncset.done $0x0  }
0x1a9: {  	s8 =	simm.s32 $0x8F20;
	s3 =	rddreg [dreg:$0x14];
	[sflag:s0] =	ssyncadd.s32 $0xFFFFF800  }
0x1aa: {  	[hbm4b:s3+s22] =	stream.linear.scatter [tilespmem:s8], [sflag:$0x12], $0x4000, $0x38;
	[tilespmem:$0xF720] =	vst v63  }
0x1ab: {  	_ =	swait.ge [sflag:s0], $0x4000  }
0x1ac: {  	s26 =	rddreg [dreg:$0x17]  }
0x1ad: {  	s31 =	rddreg [dreg:$0xb];
	s8 =	sadd.s32 $0x1, s26  }
0x1ae: {  	p0 =	sne.s32 s8, s31  }
.Ltmp9:
0x1af: {  	_ = 	snop;
	(pc) =	sbr.rel @p0 .LBB2_1-.Ltmp9, $3  }
0x1b0: {  	_ =	sdelay $0x1  }
0x1b1: {  	[sflag:s0] =	ssyncset.done $0x0;
	s3 =	rddreg [dreg:$0x16]  }
0x1b2: {  	[sflag:s0] =	ssyncadd.s32 $0xFFFFC000;
	s0 =	rddreg [dreg:$0x15]  }
0x1b3: {  	_ =	sfence.sel $0x180000  }
0x1b4: {  	[bflag:$0x0] =	sbarrier.arrive $0xFFFF  }
0x1b5: {  	_ =	strace $0x9000004A  }
0x1b6: {  	s0 =	stileid.u32;
	[bflag:$0x2] =	sbarrier.arrive $0xFFFF  }
0x1b7: {  	p0 =	sne.s32 s0, $0x0;
	s0 =	rddreg [dreg:$0x3]  }
0x1b8: {  	s0 =	sadd.s32 @!p0 $0x100000, s0  }
0x1b9: {  	[sflag:s0] =	ssyncadd.tile.s32 @!p0 $0x1;
	_ =	shalt  }
.Lfunc_end2:
_tile_overlayer_lowered:
.L_overlay_start_2:
0x1ba: {  	(tag) =	ssettag $0x2  }
0x1bb: {  	s0 =	rddreg [dreg:$0x0];
	s2 =	stileid.u32  }
0x1bc: {  	s1 =	rddreg [dreg:$0x1];
	p0 =	sne.s32 s2, $0x0  }
0x1bd: {  	s3 =	rddreg [dreg:$0x2];
	[bflag:$0x3] =	sbarrier.arrive $0xFFFF;
	s2 =	simm.s32 @!p0 $0x1C12  }
0x1be: {  	[timem:s3], [sflag:s2] =	dma.local @!p0 [hbm:s0], s1  }
0x1bf: {  	s0 =	simm.s32 @!p0 $0x12  }
0x1c0: {  	_ =	swait.ge @!p0 [sflag:s0], s1  }
0x1c1: {  	s1 =	ssub.s32 @!p0 $0x0, s1;
	[sflag:s0] =	ssyncset.done @!p0 $0x0  }
0x1c2: {  	[sflag:s0] =	ssyncadd.s32 @!p0 s1  }
0x1c3: {  	[bflag:$0x3] =	sbarrier.arrive $0xFFFF  }
0x1c4: {  	_ =	shalt  }

// kernel: kernel.7.cloned.1.call-start
scs
__scs_entry_jumppad:
0x0: {  	(pc) =	sbr.rel $0x88, $3  }
0x1: {  	(tag) =	ssettag $0x0;
	lr =	simm.s32 $0x1  }
0x2: {  	[smem:$0x3F95] =	sst lr;
	_ =	strace $0xD0000000  }
0x3: {  	_ = 	snop  }
0x4: {  	_ = 	snop  }
0x5: {  	_ = 	snop  }
0x6: {  	_ = 	snop  }
0x7: {  	_ = 	snop  }
__scs_overlays_trampoline_lowered:
0x8: {  	[smem:$0x3FA4] =	sst s0  }
0x9: {  	[smem:$0x3FA5] =	sst s1  }
0xa: {  	[smem:$0x3FA6] =	sst s2  }
0xb: {  	[smem:$0x3FA7] =	sst s3  }
0xc: {  	[smem:$0x3FA8] =	sst s4  }
0xd: {  	[smem:$0x3FA9] =	sst s5  }
0xe: {  	[smem:$0x3FAA] =	sst s6  }
0xf: {  	[smem:$0x3FAB] =	sst s7  }
0x10: {  	[smem:$0x3FAC] =	sst s8  }
0x11: {  	[smem:$0x3FAD] =	sst s9;
	s0 =	simm.s32 @!p0 $0x0  }
0x12: {  	s1 =	sld [smem:$0x3F93];
	s0 =	simm.s32 @p0 $0x1  }
0x13: {  	[smem:$0x3FAE] =	sst s0;
	s0 =	simm.s32 @!p1 $0x0  }
0x14: {  	s2 =	sld [smem:$0x3F92];
	s0 =	simm.s32 @p1 $0x1  }
0x15: {  	[smem:$0x3FAF] =	sst s0;
	s0 =	simm.s32 @!p2 $0x0  }
0x16: {  	s3 =	sld [smem:$0x3FDB];
	s0 =	simm.s32 @p2 $0x1  }
0x17: {  	s4 =	simm.s32 $0x1BF5;
	[smem:$0x3FB1] =	sst s0  }
0x18: {  	s0 =	sld [smem:$0x3F94];
	_ =	swait.ge [sflag:s4], $0x0  }
0x19: {  	s7 =	sld [smem:$0x3F95]  }
0x1a: {  	s8 =	sadd.s32 $0xFFFFE003, lr  }
0x1b: {  	s9 =	sadd.s32 $0xFFFFFEF7, lr;
	s5 =	simm.s32 $0xFFFFFFFF;
	p2 =	slt.u32 s8, $0xFFFFF086  }
0x1c: {  	p1 =	slt.u32 s9, $0xF7A;
	s5 =	simm.s32 @!p2 $0x0  }
0x1d: {  	s5 =	simm.s32 @p1 $0x1;
	p0 =	seq.s32 s7, s2  }
0x1e: {  	s7 =	smul.u32 @!p0 $0xF7A, s2;
	p2 =	seq.s32 @!p0 s5, $0x0  }
0x1f: {  	s9 =	smul.u32 $0xF7A, s1;
	s8 =	simm.s32 @!p0 $0x1BF5;
	p2 =	por !p2, p0  }
0x20: {  	[sflag:s8] =	ssyncset.s32 @!p0 $0xFFFFF086;
	s6 =	sadd.s32 @!p0 s3, s7;
	s7 =	simm.s32 @!p0 $0x108  }
0x21: {  	s3 =	sadd.s32 s3, s9;
	s6 =	sadd.s32 @!p0 $0x88, s6;
	s7 =	simm.s32 @p2 $0x1082  }
0x22: {  	[simem:s7], [sflag:s8] =	dma.local @!p0 [hbm:s6], $0xF7A  }
0x23: {  	s9 =	sor.u32 $0xD0000000, s2;
	s6 =	simm.s32 $0x108;
	_ =	swait.ge @!p0 [sflag:s8], $0x0  }
0x24: {  	s3 =	sadd.s32 $0x88, s3;
	s6 =	simm.s32 @!p1 $0x1082;
	[sflag:s4] =	ssyncset.s32 $0xFFFFF086  }
0x25: {  	[simem:s6], [sflag:s4] =	dma.local [hbm:s3], $0xF7A  }
0x26: {  	[smem:$0x3F95] =	sst s1;
	(tag) =	ssettag s2;
	_ =	strace s9  }
0x27: {  	s1 =	sld [smem:$0x3FA5]  }
0x28: {  	s2 =	sld [smem:$0x3FA6]  }
0x29: {  	s4 =	sld [smem:$0x3FA8]  }
0x2a: {  	p0 =	seq.s32 s5, $0x0;
	s5 =	sld [smem:$0x3FA9]  }
0x2b: {  	s6 =	sld [smem:$0x3FAA]  }
0x2c: {  	s7 =	sld [smem:$0x3FAB]  }
0x2d: {  	s3 =	simm.s32 $0x108;
	s8 =	sld [smem:$0x3FAC]  }
0x2e: {  	s3 =	simm.s32 @!p0 $0x1082;
	s9 =	sld [smem:$0x3FAD]  }
0x2f: {  	lr =	sadd.s32 s0, s3;
	s0 =	sld [smem:$0x3FA4]  }
0x30: {  	s3 =	sld [smem:$0x3FA7]  }
0x31: {  	[smem:$0x3FB0] =	sst s10  }
0x32: {  	s10 =	sld [smem:$0x3FAE];
	_ =	sdelay $0x3  }
0x33: {  	p0 =	seq.s32 s10, $0x1;
	s10 =	sld [smem:$0x3FB0];
	_ =	sdelay $0x3  }
0x34: {  	[smem:$0x3FB0] =	sst s10  }
0x35: {  	s10 =	sld [smem:$0x3FAF];
	_ =	sdelay $0x3  }
0x36: {  	p1 =	seq.s32 s10, $0x1;
	s10 =	sld [smem:$0x3FB0];
	_ =	sdelay $0x3  }
0x37: {  	[smem:$0x3FB0] =	sst s10  }
0x38: {  	s10 =	sld [smem:$0x3FB1]  }
0x39: {  	_ = 	snop;
	(pc) =	sbr.ind lr, $3  }
0x3a: {  	_ = 	snop  }
0x3b: {  	_ = 	snop  }
0x3c: {  	p2 =	seq.s32 s10, $0x1;
	s10 =	sld [smem:$0x3FB0]  }
0x3d: {  	_ =	shalt  }
0x3e: {  	_ =	shalt  }
0x3f: {  	_ =	shalt  }
0x40: {  	_ =	shalt  }
0x41: {  	_ =	shalt  }
0x42: {  	_ =	shalt  }
0x43: {  	_ =	shalt  }
0x44: {  	_ =	shalt  }
0x45: {  	_ =	shalt  }
0x46: {  	_ =	shalt  }
0x47: {  	_ =	shalt  }
0x48: {  	_ =	shalt  }
0x49: {  	_ =	shalt  }
0x4a: {  	_ =	shalt  }
0x4b: {  	_ =	shalt  }
0x4c: {  	_ =	shalt  }
0x4d: {  	_ =	shalt  }
0x4e: {  	_ =	shalt  }
0x4f: {  	_ =	shalt  }
0x50: {  	_ =	shalt  }
0x51: {  	_ =	shalt  }
0x52: {  	_ =	shalt  }
0x53: {  	_ =	shalt  }
0x54: {  	_ =	shalt  }
0x55: {  	_ =	shalt  }
0x56: {  	_ =	shalt  }
0x57: {  	_ =	shalt  }
0x58: {  	_ =	shalt  }
0x59: {  	_ =	shalt  }
0x5a: {  	_ =	shalt  }
0x5b: {  	_ =	shalt  }
0x5c: {  	_ =	shalt  }
0x5d: {  	_ =	shalt  }
0x5e: {  	_ =	shalt  }
0x5f: {  	_ =	shalt  }
0x60: {  	_ =	shalt  }
0x61: {  	_ =	shalt  }
0x62: {  	_ =	shalt  }
0x63: {  	_ =	shalt  }
0x64: {  	_ =	shalt  }
0x65: {  	_ =	shalt  }
0x66: {  	_ =	shalt  }
0x67: {  	_ =	shalt  }
0x68: {  	_ =	shalt  }
0x69: {  	_ =	shalt  }
0x6a: {  	_ =	shalt  }
0x6b: {  	_ =	shalt  }
0x6c: {  	_ =	shalt  }
0x6d: {  	_ =	shalt  }
0x6e: {  	_ =	shalt  }
0x6f: {  	_ =	shalt  }
0x70: {  	_ =	shalt  }
0x71: {  	_ =	shalt  }
0x72: {  	_ =	shalt  }
0x73: {  	_ =	shalt  }
0x74: {  	_ =	shalt  }
0x75: {  	_ =	shalt  }
0x76: {  	_ =	shalt  }
0x77: {  	_ =	shalt  }
0x78: {  	_ =	shalt  }
0x79: {  	_ =	shalt  }
0x7a: {  	_ =	shalt  }
0x7b: {  	_ =	shalt  }
0x7c: {  	_ =	shalt  }
0x7d: {  	_ =	shalt  }
0x7e: {  	_ =	shalt  }
0x7f: {  	_ =	shalt  }
0x80: {  	_ =	shalt  }
0x81: {  	_ =	shalt  }
0x82: {  	_ =	shalt  }
0x83: {  	_ =	shalt  }
0x84: {  	_ =	shalt  }
0x85: {  	_ =	shalt  }
0x86: {  	_ =	shalt  }
0x87: {  	_ =	shalt  }
.Lfunc_end0:
.L_simem_size_0:
called_computation_lowered:
.L_overlay_start_0:
0x88: {  	s2 =	sld [smem:$0x3FD9]  }
0x89: {  	s3 =	sld [smem:$0x3FFE];
	_ =	sdelay $0x1  }
0x8a: {  	s1 =	srdreg.scid  }
0x8b: {  	s0 =	sand.u32 $0x1, s1  }
0x8c: {  	s16 =	sshll.u32 s0, $0xA;
	s2 =	sadd.s32 s3, s2  }
0x8d: {  	s2 =	sadd.s32 s2, s16  }
0x8e: {  	[smem:$0x3FBC] =	sst s2  }
0x8f: {  	_ = 	snop  }
0x90: {  	(tm) =	ssettm $0x1  }
0x91: {  	s17 =	sld [smem:$0x3FFB];
	_ =	sdelay $0x3  }
0x92: {  	_ =	strace s17  }
0x93: {  	s2 =	sld [smem:$0x3FFC];
	_ =	sdelay $0x3  }
0x94: {  	_ =	strace s2  }
0x95: {  	s2 =	sld [smem:$0x3FFD];
	_ =	sdelay $0x3  }
0x96: {  	_ =	strace s2  }
0x97: {  	_ =	strace $0x8FFFFFFF  }
0x98: {  	s18 =	sld [smem:$0x3FDB];
	_ =	sdelay $0x1  }
0x99: {  	s19 =	simm.s32 $_scs_section_size  }
0x9a: {  	s4 =	simm.s32 $_size__tile_overlayer_lowered;
	s5 =	simm.s32 $_tile_overlayer_lowered  }
0x9b: {  	s22 =	simm.s32 $0x1BFF;
	s21 =	sshll.u32 s5, $0x1;
	s2 =	sadd.s32 s19, s18  }
0x9c: {  	s6 =	simm.s32 $0x0;
	s20 =	sshll.u32 s4, $0x1;
	s4 =	sadd.s32 s21, s2  }
0x9d: {  	[timem:s6], [sflag:s22] =	dma.local [hbm:s4], s20  }
0x9e: {  	_ =	swait.ge [sflag:s22], s20  }
0x9f: {  	s3 =	ssub.s32 $0x0, s20;
	[sflag:s22] =	ssyncset.done $0x0  }
0xa0: {  	[sflag:s22] =	ssyncadd.s32 s3;
	_ =	sdelay $0x1  }
0xa1: {  	s23 =	simm.s32 $0x1B8B  }
0xa2: {  	_ =	swait.ge [sflag:s23], $0x1  }
0xa3: {  	[sflag:s23] =	ssyncset.done $0x0  }
0xa4: {  	s25 =	simm.s32 $0x1B8E;
	s24 =	sld [smem:$0x3FFE];
	[sflag:s23] =	ssyncadd.s32 $0xFFFFFFFF  }
0xa5: {  	s26 =	simm.s32 $execute0_lowered;
	[smem:$0x3FD2] =	sst s25  }
0xa6: {  	s4 =	sshll.u32 s26, $0x1;
	_ =	strace $0x80000046;
	[dreg:$0x1] =	wrdreg $0xFFFFFFFF  }
0xa7: {  	s28 =	simm.s32 $_size_execute0_lowered;
	s2 =	sadd.s32 s2, s4;
	[dreg:$0x0] =	wrdreg $0x0  }
0xa8: {  	s4 =	sshll.u32 s28, $0x1;
	[dreg:$0x2] =	wrdreg s2  }
0xa9: {  	[dreg:$0x3] =	wrdreg s4  }
0xaa: {  	[dreg:$0x4] =	wrdreg $0xC0  }
0xab: {  	_ =	task [dreg:s6], $0x5FFFF  }
0xac: {  	[dreg:$0x1] =	wrdreg $0xFFFFFFFF  }
0xad: {  	[dreg:$0x0] =	wrdreg $0x60  }
0xae: {  	[dreg:$0x2] =	wrdreg s24  }
0xaf: {  	[dreg:$0x3] =	wrdreg $0x152200  }
0xb0: {  	[dreg:$0x4] =	wrdreg $0x9  }
0xb1: {  	_ =	task.clear_ibuf [dreg:s6], $0x5FFFF;
	_ =	strace $0x90000046  }
0xb2: {  	s29 =	simm.s32 $0x9;
	_ =	strace $0x80000048  }
0xb3: {  	_ =	swait.ge [sflag:s29], $0x1  }
0xb4: {  	[sflag:s29] =	ssyncadd.s32 $0xFFFFFFFF  }
0xb5: {  	_ =	strace $0x90000048  }
0xb6: {  	_ =	sfence  }
0xb7: {  	s30 =	sld [smem:$0x0];
	_ =	sdelay $0x2  }
0xb8: {  	s31 =	sshll.u32 s1, $0xD;
	s1 =	sshrl.u32 s1, $0x2  }
0xb9: {  	s3 =	sand.u32 $0x4000, s31;
	s1 =	sadd.s32 s1, s30  }
0xba: {  	s0 =	sor.u32 s3, s0;
	s1 =	sshll.u32 s1, $0x11  }
0xbb: {  	s0 =	sor.u32 s1, s0  }
0xbc: {  	s0 =	sadd.s32 $0x8F2B, s0  }
0xbd: {  	[sflag:s0] =	ssyncadd.remote.s32 $0x1  }
0xbe: {  	_ =	sfence.sel $0xFFFF  }
0xbf: {  	[dreg:$0x0] =	wrdreg $0xFFFFFFFF;
	(pc) =	sbr.abs _section_cstart, $3  }
0xc0: {  	[dreg:$0x1] =	wrdreg $0xFFFFFFFF  }
0xc1: {  	_ =	task.clear_ibuf [dreg:s6], $0x2FFFF;
	_ =	strace $0x9FFFFFFF  }
0xc2: {  	(tm) =	ssettm $0x7FFFFFFF  }
0xc3: {  	_ =	shalt  }
tec
execute0_lowered:
.L_overlay_start_1:
0x0: {  	(tag) =	ssettag $0x1  }
0x1: {  	s0 =	rddreg [dreg:$0x0]  }
0x2: {  	s1 =	rddreg [dreg:$0x1];
	s2 =	srdreg.scid  }
0x3: {  	s4 =	simm.s32 $0x0;
	s11 =	stileid.u32;
	s29 =	simm.s32 $0xD  }
0x4: {  	s30 =	simm.s32 $0x80;
	s31 =	simm.s32 $0x6E20;
	s8 =	smul.u32 $0x28000, s11  }
0x5: {  	s2 =	sand.u32 $0x1, s2;
	[smem:$0x7FF] =	sst s4;
	s21 =	smul.u32 $0x280, s11  }
0x6: {  	s4 =	sadd.s32 $0x15E00, s0;
	s5 =	sadd.s32 $0x2400, s0;
	s23 =	smul.u32 $0x14000, s11  }
0x7: {  	s0 =	sadd.s32 $0x29800, s0;
	s20 =	smul.u32 $0x2710, s11;
	s3 =	sshll.u32 s2, $0x4  }
0x8: {  	_ =	strace $0x80000047;
	s6 =	ssub.s32 $0x2, s2;
	s22 =	smul.u32 $0x140000, s2  }
0x9: {  	s2 =	smul.u32 $0x27100, s2;
	s3 =	sor.u32 s11, s3;
	s7 =	sshrl.u32 s6, $0x1  }
0xa: {  	s8 =	sshrl.u32 s8, $0x2;
	s28 =	sadd.s32 $0x80, s21;
	s14 =	sadd.s32 $0x100, s21  }
0xb: {  	s17 =	sadd.s32 $0x180, s21;
	s11 =	simm.s32 $0xEE20;
	s3 =	smul.u32 $0x2710, s3  }
0xc: {  	s6 =	ssub.s32 s6, s7;
	s18 =	sadd.s32 s8, s1;
	s10 =	sshll.u32 s28, $0x7  }
0xd: {  	s12 =	sshll.u32 s28, $0x6;
	s15 =	sshll.u32 s14, $0x6;
	s19 =	sshll.u32 s17, $0x6  }
0xe: {  	s7 =	sadd.s32 $0x200, s21;
	s8 =	sadd.s32 $0x2000, s18;
	[dreg:$0x5] =	wrdreg s18  }
0xf: {  	s2 =	sadd.s32 s20, s2;
	s24 =	sadd.s32 $0x4000, s18;
	[dreg:$0x6] =	wrdreg s8  }
0x10: {  	s25 =	sadd.s32 $0x6000, s18;
	s26 =	sadd.s32 $0x8000, s18;
	[dreg:$0x7] =	wrdreg s24  }
0x11: {  	s6 =	smax.u32 s6, $0x1;
	s28 =	sadd.s32 s12, s1;
	[dreg:$0x8] =	wrdreg s25  }
0x12: {  	s12 =	simm.s32 $0x4;
	s3 =	sshrl.u32 s3, $0x3;
	[dreg:$0x9] =	wrdreg s26  }
0x13: {  	[dreg:$0xa] =	wrdreg s6;
	s6 =	sadd.s32 s22, s10;
	s10 =	sshll.u32 s7, $0x7  }
0x14: {  	s24 =	sadd.s32 $0x4E200, s2;
	s25 =	sshrl.u32 s2, $0x3;
	s2 =	simm.s32 $0x8E20  }
0x15: {  	s8 =	simm.s32 $0x2;
	[dreg:$0xc] =	wrdreg s28;
	s3 =	sadd.s32 s5, s3  }
0x16: {  	s13 =	sshrl.u32 s6, $0x3;
	s6 =	sshll.u32 s14, $0x7;
	s26 =	sshrl.u32 s24, $0x3  }
0x17: {  	s24 =	simm.s32 $0x9;
	s14 =	simm.s32 $0x0;
	s9 =	sadd.s32 $0x4E0, s3  }
0x18: {  	s3 =	sadd.s32 $0xA120, s3;
	s16 =	sadd.s32 s22, s6;
	[dreg:$0x3] =	wrdreg s9  }
0x19: {  	s6 =	sshll.u32 s17, $0x7;
	s17 =	simm.s32 $0x8;
	[dreg:$0x4] =	wrdreg s3  }
0x1a: {  	s3 =	sadd.s32 s22, s23;
	s6 =	sadd.s32 s22, s6;
	s9 =	sadd.s32 s22, s10  }
0x1b: {  	s22 =	sshll.u32 s7, $0x6;
	s10 =	simm.s32 $0x3;
	s3 =	sshrl.u32 s3, $0x3  }
0x1c: {  	s21 =	sshrl.u32 s6, $0x3;
	s20 =	sadd.s32 s22, s1;
	s23 =	sshrl.u32 s9, $0x3  }
0x1d: {  	s22 =	sadd.s32 s25, s5;
	s6 =	simm.s32 $0xAE20;
	s3 =	sadd.s32 s0, s3  }
0x1e: {  	s9 =	simm.s32 $0xCE20;
	[dreg:$0xb] =	wrdreg s3;
	s3 =	sadd.s32 s0, s13  }
0x1f: {  	s25 =	simm.s32 $0xA;
	[dreg:$0xd] =	wrdreg s3;
	s3 =	sadd.s32 s15, s1  }
0x20: {  	[dreg:$0xe] =	wrdreg s3;
	s3 =	sshrl.u32 s16, $0x3;
	s16 =	sadd.s32 s19, s1  }
0x21: {  	s13 =	simm.s32 $0x7;
	s3 =	sadd.s32 s0, s3;
	[dreg:$0x10] =	wrdreg s16  }
0x22: {  	s15 =	simm.s32 $0x5;
	s19 =	simm.s32 $0x6;
	[dreg:$0xf] =	wrdreg s3  }
0x23: {  	s3 =	sadd.s32 s0, s21;
	s0 =	sadd.s32 s0, s23;
	s23 =	sadd.s32 s26, s5  }
0x24: {  	s26 =	simm.s32 $0x4E20;
	s21 =	simm.s32 $0xB;
	[dreg:$0x11] =	wrdreg s3  }
0x25: {  	v0 =	vimm.f32 $0.0e+00;
	s5 =	simm.s32 $0xC;
	[dreg:$0x12] =	wrdreg s0;
	s0 =	simm.s32 $0x1  }
.LBB2_1:
0x26: {  	[dreg:$0x13] =	wrdreg s14;
	s3 =	sadd.s32 $0x0, s22;
	s16 =	simm.s32 $0x0  }
0x27: {  	[tilespmem:s16], [sflag:$0xD] =	stream.linear.gather [hbm4b:s3+s16], $0x80, $0x38;
	[tilespmem:$0x1F220] =	vst v63  }
0x28: {  	s18 =	sadd.s32 $0x0, s23;
	s7 =	simm.s32 $0x2700;
	s28 =	simm.s32 $0x80  }
0x29: {  	[tilespmem:s7], [sflag:$0xD] =	stream.linear.gather [hbm4b:s18+s16], $0x80, $0x38;
	[tilespmem:$0x1F220] =	vst v63  }
0x2a: {  	s3 =	simm.s32 $0x10;
	s18 =	simm.s32 $0x0;
	s7 =	simm.s32 $0x2700  }
.LBB2_2:
0x2b: {  	s14 =	sadd.s32 s3, s22  }
0x2c: {  	p0 =	sne.s32 s3, $0x4D0;
	s16 =	smov.u32 s3;
	s3 =	sadd.s32 $0x10, s3  }
0x2d: {  	[tilespmem:s28], [sflag:$0xD] =	stream.linear.gather [hbm4b:s14+s18], $0x80, $0x38;
	[tilespmem:$0x1F220] =	vst v63  }
.Ltmp0:
0x2e: {  	_ = 	snop;
	(pc) =	sbr.rel @p0 .LBB2_2-.Ltmp0, $4  }
0x2f: {  	s7 =	sadd.s32 $0x80, s7;
	s14 =	sadd.s32 s16, s23  }
0x30: {  	[tilespmem:s7], [sflag:$0xD] =	stream.linear.gather [hbm4b:s14+s18], $0x80, $0x38;
	[tilespmem:$0x1F220] =	vst v63  }
0x31: {  	_ = 	snop  }
0x32: {  	s28 =	sadd.s32 $0x80, s28  }
0x33: {  	s3 =	simm.s32 $0x0;
	s7 =	rddreg [dreg:$0x3];
	s14 =	simm.s32 $0x4E00  }
0x34: {  	[tilespmem:s14], [sflag:$0xD] =	stream.linear.gather [hbm4b:s7+s3], $0x10, $0x38;
	[tilespmem:$0x1F220] =	vst v63  }
0x35: {  	s18 =	rddreg [dreg:$0x4];
	s28 =	simm.s32 $0x4E10  }
0x36: {  	[tilespmem:s28], [sflag:$0xD] =	stream.linear.gather [hbm4b:s18+s3], $0x10, $0x38;
	[tilespmem:$0x1F220] =	vst v63  }
0x37: {  	s7 =	simm.s32 $0x100;
	s3 =	simm.s32 $0x0  }
.LBB2_4:
0x38: {  	p0 =	sne.s32 s7, $0x7F00;
	[tilespmem:s3+$0x4E50] =	vst v0;
	s14 =	smov.u32 s7;
	s7 =	sadd.s32 $0x100, s7  }
.Ltmp1:
0x39: {  	[tilespmem:s3+$0x4E40] =	vst v0;
	(pc) =	sbr.rel @p0 .LBB2_4-.Ltmp1, $3  }
0x3a: {  	[tilespmem:s3+$0x4E20] =	vst v0  }
0x3b: {  	[tilespmem:s3+$0x4E30] =	vst v0;
	_ =	sdelay $0x1  }
0x3c: {  	s3 =	sshra.s32 s14, $0x2  }
0x3d: {  	[tilespmem:s3+$0x4E50] =	vst v0  }
0x3e: {  	[tilespmem:s3+$0x4E40] =	vst v0  }
0x3f: {  	[tilespmem:s3+$0x4E20] =	vst v0  }
0x40: {  	[tilespmem:s3+$0x4E30] =	vst v0;
	s18 =	rddreg [dreg:$0x5];
	s7 =	simm.s32 $0xE  }
0x41: {  	[spmem:s18] =	stream.linear.scatter [tilespmem:s26], [sflag:$0xE], $0x2000, $0x38;
	[tilespmem:$0x1F220] =	vst v63  }
0x42: {  	_ =	swait.ge [sflag:s7], $0x2000  }
0x43: {  	[sflag:s7] =	ssyncset.done $0x0  }
0x44: {  	s28 =	rddreg [dreg:$0x6];
	[sflag:s7] =	ssyncadd.s32 $0xFFFFE000  }
0x45: {  	[spmem:s28] =	stream.linear.scatter [tilespmem:s26], [sflag:$0xE], $0x2000, $0x38;
	[tilespmem:$0x1F220] =	vst v63  }
0x46: {  	_ =	swait.ge [sflag:s7], $0x2000  }
0x47: {  	[sflag:s7] =	ssyncset.done $0x0  }
0x48: {  	s14 =	rddreg [dreg:$0x7];
	[sflag:s7] =	ssyncadd.s32 $0xFFFFE000  }
0x49: {  	[spmem:s14] =	stream.linear.scatter [tilespmem:s26], [sflag:$0xE], $0x2000, $0x38;
	[tilespmem:$0x1F220] =	vst v63  }
0x4a: {  	_ =	swait.ge [sflag:s7], $0x2000  }
0x4b: {  	[sflag:s7] =	ssyncset.done $0x0  }
0x4c: {  	s16 =	rddreg [dreg:$0x8];
	[sflag:s7] =	ssyncadd.s32 $0xFFFFE000  }
0x4d: {  	[spmem:s16] =	stream.linear.scatter [tilespmem:s26], [sflag:$0xE], $0x2000, $0x38;
	[tilespmem:$0x1F220] =	vst v63  }
0x4e: {  	_ =	swait.ge [sflag:s7], $0x2000  }
0x4f: {  	[sflag:s7] =	ssyncset.done $0x0  }
0x50: {  	s28 =	rddreg [dreg:$0x9];
	[sflag:s7] =	ssyncadd.s32 $0xFFFFE000  }
0x51: {  	[spmem:s28] =	stream.linear.scatter [tilespmem:s26], [sflag:$0xE], $0x2000, $0x38;
	[tilespmem:$0x1F220] =	vst v63  }
0x52: {  	_ =	swait.ge [sflag:s7], $0x2000  }
0x53: {  	[sflag:s7] =	ssyncset.done $0x0  }
0x54: {  	[sflag:s7] =	ssyncadd.s32 $0xFFFFE000  }
0x55: {  	_ =	swait.ge [sflag:s29], $0x80  }
0x56: {  	[sflag:s29] =	ssyncset.done $0x0  }
0x57: {  	[sflag:s29] =	ssyncadd.s32 $0xFFFFFF80  }
0x58: {  	_ =	swait.ge [sflag:s29], $0x80  }
0x59: {  	s3 =	simm.s32 $0x4D;
	[sflag:s29] =	ssyncset.done $0x0  }
.LBB2_6:
0x5a: {  	p0 =	sne.s32 s3, $0x1;
	s3 =	sadd.s32 $0xFFFFFFFF, s3;
	[sflag:s29] =	ssyncadd.s32 $0xFFFFFF80  }
.Ltmp2:
0x5b: {  	_ =	swait.ge [sflag:s29], $0x80;
	(pc) =	sbr.rel @p0 .LBB2_6-.Ltmp2, $4  }
0x5c: {  	[sflag:s29] =	ssyncset.done $0x0  }
0x5d: {  	[sflag:s29] =	ssyncadd.s32 $0xFFFFFF80  }
0x5e: {  	_ =	swait.ge [sflag:s29], $0x80  }
0x5f: {  	[sflag:s29] =	ssyncset.done $0x0  }
0x60: {  	[sflag:s29] =	ssyncadd.s32 $0xFFFFFF80  }
0x61: {  	_ =	swait.ge [sflag:s29], $0x10  }
0x62: {  	[sflag:s29] =	ssyncset.done $0x0  }
0x63: {  	[sflag:s29] =	ssyncadd.s32 $0xFFFFFFF0  }
0x64: {  	_ =	swait.ge [sflag:s29], $0x10  }
0x65: {  	[sflag:s29] =	ssyncset.done $0x0  }
0x66: {  	[sflag:s29] =	ssyncadd.s32 $0xFFFFFFF0  }
0x67: {  	s3 =	simm.s32 $0x0;
	[bflag:$0x0] =	sbarrier.arrive $0xFFFF  }
0x68: {  	[tilespmem:s26], [sflag:$0x1] =	stream.indirect.gather [hbm4b:s4+s30], $0x40, s3, s30, $0xb8;
	[tilespmem:$0x1F220] =	vst v63  }
0x69: {  	_ = 	snop  }
0x6a: {  	[tilespmem:s31], [sflag:$0x2] =	stream.indirect.gather [hbm4b:s4+s30], $0x40, s30, s30, $0xb8;
	[tilespmem:$0x1F220] =	vst v63  }
0x6b: {  	s7 =	simm.s32 $0x100  }
0x6c: {  	[tilespmem:s2], [sflag:$0x3] =	stream.indirect.gather [hbm4b:s4+s30], $0x40, s7, s30, $0xb8;
	[tilespmem:$0x1F220] =	vst v63  }
0x6d: {  	_ =	swait.ge [sflag:s0], $0x2000  }
0x6e: {  	[sflag:s0] =	ssyncset.done $0x0  }
0x6f: {  	s14 =	simm.s32 $0x2700;
	[sflag:s0] =	ssyncadd.s32 $0xFFFFE000  }
0x70: {  	[spmem:s1] =	stream.indirect.scatter.add.f32 [tilespmem:s26], [sflag:$0x7], $0x40, s14, s30, $0xb8;
	[tilespmem:$0x1F220] =	vst v63  }
0x71: {  	s16 =	simm.s32 $0x180  }
0x72: {  	[tilespmem:s6], [sflag:$0x4] =	stream.indirect.gather [hbm4b:s4+s30], $0x40, s16, s30, $0xb8;
	[tilespmem:$0x1F220] =	vst v63  }
0x73: {  	_ =	swait.ge [sflag:s8], $0x2000  }
0x74: {  	[sflag:s8] =	ssyncset.done $0x0  }
0x75: {  	s7 =	simm.s32 $0x2780;
	[sflag:s8] =	ssyncadd.s32 $0xFFFFE000  }
0x76: {  	[spmem:s1] =	stream.indirect.scatter.add.f32 [tilespmem:s31], [sflag:$0x8], $0x40, s7, s30, $0xb8;
	[tilespmem:$0x1F220] =	vst v63  }
0x77: {  	s14 =	simm.s32 $0x200  }
0x78: {  	[tilespmem:s9], [sflag:$0x5] =	stream.indirect.gather [hbm4b:s4+s30], $0x40, s14, s30, $0xb8;
	[tilespmem:$0x1F220] =	vst v63  }
0x79: {  	_ =	swait.ge [sflag:s10], $0x2000  }
0x7a: {  	[sflag:s10] =	ssyncset.done $0x0  }
0x7b: {  	s16 =	simm.s32 $0x2800;
	[sflag:s10] =	ssyncadd.s32 $0xFFFFE000  }
0x7c: {  	[spmem:s1] =	stream.indirect.scatter.add.f32 [tilespmem:s2], [sflag:$0x9], $0x40, s16, s30, $0xb8;
	[tilespmem:$0x1F220] =	vst v63  }
0x7d: {  	s7 =	simm.s32 $0x280  }
0x7e: {  	[tilespmem:s11], [sflag:$0x6] =	stream.indirect.gather [hbm4b:s4+s30], $0x40, s7, s30, $0xb8;
	[tilespmem:$0x1F220] =	vst v63  }
0x7f: {  	_ =	swait.ge [sflag:s12], $0x2000  }
0x80: {  	[sflag:s12] =	ssyncset.done $0x0  }
0x81: {  	s14 =	simm.s32 $0x2880;
	[sflag:s12] =	ssyncadd.s32 $0xFFFFE000  }
0x82: {  	[spmem:s1] =	stream.indirect.scatter.add.f32 [tilespmem:s6], [sflag:$0xA], $0x40, s14, s30, $0xb8;
	[tilespmem:$0x1F220] =	vst v63  }
0x83: {  	_ =	swait.ge [sflag:s13], $0x2000  }
0x84: {  	[sflag:s13] =	ssyncset.done $0x0  }
0x85: {  	s16 =	simm.s32 $0x300;
	[sflag:s13] =	ssyncadd.s32 $0xFFFFE000  }
0x86: {  	[tilespmem:s26], [sflag:$0x1] =	stream.indirect.gather [hbm4b:s4+s30], $0x40, s16, s30, $0xb8;
	[tilespmem:$0x1F220] =	vst v63  }
0x87: {  	_ =	swait.ge [sflag:s15], $0x2000  }
0x88: {  	[sflag:s15] =	ssyncset.done $0x0  }
0x89: {  	s7 =	simm.s32 $0x2900;
	[sflag:s15] =	ssyncadd.s32 $0xFFFFE000  }
0x8a: {  	[spmem:s1] =	stream.indirect.scatter.add.f32 [tilespmem:s9], [sflag:$0xB], $0x40, s7, s30, $0xb8;
	[tilespmem:$0x1F220] =	vst v63  }
0x8b: {  	_ =	swait.ge [sflag:s17], $0x2000  }
0x8c: {  	[sflag:s17] =	ssyncset.done $0x0  }
0x8d: {  	s14 =	simm.s32 $0x380;
	[sflag:s17] =	ssyncadd.s32 $0xFFFFE000  }
0x8e: {  	[tilespmem:s31], [sflag:$0x2] =	stream.indirect.gather [hbm4b:s4+s30], $0x40, s14, s30, $0xb8;
	[tilespmem:$0x1F220] =	vst v63  }
0x8f: {  	_ =	swait.ge [sflag:s19], $0x2000  }
0x90: {  	[sflag:s19] =	ssyncset.done $0x0  }
0x91: {  	s16 =	simm.s32 $0x2980;
	[sflag:s19] =	ssyncadd.s32 $0xFFFFE000  }
0x92: {  	[spmem:s1] =	stream.indirect.scatter.add.f32 [tilespmem:s11], [sflag:$0xC], $0x40, s16, s30, $0xb8;
	[tilespmem:$0x1F220] =	vst v63  }
0x93: {  	_ =	swait.ge [sflag:s24], $0x2000  }
0x94: {  	[sflag:s24] =	ssyncset.done $0x0  }
0x95: {  	s7 =	simm.s32 $0x400;
	[sflag:s24] =	ssyncadd.s32 $0xFFFFE000  }
0x96: {  	[tilespmem:s2], [sflag:$0x3] =	stream.indirect.gather [hbm4b:s4+s30], $0x40, s7, s30, $0xb8;
	[tilespmem:$0x1F220] =	vst v63  }
0x97: {  	_ =	swait.ge [sflag:s0], $0x2000  }
0x98: {  	[sflag:s0] =	ssyncset.done $0x0  }
0x99: {  	s14 =	simm.s32 $0x2A00;
	[sflag:s0] =	ssyncadd.s32 $0xFFFFE000  }
0x9a: {  	[spmem:s1] =	stream.indirect.scatter.add.f32 [tilespmem:s26], [sflag:$0x7], $0x40, s14, s30, $0xb8;
	[tilespmem:$0x1F220] =	vst v63  }
0x9b: {  	_ =	swait.ge [sflag:s25], $0x2000  }
0x9c: {  	[sflag:s25] =	ssyncset.done $0x0  }
0x9d: {  	s16 =	simm.s32 $0x480;
	[sflag:s25] =	ssyncadd.s32 $0xFFFFE000  }
0x9e: {  	[tilespmem:s6], [sflag:$0x4] =	stream.indirect.gather [hbm4b:s4+s30], $0x40, s16, s30, $0xb8;
	[tilespmem:$0x1F220] =	vst v63  }
0x9f: {  	_ =	swait.ge [sflag:s8], $0x2000  }
0xa0: {  	[sflag:s8] =	ssyncset.done $0x0  }
0xa1: {  	s7 =	simm.s32 $0x2A80;
	[sflag:s8] =	ssyncadd.s32 $0xFFFFE000  }
0xa2: {  	[spmem:s1] =	stream.indirect.scatter.add.f32 [tilespmem:s31], [sflag:$0x8], $0x40, s7, s30, $0xb8;
	[tilespmem:$0x1F220] =	vst v63  }
0xa3: {  	_ =	swait.ge [sflag:s21], $0x2000  }
0xa4: {  	[sflag:s21] =	ssyncset.done $0x0  }
0xa5: {  	s14 =	simm.s32 $0x500;
	[sflag:s21] =	ssyncadd.s32 $0xFFFFE000  }
0xa6: {  	[tilespmem:s9], [sflag:$0x5] =	stream.indirect.gather [hbm4b:s4+s30], $0x40, s14, s30, $0xb8;
	[tilespmem:$0x1F220] =	vst v63  }
0xa7: {  	_ =	swait.ge [sflag:s10], $0x2000  }
0xa8: {  	[sflag:s10] =	ssyncset.done $0x0  }
0xa9: {  	s16 =	simm.s32 $0x2B00;
	[sflag:s10] =	ssyncadd.s32 $0xFFFFE000  }
0xaa: {  	[spmem:s1] =	stream.indirect.scatter.add.f32 [tilespmem:s2], [sflag:$0x9], $0x40, s16, s30, $0xb8;
	[tilespmem:$0x1F220] =	vst v63  }
0xab: {  	_ =	swait.ge [sflag:s5], $0x2000  }
0xac: {  	[sflag:s5] =	ssyncset.done $0x0  }
0xad: {  	s7 =	simm.s32 $0x580;
	[sflag:s5] =	ssyncadd.s32 $0xFFFFE000  }
0xae: {  	[tilespmem:s11], [sflag:$0x6] =	stream.indirect.gather [hbm4b:s4+s30], $0x40, s7, s30, $0xb8;
	[tilespmem:$0x1F220] =	vst v63  }
0xaf: {  	_ =	swait.ge [sflag:s12], $0x2000  }
0xb0: {  	[sflag:s12] =	ssyncset.done $0x0  }
0xb1: {  	s14 =	simm.s32 $0x2B80;
	[sflag:s12] =	ssyncadd.s32 $0xFFFFE000  }
0xb2: {  	[spmem:s1] =	stream.indirect.scatter.add.f32 [tilespmem:s6], [sflag:$0xA], $0x40, s14, s30, $0xb8;
	[tilespmem:$0x1F220] =	vst v63  }
0xb3: {  	_ =	swait.ge [sflag:s13], $0x2000  }
0xb4: {  	[sflag:s13] =	ssyncset.done $0x0  }
0xb5: {  	s16 =	simm.s32 $0x600;
	[sflag:s13] =	ssyncadd.s32 $0xFFFFE000  }
0xb6: {  	[tilespmem:s26], [sflag:$0x1] =	stream.indirect.gather [hbm4b:s4+s30], $0x40, s16, s30, $0xb8;
	[tilespmem:$0x1F220] =	vst v63  }
0xb7: {  	_ =	swait.ge [sflag:s15], $0x2000  }
0xb8: {  	[sflag:s15] =	ssyncset.done $0x0  }
0xb9: {  	s7 =	simm.s32 $0x2C00;
	[sflag:s15] =	ssyncadd.s32 $0xFFFFE000  }
0xba: {  	[spmem:s1] =	stream.indirect.scatter.add.f32 [tilespmem:s9], [sflag:$0xB], $0x40, s7, s30, $0xb8;
	[tilespmem:$0x1F220] =	vst v63  }
0xbb: {  	_ =	swait.ge [sflag:s17], $0x2000  }
0xbc: {  	[sflag:s17] =	ssyncset.done $0x0  }
0xbd: {  	s14 =	simm.s32 $0x680;
	[sflag:s17] =	ssyncadd.s32 $0xFFFFE000  }
0xbe: {  	[tilespmem:s31], [sflag:$0x2] =	stream.indirect.gather [hbm4b:s4+s30], $0x40, s14, s30, $0xb8;
	[tilespmem:$0x1F220] =	vst v63  }
0xbf: {  	_ =	swait.ge [sflag:s19], $0x2000  }
0xc0: {  	[sflag:s19] =	ssyncset.done $0x0  }
0xc1: {  	s16 =	simm.s32 $0x2C80;
	[sflag:s19] =	ssyncadd.s32 $0xFFFFE000  }
0xc2: {  	[spmem:s1] =	stream.indirect.scatter.add.f32 [tilespmem:s11], [sflag:$0xC], $0x40, s16, s30, $0xb8;
	[tilespmem:$0x1F220] =	vst v63  }
0xc3: {  	_ =	swait.ge [sflag:s24], $0x2000  }
0xc4: {  	[sflag:s24] =	ssyncset.done $0x0  }
0xc5: {  	s28 =	simm.s32 $0xC00;
	s3 =	simm.s32 $0x700;
	[sflag:s24] =	ssyncadd.s32 $0xFFFFE000  }
.LBB2_8:
0xc6: {  	[tilespmem:s2], [sflag:$0x3] =	stream.indirect.gather [hbm4b:s4+s30], $0x40, s3, s30, $0xb8;
	[tilespmem:$0x1F220] =	vst v63  }
0xc7: {  	s3 =	smov.u32 s28  }
0xc8: {  	p0 =	sne.s32 s28, $0x7800;
	s28 =	sadd.s32 $0xC00, s28;
	_ =	swait.ge [sflag:s0], $0x2000  }
0xc9: {  	s3 =	sshra.s32 s3, $0x2;
	[sflag:s0] =	ssyncset.done $0x0  }
0xca: {  	s7 =	sadd.s32 $0x2A00, s3;
	[sflag:s0] =	ssyncadd.s32 $0xFFFFE000  }
0xcb: {  	[spmem:s1] =	stream.indirect.scatter.add.f32 [tilespmem:s26], [sflag:$0x7], $0x40, s7, s30, $0xb8;
	[tilespmem:$0x1F220] =	vst v63  }
0xcc: {  	_ =	swait.ge [sflag:s25], $0x2000  }
0xcd: {  	[sflag:s25] =	ssyncset.done $0x0  }
0xce: {  	s7 =	sadd.s32 $0x480, s3;
	[sflag:s25] =	ssyncadd.s32 $0xFFFFE000  }
0xcf: {  	[tilespmem:s6], [sflag:$0x4] =	stream.indirect.gather [hbm4b:s4+s30], $0x40, s7, s30, $0xb8;
	[tilespmem:$0x1F220] =	vst v63  }
0xd0: {  	_ =	swait.ge [sflag:s8], $0x2000  }
0xd1: {  	[sflag:s8] =	ssyncset.done $0x0  }
0xd2: {  	s7 =	sadd.s32 $0x2A80, s3;
	[sflag:s8] =	ssyncadd.s32 $0xFFFFE000  }
0xd3: {  	[spmem:s1] =	stream.indirect.scatter.add.f32 [tilespmem:s31], [sflag:$0x8], $0x40, s7, s30, $0xb8;
	[tilespmem:$0x1F220] =	vst v63  }
0xd4: {  	_ =	swait.ge [sflag:s21], $0x2000  }
0xd5: {  	[sflag:s21] =	ssyncset.done $0x0  }
0xd6: {  	s7 =	sadd.s32 $0x500, s3;
	[sflag:s21] =	ssyncadd.s32 $0xFFFFE000  }
0xd7: {  	[tilespmem:s9], [sflag:$0x5] =	stream.indirect.gather [hbm4b:s4+s30], $0x40, s7, s30, $0xb8;
	[tilespmem:$0x1F220] =	vst v63  }
0xd8: {  	_ =	swait.ge [sflag:s10], $0x2000  }
0xd9: {  	[sflag:s10] =	ssyncset.done $0x0  }
0xda: {  	s7 =	sadd.s32 $0x2B00, s3;
	[sflag:s10] =	ssyncadd.s32 $0xFFFFE000  }
0xdb: {  	[spmem:s1] =	stream.indirect.scatter.add.f32 [tilespmem:s2], [sflag:$0x9], $0x40, s7, s30, $0xb8;
	[tilespmem:$0x1F220] =	vst v63  }
0xdc: {  	_ =	swait.ge [sflag:s5], $0x2000  }
0xdd: {  	[sflag:s5] =	ssyncset.done $0x0  }
0xde: {  	s7 =	sadd.s32 $0x580, s3;
	[sflag:s5] =	ssyncadd.s32 $0xFFFFE000  }
0xdf: {  	[tilespmem:s11], [sflag:$0x6] =	stream.indirect.gather [hbm4b:s4+s30], $0x40, s7, s30, $0xb8;
	[tilespmem:$0x1F220] =	vst v63  }
0xe0: {  	_ =	swait.ge [sflag:s12], $0x2000  }
0xe1: {  	[sflag:s12] =	ssyncset.done $0x0  }
0xe2: {  	s7 =	sadd.s32 $0x2B80, s3;
	[sflag:s12] =	ssyncadd.s32 $0xFFFFE000  }
0xe3: {  	[spmem:s1] =	stream.indirect.scatter.add.f32 [tilespmem:s6], [sflag:$0xA], $0x40, s7, s30, $0xb8;
	[tilespmem:$0x1F220] =	vst v63  }
0xe4: {  	_ =	swait.ge [sflag:s13], $0x2000  }
0xe5: {  	[sflag:s13] =	ssyncset.done $0x0  }
0xe6: {  	s7 =	sadd.s32 $0x600, s3;
	[sflag:s13] =	ssyncadd.s32 $0xFFFFE000  }
0xe7: {  	[tilespmem:s26], [sflag:$0x1] =	stream.indirect.gather [hbm4b:s4+s30], $0x40, s7, s30, $0xb8;
	[tilespmem:$0x1F220] =	vst v63  }
0xe8: {  	_ =	swait.ge [sflag:s15], $0x2000  }
0xe9: {  	[sflag:s15] =	ssyncset.done $0x0  }
0xea: {  	s7 =	sadd.s32 $0x2C00, s3;
	[sflag:s15] =	ssyncadd.s32 $0xFFFFE000  }
0xeb: {  	[spmem:s1] =	stream.indirect.scatter.add.f32 [tilespmem:s9], [sflag:$0xB], $0x40, s7, s30, $0xb8;
	[tilespmem:$0x1F220] =	vst v63  }
0xec: {  	_ =	swait.ge [sflag:s17], $0x2000  }
0xed: {  	[sflag:s17] =	ssyncset.done $0x0  }
0xee: {  	s7 =	sadd.s32 $0x680, s3;
	[sflag:s17] =	ssyncadd.s32 $0xFFFFE000  }
0xef: {  	[tilespmem:s31], [sflag:$0x2] =	stream.indirect.gather [hbm4b:s4+s30], $0x40, s7, s30, $0xb8;
	[tilespmem:$0x1F220] =	vst v63  }
0xf0: {  	_ =	swait.ge [sflag:s19], $0x2000  }
0xf1: {  	[sflag:s19] =	ssyncset.done $0x0  }
.Ltmp3:
0xf2: {  	s7 =	sadd.s32 $0x2C80, s3;
	[sflag:s19] =	ssyncadd.s32 $0xFFFFE000;
	(pc) =	sbr.rel @p0 .LBB2_8-.Ltmp3, $4  }
0xf3: {  	[spmem:s1] =	stream.indirect.scatter.add.f32 [tilespmem:s11], [sflag:$0xC], $0x40, s7, s30, $0xb8;
	[tilespmem:$0x1F220] =	vst v63  }
0xf4: {  	_ =	swait.ge [sflag:s24], $0x2000  }
0xf5: {  	[sflag:s24] =	ssyncset.done $0x0  }
0xf6: {  	s3 =	sadd.s32 $0x700, s3;
	[sflag:s24] =	ssyncadd.s32 $0xFFFFE000  }
0xf7: {  	[tilespmem:s2], [sflag:$0x3] =	stream.indirect.gather [hbm4b:s4+s30], $0x40, s3, s30, $0xb8;
	[tilespmem:$0x1F220] =	vst v63  }
0xf8: {  	_ =	swait.ge [sflag:s0], $0x2000  }
0xf9: {  	[sflag:s0] =	ssyncset.done $0x0  }
0xfa: {  	s14 =	simm.s32 $0x4B00;
	[sflag:s0] =	ssyncadd.s32 $0xFFFFE000  }
0xfb: {  	[spmem:s1] =	stream.indirect.scatter.add.f32 [tilespmem:s26], [sflag:$0x7], $0x40, s14, s30, $0xb8;
	[tilespmem:$0x1F220] =	vst v63  }
0xfc: {  	_ =	swait.ge [sflag:s25], $0x2000  }
0xfd: {  	[sflag:s25] =	ssyncset.done $0x0  }
0xfe: {  	s16 =	simm.s32 $0x2580;
	[sflag:s25] =	ssyncadd.s32 $0xFFFFE000  }
0xff: {  	[tilespmem:s6], [sflag:$0x4] =	stream.indirect.gather [hbm4b:s4+s30], $0x40, s16, s30, $0xb8;
	[tilespmem:$0x1F220] =	vst v63  }
0x100: {  	_ =	swait.ge [sflag:s8], $0x2000  }
0x101: {  	[sflag:s8] =	ssyncset.done $0x0  }
0x102: {  	s28 =	simm.s32 $0x4B80;
	[sflag:s8] =	ssyncadd.s32 $0xFFFFE000  }
0x103: {  	[spmem:s1] =	stream.indirect.scatter.add.f32 [tilespmem:s31], [sflag:$0x8], $0x40, s28, s30, $0xb8;
	[tilespmem:$0x1F220] =	vst v63  }
0x104: {  	_ =	swait.ge [sflag:s21], $0x2000  }
0x105: {  	[sflag:s21] =	ssyncset.done $0x0  }
0x106: {  	s7 =	simm.s32 $0x2600;
	[sflag:s21] =	ssyncadd.s32 $0xFFFFE000  }
0x107: {  	[tilespmem:s9], [sflag:$0x5] =	stream.indirect.gather [hbm4b:s4+s30], $0x40, s7, s30, $0xb8;
	[tilespmem:$0x1F220] =	vst v63  }
0x108: {  	_ =	swait.ge [sflag:s10], $0x2000  }
0x109: {  	[sflag:s10] =	ssyncset.done $0x0  }
0x10a: {  	s14 =	simm.s32 $0x4C00;
	[sflag:s10] =	ssyncadd.s32 $0xFFFFE000  }
0x10b: {  	[spmem:s1] =	stream.indirect.scatter.add.f32 [tilespmem:s2], [sflag:$0x9], $0x40, s14, s30, $0xb8;
	[tilespmem:$0x1F220] =	vst v63  }
0x10c: {  	_ =	swait.ge [sflag:s5], $0x2000  }
0x10d: {  	[sflag:s5] =	ssyncset.done $0x0  }
0x10e: {  	s16 =	simm.s32 $0x2680;
	[sflag:s5] =	ssyncadd.s32 $0xFFFFE000  }
0x10f: {  	[tilespmem:s11], [sflag:$0x6] =	stream.indirect.gather [hbm4b:s4+s30], $0x40, s16, s30, $0xb8;
	[tilespmem:$0x1F220] =	vst v63  }
0x110: {  	_ =	swait.ge [sflag:s12], $0x2000  }
0x111: {  	[sflag:s12] =	ssyncset.done $0x0  }
0x112: {  	s28 =	simm.s32 $0x4C80;
	[sflag:s12] =	ssyncadd.s32 $0xFFFFE000  }
0x113: {  	[spmem:s1] =	stream.indirect.scatter.add.f32 [tilespmem:s6], [sflag:$0xA], $0x40, s28, s30, $0xb8;
	[tilespmem:$0x1F220] =	vst v63  }
0x114: {  	_ =	swait.ge [sflag:s13], $0x2000  }
0x115: {  	[sflag:s13] =	ssyncset.done $0x0  }
0x116: {  	[sflag:s13] =	ssyncadd.s32 $0xFFFFE000  }
0x117: {  	_ =	swait.ge [sflag:s15], $0x2000  }
0x118: {  	[sflag:s15] =	ssyncset.done $0x0  }
0x119: {  	s7 =	simm.s32 $0x4D00;
	[sflag:s15] =	ssyncadd.s32 $0xFFFFE000  }
0x11a: {  	[spmem:s1] =	stream.indirect.scatter.add.f32 [tilespmem:s9], [sflag:$0xB], $0x40, s7, s30, $0xb8;
	[tilespmem:$0x1F220] =	vst v63  }
0x11b: {  	_ =	swait.ge [sflag:s17], $0x2000  }
0x11c: {  	[sflag:s17] =	ssyncset.done $0x0  }
0x11d: {  	[sflag:s17] =	ssyncadd.s32 $0xFFFFE000  }
0x11e: {  	_ =	swait.ge [sflag:s19], $0x2000  }
0x11f: {  	[sflag:s19] =	ssyncset.done $0x0  }
0x120: {  	s14 =	simm.s32 $0x4D80;
	[sflag:s19] =	ssyncadd.s32 $0xFFFFE000  }
0x121: {  	[spmem:s1] =	stream.indirect.scatter.add.f32 [tilespmem:s11], [sflag:$0xC], $0x40, s14, s30, $0xb8;
	[tilespmem:$0x1F220] =	vst v63  }
0x122: {  	_ =	swait.ge [sflag:s24], $0x2000  }
0x123: {  	[sflag:s24] =	ssyncset.done $0x0  }
0x124: {  	[sflag:s24] =	ssyncadd.s32 $0xFFFFE000  }
0x125: {  	_ =	swait.ge [sflag:s25], $0x2000  }
0x126: {  	[sflag:s25] =	ssyncset.done $0x0  }
0x127: {  	[sflag:s25] =	ssyncadd.s32 $0xFFFFE000  }
0x128: {  	_ =	swait.ge [sflag:s21], $0x2000  }
0x129: {  	[sflag:s21] =	ssyncset.done $0x0  }
0x12a: {  	[sflag:s21] =	ssyncadd.s32 $0xFFFFE000  }
0x12b: {  	_ =	swait.ge [sflag:s5], $0x2000  }
0x12c: {  	s16 =	simm.s32 $0x4E00;
	[sflag:s5] =	ssyncset.done $0x0  }
0x12d: {  	s7 =	simm.s32 $0x10;
	s14 =	simm.s32 $0x10E20;
	[sflag:s5] =	ssyncadd.s32 $0xFFFFE000  }
0x12e: {  	[tilespmem:s14], [sflag:$0x1] =	stream.indirect.gather [hbm4b:s4+s7], $0x40, s16, s7, $0xb8;
	[tilespmem:$0x1F220] =	vst v63  }
0x12f: {  	_ =	swait.ge [sflag:s0], $0x400  }
0x130: {  	[sflag:s0] =	ssyncset.done $0x0  }
0x131: {  	s28 =	simm.s32 $0x4E10;
	s16 =	simm.s32 $0xE;
	[sflag:s0] =	ssyncadd.s32 $0xFFFFFC00  }
0x132: {  	[spmem:s1] =	stream.indirect.scatter.add.f32 [tilespmem:s14], [sflag:$0xE], $0x40, s28, s7, $0xb8;
	[tilespmem:$0x1F220] =	vst v63  }
0x133: {  	_ =	swait.ge [sflag:s16], $0x400  }
0x134: {  	[sflag:s16] =	ssyncset.done $0x0  }
0x135: {  	s3 =	simm.s32 $0x11220;
	[sflag:s16] =	ssyncadd.s32 $0xFFFFFC00  }
0x136: {  	s28 =	sadd.s32 $0x0, s18;
	s7 =	simm.s32 $0x100;
	[bflag:$0x0] =	sbarrier.arrive $0xFFFF  }
0x137: {  	[tilespmem:s3], [sflag:$0xE] =	stream.linear.gather [spmem:s28], $0x40, $0x38;
	[tilespmem:$0x1F220] =	vst v63  }
.LBB2_10:
0x138: {  	p0 =	sne.s32 s7, $0x7F00  }
.Ltmp4:
0x139: {  	_ = 	snop;
	(pc) =	sbr.rel @p0 .LBB2_10-.Ltmp4, $4  }
0x13a: {  	_ = 	snop  }
0x13b: {  	s14 =	sshra.s32 s7, $0x2;
	s7 =	sadd.s32 $0x100, s7  }
0x13c: {  	s3 =	sadd.s32 $0x80, s3;
	s14 =	sadd.s32 s14, s18  }
0x13d: {  	[tilespmem:s3], [sflag:$0xE] =	stream.linear.gather [spmem:s14], $0x40, $0x38;
	[tilespmem:$0x1F220] =	vst v63  }
0x13e: {  	s16 =	simm.s32 $0xE  }
0x13f: {  	_ =	swait.ge [sflag:s16], $0x2000  }
0x140: {  	s7 =	simm.s32 $0x0;
	[sflag:s16] =	ssyncset.done $0x0  }
0x141: {  	s3 =	simm.s32 $0x11220;
	s14 =	rddreg [dreg:$0xb];
	[sflag:s16] =	ssyncadd.s32 $0xFFFFE000  }
0x142: {  	[hbm4b:s14+s7] =	stream.linear.scatter [tilespmem:s3], [sflag:$0xE], $0x4000, $0x38;
	[tilespmem:$0x1F220] =	vst v63  }
0x143: {  	_ =	swait.ge [sflag:s16], $0x4000  }
0x144: {  	[sflag:s16] =	ssyncset.done $0x0;
	s28 =	rddreg [dreg:$0xc]  }
0x145: {  	s7 =	simm.s32 $0x100;
	[sflag:s16] =	ssyncadd.s32 $0xFFFFC000;
	s18 =	sadd.s32 $0x0, s28  }
0x146: {  	[tilespmem:s3], [sflag:$0xE] =	stream.linear.gather [spmem:s18], $0x40, $0x38;
	[tilespmem:$0x1F220] =	vst v63  }
.LBB2_12:
0x147: {  	p0 =	sne.s32 s7, $0x7F00  }
.Ltmp5:
0x148: {  	_ = 	snop;
	(pc) =	sbr.rel @p0 .LBB2_12-.Ltmp5, $4  }
0x149: {  	_ = 	snop  }
0x14a: {  	s14 =	sshra.s32 s7, $0x2;
	s7 =	sadd.s32 $0x100, s7  }
0x14b: {  	s3 =	sadd.s32 $0x80, s3;
	s14 =	sadd.s32 s14, s28  }
0x14c: {  	[tilespmem:s3], [sflag:$0xE] =	stream.linear.gather [spmem:s14], $0x40, $0x38;
	[tilespmem:$0x1F220] =	vst v63  }
0x14d: {  	s16 =	simm.s32 $0xE  }
0x14e: {  	_ =	swait.ge [sflag:s16], $0x2000  }
0x14f: {  	s7 =	simm.s32 $0x0;
	[sflag:s16] =	ssyncset.done $0x0  }
0x150: {  	s3 =	simm.s32 $0x11220;
	s14 =	rddreg [dreg:$0xd];
	[sflag:s16] =	ssyncadd.s32 $0xFFFFE000  }
0x151: {  	[hbm4b:s14+s7] =	stream.linear.scatter [tilespmem:s3], [sflag:$0xE], $0x4000, $0x38;
	[tilespmem:$0x1F220] =	vst v63  }
0x152: {  	_ =	swait.ge [sflag:s16], $0x4000  }
0x153: {  	[sflag:s16] =	ssyncset.done $0x0  }
0x154: {  	[sflag:s16] =	ssyncadd.s32 $0xFFFFC000;
	s16 =	rddreg [dreg:$0xe]  }
0x155: {  	s7 =	simm.s32 $0x100;
	s28 =	sadd.s32 $0x0, s16  }
0x156: {  	[tilespmem:s3], [sflag:$0xE] =	stream.linear.gather [spmem:s28], $0x40, $0x38;
	[tilespmem:$0x1F220] =	vst v63  }
.LBB2_14:
0x157: {  	p0 =	sne.s32 s7, $0x7F00  }
.Ltmp6:
0x158: {  	_ = 	snop;
	(pc) =	sbr.rel @p0 .LBB2_14-.Ltmp6, $4  }
0x159: {  	_ = 	snop  }
0x15a: {  	s14 =	sshra.s32 s7, $0x2;
	s7 =	sadd.s32 $0x100, s7  }
0x15b: {  	s3 =	sadd.s32 $0x80, s3;
	s14 =	sadd.s32 s14, s16  }
0x15c: {  	[tilespmem:s3], [sflag:$0xE] =	stream.linear.gather [spmem:s14], $0x40, $0x38;
	[tilespmem:$0x1F220] =	vst v63  }
0x15d: {  	s16 =	simm.s32 $0xE  }
0x15e: {  	_ =	swait.ge [sflag:s16], $0x2000  }
0x15f: {  	s7 =	simm.s32 $0x0;
	[sflag:s16] =	ssyncset.done $0x0  }
0x160: {  	s3 =	simm.s32 $0x11220;
	s14 =	rddreg [dreg:$0xf];
	[sflag:s16] =	ssyncadd.s32 $0xFFFFE000  }
0x161: {  	[hbm4b:s14+s7] =	stream.linear.scatter [tilespmem:s3], [sflag:$0xE], $0x4000, $0x38;
	[tilespmem:$0x1F220] =	vst v63  }
0x162: {  	_ =	swait.ge [sflag:s16], $0x4000  }
0x163: {  	[sflag:s16] =	ssyncset.done $0x0  }
0x164: {  	[sflag:s16] =	ssyncadd.s32 $0xFFFFC000;
	s16 =	rddreg [dreg:$0x10]  }
0x165: {  	s7 =	simm.s32 $0x100;
	s28 =	sadd.s32 $0x0, s16  }
0x166: {  	[tilespmem:s3], [sflag:$0xE] =	stream.linear.gather [spmem:s28], $0x40, $0x38;
	[tilespmem:$0x1F220] =	vst v63  }
.LBB2_16:
0x167: {  	p0 =	sne.s32 s7, $0x7F00  }
.Ltmp7:
0x168: {  	_ = 	snop;
	(pc) =	sbr.rel @p0 .LBB2_16-.Ltmp7, $4  }
0x169: {  	_ = 	snop  }
0x16a: {  	s14 =	sshra.s32 s7, $0x2;
	s7 =	sadd.s32 $0x100, s7  }
0x16b: {  	s3 =	sadd.s32 $0x80, s3;
	s14 =	sadd.s32 s14, s16  }
0x16c: {  	[tilespmem:s3], [sflag:$0xE] =	stream.linear.gather [spmem:s14], $0x40, $0x38;
	[tilespmem:$0x1F220] =	vst v63  }
0x16d: {  	s3 =	simm.s32 $0xE  }
0x16e: {  	_ =	swait.ge [sflag:s3], $0x2000  }
0x16f: {  	s7 =	simm.s32 $0x0;
	s18 =	simm.s32 $0xE;
	[sflag:s3] =	ssyncset.done $0x0  }
0x170: {  	s14 =	rddreg [dreg:$0x11];
	[sflag:s3] =	ssyncadd.s32 $0xFFFFE000;
	s3 =	simm.s32 $0x11220  }
0x171: {  	[hbm4b:s14+s7] =	stream.linear.scatter [tilespmem:s3], [sflag:$0xE], $0x4000, $0x38;
	[tilespmem:$0x1F220] =	vst v63  }
0x172: {  	_ =	swait.ge [sflag:s18], $0x4000  }
0x173: {  	[sflag:s18] =	ssyncset.done $0x0  }
0x174: {  	s28 =	sadd.s32 $0x0, s20;
	s7 =	simm.s32 $0x100;
	[sflag:s18] =	ssyncadd.s32 $0xFFFFC000  }
0x175: {  	[tilespmem:s3], [sflag:$0xE] =	stream.linear.gather [spmem:s28], $0x40, $0x38;
	[tilespmem:$0x1F220] =	vst v63  }
.LBB2_18:
0x176: {  	p0 =	sne.s32 s7, $0x7F00  }
.Ltmp8:
0x177: {  	_ = 	snop;
	(pc) =	sbr.rel @p0 .LBB2_18-.Ltmp8, $4  }
0x178: {  	_ = 	snop  }
0x179: {  	s14 =	sshra.s32 s7, $0x2;
	s7 =	sadd.s32 $0x100, s7  }
0x17a: {  	s3 =	sadd.s32 $0x80, s3;
	s14 =	sadd.s32 s14, s20  }
0x17b: {  	[tilespmem:s3], [sflag:$0xE] =	stream.linear.gather [spmem:s14], $0x40, $0x38;
	[tilespmem:$0x1F220] =	vst v63  }
0x17c: {  	s3 =	simm.s32 $0xE  }
0x17d: {  	_ =	swait.ge [sflag:s3], $0x2000  }
0x17e: {  	s14 =	simm.s32 $0x11220;
	[sflag:s3] =	ssyncset.done $0x0  }
0x17f: {  	s7 =	simm.s32 $0x0;
	s28 =	rddreg [dreg:$0x12];
	[sflag:s3] =	ssyncadd.s32 $0xFFFFE000  }
0x180: {  	[hbm4b:s28+s7] =	stream.linear.scatter [tilespmem:s14], [sflag:$0xE], $0x4000, $0x38;
	[tilespmem:$0x1F220] =	vst v63  }
0x181: {  	s7 =	simm.s32 $0xE  }
0x182: {  	_ =	swait.ge [sflag:s7], $0x4000  }
0x183: {  	s16 =	rddreg [dreg:$0x13]  }
0x184: {  	s28 =	rddreg [dreg:$0xa];
	s14 =	sadd.s32 $0x1, s16  }
0x185: {  	p0 =	sne.s32 s14, s28  }
.Ltmp9:
0x186: {  	_ = 	snop;
	(pc) =	sbr.rel @p0 .LBB2_1-.Ltmp9, $3  }
0x187: {  	_ =	sdelay $0x1  }
0x188: {  	s18 =	simm.s32 $0xE;
	[sflag:s7] =	ssyncset.done $0x0  }
0x189: {  	[sflag:s18] =	ssyncadd.s32 $0xFFFFC000  }
0x18a: {  	_ =	sfence.sel $0x180000  }
0x18b: {  	[bflag:$0x0] =	sbarrier.arrive $0xFFFF  }
0x18c: {  	_ =	strace $0x90000047  }
0x18d: {  	s0 =	stileid.u32;
	[bflag:$0x2] =	sbarrier.arrive $0xFFFF  }
0x18e: {  	p0 =	sne.s32 s0, $0x0;
	s0 =	rddreg [dreg:$0x2]  }
0x18f: {  	s0 =	sadd.s32 @!p0 $0x100000, s0  }
0x190: {  	[sflag:s0] =	ssyncadd.tile.s32 @!p0 $0x1;
	_ =	shalt  }
.Lfunc_end2:
_tile_overlayer_lowered:
.L_overlay_start_2:
0x191: {  	(tag) =	ssettag $0x2  }
0x192: {  	s0 =	rddreg [dreg:$0x0];
	s2 =	stileid.u32  }
0x193: {  	s1 =	rddreg [dreg:$0x1];
	p0 =	sne.s32 s2, $0x0  }
0x194: {  	s3 =	rddreg [dreg:$0x2];
	[bflag:$0x3] =	sbarrier.arrive $0xFFFF;
	s2 =	simm.s32 @!p0 $0x1C0E  }
0x195: {  	[timem:s3], [sflag:s2] =	dma.local @!p0 [hbm:s0], s1  }
0x196: {  	s0 =	simm.s32 @!p0 $0xE  }
0x197: {  	_ =	swait.ge @!p0 [sflag:s0], s1  }
0x198: {  	s1 =	ssub.s32 @!p0 $0x0, s1;
	[sflag:s0] =	ssyncset.done @!p0 $0x0  }
0x199: {  	[sflag:s0] =	ssyncadd.s32 @!p0 s1  }
0x19a: {  	[bflag:$0x3] =	sbarrier.arrive $0xFFFF  }
0x19b: {  	_ =	shalt  }

</sc_bundles>
